<compile_context>
chip_gen: v7x
topology: tpu7x:2x2x1
jax: 0.10.2.dev20260603
libtpu: 0.0.44.dev20260713+nightly
codegen_flags: <defaults>
</compile_context>

<pallas_src>
import functools

import jax
import jax.numpy as jnp
from jax import lax
from jax.experimental import pallas as pl
from jax.experimental.pallas import tpu as pltpu
from jax.experimental.pallas import tpu_sc as plsc

_BETA = 0.05
_LOG2E = 1.4426950408889634
_TILE_C = 10000


def _target_logit_dots(targets, em, x):
    info = plsc.get_sparse_core_info()
    num_cores, num_subcores = info.num_cores, info.num_subcores
    num_workers = num_cores * num_subcores
    batch = targets.shape[0]
    dim = em.shape[1]
    b_per_w = batch // num_workers
    n_chunks = dim // 16
    mesh = plsc.VectorSubcoreMesh(core_axis_name="c", subcore_axis_name="s")

    @functools.partial(
        pl.kernel,
        mesh=mesh,
        out_type=jax.ShapeDtypeStruct((batch, 16), jnp.float32),
        scratch_types=[
            pltpu.VMEM((b_per_w,), jnp.int32),
            pltpu.VMEM((b_per_w, dim), jnp.float32),
            pltpu.VMEM((b_per_w, dim), jnp.float32),
            pltpu.VMEM((b_per_w, 16), jnp.float32),
            pltpu.SemaphoreType.DMA,
            pltpu.SemaphoreType.DMA,
            pltpu.SemaphoreType.DMA,
        ],
    )
    def gather_dot_kernel(
        tgt_hbm, em_hbm, x_hbm, out_hbm, idx_v, rows_v, x_v, dots_v,
        sem_i, sem_x, sem_g
    ):
        wid = lax.axis_index("s") * num_cores + lax.axis_index("c")
        base = wid * b_per_w
        cp_i = pltpu.async_copy(tgt_hbm.at[pl.ds(base, b_per_w)], idx_v, sem_i)
        cp_x = pltpu.async_copy(x_hbm.at[pl.ds(base, b_per_w)], x_v, sem_x)
        cp_i.wait()
        cp_g = pltpu.async_copy(em_hbm.at[idx_v], rows_v, sem_g)
        cp_x.wait()
        cp_g.wait()
        for b in range(b_per_w):
            acc = rows_v[b, pl.ds(0, 16)] * x_v[b, pl.ds(0, 16)]
            for c in range(1, n_chunks):
                acc = acc + rows_v[b, pl.ds(c * 16, 16)] * x_v[b, pl.ds(c * 16, 16)]
            dots_v[b, pl.ds(0, 16)] = acc
        pltpu.sync_copy(dots_v, out_hbm.at[pl.ds(base, b_per_w)])

    return gather_dot_kernel(targets, em, x)


def _ce_body(x_ref, em_ref, loss_ref, acc_ref):
    i = pl.program_id(0)
    n_tiles = pl.num_programs(0)

    @pl.when(i == 0)
    def _init():
        acc_ref[...] = jnp.zeros(acc_ref.shape, jnp.float32)

    x = x_ref[...]
    xb = (x * (_LOG2E / _BETA)).astype(jnp.bfloat16)
    z2 = lax.dot_general(
        xb,
        em_ref[...].astype(jnp.bfloat16),
        (((1,), (1,)), ((), ())),
        preferred_element_type=jnp.float32,
    )
    e = jnp.exp2(z2)

    full = (_TILE_C // 128) * 128
    s = e[:, 0:128]
    for c in range(128, full, 128):
        s = s + e[:, c : c + 128]
    acc_ref[...] += s
    if full < _TILE_C:
        rem = _TILE_C - full
        acc_ref[:, 0:rem] += e[:, full:_TILE_C]

    @pl.when(i == n_tiles - 1)
    def _finish():
        s_row = jnp.sum(acc_ref[...], axis=1, keepdims=True)
        loss_ref[0, 0] = jnp.sum(jnp.log(s_row)) * (1.0 / x.shape[0])


def _fused_lse(inputs, em):
    batch, dim = inputs.shape
    num_classes = em.shape[0]
    n_tiles = pl.cdiv(num_classes, _TILE_C)
    out = pl.pallas_call(
        _ce_body,
        grid=(n_tiles,),
        in_specs=[
            pl.BlockSpec((batch, dim), lambda i: (0, 0)),
            pl.BlockSpec((_TILE_C, dim), lambda i: (i, 0)),
        ],
        out_specs=pl.BlockSpec(
            (1, 1), lambda i: (0, 0), memory_space=pltpu.SMEM
        ),
        out_shape=jax.ShapeDtypeStruct((1, 1), jnp.float32),
        scratch_shapes=[
            pltpu.VMEM((batch, 128), jnp.float32),
        ],
    )(inputs, em)
    return out[0, 0]


def kernel(inputs, targets, em, epoch):
    tgt_dots = _target_logit_dots(targets.astype(jnp.int32), em, inputs)
    mean_lse = _fused_lse(inputs, em)
    batch = inputs.shape[0]
    loss = mean_lse - jnp.sum(tgt_dots) * (1.0 / (batch * _BETA))
    return (jnp.array([0]), loss)

# --- scband reference (transcript-rebuilt; emitter-appended) ---
"""Pipeline reference for scband-inv-net-3178275799542 (READ-ONLY COPY).

The authoritative reference and input builder live on the scoring server;
editing this copy changes nothing except your own understanding.
"""

import jax, jax.numpy as jnp
import numpy as np

BATCH = 1024
NUM_FEATURES = 128
NUM_CLASSES = 100000
BETA = 0.05
ALPHA = 0.01
EPOCH = 1


def setup_inputs(seed: int = 0) -> dict:
    key = jax.random.key(seed)
    k1, k2, k3 = jax.random.split(key, 3)
    inputs = jax.random.normal(k1, (BATCH, NUM_FEATURES), dtype=jnp.float32)
    targets = jax.random.randint(k2, (BATCH,), 0, NUM_CLASSES, dtype=jnp.int32)
    # learned parameter: exemplar memory bank em[num_classes, num_features]
    em = jax.random.normal(k3, (NUM_CLASSES, NUM_FEATURES), dtype=jnp.float32) * 0.02
    return {"inputs": inputs, "targets": targets, "em": em, "epoch": EPOCH}


def reference(inputs, targets, em, epoch):
    # ExemplarMemory.forward: outputs = inputs.mm(em.t())
    outputs = inputs @ em.T
    # inputs /= self.beta (applied to the logits)
    outputs = outputs / BETA
    # knn == 0 branch: loss = F.cross_entropy(outputs, targets)
    logp = jax.nn.log_softmax(outputs, axis=1)
    nll = -jnp.take_along_axis(logp, targets[:, None].astype(jnp.int32), axis=1)[:, 0]
    loss = jnp.mean(nll)
    return (jnp.array([0]), loss)

if __name__ == "__main__":
    import jax
    _d = setup_inputs()
    print(jax.jit(kernel)(*tuple(_d.values())))

</pallas_src>

<mosaic_0001>
#map = affine_map<(d0, d1) -> (0)>
#map1 = affine_map<(d0, d1) -> (0, 0)>
module attributes {stable_mosaic.version = 14 : i64} {
  func.func @gather_dot_kernel(%arg0: i32, %arg1: i32, %arg2: memref<1024xi32, #tpu.memory_space<hbm>>, %arg3: memref<100000x128xf32, #tpu.memory_space<hbm>>, %arg4: memref<1024x128xf32, #tpu.memory_space<hbm>>, %arg5: memref<1024x16xf32, #tpu.memory_space<hbm>>, %arg6: memref<32xi32, #tpu.memory_space<vmem>>, %arg7: memref<32x128xf32, #tpu.memory_space<vmem>>, %arg8: memref<32x128xf32, #tpu.memory_space<vmem>>, %arg9: memref<32x16xf32, #tpu.memory_space<vmem>>, %arg10: memref<!tpu.dma_semaphore, #tpu.memory_space<semaphore_mem>>, %arg11: memref<!tpu.dma_semaphore, #tpu.memory_space<semaphore_mem>>, %arg12: memref<!tpu.dma_semaphore, #tpu.memory_space<semaphore_mem>>) attributes {dimension_semantics = [#tpu.dimension_semantics<core_parallel>, #tpu.dimension_semantics<subcore_parallel>], iteration_bounds = array<i64: 2, 16>, scalar_prefetch = 0 : i64, scratch_operands = 7 : i64, tpu.core_type = #tpu.core_type<sc_vector_subcore>, window_params = [{transform_indices = #map}, {transform_indices = #map1}, {transform_indices = #map1}, {transform_indices = #map1}]} {
    %mul3A = arith.constant 2 : i32
    %mul3A_0 = arith.muli %arg1, %mul3A : i32
    %add3A = arith.addi %mul3A_0, %arg0 : i32
    %mul3A_1 = arith.constant 32 : i32
    %mul3A_2 = arith.muli %add3A, %mul3A_1 : i32
    %dma_start3A = tpu.memref_slice %arg2[%mul3A_2] : memref<1024xi32, #tpu.memory_space<hbm>> -> memref<32xi32, #tpu.memory_space<hbm>>
    %dma_start3A_3 = tpu.memref_slice %arg2[%mul3A_2] : memref<1024xi32, #tpu.memory_space<hbm>> -> memref<32xi32, #tpu.memory_space<hbm>>
    tpu.enqueue_dma source(%dma_start3A_3 : memref<32xi32, #tpu.memory_space<hbm>>) target(%arg6 : memref<32xi32, #tpu.memory_space<vmem>>) target_semaphore(%arg10 : memref<!tpu.dma_semaphore, #tpu.memory_space<semaphore_mem>>)
    %dma_start3A_4 = arith.constant 0 : i32
    %dma_start3A_5 = tpu.memref_slice %arg4[%mul3A_2, %dma_start3A_4] : memref<1024x128xf32, #tpu.memory_space<hbm>> -> memref<32x128xf32, #tpu.memory_space<hbm>>
    %dma_start3A_6 = arith.constant 0 : i32
    %dma_start3A_7 = tpu.memref_slice %arg4[%mul3A_2, %dma_start3A_6] : memref<1024x128xf32, #tpu.memory_space<hbm>> -> memref<32x128xf32, #tpu.memory_space<hbm>>
    tpu.enqueue_dma source(%dma_start3A_7 : memref<32x128xf32, #tpu.memory_space<hbm>>) target(%arg8 : memref<32x128xf32, #tpu.memory_space<vmem>>) target_semaphore(%arg11 : memref<!tpu.dma_semaphore, #tpu.memory_space<semaphore_mem>>)
    %dma_wait3A = tpu.memref_slice %arg2[%mul3A_2] : memref<1024xi32, #tpu.memory_space<hbm>> -> memref<32xi32, #tpu.memory_space<hbm>>
    %dma_wait3A_8 = tpu.memref_slice %arg2[%mul3A_2] : memref<1024xi32, #tpu.memory_space<hbm>> -> memref<32xi32, #tpu.memory_space<hbm>>
    tpu.wait_dma2 semaphore(%arg10 : memref<!tpu.dma_semaphore, #tpu.memory_space<semaphore_mem>>) src(%dma_wait3A_8 : memref<32xi32, #tpu.memory_space<hbm>>) dst(%arg6 : memref<32xi32, #tpu.memory_space<vmem>>)
    %dma_start3A_9 = arith.constant 0 : i32
    %dma_start3A_10 = arith.constant 0 : i32
    %dma_start3A_11 = tpu.memref_slice %arg3[%dma_start3A_9, %dma_start3A_10] : memref<100000x128xf32, #tpu.memory_space<hbm>> -> memref<100000x128xf32, #tpu.memory_space<hbm>>
    tpu.enqueue_indirect_dma source(%dma_start3A_11 : memref<100000x128xf32, #tpu.memory_space<hbm>>) target(%arg7 : memref<32x128xf32, #tpu.memory_space<vmem>>) offsets(%arg6 : memref<32xi32, #tpu.memory_space<vmem>>) semaphore(%arg12 : memref<!tpu.dma_semaphore, #tpu.memory_space<semaphore_mem>>)
    %dma_wait3A_12 = arith.constant 0 : i32
    %dma_wait3A_13 = tpu.memref_slice %arg4[%mul3A_2, %dma_wait3A_12] : memref<1024x128xf32, #tpu.memory_space<hbm>> -> memref<32x128xf32, #tpu.memory_space<hbm>>
    %dma_wait3A_14 = arith.constant 0 : i32
    %dma_wait3A_15 = tpu.memref_slice %arg4[%mul3A_2, %dma_wait3A_14] : memref<1024x128xf32, #tpu.memory_space<hbm>> -> memref<32x128xf32, #tpu.memory_space<hbm>>
    tpu.wait_dma2 semaphore(%arg11 : memref<!tpu.dma_semaphore, #tpu.memory_space<semaphore_mem>>) src(%dma_wait3A_15 : memref<32x128xf32, #tpu.memory_space<hbm>>) dst(%arg8 : memref<32x128xf32, #tpu.memory_space<vmem>>)
    %dma_wait3A_16 = arith.constant 0 : i32
    %dma_wait3A_17 = arith.constant 0 : i32
    %dma_wait3A_18 = tpu.memref_slice %arg3[%dma_wait3A_16, %dma_wait3A_17] : memref<100000x128xf32, #tpu.memory_space<hbm>> -> memref<100000x128xf32, #tpu.memory_space<hbm>>
    tpu.wait_indirect_dma semaphore(%arg12 : memref<!tpu.dma_semaphore, #tpu.memory_space<semaphore_mem>>) src(%dma_wait3A_18 : memref<100000x128xf32, #tpu.memory_space<hbm>>) dst(%arg7 : memref<32x128xf32, #tpu.memory_space<vmem>>)
    %get3A = arith.constant 0 : i32
    %get3A_19 = arith.index_cast %get3A : i32 to index
    %get3A_20 = arith.constant 0 : index
    %get3A_21 = tpu.vector_load %arg7[%get3A_19, %get3A_20] {strides = array<i32>} : memref<32x128xf32, #tpu.memory_space<vmem>>, vector<1x16xf32>,
    %get3A_22 = vector.shape_cast %get3A_21 : vector<1x16xf32> to vector<16xf32>
    %get3A_23 = arith.constant 0 : i32
    %get3A_24 = arith.index_cast %get3A_23 : i32 to index
    %get3A_25 = arith.constant 0 : index
    %get3A_26 = tpu.vector_load %arg8[%get3A_24, %get3A_25] {strides = array<i32>} : memref<32x128xf32, #tpu.memory_space<vmem>>, vector<1x16xf32>,
    %get3A_27 = vector.shape_cast %get3A_26 : vector<1x16xf32> to vector<16xf32>
    %mul3A_28 = arith.mulf %get3A_22, %get3A_27 : vector<16xf32>
    %get3A_29 = arith.constant 0 : i32
    %get3A_30 = arith.index_cast %get3A_29 : i32 to index
    %get3A_31 = arith.constant 16 : index
    %get3A_32 = tpu.vector_load %arg7[%get3A_30, %get3A_31] {strides = array<i32>} : memref<32x128xf32, #tpu.memory_space<vmem>>, vector<1x16xf32>,
    %get3A_33 = vector.shape_cast %get3A_32 : vector<1x16xf32> to vector<16xf32>
    %get3A_34 = arith.constant 0 : i32
    %get3A_35 = arith.index_cast %get3A_34 : i32 to index
    %get3A_36 = arith.constant 16 : index
    %get3A_37 = tpu.vector_load %arg8[%get3A_35, %get3A_36] {strides = array<i32>} : memref<32x128xf32, #tpu.memory_space<vmem>>, vector<1x16xf32>,
    %get3A_38 = vector.shape_cast %get3A_37 : vector<1x16xf32> to vector<16xf32>
    %mul3A_39 = arith.mulf %get3A_33, %get3A_38 : vector<16xf32>
    %add3A_40 = arith.addf %mul3A_28, %mul3A_39 : vector<16xf32>
    %get3A_41 = arith.constant 0 : i32
    %get3A_42 = arith.index_cast %get3A_41 : i32 to index
    %get3A_43 = arith.constant 32 : index
    %get3A_44 = tpu.vector_load %arg7[%get3A_42, %get3A_43] {strides = array<i32>} : memref<32x128xf32, #tpu.memory_space<vmem>>, vector<1x16xf32>,
    %get3A_45 = vector.shape_cast %get3A_44 : vector<1x16xf32> to vector<16xf32>
    %get3A_46 = arith.constant 0 : i32
    %get3A_47 = arith.index_cast %get3A_46 : i32 to index
    %get3A_48 = arith.constant 32 : index
    %get3A_49 = tpu.vector_load %arg8[%get3A_47, %get3A_48] {strides = array<i32>} : memref<32x128xf32, #tpu.memory_space<vmem>>, vector<1x16xf32>,
    %get3A_50 = vector.shape_cast %get3A_49 : vector<1x16xf32> to vector<16xf32>
    %mul3A_51 = arith.mulf %get3A_45, %get3A_50 : vector<16xf32>
    %add3A_52 = arith.addf %add3A_40, %mul3A_51 : vector<16xf32>
    %get3A_53 = arith.constant 0 : i32
    %get3A_54 = arith.index_cast %get3A_53 : i32 to index
    %get3A_55 = arith.constant 48 : index
    %get3A_56 = tpu.vector_load %arg7[%get3A_54, %get3A_55] {strides = array<i32>} : memref<32x128xf32, #tpu.memory_space<vmem>>, vector<1x16xf32>,
    %get3A_57 = vector.shape_cast %get3A_56 : vector<1x16xf32> to vector<16xf32>
    %get3A_58 = arith.constant 0 : i32
    %get3A_59 = arith.index_cast %get3A_58 : i32 to index
    %get3A_60 = arith.constant 48 : index
    %get3A_61 = tpu.vector_load %arg8[%get3A_59, %get3A_60] {strides = array<i32>} : memref<32x128xf32, #tpu.memory_space<vmem>>, vector<1x16xf32>,
    %get3A_62 = vector.shape_cast %get3A_61 : vector<1x16xf32> to vector<16xf32>
    %mul3A_63 = arith.mulf %get3A_57, %get3A_62 : vector<16xf32>
    %add3A_64 = arith.addf %add3A_52, %mul3A_63 : vector<16xf32>
    %get3A_65 = arith.constant 0 : i32
    %get3A_66 = arith.index_cast %get3A_65 : i32 to index
    %get3A_67 = arith.constant 64 : index
    %get3A_68 = tpu.vector_load %arg7[%get3A_66, %get3A_67] {strides = array<i32>} : memref<32x128xf32, #tpu.memory_space<vmem>>, vector<1x16xf32>,
    %get3A_69 = vector.shape_cast %get3A_68 : vector<1x16xf32> to vector<16xf32>
    %get3A_70 = arith.constant 0 : i32
    %get3A_71 = arith.index_cast %get3A_70 : i32 to index
    %get3A_72 = arith.constant 64 : index
    %get3A_73 = tpu.vector_load %arg8[%get3A_71, %get3A_72] {strides = array<i32>} : memref<32x128xf32, #tpu.memory_space<vmem>>, vector<1x16xf32>,
    %get3A_74 = vector.shape_cast %get3A_73 : vector<1x16xf32> to vector<16xf32>
    %mul3A_75 = arith.mulf %get3A_69, %get3A_74 : vector<16xf32>
    %add3A_76 = arith.addf %add3A_64, %mul3A_75 : vector<16xf32>
    %get3A_77 = arith.constant 0 : i32
    %get3A_78 = arith.index_cast %get3A_77 : i32 to index
    %get3A_79 = arith.constant 80 : index
    %get3A_80 = tpu.vector_load %arg7[%get3A_78, %get3A_79] {strides = array<i32>} : memref<32x128xf32, #tpu.memory_space<vmem>>, vector<1x16xf32>,
    %get3A_81 = vector.shape_cast %get3A_80 : vector<1x16xf32> to vector<16xf32>
    %get3A_82 = arith.constant 0 : i32
    %get3A_83 = arith.index_cast %get3A_82 : i32 to index
    %get3A_84 = arith.constant 80 : index
    %get3A_85 = tpu.vector_load %arg8[%get3A_83, %get3A_84] {strides = array<i32>} : memref<32x128xf32, #tpu.memory_space<vmem>>, vector<1x16xf32>,
    %get3A_86 = vector.shape_cast %get3A_85 : vector<1x16xf32> to vector<16xf32>
    %mul3A_87 = arith.mulf %get3A_81, %get3A_86 : vector<16xf32>
    %add3A_88 = arith.addf %add3A_76, %mul3A_87 : vector<16xf32>
    %get3A_89 = arith.constant 0 : i32
    %get3A_90 = arith.index_cast %get3A_89 : i32 to index
    %get3A_91 = arith.constant 96 : index
    %get3A_92 = tpu.vector_load %arg7[%get3A_90, %get3A_91] {strides = array<i32>} : memref<32x128xf32, #tpu.memory_space<vmem>>, vector<1x16xf32>,
    %get3A_93 = vector.shape_cast %get3A_92 : vector<1x16xf32> to vector<16xf32>
    %get3A_94 = arith.constant 0 : i32
    %get3A_95 = arith.index_cast %get3A_94 : i32 to index
    %get3A_96 = arith.constant 96 : index
    %get3A_97 = tpu.vector_load %arg8[%get3A_95, %get3A_96] {strides = array<i32>} : memref<32x128xf32, #tpu.memory_space<vmem>>, vector<1x16xf32>,
    %get3A_98 = vector.shape_cast %get3A_97 : vector<1x16xf32> to vector<16xf32>
    %mul3A_99 = arith.mulf %get3A_93, %get3A_98 : vector<16xf32>
    %add3A_100 = arith.addf %add3A_88, %mul3A_99 : vector<16xf32>
    %get3A_101 = arith.constant 0 : i32
    %get3A_102 = arith.index_cast %get3A_101 : i32 to index
    %get3A_103 = arith.constant 112 : index
    %get3A_104 = tpu.vector_load %arg7[%get3A_102, %get3A_103] {strides = array<i32>} : memref<32x128xf32, #tpu.memory_space<vmem>>, vector<1x16xf32>,
    %get3A_105 = vector.shape_cast %get3A_104 : vector<1x16xf32> to vector<16xf32>
    %get3A_106 = arith.constant 0 : i32
    %get3A_107 = arith.index_cast %get3A_106 : i32 to index
    %get3A_108 = arith.constant 112 : index
    %get3A_109 = tpu.vector_load %arg8[%get3A_107, %get3A_108] {strides = array<i32>} : memref<32x128xf32, #tpu.memory_space<vmem>>, vector<1x16xf32>,
    %get3A_110 = vector.shape_cast %get3A_109 : vector<1x16xf32> to vector<16xf32>
    %mul3A_111 = arith.mulf %get3A_105, %get3A_110 : vector<16xf32>
    %add3A_112 = arith.addf %add3A_100, %mul3A_111 : vector<16xf32>
    %swap3A = arith.constant 0 : i32
    %swap3A_113 = arith.index_cast %swap3A : i32 to index
    %swap3A_114 = arith.constant 0 : index
    %swap3A_115 = tpu.vector_load %arg9[%swap3A_113, %swap3A_114] {strides = array<i32>} : memref<32x16xf32, #tpu.memory_space<vmem>>, vector<1x16xf32>,
    %swap3A_116 = vector.shape_cast %swap3A_115 : vector<1x16xf32> to vector<16xf32>
    %swap3A_117 = vector.shape_cast %add3A_112 : vector<16xf32> to vector<1x16xf32>
    tpu.vector_store %arg9[%swap3A_113, %swap3A_114], %swap3A_117 {strides = array<i32>} : memref<32x16xf32, #tpu.memory_space<vmem>>, vector<1x16xf32>,
    %get3A_118 = arith.constant 1 : i32
    %get3A_119 = arith.index_cast %get3A_118 : i32 to index
    %get3A_120 = arith.constant 0 : index
    %get3A_121 = tpu.vector_load %arg7[%get3A_119, %get3A_120] {strides = array<i32>} : memref<32x128xf32, #tpu.memory_space<vmem>>, vector<1x16xf32>,
    %get3A_122 = vector.shape_cast %get3A_121 : vector<1x16xf32> to vector<16xf32>
    %get3A_123 = arith.constant 1 : i32
    %get3A_124 = arith.index_cast %get3A_123 : i32 to index
    %get3A_125 = arith.constant 0 : index
    %get3A_126 = tpu.vector_load %arg8[%get3A_124, %get3A_125] {strides = array<i32>} : memref<32x128xf32, #tpu.memory_space<vmem>>, vector<1x16xf32>,
    %get3A_127 = vector.shape_cast %get3A_126 : vector<1x16xf32> to vector<16xf32>
    %mul3A_128 = arith.mulf %get3A_122, %get3A_127 : vector<16xf32>
    %get3A_129 = arith.constant 1 : i32
    %get3A_130 = arith.index_cast %get3A_129 : i32 to index
    %get3A_131 = arith.constant 16 : index
    %get3A_132 = tpu.vector_load %arg7[%get3A_130, %get3A_131] {strides = array<i32>} : memref<32x128xf32, #tpu.memory_space<vmem>>, vector<1x16xf32>,
    %get3A_133 = vector.shape_cast %get3A_132 : vector<1x16xf32> to vector<16xf32>
    %get3A_134 = arith.constant 1 : i32
    %get3A_135 = arith.index_cast %get3A_134 : i32 to index
    %get3A_136 = arith.constant 16 : index
    %get3A_137 = tpu.vector_load %arg8[%get3A_135, %get3A_136] {strides = array<i32>} : memref<32x128xf32, #tpu.memory_space<vmem>>, vector<1x16xf32>,
    %get3A_138 = vector.shape_cast %get3A_137 : vector<1x16xf32> to vector<16xf32>
    %mul3A_139 = arith.mulf %get3A_133, %get3A_138 : vector<16xf32>
    %add3A_140 = arith.addf %mul3A_128, %mul3A_139 : vector<16xf32>
    %get3A_141 = arith.constant 1 : i32
    %get3A_142 = arith.index_cast %get3A_141 : i32 to index
    %get3A_143 = arith.constant 32 : index
    %get3A_144 = tpu.vector_load %arg7[%get3A_142, %get3A_143] {strides = array<i32>} : memref<32x128xf32, #tpu.memory_space<vmem>>, vector<1x16xf32>,
    %get3A_145 = vector.shape_cast %get3A_144 : vector<1x16xf32> to vector<16xf32>
    %get3A_146 = arith.constant 1 : i32
    %get3A_147 = arith.index_cast %get3A_146 : i32 to index
    %get3A_148 = arith.constant 32 : index
    %get3A_149 = tpu.vector_load %arg8[%get3A_147, %get3A_148] {strides = array<i32>} : memref<32x128xf32, #tpu.memory_space<vmem>>, vector<1x16xf32>,
    %get3A_150 = vector.shape_cast %get3A_149 : vector<1x16xf32> to vector<16xf32>
    %mul3A_151 = arith.mulf %get3A_145, %get3A_150 : vector<16xf32>
    %add3A_152 = arith.addf %add3A_140, %mul3A_151 : vector<16xf32>
    %get3A_153 = arith.constant 1 : i32
    %get3A_154 = arith.index_cast %get3A_153 : i32 to index
    %get3A_155 = arith.constant 48 : index
    %get3A_156 = tpu.vector_load %arg7[%get3A_154, %get3A_155] {strides = array<i32>} : memref<32x128xf32, #tpu.memory_space<vmem>>, vector<1x16xf32>,
    %get3A_157 = vector.shape_cast %get3A_156 : vector<1x16xf32> to vector<16xf32>
    %get3A_158 = arith.constant 1 : i32
    %get3A_159 = arith.index_cast %get3A_158 : i32 to index
    %get3A_160 = arith.constant 48 : index
    %get3A_161 = tpu.vector_load %arg8[%get3A_159, %get3A_160] {strides = array<i32>} : memref<32x128xf32, #tpu.memory_space<vmem>>, vector<1x16xf32>,
    %get3A_162 = vector.shape_cast %get3A_161 : vector<1x16xf32> to vector<16xf32>
    %mul3A_163 = arith.mulf %get3A_157, %get3A_162 : vector<16xf32>
    %add3A_164 = arith.addf %add3A_152, %mul3A_163 : vector<16xf32>
    %get3A_165 = arith.constant 1 : i32
    %get3A_166 = arith.index_cast %get3A_165 : i32 to index
    %get3A_167 = arith.constant 64 : index
    %get3A_168 = tpu.vector_load %arg7[%get3A_166, %get3A_167] {strides = array<i32>} : memref<32x128xf32, #tpu.memory_space<vmem>>, vector<1x16xf32>,
    %get3A_169 = vector.shape_cast %get3A_168 : vector<1x16xf32> to vector<16xf32>
    %get3A_170 = arith.constant 1 : i32
    %get3A_171 = arith.index_cast %get3A_170 : i32 to index
    %get3A_172 = arith.constant 64 : index
    %get3A_173 = tpu.vector_load %arg8[%get3A_171, %get3A_172] {strides = array<i32>} : memref<32x128xf32, #tpu.memory_space<vmem>>, vector<1x16xf32>,
    %get3A_174 = vector.shape_cast %get3A_173 : vector<1x16xf32> to vector<16xf32>
    %mul3A_175 = arith.mulf %get3A_169, %get3A_174 : vector<16xf32>
    %add3A_176 = arith.addf %add3A_164, %mul3A_175 : vector<16xf32>
    %get3A_177 = arith.constant 1 : i32
    %get3A_178 = arith.index_cast %get3A_177 : i32 to index
    %get3A_179 = arith.constant 80 : index
    %get3A_180 = tpu.vector_load %arg7[%get3A_178, %get3A_179] {strides = array<i32>} : memref<32x128xf32, #tpu.memory_space<vmem>>, vector<1x16xf32>,
    %get3A_181 = vector.shape_cast %get3A_180 : vector<1x16xf32> to vector<16xf32>
    %get3A_182 = arith.constant 1 : i32
    %get3A_183 = arith.index_cast %get3A_182 : i32 to index
    %get3A_184 = arith.constant 80 : index
    %get3A_185 = tpu.vector_load %arg8[%get3A_183, %get3A_184] {strides = array<i32>} : memref<32x128xf32, #tpu.memory_space<vmem>>, vector<1x16xf32>,
    %get3A_186 = vector.shape_cast %get3A_185 : vector<1x16xf32> to vector<16xf32>
    %mul3A_187 = arith.mulf %get3A_181, %get3A_186 : vector<16xf32>
    %add3A_188 = arith.addf %add3A_176, %mul3A_187 : vector<16xf32>
    %get3A_189 = arith.constant 1 : i32
    %get3A_190 = arith.index_cast %get3A_189 : i32 to index
    %get3A_191 = arith.constant 96 : index
    %get3A_192 = tpu.vector_load %arg7[%get3A_190, %get3A_191] {strides = array<i32>} : memref<32x128xf32, #tpu.memory_space<vmem>>, vector<1x16xf32>,
    %get3A_193 = vector.shape_cast %get3A_192 : vector<1x16xf32> to vector<16xf32>
    %get3A_194 = arith.constant 1 : i32
    %get3A_195 = arith.index_cast %get3A_194 : i32 to index
    %get3A_196 = arith.constant 96 : index
    %get3A_197 = tpu.vector_load %arg8[%get3A_195, %get3A_196] {strides = array<i32>} : memref<32x128xf32, #tpu.memory_space<vmem>>, vector<1x16xf32>,
    %get3A_198 = vector.shape_cast %get3A_197 : vector<1x16xf32> to vector<16xf32>
    %mul3A_199 = arith.mulf %get3A_193, %get3A_198 : vector<16xf32>
    %add3A_200 = arith.addf %add3A_188, %mul3A_199 : vector<16xf32>
    %get3A_201 = arith.constant 1 : i32
    %get3A_202 = arith.index_cast %get3A_201 : i32 to index
    %get3A_203 = arith.constant 112 : index
    %get3A_204 = tpu.vector_load %arg7[%get3A_202, %get3A_203] {strides = array<i32>} : memref<32x128xf32, #tpu.memory_space<vmem>>, vector<1x16xf32>,
    %get3A_205 = vector.shape_cast %get3A_204 : vector<1x16xf32> to vector<16xf32>
    %get3A_206 = arith.constant 1 : i32
    %get3A_207 = arith.index_cast %get3A_206 : i32 to index
    %get3A_208 = arith.constant 112 : index
    %get3A_209 = tpu.vector_load %arg8[%get3A_207, %get3A_208] {strides = array<i32>} : memref<32x128xf32, #tpu.memory_space<vmem>>, vector<1x16xf32>,
    %get3A_210 = vector.shape_cast %get3A_209 : vector<1x16xf32> to vector<16xf32>
    %mul3A_211 = arith.mulf %get3A_205, %get3A_210 : vector<16xf32>
    %add3A_212 = arith.addf %add3A_200, %mul3A_211 : vector<16xf32>
    %swap3A_213 = arith.constant 1 : i32
    %swap3A_214 = arith.index_cast %swap3A_213 : i32 to index
    %swap3A_215 = arith.constant 0 : index
    %swap3A_216 = tpu.vector_load %arg9[%swap3A_214, %swap3A_215] {strides = array<i32>} : memref<32x16xf32, #tpu.memory_space<vmem>>, vector<1x16xf32>,
    %swap3A_217 = vector.shape_cast %swap3A_216 : vector<1x16xf32> to vector<16xf32>
    %swap3A_218 = vector.shape_cast %add3A_212 : vector<16xf32> to vector<1x16xf32>
    tpu.vector_store %arg9[%swap3A_214, %swap3A_215], %swap3A_218 {strides = array<i32>} : memref<32x16xf32, #tpu.memory_space<vmem>>, vector<1x16xf32>,
    %get3A_219 = arith.constant 2 : i32
    %get3A_220 = arith.index_cast %get3A_219 : i32 to index
    %get3A_221 = arith.constant 0 : index
    %get3A_222 = tpu.vector_load %arg7[%get3A_220, %get3A_221] {strides = array<i32>} : memref<32x128xf32, #tpu.memory_space<vmem>>, vector<1x16xf32>,
    %get3A_223 = vector.shape_cast %get3A_222 : vector<1x16xf32> to vector<16xf32>
    %get3A_224 = arith.constant 2 : i32
    %get3A_225 = arith.index_cast %get3A_224 : i32 to index
    %get3A_226 = arith.constant 0 : index
    %get3A_227 = tpu.vector_load %arg8[%get3A_225, %get3A_226] {strides = array<i32>} : memref<32x128xf32, #tpu.memory_space<vmem>>, vector<1x16xf32>,
    %get3A_228 = vector.shape_cast %get3A_227 : vector<1x16xf32> to vector<16xf32>
    %mul3A_229 = arith.mulf %get3A_223, %get3A_228 : vector<16xf32>
    %get3A_230 = arith.constant 2 : i32
    %get3A_231 = arith.index_cast %get3A_230 : i32 to index
    %get3A_232 = arith.constant 16 : index
    %get3A_233 = tpu.vector_load %arg7[%get3A_231, %get3A_232] {strides = array<i32>} : memref<32x128xf32, #tpu.memory_space<vmem>>, vector<1x16xf32>,
    %get3A_234 = vector.shape_cast %get3A_233 : vector<1x16xf32> to vector<16xf32>
    %get3A_235 = arith.constant 2 : i32
    %get3A_236 = arith.index_cast %get3A_235 : i32 to index
    %get3A_237 = arith.constant 16 : index
    %get3A_238 = tpu.vector_load %arg8[%get3A_236, %get3A_237] {strides = array<i32>} : memref<32x128xf32, #tpu.memory_space<vmem>>, vector<1x16xf32>,
    %get3A_239 = vector.shape_cast %get3A_238 : vector<1x16xf32> to vector<16xf32>
    %mul3A_240 = arith.mulf %get3A_234, %get3A_239 : vector<16xf32>
    %add3A_241 = arith.addf %mul3A_229, %mul3A_240 : vector<16xf32>
    %get3A_242 = arith.constant 2 : i32
    %get3A_243 = arith.index_cast %get3A_242 : i32 to index
    %get3A_244 = arith.constant 32 : index
    %get3A_245 = tpu.vector_load %arg7[%get3A_243, %get3A_244] {strides = array<i32>} : memref<32x128xf32, #tpu.memory_space<vmem>>, vector<1x16xf32>,
    %get3A_246 = vector.shape_cast %get3A_245 : vector<1x16xf32> to vector<16xf32>
    %get3A_247 = arith.constant 2 : i32
    %get3A_248 = arith.index_cast %get3A_247 : i32 to index
    %get3A_249 = arith.constant 32 : index
    %get3A_250 = tpu.vector_load %arg8[%get3A_248, %get3A_249] {strides = array<i32>} : memref<32x128xf32, #tpu.memory_space<vmem>>, vector<1x16xf32>,
    %get3A_251 = vector.shape_cast %get3A_250 : vector<1x16xf32> to vector<16xf32>
    %mul3A_252 = arith.mulf %get3A_246, %get3A_251 : vector<16xf32>
    %add3A_253 = arith.addf %add3A_241, %mul3A_252 : vector<16xf32>
    %get3A_254 = arith.constant 2 : i32
    %get3A_255 = arith.index_cast %get3A_254 : i32 to index
    %get3A_256 = arith.constant 48 : index
    %get3A_257 = tpu.vector_load %arg7[%get3A_255, %get3A_256] {strides = array<i32>} : memref<32x128xf32, #tpu.memory_space<vmem>>, vector<1x16xf32>,
    %get3A_258 = vector.shape_cast %get3A_257 : vector<1x16xf32> to vector<16xf32>
    %get3A_259 = arith.constant 2 : i32
    %get3A_260 = arith.index_cast %get3A_259 : i32 to index
    %get3A_261 = arith.constant 48 : index
    %get3A_262 = tpu.vector_load %arg8[%get3A_260, %get3A_261] {strides = array<i32>} : memref<32x128xf32, #tpu.memory_space<vmem>>, vector<1x16xf32>,
    %get3A_263 = vector.shape_cast %get3A_262 : vector<1x16xf32> to vector<16xf32>
    %mul3A_264 = arith.mulf %get3A_258, %get3A_263 : vector<16xf32>
    %add3A_265 = arith.addf %add3A_253, %mul3A_264 : vector<16xf32>
    %get3A_266 = arith.constant 2 : i32
    %get3A_267 = arith.index_cast %get3A_266 : i32 to index
    %get3A_268 = arith.constant 64 : index
    %get3A_269 = tpu.vector_load %arg7[%get3A_267, %get3A_268] {strides = array<i32>} : memref<32x128xf32, #tpu.memory_space<vmem>>, vector<1x16xf32>,
    %get3A_270 = vector.shape_cast %get3A_269 : vector<1x16xf32> to vector<16xf32>
    %get3A_271 = arith.constant 2 : i32
    %get3A_272 = arith.index_cast %get3A_271 : i32 to index
    %get3A_273 = arith.constant 64 : index
    %get3A_274 = tpu.vector_load %arg8[%get3A_272, %get3A_273] {strides = array<i32>} : memref<32x128xf32, #tpu.memory_space<vmem>>, vector<1x16xf32>,
    %get3A_275 = vector.shape_cast %get3A_274 : vector<1x16xf32> to vector<16xf32>
    %mul3A_276 = arith.mulf %get3A_270, %get3A_275 : vector<16xf32>
    %add3A_277 = arith.addf %add3A_265, %mul3A_276 : vector<16xf32>
    %get3A_278 = arith.constant 2 : i32
    %get3A_279 = arith.index_cast %get3A_278 : i32 to index
    %get3A_280 = arith.constant 80 : index
    %get3A_281 = tpu.vector_load %arg7[%get3A_279, %get3A_280] {strides = array<i32>} : memref<32x128xf32, #tpu.memory_space<vmem>>, vector<1x16xf32>,
    %get3A_282 = vector.shape_cast %get3A_281 : vector<1x16xf32> to vector<16xf32>
    %get3A_283 = arith.constant 2 : i32
    %get3A_284 = arith.index_cast %get3A_283 : i32 to index
    %get3A_285 = arith.constant 80 : index
    %get3A_286 = tpu.vector_load %arg8[%get3A_284, %get3A_285] {strides = array<i32>} : memref<32x128xf32, #tpu.memory_space<vmem>>, vector<1x16xf32>,
    %get3A_287 = vector.shape_cast %get3A_286 : vector<1x16xf32> to vector<16xf32>
    %mul3A_288 = arith.mulf %get3A_282, %get3A_287 : vector<16xf32>
    %add3A_289 = arith.addf %add3A_277, %mul3A_288 : vector<16xf32>
    %get3A_290 = arith.constant 2 : i32
    %get3A_291 = arith.index_cast %get3A_290 : i32 to index
    %get3A_292 = arith.constant 96 : index
    %get3A_293 = tpu.vector_load %arg7[%get3A_291, %get3A_292] {strides = array<i32>} : memref<32x128xf32, #tpu.memory_space<vmem>>, vector<1x16xf32>,
    %get3A_294 = vector.shape_cast %get3A_293 : vector<1x16xf32> to vector<16xf32>
    %get3A_295 = arith.constant 2 : i32
    %get3A_296 = arith.index_cast %get3A_295 : i32 to index
    %get3A_297 = arith.constant 96 : index
    %get3A_298 = tpu.vector_load %arg8[%get3A_296, %get3A_297] {strides = array<i32>} : memref<32x128xf32, #tpu.memory_space<vmem>>, vector<1x16xf32>,
    %get3A_299 = vector.shape_cast %get3A_298 : vector<1x16xf32> to vector<16xf32>
    %mul3A_300 = arith.mulf %get3A_294, %get3A_299 : vector<16xf32>
    %add3A_301 = arith.addf %add3A_289, %mul3A_300 : vector<16xf32>
    %get3A_302 = arith.constant 2 : i32
    %get3A_303 = arith.index_cast %get3A_302 : i32 to index
    %get3A_304 = arith.constant 112 : index
    %get3A_305 = tpu.vector_load %arg7[%get3A_303, %get3A_304] {strides = array<i32>} : memref<32x128xf32, #tpu.memory_space<vmem>>, vector<1x16xf32>,
    %get3A_306 = vector.shape_cast %get3A_305 : vector<1x16xf32> to vector<16xf32>
    %get3A_307 = arith.constant 2 : i32
    %get3A_308 = arith.index_cast %get3A_307 : i32 to index
    %get3A_309 = arith.constant 112 : index
    %get3A_310 = tpu.vector_load %arg8[%get3A_308, %get3A_309] {strides = array<i32>} : memref<32x128xf32, #tpu.memory_space<vmem>>, vector<1x16xf32>,
    %get3A_311 = vector.shape_cast %get3A_310 : vector<1x16xf32> to vector<16xf32>
    %mul3A_312 = arith.mulf %get3A_306, %get3A_311 : vector<16xf32>
    %add3A_313 = arith.addf %add3A_301, %mul3A_312 : vector<16xf32>
    %swap3A_314 = arith.constant 2 : i32
    %swap3A_315 = arith.index_cast %swap3A_314 : i32 to index
    %swap3A_316 = arith.constant 0 : index
    %swap3A_317 = tpu.vector_load %arg9[%swap3A_315, %swap3A_316] {strides = array<i32>} : memref<32x16xf32, #tpu.memory_space<vmem>>, vector<1x16xf32>,
    %swap3A_318 = vector.shape_cast %swap3A_317 : vector<1x16xf32> to vector<16xf32>
    %swap3A_319 = vector.shape_cast %add3A_313 : vector<16xf32> to vector<1x16xf32>
    tpu.vector_store %arg9[%swap3A_315, %swap3A_316], %swap3A_319 {strides = array<i32>} : memref<32x16xf32, #tpu.memory_space<vmem>>, vector<1x16xf32>,
    %get3A_320 = arith.constant 3 : i32
    %get3A_321 = arith.index_cast %get3A_320 : i32 to index
    %get3A_322 = arith.constant 0 : index
    %get3A_323 = tpu.vector_load %arg7[%get3A_321, %get3A_322] {strides = array<i32>} : memref<32x128xf32, #tpu.memory_space<vmem>>, vector<1x16xf32>,
    %get3A_324 = vector.shape_cast %get3A_323 : vector<1x16xf32> to vector<16xf32>
    %get3A_325 = arith.constant 3 : i32
    %get3A_326 = arith.index_cast %get3A_325 : i32 to index
    %get3A_327 = arith.constant 0 : index
    %get3A_328 = tpu.vector_load %arg8[%get3A_326, %get3A_327] {strides = array<i32>} : memref<32x128xf32, #tpu.memory_space<vmem>>, vector<1x16xf32>,
    %get3A_329 = vector.shape_cast %get3A_328 : vector<1x16xf32> to vector<16xf32>
    %mul3A_330 = arith.mulf %get3A_324, %get3A_329 : vector<16xf32>
    %get3A_331 = arith.constant 3 : i32
    %get3A_332 = arith.index_cast %get3A_331 : i32 to index
    %get3A_333 = arith.constant 16 : index
    %get3A_334 = tpu.vector_load %arg7[%get3A_332, %get3A_333] {strides = array<i32>} : memref<32x128xf32, #tpu.memory_space<vmem>>, vector<1x16xf32>,
    %get3A_335 = vector.shape_cast %get3A_334 : vector<1x16xf32> to vector<16xf32>
    %get3A_336 = arith.constant 3 : i32
    %get3A_337 = arith.index_cast %get3A_336 : i32 to index
    %get3A_338 = arith.constant 16 : index
    %get3A_339 = tpu.vector_load %arg8[%get3A_337, %get3A_338] {strides = array<i32>} : memref<32x128xf32, #tpu.memory_space<vmem>>, vector<1x16xf32>,
    %get3A_340 = vector.shape_cast %get3A_339 : vector<1x16xf32> to vector<16xf32>
    %mul3A_341 = arith.mulf %get3A_335, %get3A_340 : vector<16xf32>
    %add3A_342 = arith.addf %mul3A_330, %mul3A_341 : vector<16xf32>
    %get3A_343 = arith.constant 3 : i32
    %get3A_344 = arith.index_cast %get3A_343 : i32 to index
    %get3A_345 = arith.constant 32 : index
    %get3A_346 = tpu.vector_load %arg7[%get3A_344, %get3A_345] {strides = array<i32>} : memref<32x128xf32, #tpu.memory_space<vmem>>, vector<1x16xf32>,
    %get3A_347 = vector.shape_cast %get3A_346 : vector<1x16xf32> to vector<16xf32>
    %get3A_348 = arith.constant 3 : i32
    %get3A_349 = arith.index_cast %get3A_348 : i32 to index
    %get3A_350 = arith.constant 32 : index
    %get3A_351 = tpu.vector_load %arg8[%get3A_349, %get3A_350] {strides = array<i32>} : memref<32x128xf32, #tpu.memory_space<vmem>>, vector<1x16xf32>,
    %get3A_352 = vector.shape_cast %get3A_351 : vector<1x16xf32> to vector<16xf32>
    %mul3A_353 = arith.mulf %get3A_347, %get3A_352 : vector<16xf32>
    %add3A_354 = arith.addf %add3A_342, %mul3A_353 : vector<16xf32>
    %get3A_355 = arith.constant 3 : i32
    %get3A_356 = arith.index_cast %get3A_355 : i32 to index
    %get3A_357 = arith.constant 48 : index
    %get3A_358 = tpu.vector_load %arg7[%get3A_356, %get3A_357] {strides = array<i32>} : memref<32x128xf32, #tpu.memory_space<vmem>>, vector<1x16xf32>,
    %get3A_359 = vector.shape_cast %get3A_358 : vector<1x16xf32> to vector<16xf32>
    %get3A_360 = arith.constant 3 : i32
    %get3A_361 = arith.index_cast %get3A_360 : i32 to index
    %get3A_362 = arith.constant 48 : index
    %get3A_363 = tpu.vector_load %arg8[%get3A_361, %get3A_362] {strides = array<i32>} : memref<32x128xf32, #tpu.memory_space<vmem>>, vector<1x16xf32>,
    %get3A_364 = vector.shape_cast %get3A_363 : vector<1x16xf32> to vector<16xf32>
    %mul3A_365 = arith.mulf %get3A_359, %get3A_364 : vector<16xf32>
    %add3A_366 = arith.addf %add3A_354, %mul3A_365 : vector<16xf32>
    %get3A_367 = arith.constant 3 : i32
    %get3A_368 = arith.index_cast %get3A_367 : i32 to index
    %get3A_369 = arith.constant 64 : index
    %get3A_370 = tpu.vector_load %arg7[%get3A_368, %get3A_369] {strides = array<i32>} : memref<32x128xf32, #tpu.memory_space<vmem>>, vector<1x16xf32>,
    %get3A_371 = vector.shape_cast %get3A_370 : vector<1x16xf32> to vector<16xf32>
    %get3A_372 = arith.constant 3 : i32
    %get3A_373 = arith.index_cast %get3A_372 : i32 to index
    %get3A_374 = arith.constant 64 : index
    %get3A_375 = tpu.vector_load %arg8[%get3A_373, %get3A_374] {strides = array<i32>} : memref<32x128xf32, #tpu.memory_space<vmem>>, vector<1x16xf32>,
    %get3A_376 = vector.shape_cast %get3A_375 : vector<1x16xf32> to vector<16xf32>
    %mul3A_377 = arith.mulf %get3A_371, %get3A_376 : vector<16xf32>
    %add3A_378 = arith.addf %add3A_366, %mul3A_377 : vector<16xf32>
    %get3A_379 = arith.constant 3 : i32
    %get3A_380 = arith.index_cast %get3A_379 : i32 to index
    %get3A_381 = arith.constant 80 : index
    %get3A_382 = tpu.vector_load %arg7[%get3A_380, %get3A_381] {strides = array<i32>} : memref<32x128xf32, #tpu.memory_space<vmem>>, vector<1x16xf32>,
    %get3A_383 = vector.shape_cast %get3A_382 : vector<1x16xf32> to vector<16xf32>
    %get3A_384 = arith.constant 3 : i32
    %get3A_385 = arith.index_cast %get3A_384 : i32 to index
    %get3A_386 = arith.constant 80 : index
    %get3A_387 = tpu.vector_load %arg8[%get3A_385, %get3A_386] {strides = array<i32>} : memref<32x128xf32, #tpu.memory_space<vmem>>, vector<1x16xf32>,
    %get3A_388 = vector.shape_cast %get3A_387 : vector<1x16xf32> to vector<16xf32>
    %mul3A_389 = arith.mulf %get3A_383, %get3A_388 : vector<16xf32>
    %add3A_390 = arith.addf %add3A_378, %mul3A_389 : vector<16xf32>
    %get3A_391 = arith.constant 3 : i32
    %get3A_392 = arith.index_cast %get3A_391 : i32 to index
    %get3A_393 = arith.constant 96 : index
    %get3A_394 = tpu.vector_load %arg7[%get3A_392, %get3A_393] {strides = array<i32>} : memref<32x128xf32, #tpu.memory_space<vmem>>, vector<1x16xf32>,
    %get3A_395 = vector.shape_cast %get3A_394 : vector<1x16xf32> to vector<16xf32>
    %get3A_396 = arith.constant 3 : i32
    %get3A_397 = arith.index_cast %get3A_396 : i32 to index
    %get3A_398 = arith.constant 96 : index
    %get3A_399 = tpu.vector_load %arg8[%get3A_397, %get3A_398] {strides = array<i32>} : memref<32x128xf32, #tpu.memory_space<vmem>>, vector<1x16xf32>,
    %get3A_400 = vector.shape_cast %get3A_399 : vector<1x16xf32> to vector<16xf32>
    %mul3A_401 = arith.mulf %get3A_395, %get3A_400 : vector<16xf32>
    %add3A_402 = arith.addf %add3A_390, %mul3A_401 : vector<16xf32>
    %get3A_403 = arith.constant 3 : i32
    %get3A_404 = arith.index_cast %get3A_403 : i32 to index
    %get3A_405 = arith.constant 112 : index
    %get3A_406 = tpu.vector_load %arg7[%get3A_404, %get3A_405] {strides = array<i32>} : memref<32x128xf32, #tpu.memory_space<vmem>>, vector<1x16xf32>,
    %get3A_407 = vector.shape_cast %get3A_406 : vector<1x16xf32> to vector<16xf32>
    %get3A_408 = arith.constant 3 : i32
    %get3A_409 = arith.index_cast %get3A_408 : i32 to index
    %get3A_410 = arith.constant 112 : index
    %get3A_411 = tpu.vector_load %arg8[%get3A_409, %get3A_410] {strides = array<i32>} : memref<32x128xf32, #tpu.memory_space<vmem>>, vector<1x16xf32>,
    %get3A_412 = vector.shape_cast %get3A_411 : vector<1x16xf32> to vector<16xf32>
    %mul3A_413 = arith.mulf %get3A_407, %get3A_412 : vector<16xf32>
    %add3A_414 = arith.addf %add3A_402, %mul3A_413 : vector<16xf32>
    %swap3A_415 = arith.constant 3 : i32
    %swap3A_416 = arith.index_cast %swap3A_415 : i32 to index
    %swap3A_417 = arith.constant 0 : index
    %swap3A_418 = tpu.vector_load %arg9[%swap3A_416, %swap3A_417] {strides = array<i32>} : memref<32x16xf32, #tpu.memory_space<vmem>>, vector<1x16xf32>,
    %swap3A_419 = vector.shape_cast %swap3A_418 : vector<1x16xf32> to vector<16xf32>
    %swap3A_420 = vector.shape_cast %add3A_414 : vector<16xf32> to vector<1x16xf32>
    tpu.vector_store %arg9[%swap3A_416, %swap3A_417], %swap3A_420 {strides = array<i32>} : memref<32x16xf32, #tpu.memory_space<vmem>>, vector<1x16xf32>,
    %get3A_421 = arith.constant 4 : i32
    %get3A_422 = arith.index_cast %get3A_421 : i32 to index
    %get3A_423 = arith.constant 0 : index
    %get3A_424 = tpu.vector_load %arg7[%get3A_422, %get3A_423] {strides = array<i32>} : memref<32x128xf32, #tpu.memory_space<vmem>>, vector<1x16xf32>,
    %get3A_425 = vector.shape_cast %get3A_424 : vector<1x16xf32> to vector<16xf32>
    %get3A_426 = arith.constant 4 : i32
    %get3A_427 = arith.index_cast %get3A_426 : i32 to index
    %get3A_428 = arith.constant 0 : index
    %get3A_429 = tpu.vector_load %arg8[%get3A_427, %get3A_428] {strides = array<i32>} : memref<32x128xf32, #tpu.memory_space<vmem>>, vector<1x16xf32>,
    %get3A_430 = vector.shape_cast %get3A_429 : vector<1x16xf32> to vector<16xf32>
    %mul3A_431 = arith.mulf %get3A_425, %get3A_430 : vector<16xf32>
    %get3A_432 = arith.constant 4 : i32
    %get3A_433 = arith.index_cast %get3A_432 : i32 to index
    %get3A_434 = arith.constant 16 : index
    %get3A_435 = tpu.vector_load %arg7[%get3A_433, %get3A_434] {strides = array<i32>} : memref<32x128xf32, #tpu.memory_space<vmem>>, vector<1x16xf32>,
    %get3A_436 = vector.shape_cast %get3A_435 : vector<1x16xf32> to vector<16xf32>
    %get3A_437 = arith.constant 4 : i32
    %get3A_438 = arith.index_cast %get3A_437 : i32 to index
    %get3A_439 = arith.constant 16 : index
    %get3A_440 = tpu.vector_load %arg8[%get3A_438, %get3A_439] {strides = array<i32>} : memref<32x128xf32, #tpu.memory_space<vmem>>, vector<1x16xf32>,
    %get3A_441 = vector.shape_cast %get3A_440 : vector<1x16xf32> to vector<16xf32>
    %mul3A_442 = arith.mulf %get3A_436, %get3A_441 : vector<16xf32>
    %add3A_443 = arith.addf %mul3A_431, %mul3A_442 : vector<16xf32>
    %get3A_444 = arith.constant 4 : i32
    %get3A_445 = arith.index_cast %get3A_444 : i32 to index
    %get3A_446 = arith.constant 32 : index
    %get3A_447 = tpu.vector_load %arg7[%get3A_445, %get3A_446] {strides = array<i32>} : memref<32x128xf32, #tpu.memory_space<vmem>>, vector<1x16xf32>,
    %get3A_448 = vector.shape_cast %get3A_447 : vector<1x16xf32> to vector<16xf32>
    %get3A_449 = arith.constant 4 : i32
    %get3A_450 = arith.index_cast %get3A_449 : i32 to index
    %get3A_451 = arith.constant 32 : index
    %get3A_452 = tpu.vector_load %arg8[%get3A_450, %get3A_451] {strides = array<i32>} : memref<32x128xf32, #tpu.memory_space<vmem>>, vector<1x16xf32>,
    %get3A_453 = vector.shape_cast %get3A_452 : vector<1x16xf32> to vector<16xf32>
    %mul3A_454 = arith.mulf %get3A_448, %get3A_453 : vector<16xf32>
    %add3A_455 = arith.addf %add3A_443, %mul3A_454 : vector<16xf32>
    %get3A_456 = arith.constant 4 : i32
    %get3A_457 = arith.index_cast %get3A_456 : i32 to index
    %get3A_458 = arith.constant 48 : index
    %get3A_459 = tpu.vector_load %arg7[%get3A_457, %get3A_458] {strides = array<i32>} : memref<32x128xf32, #tpu.memory_space<vmem>>, vector<1x16xf32>,
    %get3A_460 = vector.shape_cast %get3A_459 : vector<1x16xf32> to vector<16xf32>
    %get3A_461 = arith.constant 4 : i32
    %get3A_462 = arith.index_cast %get3A_461 : i32 to index
    %get3A_463 = arith.constant 48 : index
    %get3A_464 = tpu.vector_load %arg8[%get3A_462, %get3A_463] {strides = array<i32>} : memref<32x128xf32, #tpu.memory_space<vmem>>, vector<1x16xf32>,
    %get3A_465 = vector.shape_cast %get3A_464 : vector<1x16xf32> to vector<16xf32>
    %mul3A_466 = arith.mulf %get3A_460, %get3A_465 : vector<16xf32>
    %add3A_467 = arith.addf %add3A_455, %mul3A_466 : vector<16xf32>
    %get3A_468 = arith.constant 4 : i32
    %get3A_469 = arith.index_cast %get3A_468 : i32 to index
    %get3A_470 = arith.constant 64 : index
    %get3A_471 = tpu.vector_load %arg7[%get3A_469, %get3A_470] {strides = array<i32>} : memref<32x128xf32, #tpu.memory_space<vmem>>, vector<1x16xf32>,
    %get3A_472 = vector.shape_cast %get3A_471 : vector<1x16xf32> to vector<16xf32>
    %get3A_473 = arith.constant 4 : i32
    %get3A_474 = arith.index_cast %get3A_473 : i32 to index
    %get3A_475 = arith.constant 64 : index
    %get3A_476 = tpu.vector_load %arg8[%get3A_474, %get3A_475] {strides = array<i32>} : memref<32x128xf32, #tpu.memory_space<vmem>>, vector<1x16xf32>,
    %get3A_477 = vector.shape_cast %get3A_476 : vector<1x16xf32> to vector<16xf32>
    %mul3A_478 = arith.mulf %get3A_472, %get3A_477 : vector<16xf32>
    %add3A_479 = arith.addf %add3A_467, %mul3A_478 : vector<16xf32>
    %get3A_480 = arith.constant 4 : i32
    %get3A_481 = arith.index_cast %get3A_480 : i32 to index
    %get3A_482 = arith.constant 80 : index
    %get3A_483 = tpu.vector_load %arg7[%get3A_481, %get3A_482] {strides = array<i32>} : memref<32x128xf32, #tpu.memory_space<vmem>>, vector<1x16xf32>,
    %get3A_484 = vector.shape_cast %get3A_483 : vector<1x16xf32> to vector<16xf32>
    %get3A_485 = arith.constant 4 : i32
    %get3A_486 = arith.index_cast %get3A_485 : i32 to index
    %get3A_487 = arith.constant 80 : index
    %get3A_488 = tpu.vector_load %arg8[%get3A_486, %get3A_487] {strides = array<i32>} : memref<32x128xf32, #tpu.memory_space<vmem>>, vector<1x16xf32>,
    %get3A_489 = vector.shape_cast %get3A_488 : vector<1x16xf32> to vector<16xf32>
    %mul3A_490 = arith.mulf %get3A_484, %get3A_489 : vector<16xf32>
    %add3A_491 = arith.addf %add3A_479, %mul3A_490 : vector<16xf32>
    %get3A_492 = arith.constant 4 : i32
    %get3A_493 = arith.index_cast %get3A_492 : i32 to index
    %get3A_494 = arith.constant 96 : index
    %get3A_495 = tpu.vector_load %arg7[%get3A_493, %get3A_494] {strides = array<i32>} : memref<32x128xf32, #tpu.memory_space<vmem>>, vector<1x16xf32>,
    %get3A_496 = vector.shape_cast %get3A_495 : vector<1x16xf32> to vector<16xf32>
    %get3A_497 = arith.constant 4 : i32
    %get3A_498 = arith.index_cast %get3A_497 : i32 to index
    %get3A_499 = arith.constant 96 : index
    %get3A_500 = tpu.vector_load %arg8[%get3A_498, %get3A_499] {strides = array<i32>} : memref<32x128xf32, #tpu.memory_space<vmem>>, vector<1x16xf32>,
    %get3A_501 = vector.shape_cast %get3A_500 : vector<1x16xf32> to vector<16xf32>
    %mul3A_502 = arith.mulf %get3A_496, %get3A_501 : vector<16xf32>
    %add3A_503 = arith.addf %add3A_491, %mul3A_502 : vector<16xf32>
    %get3A_504 = arith.constant 4 : i32
    %get3A_505 = arith.index_cast %get3A_504 : i32 to index
    %get3A_506 = arith.constant 112 : index
    %get3A_507 = tpu.vector_load %arg7[%get3A_505, %get3A_506] {strides = array<i32>} : memref<32x128xf32, #tpu.memory_space<vmem>>, vector<1x16xf32>,
    %get3A_508 = vector.shape_cast %get3A_507 : vector<1x16xf32> to vector<16xf32>
    %get3A_509 = arith.constant 4 : i32
    %get3A_510 = arith.index_cast %get3A_509 : i32 to index
    %get3A_511 = arith.constant 112 : index
    %get3A_512 = tpu.vector_load %arg8[%get3A_510, %get3A_511] {strides = array<i32>} : memref<32x128xf32, #tpu.memory_space<vmem>>, vector<1x16xf32>,
    %get3A_513 = vector.shape_cast %get3A_512 : vector<1x16xf32> to vector<16xf32>
    %mul3A_514 = arith.mulf %get3A_508, %get3A_513 : vector<16xf32>
    %add3A_515 = arith.addf %add3A_503, %mul3A_514 : vector<16xf32>
    %swap3A_516 = arith.constant 4 : i32
    %swap3A_517 = arith.index_cast %swap3A_516 : i32 to index
    %swap3A_518 = arith.constant 0 : index
    %swap3A_519 = tpu.vector_load %arg9[%swap3A_517, %swap3A_518] {strides = array<i32>} : memref<32x16xf32, #tpu.memory_space<vmem>>, vector<1x16xf32>,
    %swap3A_520 = vector.shape_cast %swap3A_519 : vector<1x16xf32> to vector<16xf32>
    %swap3A_521 = vector.shape_cast %add3A_515 : vector<16xf32> to vector<1x16xf32>
    tpu.vector_store %arg9[%swap3A_517, %swap3A_518], %swap3A_521 {strides = array<i32>} : memref<32x16xf32, #tpu.memory_space<vmem>>, vector<1x16xf32>,
    %get3A_522 = arith.constant 5 : i32
    %get3A_523 = arith.index_cast %get3A_522 : i32 to index
    %get3A_524 = arith.constant 0 : index
    %get3A_525 = tpu.vector_load %arg7[%get3A_523, %get3A_524] {strides = array<i32>} : memref<32x128xf32, #tpu.memory_space<vmem>>, vector<1x16xf32>,
    %get3A_526 = vector.shape_cast %get3A_525 : vector<1x16xf32> to vector<16xf32>
    %get3A_527 = arith.constant 5 : i32
    %get3A_528 = arith.index_cast %get3A_527 : i32 to index
    %get3A_529 = arith.constant 0 : index
    %get3A_530 = tpu.vector_load %arg8[%get3A_528, %get3A_529] {strides = array<i32>} : memref<32x128xf32, #tpu.memory_space<vmem>>, vector<1x16xf32>,
    %get3A_531 = vector.shape_cast %get3A_530 : vector<1x16xf32> to vector<16xf32>
    %mul3A_532 = arith.mulf %get3A_526, %get3A_531 : vector<16xf32>
    %get3A_533 = arith.constant 5 : i32
    %get3A_534 = arith.index_cast %get3A_533 : i32 to index
    %get3A_535 = arith.constant 16 : index
    %get3A_536 = tpu.vector_load %arg7[%get3A_534, %get3A_535] {strides = array<i32>} : memref<32x128xf32, #tpu.memory_space<vmem>>, vector<1x16xf32>,
    %get3A_537 = vector.shape_cast %get3A_536 : vector<1x16xf32> to vector<16xf32>
    %get3A_538 = arith.constant 5 : i32
    %get3A_539 = arith.index_cast %get3A_538 : i32 to index
    %get3A_540 = arith.constant 16 : index
    %get3A_541 = tpu.vector_load %arg8[%get3A_539, %get3A_540] {strides = array<i32>} : memref<32x128xf32, #tpu.memory_space<vmem>>, vector<1x16xf32>,
    %get3A_542 = vector.shape_cast %get3A_541 : vector<1x16xf32> to vector<16xf32>
    %mul3A_543 = arith.mulf %get3A_537, %get3A_542 : vector<16xf32>
    %add3A_544 = arith.addf %mul3A_532, %mul3A_543 : vector<16xf32>
    %get3A_545 = arith.constant 5 : i32
    %get3A_546 = arith.index_cast %get3A_545 : i32 to index
    %get3A_547 = arith.constant 32 : index
    %get3A_548 = tpu.vector_load %arg7[%get3A_546, %get3A_547] {strides = array<i32>} : memref<32x128xf32, #tpu.memory_space<vmem>>, vector<1x16xf32>,
    %get3A_549 = vector.shape_cast %get3A_548 : vector<1x16xf32> to vector<16xf32>
    %get3A_550 = arith.constant 5 : i32
    %get3A_551 = arith.index_cast %get3A_550 : i32 to index
    %get3A_552 = arith.constant 32 : index
    %get3A_553 = tpu.vector_load %arg8[%get3A_551, %get3A_552] {strides = array<i32>} : memref<32x128xf32, #tpu.memory_space<vmem>>, vector<1x16xf32>,
    %get3A_554 = vector.shape_cast %get3A_553 : vector<1x16xf32> to vector<16xf32>
    %mul3A_555 = arith.mulf %get3A_549, %get3A_554 : vector<16xf32>
    %add3A_556 = arith.addf %add3A_544, %mul3A_555 : vector<16xf32>
    %get3A_557 = arith.constant 5 : i32
    %get3A_558 = arith.index_cast %get3A_557 : i32 to index
    %get3A_559 = arith.constant 48 : index
    %get3A_560 = tpu.vector_load %arg7[%get3A_558, %get3A_559] {strides = array<i32>} : memref<32x128xf32, #tpu.memory_space<vmem>>, vector<1x16xf32>,
    %get3A_561 = vector.shape_cast %get3A_560 : vector<1x16xf32> to vector<16xf32>
    %get3A_562 = arith.constant 5 : i32
    %get3A_563 = arith.index_cast %get3A_562 : i32 to index
    %get3A_564 = arith.constant 48 : index
    %get3A_565 = tpu.vector_load %arg8[%get3A_563, %get3A_564] {strides = array<i32>} : memref<32x128xf32, #tpu.memory_space<vmem>>, vector<1x16xf32>,
    %get3A_566 = vector.shape_cast %get3A_565 : vector<1x16xf32> to vector<16xf32>
    %mul3A_567 = arith.mulf %get3A_561, %get3A_566 : vector<16xf32>
    %add3A_568 = arith.addf %add3A_556, %mul3A_567 : vector<16xf32>
    %get3A_569 = arith.constant 5 : i32
    %get3A_570 = arith.index_cast %get3A_569 : i32 to index
    %get3A_571 = arith.constant 64 : index
    %get3A_572 = tpu.vector_load %arg7[%get3A_570, %get3A_571] {strides = array<i32>} : memref<32x128xf32, #tpu.memory_space<vmem>>, vector<1x16xf32>,
    %get3A_573 = vector.shape_cast %get3A_572 : vector<1x16xf32> to vector<16xf32>
    %get3A_574 = arith.constant 5 : i32
    %get3A_575 = arith.index_cast %get3A_574 : i32 to index
    %get3A_576 = arith.constant 64 : index
    %get3A_577 = tpu.vector_load %arg8[%get3A_575, %get3A_576] {strides = array<i32>} : memref<32x128xf32, #tpu.memory_space<vmem>>, vector<1x16xf32>,
    %get3A_578 = vector.shape_cast %get3A_577 : vector<1x16xf32> to vector<16xf32>
    %mul3A_579 = arith.mulf %get3A_573, %get3A_578 : vector<16xf32>
    %add3A_580 = arith.addf %add3A_568, %mul3A_579 : vector<16xf32>
    %get3A_581 = arith.constant 5 : i32
    %get3A_582 = arith.index_cast %get3A_581 : i32 to index
    %get3A_583 = arith.constant 80 : index
    %get3A_584 = tpu.vector_load %arg7[%get3A_582, %get3A_583] {strides = array<i32>} : memref<32x128xf32, #tpu.memory_space<vmem>>, vector<1x16xf32>,
    %get3A_585 = vector.shape_cast %get3A_584 : vector<1x16xf32> to vector<16xf32>
    %get3A_586 = arith.constant 5 : i32
    %get3A_587 = arith.index_cast %get3A_586 : i32 to index
    %get3A_588 = arith.constant 80 : index
    %get3A_589 = tpu.vector_load %arg8[%get3A_587, %get3A_588] {strides = array<i32>} : memref<32x128xf32, #tpu.memory_space<vmem>>, vector<1x16xf32>,
    %get3A_590 = vector.shape_cast %get3A_589 : vector<1x16xf32> to vector<16xf32>
    %mul3A_591 = arith.mulf %get3A_585, %get3A_590 : vector<16xf32>
    %add3A_592 = arith.addf %add3A_580, %mul3A_591 : vector<16xf32>
    %get3A_593 = arith.constant 5 : i32
    %get3A_594 = arith.index_cast %get3A_593 : i32 to index
    %get3A_595 = arith.constant 96 : index
    %get3A_596 = tpu.vector_load %arg7[%get3A_594, %get3A_595] {strides = array<i32>} : memref<32x128xf32, #tpu.memory_space<vmem>>, vector<1x16xf32>,
    %get3A_597 = vector.shape_cast %get3A_596 : vector<1x16xf32> to vector<16xf32>
    %get3A_598 = arith.constant 5 : i32
    %get3A_599 = arith.index_cast %get3A_598 : i32 to index
    %get3A_600 = arith.constant 96 : index
    %get3A_601 = tpu.vector_load %arg8[%get3A_599, %get3A_600] {strides = array<i32>} : memref<32x128xf32, #tpu.memory_space<vmem>>, vector<1x16xf32>,
    %get3A_602 = vector.shape_cast %get3A_601 : vector<1x16xf32> to vector<16xf32>
    %mul3A_603 = arith.mulf %get3A_597, %get3A_602 : vector<16xf32>
    %add3A_604 = arith.addf %add3A_592, %mul3A_603 : vector<16xf32>
    %get3A_605 = arith.constant 5 : i32
    %get3A_606 = arith.index_cast %get3A_605 : i32 to index
    %get3A_607 = arith.constant 112 : index
    %get3A_608 = tpu.vector_load %arg7[%get3A_606, %get3A_607] {strides = array<i32>} : memref<32x128xf32, #tpu.memory_space<vmem>>, vector<1x16xf32>,
    %get3A_609 = vector.shape_cast %get3A_608 : vector<1x16xf32> to vector<16xf32>
    %get3A_610 = arith.constant 5 : i32
    %get3A_611 = arith.index_cast %get3A_610 : i32 to index
    %get3A_612 = arith.constant 112 : index
    %get3A_613 = tpu.vector_load %arg8[%get3A_611, %get3A_612] {strides = array<i32>} : memref<32x128xf32, #tpu.memory_space<vmem>>, vector<1x16xf32>,
    %get3A_614 = vector.shape_cast %get3A_613 : vector<1x16xf32> to vector<16xf32>
    %mul3A_615 = arith.mulf %get3A_609, %get3A_614 : vector<16xf32>
    %add3A_616 = arith.addf %add3A_604, %mul3A_615 : vector<16xf32>
    %swap3A_617 = arith.constant 5 : i32
    %swap3A_618 = arith.index_cast %swap3A_617 : i32 to index
    %swap3A_619 = arith.constant 0 : index
    %swap3A_620 = tpu.vector_load %arg9[%swap3A_618, %swap3A_619] {strides = array<i32>} : memref<32x16xf32, #tpu.memory_space<vmem>>, vector<1x16xf32>,
    %swap3A_621 = vector.shape_cast %swap3A_620 : vector<1x16xf32> to vector<16xf32>
    %swap3A_622 = vector.shape_cast %add3A_616 : vector<16xf32> to vector<1x16xf32>
    tpu.vector_store %arg9[%swap3A_618, %swap3A_619], %swap3A_622 {strides = array<i32>} : memref<32x16xf32, #tpu.memory_space<vmem>>, vector<1x16xf32>,
    %get3A_623 = arith.constant 6 : i32
    %get3A_624 = arith.index_cast %get3A_623 : i32 to index
    %get3A_625 = arith.constant 0 : index
    %get3A_626 = tpu.vector_load %arg7[%get3A_624, %get3A_625] {strides = array<i32>} : memref<32x128xf32, #tpu.memory_space<vmem>>, vector<1x16xf32>,
    %get3A_627 = vector.shape_cast %get3A_626 : vector<1x16xf32> to vector<16xf32>
    %get3A_628 = arith.constant 6 : i32
    %get3A_629 = arith.index_cast %get3A_628 : i32 to index
    %get3A_630 = arith.constant 0 : index
    %get3A_631 = tpu.vector_load %arg8[%get3A_629, %get3A_630] {strides = array<i32>} : memref<32x128xf32, #tpu.memory_space<vmem>>, vector<1x16xf32>,
    %get3A_632 = vector.shape_cast %get3A_631 : vector<1x16xf32> to vector<16xf32>
    %mul3A_633 = arith.mulf %get3A_627, %get3A_632 : vector<16xf32>
    %get3A_634 = arith.constant 6 : i32
    %get3A_635 = arith.index_cast %get3A_634 : i32 to index
    %get3A_636 = arith.constant 16 : index
    %get3A_637 = tpu.vector_load %arg7[%get3A_635, %get3A_636] {strides = array<i32>} : memref<32x128xf32, #tpu.memory_space<vmem>>, vector<1x16xf32>,
    %get3A_638 = vector.shape_cast %get3A_637 : vector<1x16xf32> to vector<16xf32>
    %get3A_639 = arith.constant 6 : i32
    %get3A_640 = arith.index_cast %get3A_639 : i32 to index
    %get3A_641 = arith.constant 16 : index
    %get3A_642 = tpu.vector_load %arg8[%get3A_640, %get3A_641] {strides = array<i32>} : memref<32x128xf32, #tpu.memory_space<vmem>>, vector<1x16xf32>,
    %get3A_643 = vector.shape_cast %get3A_642 : vector<1x16xf32> to vector<16xf32>
    %mul3A_644 = arith.mulf %get3A_638, %get3A_643 : vector<16xf32>
    %add3A_645 = arith.addf %mul3A_633, %mul3A_644 : vector<16xf32>
    %get3A_646 = arith.constant 6 : i32
    %get3A_647 = arith.index_cast %get3A_646 : i32 to index
    %get3A_648 = arith.constant 32 : index
    %get3A_649 = tpu.vector_load %arg7[%get3A_647, %get3A_648] {strides = array<i32>} : memref<32x128xf32, #tpu.memory_space<vmem>>, vector<1x16xf32>,
    %get3A_650 = vector.shape_cast %get3A_649 : vector<1x16xf32> to vector<16xf32>
    %get3A_651 = arith.constant 6 : i32
    %get3A_652 = arith.index_cast %get3A_651 : i32 to index
    %get3A_653 = arith.constant 32 : index
    %get3A_654 = tpu.vector_load %arg8[%get3A_652, %get3A_653] {strides = array<i32>} : memref<32x128xf32, #tpu.memory_space<vmem>>, vector<1x16xf32>,
    %get3A_655 = vector.shape_cast %get3A_654 : vector<1x16xf32> to vector<16xf32>
    %mul3A_656 = arith.mulf %get3A_650, %get3A_655 : vector<16xf32>
    %add3A_657 = arith.addf %add3A_645, %mul3A_656 : vector<16xf32>
    %get3A_658 = arith.constant 6 : i32
    %get3A_659 = arith.index_cast %get3A_658 : i32 to index
    %get3A_660 = arith.constant 48 : index
    %get3A_661 = tpu.vector_load %arg7[%get3A_659, %get3A_660] {strides = array<i32>} : memref<32x128xf32, #tpu.memory_space<vmem>>, vector<1x16xf32>,
    %get3A_662 = vector.shape_cast %get3A_661 : vector<1x16xf32> to vector<16xf32>
    %get3A_663 = arith.constant 6 : i32
    %get3A_664 = arith.index_cast %get3A_663 : i32 to index
    %get3A_665 = arith.constant 48 : index
    %get3A_666 = tpu.vector_load %arg8[%get3A_664, %get3A_665] {strides = array<i32>} : memref<32x128xf32, #tpu.memory_space<vmem>>, vector<1x16xf32>,
    %get3A_667 = vector.shape_cast %get3A_666 : vector<1x16xf32> to vector<16xf32>
    %mul3A_668 = arith.mulf %get3A_662, %get3A_667 : vector<16xf32>
    %add3A_669 = arith.addf %add3A_657, %mul3A_668 : vector<16xf32>
    %get3A_670 = arith.constant 6 : i32
    %get3A_671 = arith.index_cast %get3A_670 : i32 to index
    %get3A_672 = arith.constant 64 : index
    %get3A_673 = tpu.vector_load %arg7[%get3A_671, %get3A_672] {strides = array<i32>} : memref<32x128xf32, #tpu.memory_space<vmem>>, vector<1x16xf32>,
    %get3A_674 = vector.shape_cast %get3A_673 : vector<1x16xf32> to vector<16xf32>
    %get3A_675 = arith.constant 6 : i32
    %get3A_676 = arith.index_cast %get3A_675 : i32 to index
    %get3A_677 = arith.constant 64 : index
    %get3A_678 = tpu.vector_load %arg8[%get3A_676, %get3A_677] {strides = array<i32>} : memref<32x128xf32, #tpu.memory_space<vmem>>, vector<1x16xf32>,
    %get3A_679 = vector.shape_cast %get3A_678 : vector<1x16xf32> to vector<16xf32>
    %mul3A_680 = arith.mulf %get3A_674, %get3A_679 : vector<16xf32>
    %add3A_681 = arith.addf %add3A_669, %mul3A_680 : vector<16xf32>
    %get3A_682 = arith.constant 6 : i32
    %get3A_683 = arith.index_cast %get3A_682 : i32 to index
    %get3A_684 = arith.constant 80 : index
    %get3A_685 = tpu.vector_load %arg7[%get3A_683, %get3A_684] {strides = array<i32>} : memref<32x128xf32, #tpu.memory_space<vmem>>, vector<1x16xf32>,
    %get3A_686 = vector.shape_cast %get3A_685 : vector<1x16xf32> to vector<16xf32>
    %get3A_687 = arith.constant 6 : i32
    %get3A_688 = arith.index_cast %get3A_687 : i32 to index
    %get3A_689 = arith.constant 80 : index
    %get3A_690 = tpu.vector_load %arg8[%get3A_688, %get3A_689] {strides = array<i32>} : memref<32x128xf32, #tpu.memory_space<vmem>>, vector<1x16xf32>,
    %get3A_691 = vector.shape_cast %get3A_690 : vector<1x16xf32> to vector<16xf32>
    %mul3A_692 = arith.mulf %get3A_686, %get3A_691 : vector<16xf32>
    %add3A_693 = arith.addf %add3A_681, %mul3A_692 : vector<16xf32>
    %get3A_694 = arith.constant 6 : i32
    %get3A_695 = arith.index_cast %get3A_694 : i32 to index
    %get3A_696 = arith.constant 96 : index
    %get3A_697 = tpu.vector_load %arg7[%get3A_695, %get3A_696] {strides = array<i32>} : memref<32x128xf32, #tpu.memory_space<vmem>>, vector<1x16xf32>,
    %get3A_698 = vector.shape_cast %get3A_697 : vector<1x16xf32> to vector<16xf32>
    %get3A_699 = arith.constant 6 : i32
    %get3A_700 = arith.index_cast %get3A_699 : i32 to index
    %get3A_701 = arith.constant 96 : index
    %get3A_702 = tpu.vector_load %arg8[%get3A_700, %get3A_701] {strides = array<i32>} : memref<32x128xf32, #tpu.memory_space<vmem>>, vector<1x16xf32>,
    %get3A_703 = vector.shape_cast %get3A_702 : vector<1x16xf32> to vector<16xf32>
    %mul3A_704 = arith.mulf %get3A_698, %get3A_703 : vector<16xf32>
    %add3A_705 = arith.addf %add3A_693, %mul3A_704 : vector<16xf32>
    %get3A_706 = arith.constant 6 : i32
    %get3A_707 = arith.index_cast %get3A_706 : i32 to index
    %get3A_708 = arith.constant 112 : index
    %get3A_709 = tpu.vector_load %arg7[%get3A_707, %get3A_708] {strides = array<i32>} : memref<32x128xf32, #tpu.memory_space<vmem>>, vector<1x16xf32>,
    %get3A_710 = vector.shape_cast %get3A_709 : vector<1x16xf32> to vector<16xf32>
    %get3A_711 = arith.constant 6 : i32
    %get3A_712 = arith.index_cast %get3A_711 : i32 to index
    %get3A_713 = arith.constant 112 : index
    %get3A_714 = tpu.vector_load %arg8[%get3A_712, %get3A_713] {strides = array<i32>} : memref<32x128xf32, #tpu.memory_space<vmem>>, vector<1x16xf32>,
    %get3A_715 = vector.shape_cast %get3A_714 : vector<1x16xf32> to vector<16xf32>
    %mul3A_716 = arith.mulf %get3A_710, %get3A_715 : vector<16xf32>
    %add3A_717 = arith.addf %add3A_705, %mul3A_716 : vector<16xf32>
    %swap3A_718 = arith.constant 6 : i32
    %swap3A_719 = arith.index_cast %swap3A_718 : i32 to index
    %swap3A_720 = arith.constant 0 : index
    %swap3A_721 = tpu.vector_load %arg9[%swap3A_719, %swap3A_720] {strides = array<i32>} : memref<32x16xf32, #tpu.memory_space<vmem>>, vector<1x16xf32>,
    %swap3A_722 = vector.shape_cast %swap3A_721 : vector<1x16xf32> to vector<16xf32>
    %swap3A_723 = vector.shape_cast %add3A_717 : vector<16xf32> to vector<1x16xf32>
    tpu.vector_store %arg9[%swap3A_719, %swap3A_720], %swap3A_723 {strides = array<i32>} : memref<32x16xf32, #tpu.memory_space<vmem>>, vector<1x16xf32>,
    %get3A_724 = arith.constant 7 : i32
    %get3A_725 = arith.index_cast %get3A_724 : i32 to index
    %get3A_726 = arith.constant 0 : index
    %get3A_727 = tpu.vector_load %arg7[%get3A_725, %get3A_726] {strides = array<i32>} : memref<32x128xf32, #tpu.memory_space<vmem>>, vector<1x16xf32>,
    %get3A_728 = vector.shape_cast %get3A_727 : vector<1x16xf32> to vector<16xf32>
    %get3A_729 = arith.constant 7 : i32
    %get3A_730 = arith.index_cast %get3A_729 : i32 to index
    %get3A_731 = arith.constant 0 : index
    %get3A_732 = tpu.vector_load %arg8[%get3A_730, %get3A_731] {strides = array<i32>} : memref<32x128xf32, #tpu.memory_space<vmem>>, vector<1x16xf32>,
    %get3A_733 = vector.shape_cast %get3A_732 : vector<1x16xf32> to vector<16xf32>
    %mul3A_734 = arith.mulf %get3A_728, %get3A_733 : vector<16xf32>
    %get3A_735 = arith.constant 7 : i32
    %get3A_736 = arith.index_cast %get3A_735 : i32 to index
    %get3A_737 = arith.constant 16 : index
    %get3A_738 = tpu.vector_load %arg7[%get3A_736, %get3A_737] {strides = array<i32>} : memref<32x128xf32, #tpu.memory_space<vmem>>, vector<1x16xf32>,
    %get3A_739 = vector.shape_cast %get3A_738 : vector<1x16xf32> to vector<16xf32>
    %get3A_740 = arith.constant 7 : i32
    %get3A_741 = arith.index_cast %get3A_740 : i32 to index
    %get3A_742 = arith.constant 16 : index
    %get3A_743 = tpu.vector_load %arg8[%get3A_741, %get3A_742] {strides = array<i32>} : memref<32x128xf32, #tpu.memory_space<vmem>>, vector<1x16xf32>,
    %get3A_744 = vector.shape_cast %get3A_743 : vector<1x16xf32> to vector<16xf32>
    %mul3A_745 = arith.mulf %get3A_739, %get3A_744 : vector<16xf32>
    %add3A_746 = arith.addf %mul3A_734, %mul3A_745 : vector<16xf32>
    %get3A_747 = arith.constant 7 : i32
    %get3A_748 = arith.index_cast %get3A_747 : i32 to index
    %get3A_749 = arith.constant 32 : index
    %get3A_750 = tpu.vector_load %arg7[%get3A_748, %get3A_749] {strides = array<i32>} : memref<32x128xf32, #tpu.memory_space<vmem>>, vector<1x16xf32>,
    %get3A_751 = vector.shape_cast %get3A_750 : vector<1x16xf32> to vector<16xf32>
    %get3A_752 = arith.constant 7 : i32
    %get3A_753 = arith.index_cast %get3A_752 : i32 to index
    %get3A_754 = arith.constant 32 : index
    %get3A_755 = tpu.vector_load %arg8[%get3A_753, %get3A_754] {strides = array<i32>} : memref<32x128xf32, #tpu.memory_space<vmem>>, vector<1x16xf32>,
    %get3A_756 = vector.shape_cast %get3A_755 : vector<1x16xf32> to vector<16xf32>
    %mul3A_757 = arith.mulf %get3A_751, %get3A_756 : vector<16xf32>
    %add3A_758 = arith.addf %add3A_746, %mul3A_757 : vector<16xf32>
    %get3A_759 = arith.constant 7 : i32
    %get3A_760 = arith.index_cast %get3A_759 : i32 to index
    %get3A_761 = arith.constant 48 : index
    %get3A_762 = tpu.vector_load %arg7[%get3A_760, %get3A_761] {strides = array<i32>} : memref<32x128xf32, #tpu.memory_space<vmem>>, vector<1x16xf32>,
    %get3A_763 = vector.shape_cast %get3A_762 : vector<1x16xf32> to vector<16xf32>
    %get3A_764 = arith.constant 7 : i32
    %get3A_765 = arith.index_cast %get3A_764 : i32 to index
    %get3A_766 = arith.constant 48 : index
    %get3A_767 = tpu.vector_load %arg8[%get3A_765, %get3A_766] {strides = array<i32>} : memref<32x128xf32, #tpu.memory_space<vmem>>, vector<1x16xf32>,
    %get3A_768 = vector.shape_cast %get3A_767 : vector<1x16xf32> to vector<16xf32>
    %mul3A_769 = arith.mulf %get3A_763, %get3A_768 : vector<16xf32>
    %add3A_770 = arith.addf %add3A_758, %mul3A_769 : vector<16xf32>
    %get3A_771 = arith.constant 7 : i32
    %get3A_772 = arith.index_cast %get3A_771 : i32 to index
    %get3A_773 = arith.constant 64 : index
    %get3A_774 = tpu.vector_load %arg7[%get3A_772, %get3A_773] {strides = array<i32>} : memref<32x128xf32, #tpu.memory_space<vmem>>, vector<1x16xf32>,
    %get3A_775 = vector.shape_cast %get3A_774 : vector<1x16xf32> to vector<16xf32>
    %get3A_776 = arith.constant 7 : i32
    %get3A_777 = arith.index_cast %get3A_776 : i32 to index
    %get3A_778 = arith.constant 64 : index
    %get3A_779 = tpu.vector_load %arg8[%get3A_777, %get3A_778] {strides = array<i32>} : memref<32x128xf32, #tpu.memory_space<vmem>>, vector<1x16xf32>,
    %get3A_780 = vector.shape_cast %get3A_779 : vector<1x16xf32> to vector<16xf32>
    %mul3A_781 = arith.mulf %get3A_775, %get3A_780 : vector<16xf32>
    %add3A_782 = arith.addf %add3A_770, %mul3A_781 : vector<16xf32>
    %get3A_783 = arith.constant 7 : i32
    %get3A_784 = arith.index_cast %get3A_783 : i32 to index
    %get3A_785 = arith.constant 80 : index
    %get3A_786 = tpu.vector_load %arg7[%get3A_784, %get3A_785] {strides = array<i32>} : memref<32x128xf32, #tpu.memory_space<vmem>>, vector<1x16xf32>,
    %get3A_787 = vector.shape_cast %get3A_786 : vector<1x16xf32> to vector<16xf32>
    %get3A_788 = arith.constant 7 : i32
    %get3A_789 = arith.index_cast %get3A_788 : i32 to index
    %get3A_790 = arith.constant 80 : index
    %get3A_791 = tpu.vector_load %arg8[%get3A_789, %get3A_790] {strides = array<i32>} : memref<32x128xf32, #tpu.memory_space<vmem>>, vector<1x16xf32>,
    %get3A_792 = vector.shape_cast %get3A_791 : vector<1x16xf32> to vector<16xf32>
    %mul3A_793 = arith.mulf %get3A_787, %get3A_792 : vector<16xf32>
    %add3A_794 = arith.addf %add3A_782, %mul3A_793 : vector<16xf32>
    %get3A_795 = arith.constant 7 : i32
    %get3A_796 = arith.index_cast %get3A_795 : i32 to index
    %get3A_797 = arith.constant 96 : index
    %get3A_798 = tpu.vector_load %arg7[%get3A_796, %get3A_797] {strides = array<i32>} : memref<32x128xf32, #tpu.memory_space<vmem>>, vector<1x16xf32>,
    %get3A_799 = vector.shape_cast %get3A_798 : vector<1x16xf32> to vector<16xf32>
    %get3A_800 = arith.constant 7 : i32
    %get3A_801 = arith.index_cast %get3A_800 : i32 to index
    %get3A_802 = arith.constant 96 : index
    %get3A_803 = tpu.vector_load %arg8[%get3A_801, %get3A_802] {strides = array<i32>} : memref<32x128xf32, #tpu.memory_space<vmem>>, vector<1x16xf32>,
    %get3A_804 = vector.shape_cast %get3A_803 : vector<1x16xf32> to vector<16xf32>
    %mul3A_805 = arith.mulf %get3A_799, %get3A_804 : vector<16xf32>
    %add3A_806 = arith.addf %add3A_794, %mul3A_805 : vector<16xf32>
    %get3A_807 = arith.constant 7 : i32
    %get3A_808 = arith.index_cast %get3A_807 : i32 to index
    %get3A_809 = arith.constant 112 : index
    %get3A_810 = tpu.vector_load %arg7[%get3A_808, %get3A_809] {strides = array<i32>} : memref<32x128xf32, #tpu.memory_space<vmem>>, vector<1x16xf32>,
    %get3A_811 = vector.shape_cast %get3A_810 : vector<1x16xf32> to vector<16xf32>
    %get3A_812 = arith.constant 7 : i32
    %get3A_813 = arith.index_cast %get3A_812 : i32 to index
    %get3A_814 = arith.constant 112 : index
    %get3A_815 = tpu.vector_load %arg8[%get3A_813, %get3A_814] {strides = array<i32>} : memref<32x128xf32, #tpu.memory_space<vmem>>, vector<1x16xf32>,
    %get3A_816 = vector.shape_cast %get3A_815 : vector<1x16xf32> to vector<16xf32>
    %mul3A_817 = arith.mulf %get3A_811, %get3A_816 : vector<16xf32>
    %add3A_818 = arith.addf %add3A_806, %mul3A_817 : vector<16xf32>
    %swap3A_819 = arith.constant 7 : i32
    %swap3A_820 = arith.index_cast %swap3A_819 : i32 to index
    %swap3A_821 = arith.constant 0 : index
    %swap3A_822 = tpu.vector_load %arg9[%swap3A_820, %swap3A_821] {strides = array<i32>} : memref<32x16xf32, #tpu.memory_space<vmem>>, vector<1x16xf32>,
    %swap3A_823 = vector.shape_cast %swap3A_822 : vector<1x16xf32> to vector<16xf32>
    %swap3A_824 = vector.shape_cast %add3A_818 : vector<16xf32> to vector<1x16xf32>
    tpu.vector_store %arg9[%swap3A_820, %swap3A_821], %swap3A_824 {strides = array<i32>} : memref<32x16xf32, #tpu.memory_space<vmem>>, vector<1x16xf32>,
    %get3A_825 = arith.constant 8 : i32
    %get3A_826 = arith.index_cast %get3A_825 : i32 to index
    %get3A_827 = arith.constant 0 : index
    %get3A_828 = tpu.vector_load %arg7[%get3A_826, %get3A_827] {strides = array<i32>} : memref<32x128xf32, #tpu.memory_space<vmem>>, vector<1x16xf32>,
    %get3A_829 = vector.shape_cast %get3A_828 : vector<1x16xf32> to vector<16xf32>
    %get3A_830 = arith.constant 8 : i32
    %get3A_831 = arith.index_cast %get3A_830 : i32 to index
    %get3A_832 = arith.constant 0 : index
    %get3A_833 = tpu.vector_load %arg8[%get3A_831, %get3A_832] {strides = array<i32>} : memref<32x128xf32, #tpu.memory_space<vmem>>, vector<1x16xf32>,
    %get3A_834 = vector.shape_cast %get3A_833 : vector<1x16xf32> to vector<16xf32>
    %mul3A_835 = arith.mulf %get3A_829, %get3A_834 : vector<16xf32>
    %get3A_836 = arith.constant 8 : i32
    %get3A_837 = arith.index_cast %get3A_836 : i32 to index
    %get3A_838 = arith.constant 16 : index
    %get3A_839 = tpu.vector_load %arg7[%get3A_837, %get3A_838] {strides = array<i32>} : memref<32x128xf32, #tpu.memory_space<vmem>>, vector<1x16xf32>,
    %get3A_840 = vector.shape_cast %get3A_839 : vector<1x16xf32> to vector<16xf32>
    %get3A_841 = arith.constant 8 : i32
    %get3A_842 = arith.index_cast %get3A_841 : i32 to index
    %get3A_843 = arith.constant 16 : index
    %get3A_844 = tpu.vector_load %arg8[%get3A_842, %get3A_843] {strides = array<i32>} : memref<32x128xf32, #tpu.memory_space<vmem>>, vector<1x16xf32>,
    %get3A_845 = vector.shape_cast %get3A_844 : vector<1x16xf32> to vector<16xf32>
    %mul3A_846 = arith.mulf %get3A_840, %get3A_845 : vector<16xf32>
    %add3A_847 = arith.addf %mul3A_835, %mul3A_846 : vector<16xf32>
    %get3A_848 = arith.constant 8 : i32
    %get3A_849 = arith.index_cast %get3A_848 : i32 to index
    %get3A_850 = arith.constant 32 : index
    %get3A_851 = tpu.vector_load %arg7[%get3A_849, %get3A_850] {strides = array<i32>} : memref<32x128xf32, #tpu.memory_space<vmem>>, vector<1x16xf32>,
    %get3A_852 = vector.shape_cast %get3A_851 : vector<1x16xf32> to vector<16xf32>
    %get3A_853 = arith.constant 8 : i32
    %get3A_854 = arith.index_cast %get3A_853 : i32 to index
    %get3A_855 = arith.constant 32 : index
    %get3A_856 = tpu.vector_load %arg8[%get3A_854, %get3A_855] {strides = array<i32>} : memref<32x128xf32, #tpu.memory_space<vmem>>, vector<1x16xf32>,
    %get3A_857 = vector.shape_cast %get3A_856 : vector<1x16xf32> to vector<16xf32>
    %mul3A_858 = arith.mulf %get3A_852, %get3A_857 : vector<16xf32>
    %add3A_859 = arith.addf %add3A_847, %mul3A_858 : vector<16xf32>
    %get3A_860 = arith.constant 8 : i32
    %get3A_861 = arith.index_cast %get3A_860 : i32 to index
    %get3A_862 = arith.constant 48 : index
    %get3A_863 = tpu.vector_load %arg7[%get3A_861, %get3A_862] {strides = array<i32>} : memref<32x128xf32, #tpu.memory_space<vmem>>, vector<1x16xf32>,
    %get3A_864 = vector.shape_cast %get3A_863 : vector<1x16xf32> to vector<16xf32>
    %get3A_865 = arith.constant 8 : i32
    %get3A_866 = arith.index_cast %get3A_865 : i32 to index
    %get3A_867 = arith.constant 48 : index
    %get3A_868 = tpu.vector_load %arg8[%get3A_866, %get3A_867] {strides = array<i32>} : memref<32x128xf32, #tpu.memory_space<vmem>>, vector<1x16xf32>,
    %get3A_869 = vector.shape_cast %get3A_868 : vector<1x16xf32> to vector<16xf32>
    %mul3A_870 = arith.mulf %get3A_864, %get3A_869 : vector<16xf32>
    %add3A_871 = arith.addf %add3A_859, %mul3A_870 : vector<16xf32>
    %get3A_872 = arith.constant 8 : i32
    %get3A_873 = arith.index_cast %get3A_872 : i32 to index
    %get3A_874 = arith.constant 64 : index
    %get3A_875 = tpu.vector_load %arg7[%get3A_873, %get3A_874] {strides = array<i32>} : memref<32x128xf32, #tpu.memory_space<vmem>>, vector<1x16xf32>,
    %get3A_876 = vector.shape_cast %get3A_875 : vector<1x16xf32> to vector<16xf32>
    %get3A_877 = arith.constant 8 : i32
    %get3A_878 = arith.index_cast %get3A_877 : i32 to index
    %get3A_879 = arith.constant 64 : index
    %get3A_880 = tpu.vector_load %arg8[%get3A_878, %get3A_879] {strides = array<i32>} : memref<32x128xf32, #tpu.memory_space<vmem>>, vector<1x16xf32>,
    %get3A_881 = vector.shape_cast %get3A_880 : vector<1x16xf32> to vector<16xf32>
    %mul3A_882 = arith.mulf %get3A_876, %get3A_881 : vector<16xf32>
    %add3A_883 = arith.addf %add3A_871, %mul3A_882 : vector<16xf32>
    %get3A_884 = arith.constant 8 : i32
    %get3A_885 = arith.index_cast %get3A_884 : i32 to index
    %get3A_886 = arith.constant 80 : index
    %get3A_887 = tpu.vector_load %arg7[%get3A_885, %get3A_886] {strides = array<i32>} : memref<32x128xf32, #tpu.memory_space<vmem>>, vector<1x16xf32>,
    %get3A_888 = vector.shape_cast %get3A_887 : vector<1x16xf32> to vector<16xf32>
    %get3A_889 = arith.constant 8 : i32
    %get3A_890 = arith.index_cast %get3A_889 : i32 to index
    %get3A_891 = arith.constant 80 : index
    %get3A_892 = tpu.vector_load %arg8[%get3A_890, %get3A_891] {strides = array<i32>} : memref<32x128xf32, #tpu.memory_space<vmem>>, vector<1x16xf32>,
    %get3A_893 = vector.shape_cast %get3A_892 : vector<1x16xf32> to vector<16xf32>
    %mul3A_894 = arith.mulf %get3A_888, %get3A_893 : vector<16xf32>
    %add3A_895 = arith.addf %add3A_883, %mul3A_894 : vector<16xf32>
    %get3A_896 = arith.constant 8 : i32
    %get3A_897 = arith.index_cast %get3A_896 : i32 to index
    %get3A_898 = arith.constant 96 : index
    %get3A_899 = tpu.vector_load %arg7[%get3A_897, %get3A_898] {strides = array<i32>} : memref<32x128xf32, #tpu.memory_space<vmem>>, vector<1x16xf32>,
    %get3A_900 = vector.shape_cast %get3A_899 : vector<1x16xf32> to vector<16xf32>
    %get3A_901 = arith.constant 8 : i32
    %get3A_902 = arith.index_cast %get3A_901 : i32 to index
    %get3A_903 = arith.constant 96 : index
    %get3A_904 = tpu.vector_load %arg8[%get3A_902, %get3A_903] {strides = array<i32>} : memref<32x128xf32, #tpu.memory_space<vmem>>, vector<1x16xf32>,
    %get3A_905 = vector.shape_cast %get3A_904 : vector<1x16xf32> to vector<16xf32>
    %mul3A_906 = arith.mulf %get3A_900, %get3A_905 : vector<16xf32>
    %add3A_907 = arith.addf %add3A_895, %mul3A_906 : vector<16xf32>
    %get3A_908 = arith.constant 8 : i32
    %get3A_909 = arith.index_cast %get3A_908 : i32 to index
    %get3A_910 = arith.constant 112 : index
    %get3A_911 = tpu.vector_load %arg7[%get3A_909, %get3A_910] {strides = array<i32>} : memref<32x128xf32, #tpu.memory_space<vmem>>, vector<1x16xf32>,
    %get3A_912 = vector.shape_cast %get3A_911 : vector<1x16xf32> to vector<16xf32>
    %get3A_913 = arith.constant 8 : i32
    %get3A_914 = arith.index_cast %get3A_913 : i32 to index
    %get3A_915 = arith.constant 112 : index
    %get3A_916 = tpu.vector_load %arg8[%get3A_914, %get3A_915] {strides = array<i32>} : memref<32x128xf32, #tpu.memory_space<vmem>>, vector<1x16xf32>,
    %get3A_917 = vector.shape_cast %get3A_916 : vector<1x16xf32> to vector<16xf32>
    %mul3A_918 = arith.mulf %get3A_912, %get3A_917 : vector<16xf32>
    %add3A_919 = arith.addf %add3A_907, %mul3A_918 : vector<16xf32>
    %swap3A_920 = arith.constant 8 : i32
    %swap3A_921 = arith.index_cast %swap3A_920 : i32 to index
    %swap3A_922 = arith.constant 0 : index
    %swap3A_923 = tpu.vector_load %arg9[%swap3A_921, %swap3A_922] {strides = array<i32>} : memref<32x16xf32, #tpu.memory_space<vmem>>, vector<1x16xf32>,
    %swap3A_924 = vector.shape_cast %swap3A_923 : vector<1x16xf32> to vector<16xf32>
    %swap3A_925 = vector.shape_cast %add3A_919 : vector<16xf32> to vector<1x16xf32>
    tpu.vector_store %arg9[%swap3A_921, %swap3A_922], %swap3A_925 {strides = array<i32>} : memref<32x16xf32, #tpu.memory_space<vmem>>, vector<1x16xf32>,
    %get3A_926 = arith.constant 9 : i32
    %get3A_927 = arith.index_cast %get3A_926 : i32 to index
    %get3A_928 = arith.constant 0 : index
    %get3A_929 = tpu.vector_load %arg7[%get3A_927, %get3A_928] {strides = array<i32>} : memref<32x128xf32, #tpu.memory_space<vmem>>, vector<1x16xf32>,
    %get3A_930 = vector.shape_cast %get3A_929 : vector<1x16xf32> to vector<16xf32>
    %get3A_931 = arith.constant 9 : i32
    %get3A_932 = arith.index_cast %get3A_931 : i32 to index
    %get3A_933 = arith.constant 0 : index
    %get3A_934 = tpu.vector_load %arg8[%get3A_932, %get3A_933] {strides = array<i32>} : memref<32x128xf32, #tpu.memory_space<vmem>>, vector<1x16xf32>,
    %get3A_935 = vector.shape_cast %get3A_934 : vector<1x16xf32> to vector<16xf32>
    %mul3A_936 = arith.mulf %get3A_930, %get3A_935 : vector<16xf32>
    %get3A_937 = arith.constant 9 : i32
    %get3A_938 = arith.index_cast %get3A_937 : i32 to index
    %get3A_939 = arith.constant 16 : index
    %get3A_940 = tpu.vector_load %arg7[%get3A_938, %get3A_939] {strides = array<i32>} : memref<32x128xf32, #tpu.memory_space<vmem>>, vector<1x16xf32>,
    %get3A_941 = vector.shape_cast %get3A_940 : vector<1x16xf32> to vector<16xf32>
    %get3A_942 = arith.constant 9 : i32
    %get3A_943 = arith.index_cast %get3A_942 : i32 to index
    %get3A_944 = arith.constant 16 : index
    %get3A_945 = tpu.vector_load %arg8[%get3A_943, %get3A_944] {strides = array<i32>} : memref<32x128xf32, #tpu.memory_space<vmem>>, vector<1x16xf32>,
    %get3A_946 = vector.shape_cast %get3A_945 : vector<1x16xf32> to vector<16xf32>
    %mul3A_947 = arith.mulf %get3A_941, %get3A_946 : vector<16xf32>
    %add3A_948 = arith.addf %mul3A_936, %mul3A_947 : vector<16xf32>
    %get3A_949 = arith.constant 9 : i32
    %get3A_950 = arith.index_cast %get3A_949 : i32 to index
    %get3A_951 = arith.constant 32 : index
    %get3A_952 = tpu.vector_load %arg7[%get3A_950, %get3A_951] {strides = array<i32>} : memref<32x128xf32, #tpu.memory_space<vmem>>, vector<1x16xf32>,
    %get3A_953 = vector.shape_cast %get3A_952 : vector<1x16xf32> to vector<16xf32>
    %get3A_954 = arith.constant 9 : i32
    %get3A_955 = arith.index_cast %get3A_954 : i32 to index
    %get3A_956 = arith.constant 32 : index
    %get3A_957 = tpu.vector_load %arg8[%get3A_955, %get3A_956] {strides = array<i32>} : memref<32x128xf32, #tpu.memory_space<vmem>>, vector<1x16xf32>,
    %get3A_958 = vector.shape_cast %get3A_957 : vector<1x16xf32> to vector<16xf32>
    %mul3A_959 = arith.mulf %get3A_953, %get3A_958 : vector<16xf32>
    %add3A_960 = arith.addf %add3A_948, %mul3A_959 : vector<16xf32>
    %get3A_961 = arith.constant 9 : i32
    %get3A_962 = arith.index_cast %get3A_961 : i32 to index
    %get3A_963 = arith.constant 48 : index
    %get3A_964 = tpu.vector_load %arg7[%get3A_962, %get3A_963] {strides = array<i32>} : memref<32x128xf32, #tpu.memory_space<vmem>>, vector<1x16xf32>,
    %get3A_965 = vector.shape_cast %get3A_964 : vector<1x16xf32> to vector<16xf32>
    %get3A_966 = arith.constant 9 : i32
    %get3A_967 = arith.index_cast %get3A_966 : i32 to index
    %get3A_968 = arith.constant 48 : index
    %get3A_969 = tpu.vector_load %arg8[%get3A_967, %get3A_968] {strides = array<i32>} : memref<32x128xf32, #tpu.memory_space<vmem>>, vector<1x16xf32>,
    %get3A_970 = vector.shape_cast %get3A_969 : vector<1x16xf32> to vector<16xf32>
    %mul3A_971 = arith.mulf %get3A_965, %get3A_970 : vector<16xf32>
    %add3A_972 = arith.addf %add3A_960, %mul3A_971 : vector<16xf32>
    %get3A_973 = arith.constant 9 : i32
    %get3A_974 = arith.index_cast %get3A_973 : i32 to index
    %get3A_975 = arith.constant 64 : index
    %get3A_976 = tpu.vector_load %arg7[%get3A_974, %get3A_975] {strides = array<i32>} : memref<32x128xf32, #tpu.memory_space<vmem>>, vector<1x16xf32>,
    %get3A_977 = vector.shape_cast %get3A_976 : vector<1x16xf32> to vector<16xf32>
    %get3A_978 = arith.constant 9 : i32
    %get3A_979 = arith.index_cast %get3A_978 : i32 to index
    %get3A_980 = arith.constant 64 : index
    %get3A_981 = tpu.vector_load %arg8[%get3A_979, %get3A_980] {strides = array<i32>} : memref<32x128xf32, #tpu.memory_space<vmem>>, vector<1x16xf32>,
    %get3A_982 = vector.shape_cast %get3A_981 : vector<1x16xf32> to vector<16xf32>
    %mul3A_983 = arith.mulf %get3A_977, %get3A_982 : vector<16xf32>
    %add3A_984 = arith.addf %add3A_972, %mul3A_983 : vector<16xf32>
    %get3A_985 = arith.constant 9 : i32
    %get3A_986 = arith.index_cast %get3A_985 : i32 to index
    %get3A_987 = arith.constant 80 : index
    %get3A_988 = tpu.vector_load %arg7[%get3A_986, %get3A_987] {strides = array<i32>} : memref<32x128xf32, #tpu.memory_space<vmem>>, vector<1x16xf32>,
    %get3A_989 = vector.shape_cast %get3A_988 : vector<1x16xf32> to vector<16xf32>
    %get3A_990 = arith.constant 9 : i32
    %get3A_991 = arith.index_cast %get3A_990 : i32 to index
    %get3A_992 = arith.constant 80 : index
    %get3A_993 = tpu.vector_load %arg8[%get3A_991, %get3A_992] {strides = array<i32>} : memref<32x128xf32, #tpu.memory_space<vmem>>, vector<1x16xf32>,
    %get3A_994 = vector.shape_cast %get3A_993 : vector<1x16xf32> to vector<16xf32>
    %mul3A_995 = arith.mulf %get3A_989, %get3A_994 : vector<16xf32>
    %add3A_996 = arith.addf %add3A_984, %mul3A_995 : vector<16xf32>
    %get3A_997 = arith.constant 9 : i32
    %get3A_998 = arith.index_cast %get3A_997 : i32 to index
    %get3A_999 = arith.constant 96 : index
    %get3A_1000 = tpu.vector_load %arg7[%get3A_998, %get3A_999] {strides = array<i32>} : memref<32x128xf32, #tpu.memory_space<vmem>>, vector<1x16xf32>,
    %get3A_1001 = vector.shape_cast %get3A_1000 : vector<1x16xf32> to vector<16xf32>
    %get3A_1002 = arith.constant 9 : i32
    %get3A_1003 = arith.index_cast %get3A_1002 : i32 to index
    %get3A_1004 = arith.constant 96 : index
    %get3A_1005 = tpu.vector_load %arg8[%get3A_1003, %get3A_1004] {strides = array<i32>} : memref<32x128xf32, #tpu.memory_space<vmem>>, vector<1x16xf32>,
    %get3A_1006 = vector.shape_cast %get3A_1005 : vector<1x16xf32> to vector<16xf32>
    %mul3A_1007 = arith.mulf %get3A_1001, %get3A_1006 : vector<16xf32>
    %add3A_1008 = arith.addf %add3A_996, %mul3A_1007 : vector<16xf32>
    %get3A_1009 = arith.constant 9 : i32
    %get3A_1010 = arith.index_cast %get3A_1009 : i32 to index
    %get3A_1011 = arith.constant 112 : index
    %get3A_1012 = tpu.vector_load %arg7[%get3A_1010, %get3A_1011] {strides = array<i32>} : memref<32x128xf32, #tpu.memory_space<vmem>>, vector<1x16xf32>,
    %get3A_1013 = vector.shape_cast %get3A_1012 : vector<1x16xf32> to vector<16xf32>
    %get3A_1014 = arith.constant 9 : i32
    %get3A_1015 = arith.index_cast %get3A_1014 : i32 to index
    %get3A_1016 = arith.constant 112 : index
    %get3A_1017 = tpu.vector_load %arg8[%get3A_1015, %get3A_1016] {strides = array<i32>} : memref<32x128xf32, #tpu.memory_space<vmem>>, vector<1x16xf32>,
    %get3A_1018 = vector.shape_cast %get3A_1017 : vector<1x16xf32> to vector<16xf32>
    %mul3A_1019 = arith.mulf %get3A_1013, %get3A_1018 : vector<16xf32>
    %add3A_1020 = arith.addf %add3A_1008, %mul3A_1019 : vector<16xf32>
    %swap3A_1021 = arith.constant 9 : i32
    %swap3A_1022 = arith.index_cast %swap3A_1021 : i32 to index
    %swap3A_1023 = arith.constant 0 : index
    %swap3A_1024 = tpu.vector_load %arg9[%swap3A_1022, %swap3A_1023] {strides = array<i32>} : memref<32x16xf32, #tpu.memory_space<vmem>>, vector<1x16xf32>,
    %swap3A_1025 = vector.shape_cast %swap3A_1024 : vector<1x16xf32> to vector<16xf32>
    %swap3A_1026 = vector.shape_cast %add3A_1020 : vector<16xf32> to vector<1x16xf32>
    tpu.vector_store %arg9[%swap3A_1022, %swap3A_1023], %swap3A_1026 {strides = array<i32>} : memref<32x16xf32, #tpu.memory_space<vmem>>, vector<1x16xf32>,
    %get3A_1027 = arith.constant 10 : i32
    %get3A_1028 = arith.index_cast %get3A_1027 : i32 to index
    %get3A_1029 = arith.constant 0 : index
    %get3A_1030 = tpu.vector_load %arg7[%get3A_1028, %get3A_1029] {strides = array<i32>} : memref<32x128xf32, #tpu.memory_space<vmem>>, vector<1x16xf32>,
    %get3A_1031 = vector.shape_cast %get3A_1030 : vector<1x16xf32> to vector<16xf32>
    %get3A_1032 = arith.constant 10 : i32
    %get3A_1033 = arith.index_cast %get3A_1032 : i32 to index
    %get3A_1034 = arith.constant 0 : index
    %get3A_1035 = tpu.vector_load %arg8[%get3A_1033, %get3A_1034] {strides = array<i32>} : memref<32x128xf32, #tpu.memory_space<vmem>>, vector<1x16xf32>,
    %get3A_1036 = vector.shape_cast %get3A_1035 : vector<1x16xf32> to vector<16xf32>
    %mul3A_1037 = arith.mulf %get3A_1031, %get3A_1036 : vector<16xf32>
    %get3A_1038 = arith.constant 10 : i32
    %get3A_1039 = arith.index_cast %get3A_1038 : i32 to index
    %get3A_1040 = arith.constant 16 : index
    %get3A_1041 = tpu.vector_load %arg7[%get3A_1039, %get3A_1040] {strides = array<i32>} : memref<32x128xf32, #tpu.memory_space<vmem>>, vector<1x16xf32>,
    %get3A_1042 = vector.shape_cast %get3A_1041 : vector<1x16xf32> to vector<16xf32>
    %get3A_1043 = arith.constant 10 : i32
    %get3A_1044 = arith.index_cast %get3A_1043 : i32 to index
    %get3A_1045 = arith.constant 16 : index
    %get3A_1046 = tpu.vector_load %arg8[%get3A_1044, %get3A_1045] {strides = array<i32>} : memref<32x128xf32, #tpu.memory_space<vmem>>, vector<1x16xf32>,
    %get3A_1047 = vector.shape_cast %get3A_1046 : vector<1x16xf32> to vector<16xf32>
    %mul3A_1048 = arith.mulf %get3A_1042, %get3A_1047 : vector<16xf32>
    %add3A_1049 = arith.addf %mul3A_1037, %mul3A_1048 : vector<16xf32>
    %get3A_1050 = arith.constant 10 : i32
    %get3A_1051 = arith.index_cast %get3A_1050 : i32 to index
    %get3A_1052 = arith.constant 32 : index
    %get3A_1053 = tpu.vector_load %arg7[%get3A_1051, %get3A_1052] {strides = array<i32>} : memref<32x128xf32, #tpu.memory_space<vmem>>, vector<1x16xf32>,
    %get3A_1054 = vector.shape_cast %get3A_1053 : vector<1x16xf32> to vector<16xf32>
    %get3A_1055 = arith.constant 10 : i32
    %get3A_1056 = arith.index_cast %get3A_1055 : i32 to index
    %get3A_1057 = arith.constant 32 : index
    %get3A_1058 = tpu.vector_load %arg8[%get3A_1056, %get3A_1057] {strides = array<i32>} : memref<32x128xf32, #tpu.memory_space<vmem>>, vector<1x16xf32>,
    %get3A_1059 = vector.shape_cast %get3A_1058 : vector<1x16xf32> to vector<16xf32>
    %mul3A_1060 = arith.mulf %get3A_1054, %get3A_1059 : vector<16xf32>
    %add3A_1061 = arith.addf %add3A_1049, %mul3A_1060 : vector<16xf32>
    %get3A_1062 = arith.constant 10 : i32
    %get3A_1063 = arith.index_cast %get3A_1062 : i32 to index
    %get3A_1064 = arith.constant 48 : index
    %get3A_1065 = tpu.vector_load %arg7[%get3A_1063, %get3A_1064] {strides = array<i32>} : memref<32x128xf32, #tpu.memory_space<vmem>>, vector<1x16xf32>,
    %get3A_1066 = vector.shape_cast %get3A_1065 : vector<1x16xf32> to vector<16xf32>
    %get3A_1067 = arith.constant 10 : i32
    %get3A_1068 = arith.index_cast %get3A_1067 : i32 to index
    %get3A_1069 = arith.constant 48 : index
    %get3A_1070 = tpu.vector_load %arg8[%get3A_1068, %get3A_1069] {strides = array<i32>} : memref<32x128xf32, #tpu.memory_space<vmem>>, vector<1x16xf32>,
    %get3A_1071 = vector.shape_cast %get3A_1070 : vector<1x16xf32> to vector<16xf32>
    %mul3A_1072 = arith.mulf %get3A_1066, %get3A_1071 : vector<16xf32>
    %add3A_1073 = arith.addf %add3A_1061, %mul3A_1072 : vector<16xf32>
    %get3A_1074 = arith.constant 10 : i32
    %get3A_1075 = arith.index_cast %get3A_1074 : i32 to index
    %get3A_1076 = arith.constant 64 : index
    %get3A_1077 = tpu.vector_load %arg7[%get3A_1075, %get3A_1076] {strides = array<i32>} : memref<32x128xf32, #tpu.memory_space<vmem>>, vector<1x16xf32>,
    %get3A_1078 = vector.shape_cast %get3A_1077 : vector<1x16xf32> to vector<16xf32>
    %get3A_1079 = arith.constant 10 : i32
    %get3A_1080 = arith.index_cast %get3A_1079 : i32 to index
    %get3A_1081 = arith.constant 64 : index
    %get3A_1082 = tpu.vector_load %arg8[%get3A_1080, %get3A_1081] {strides = array<i32>} : memref<32x128xf32, #tpu.memory_space<vmem>>, vector<1x16xf32>,
    %get3A_1083 = vector.shape_cast %get3A_1082 : vector<1x16xf32> to vector<16xf32>
    %mul3A_1084 = arith.mulf %get3A_1078, %get3A_1083 : vector<16xf32>
    %add3A_1085 = arith.addf %add3A_1073, %mul3A_1084 : vector<16xf32>
    %get3A_1086 = arith.constant 10 : i32
    %get3A_1087 = arith.index_cast %get3A_1086 : i32 to index
    %get3A_1088 = arith.constant 80 : index
    %get3A_1089 = tpu.vector_load %arg7[%get3A_1087, %get3A_1088] {strides = array<i32>} : memref<32x128xf32, #tpu.memory_space<vmem>>, vector<1x16xf32>,
    %get3A_1090 = vector.shape_cast %get3A_1089 : vector<1x16xf32> to vector<16xf32>
    %get3A_1091 = arith.constant 10 : i32
    %get3A_1092 = arith.index_cast %get3A_1091 : i32 to index
    %get3A_1093 = arith.constant 80 : index
    %get3A_1094 = tpu.vector_load %arg8[%get3A_1092, %get3A_1093] {strides = array<i32>} : memref<32x128xf32, #tpu.memory_space<vmem>>, vector<1x16xf32>,
    %get3A_1095 = vector.shape_cast %get3A_1094 : vector<1x16xf32> to vector<16xf32>
    %mul3A_1096 = arith.mulf %get3A_1090, %get3A_1095 : vector<16xf32>
    %add3A_1097 = arith.addf %add3A_1085, %mul3A_1096 : vector<16xf32>
    %get3A_1098 = arith.constant 10 : i32
    %get3A_1099 = arith.index_cast %get3A_1098 : i32 to index
    %get3A_1100 = arith.constant 96 : index
    %get3A_1101 = tpu.vector_load %arg7[%get3A_1099, %get3A_1100] {strides = array<i32>} : memref<32x128xf32, #tpu.memory_space<vmem>>, vector<1x16xf32>,
    %get3A_1102 = vector.shape_cast %get3A_1101 : vector<1x16xf32> to vector<16xf32>
    %get3A_1103 = arith.constant 10 : i32
    %get3A_1104 = arith.index_cast %get3A_1103 : i32 to index
    %get3A_1105 = arith.constant 96 : index
    %get3A_1106 = tpu.vector_load %arg8[%get3A_1104, %get3A_1105] {strides = array<i32>} : memref<32x128xf32, #tpu.memory_space<vmem>>, vector<1x16xf32>,
    %get3A_1107 = vector.shape_cast %get3A_1106 : vector<1x16xf32> to vector<16xf32>
    %mul3A_1108 = arith.mulf %get3A_1102, %get3A_1107 : vector<16xf32>
    %add3A_1109 = arith.addf %add3A_1097, %mul3A_1108 : vector<16xf32>
    %get3A_1110 = arith.constant 10 : i32
    %get3A_1111 = arith.index_cast %get3A_1110 : i32 to index
    %get3A_1112 = arith.constant 112 : index
    %get3A_1113 = tpu.vector_load %arg7[%get3A_1111, %get3A_1112] {strides = array<i32>} : memref<32x128xf32, #tpu.memory_space<vmem>>, vector<1x16xf32>,
    %get3A_1114 = vector.shape_cast %get3A_1113 : vector<1x16xf32> to vector<16xf32>
    %get3A_1115 = arith.constant 10 : i32
    %get3A_1116 = arith.index_cast %get3A_1115 : i32 to index
    %get3A_1117 = arith.constant 112 : index
    %get3A_1118 = tpu.vector_load %arg8[%get3A_1116, %get3A_1117] {strides = array<i32>} : memref<32x128xf32, #tpu.memory_space<vmem>>, vector<1x16xf32>,
    %get3A_1119 = vector.shape_cast %get3A_1118 : vector<1x16xf32> to vector<16xf32>
    %mul3A_1120 = arith.mulf %get3A_1114, %get3A_1119 : vector<16xf32>
    %add3A_1121 = arith.addf %add3A_1109, %mul3A_1120 : vector<16xf32>
    %swap3A_1122 = arith.constant 10 : i32
    %swap3A_1123 = arith.index_cast %swap3A_1122 : i32 to index
    %swap3A_1124 = arith.constant 0 : index
    %swap3A_1125 = tpu.vector_load %arg9[%swap3A_1123, %swap3A_1124] {strides = array<i32>} : memref<32x16xf32, #tpu.memory_space<vmem>>, vector<1x16xf32>,
    %swap3A_1126 = vector.shape_cast %swap3A_1125 : vector<1x16xf32> to vector<16xf32>
    %swap3A_1127 = vector.shape_cast %add3A_1121 : vector<16xf32> to vector<1x16xf32>
    tpu.vector_store %arg9[%swap3A_1123, %swap3A_1124], %swap3A_1127 {strides = array<i32>} : memref<32x16xf32, #tpu.memory_space<vmem>>, vector<1x16xf32>,
    %get3A_1128 = arith.constant 11 : i32
    %get3A_1129 = arith.index_cast %get3A_1128 : i32 to index
    %get3A_1130 = arith.constant 0 : index
    %get3A_1131 = tpu.vector_load %arg7[%get3A_1129, %get3A_1130] {strides = array<i32>} : memref<32x128xf32, #tpu.memory_space<vmem>>, vector<1x16xf32>,
    %get3A_1132 = vector.shape_cast %get3A_1131 : vector<1x16xf32> to vector<16xf32>
    %get3A_1133 = arith.constant 11 : i32
    %get3A_1134 = arith.index_cast %get3A_1133 : i32 to index
    %get3A_1135 = arith.constant 0 : index
    %get3A_1136 = tpu.vector_load %arg8[%get3A_1134, %get3A_1135] {strides = array<i32>} : memref<32x128xf32, #tpu.memory_space<vmem>>, vector<1x16xf32>,
    %get3A_1137 = vector.shape_cast %get3A_1136 : vector<1x16xf32> to vector<16xf32>
    %mul3A_1138 = arith.mulf %get3A_1132, %get3A_1137 : vector<16xf32>
    %get3A_1139 = arith.constant 11 : i32
    %get3A_1140 = arith.index_cast %get3A_1139 : i32 to index
    %get3A_1141 = arith.constant 16 : index
    %get3A_1142 = tpu.vector_load %arg7[%get3A_1140, %get3A_1141] {strides = array<i32>} : memref<32x128xf32, #tpu.memory_space<vmem>>, vector<1x16xf32>,
    %get3A_1143 = vector.shape_cast %get3A_1142 : vector<1x16xf32> to vector<16xf32>
    %get3A_1144 = arith.constant 11 : i32
    %get3A_1145 = arith.index_cast %get3A_1144 : i32 to index
    %get3A_1146 = arith.constant 16 : index
    %get3A_1147 = tpu.vector_load %arg8[%get3A_1145, %get3A_1146] {strides = array<i32>} : memref<32x128xf32, #tpu.memory_space<vmem>>, vector<1x16xf32>,
    %get3A_1148 = vector.shape_cast %get3A_1147 : vector<1x16xf32> to vector<16xf32>
    %mul3A_1149 = arith.mulf %get3A_1143, %get3A_1148 : vector<16xf32>
    %add3A_1150 = arith.addf %mul3A_1138, %mul3A_1149 : vector<16xf32>
    %get3A_1151 = arith.constant 11 : i32
    %get3A_1152 = arith.index_cast %get3A_1151 : i32 to index
    %get3A_1153 = arith.constant 32 : index
    %get3A_1154 = tpu.vector_load %arg7[%get3A_1152, %get3A_1153] {strides = array<i32>} : memref<32x128xf32, #tpu.memory_space<vmem>>, vector<1x16xf32>,
    %get3A_1155 = vector.shape_cast %get3A_1154 : vector<1x16xf32> to vector<16xf32>
    %get3A_1156 = arith.constant 11 : i32
    %get3A_1157 = arith.index_cast %get3A_1156 : i32 to index
    %get3A_1158 = arith.constant 32 : index
    %get3A_1159 = tpu.vector_load %arg8[%get3A_1157, %get3A_1158] {strides = array<i32>} : memref<32x128xf32, #tpu.memory_space<vmem>>, vector<1x16xf32>,
    %get3A_1160 = vector.shape_cast %get3A_1159 : vector<1x16xf32> to vector<16xf32>
    %mul3A_1161 = arith.mulf %get3A_1155, %get3A_1160 : vector<16xf32>
    %add3A_1162 = arith.addf %add3A_1150, %mul3A_1161 : vector<16xf32>
    %get3A_1163 = arith.constant 11 : i32
    %get3A_1164 = arith.index_cast %get3A_1163 : i32 to index
    %get3A_1165 = arith.constant 48 : index
    %get3A_1166 = tpu.vector_load %arg7[%get3A_1164, %get3A_1165] {strides = array<i32>} : memref<32x128xf32, #tpu.memory_space<vmem>>, vector<1x16xf32>,
    %get3A_1167 = vector.shape_cast %get3A_1166 : vector<1x16xf32> to vector<16xf32>
    %get3A_1168 = arith.constant 11 : i32
    %get3A_1169 = arith.index_cast %get3A_1168 : i32 to index
    %get3A_1170 = arith.constant 48 : index
    %get3A_1171 = tpu.vector_load %arg8[%get3A_1169, %get3A_1170] {strides = array<i32>} : memref<32x128xf32, #tpu.memory_space<vmem>>, vector<1x16xf32>,
    %get3A_1172 = vector.shape_cast %get3A_1171 : vector<1x16xf32> to vector<16xf32>
    %mul3A_1173 = arith.mulf %get3A_1167, %get3A_1172 : vector<16xf32>
    %add3A_1174 = arith.addf %add3A_1162, %mul3A_1173 : vector<16xf32>
    %get3A_1175 = arith.constant 11 : i32
    %get3A_1176 = arith.index_cast %get3A_1175 : i32 to index
    %get3A_1177 = arith.constant 64 : index
    %get3A_1178 = tpu.vector_load %arg7[%get3A_1176, %get3A_1177] {strides = array<i32>} : memref<32x128xf32, #tpu.memory_space<vmem>>, vector<1x16xf32>,
    %get3A_1179 = vector.shape_cast %get3A_1178 : vector<1x16xf32> to vector<16xf32>
    %get3A_1180 = arith.constant 11 : i32
    %get3A_1181 = arith.index_cast %get3A_1180 : i32 to index
    %get3A_1182 = arith.constant 64 : index
    %get3A_1183 = tpu.vector_load %arg8[%get3A_1181, %get3A_1182] {strides = array<i32>} : memref<32x128xf32, #tpu.memory_space<vmem>>, vector<1x16xf32>,
    %get3A_1184 = vector.shape_cast %get3A_1183 : vector<1x16xf32> to vector<16xf32>
    %mul3A_1185 = arith.mulf %get3A_1179, %get3A_1184 : vector<16xf32>
    %add3A_1186 = arith.addf %add3A_1174, %mul3A_1185 : vector<16xf32>
    %get3A_1187 = arith.constant 11 : i32
    %get3A_1188 = arith.index_cast %get3A_1187 : i32 to index
    %get3A_1189 = arith.constant 80 : index
    %get3A_1190 = tpu.vector_load %arg7[%get3A_1188, %get3A_1189] {strides = array<i32>} : memref<32x128xf32, #tpu.memory_space<vmem>>, vector<1x16xf32>,
    %get3A_1191 = vector.shape_cast %get3A_1190 : vector<1x16xf32> to vector<16xf32>
    %get3A_1192 = arith.constant 11 : i32
    %get3A_1193 = arith.index_cast %get3A_1192 : i32 to index
    %get3A_1194 = arith.constant 80 : index
    %get3A_1195 = tpu.vector_load %arg8[%get3A_1193, %get3A_1194] {strides = array<i32>} : memref<32x128xf32, #tpu.memory_space<vmem>>, vector<1x16xf32>,
    %get3A_1196 = vector.shape_cast %get3A_1195 : vector<1x16xf32> to vector<16xf32>
    %mul3A_1197 = arith.mulf %get3A_1191, %get3A_1196 : vector<16xf32>
    %add3A_1198 = arith.addf %add3A_1186, %mul3A_1197 : vector<16xf32>
    %get3A_1199 = arith.constant 11 : i32
    %get3A_1200 = arith.index_cast %get3A_1199 : i32 to index
    %get3A_1201 = arith.constant 96 : index
    %get3A_1202 = tpu.vector_load %arg7[%get3A_1200, %get3A_1201] {strides = array<i32>} : memref<32x128xf32, #tpu.memory_space<vmem>>, vector<1x16xf32>,
    %get3A_1203 = vector.shape_cast %get3A_1202 : vector<1x16xf32> to vector<16xf32>
    %get3A_1204 = arith.constant 11 : i32
    %get3A_1205 = arith.index_cast %get3A_1204 : i32 to index
    %get3A_1206 = arith.constant 96 : index
    %get3A_1207 = tpu.vector_load %arg8[%get3A_1205, %get3A_1206] {strides = array<i32>} : memref<32x128xf32, #tpu.memory_space<vmem>>, vector<1x16xf32>,
    %get3A_1208 = vector.shape_cast %get3A_1207 : vector<1x16xf32> to vector<16xf32>
    %mul3A_1209 = arith.mulf %get3A_1203, %get3A_1208 : vector<16xf32>
    %add3A_1210 = arith.addf %add3A_1198, %mul3A_1209 : vector<16xf32>
    %get3A_1211 = arith.constant 11 : i32
    %get3A_1212 = arith.index_cast %get3A_1211 : i32 to index
    %get3A_1213 = arith.constant 112 : index
    %get3A_1214 = tpu.vector_load %arg7[%get3A_1212, %get3A_1213] {strides = array<i32>} : memref<32x128xf32, #tpu.memory_space<vmem>>, vector<1x16xf32>,
    %get3A_1215 = vector.shape_cast %get3A_1214 : vector<1x16xf32> to vector<16xf32>
    %get3A_1216 = arith.constant 11 : i32
    %get3A_1217 = arith.index_cast %get3A_1216 : i32 to index
    %get3A_1218 = arith.constant 112 : index
    %get3A_1219 = tpu.vector_load %arg8[%get3A_1217, %get3A_1218] {strides = array<i32>} : memref<32x128xf32, #tpu.memory_space<vmem>>, vector<1x16xf32>,
    %get3A_1220 = vector.shape_cast %get3A_1219 : vector<1x16xf32> to vector<16xf32>
    %mul3A_1221 = arith.mulf %get3A_1215, %get3A_1220 : vector<16xf32>
    %add3A_1222 = arith.addf %add3A_1210, %mul3A_1221 : vector<16xf32>
    %swap3A_1223 = arith.constant 11 : i32
    %swap3A_1224 = arith.index_cast %swap3A_1223 : i32 to index
    %swap3A_1225 = arith.constant 0 : index
    %swap3A_1226 = tpu.vector_load %arg9[%swap3A_1224, %swap3A_1225] {strides = array<i32>} : memref<32x16xf32, #tpu.memory_space<vmem>>, vector<1x16xf32>,
    %swap3A_1227 = vector.shape_cast %swap3A_1226 : vector<1x16xf32> to vector<16xf32>
    %swap3A_1228 = vector.shape_cast %add3A_1222 : vector<16xf32> to vector<1x16xf32>
    tpu.vector_store %arg9[%swap3A_1224, %swap3A_1225], %swap3A_1228 {strides = array<i32>} : memref<32x16xf32, #tpu.memory_space<vmem>>, vector<1x16xf32>,
    %get3A_1229 = arith.constant 12 : i32
    %get3A_1230 = arith.index_cast %get3A_1229 : i32 to index
    %get3A_1231 = arith.constant 0 : index
    %get3A_1232 = tpu.vector_load %arg7[%get3A_1230, %get3A_1231] {strides = array<i32>} : memref<32x128xf32, #tpu.memory_space<vmem>>, vector<1x16xf32>,
    %get3A_1233 = vector.shape_cast %get3A_1232 : vector<1x16xf32> to vector<16xf32>
    %get3A_1234 = arith.constant 12 : i32
    %get3A_1235 = arith.index_cast %get3A_1234 : i32 to index
    %get3A_1236 = arith.constant 0 : index
    %get3A_1237 = tpu.vector_load %arg8[%get3A_1235, %get3A_1236] {strides = array<i32>} : memref<32x128xf32, #tpu.memory_space<vmem>>, vector<1x16xf32>,
    %get3A_1238 = vector.shape_cast %get3A_1237 : vector<1x16xf32> to vector<16xf32>
    %mul3A_1239 = arith.mulf %get3A_1233, %get3A_1238 : vector<16xf32>
    %get3A_1240 = arith.constant 12 : i32
    %get3A_1241 = arith.index_cast %get3A_1240 : i32 to index
    %get3A_1242 = arith.constant 16 : index
    %get3A_1243 = tpu.vector_load %arg7[%get3A_1241, %get3A_1242] {strides = array<i32>} : memref<32x128xf32, #tpu.memory_space<vmem>>, vector<1x16xf32>,
    %get3A_1244 = vector.shape_cast %get3A_1243 : vector<1x16xf32> to vector<16xf32>
    %get3A_1245 = arith.constant 12 : i32
    %get3A_1246 = arith.index_cast %get3A_1245 : i32 to index
    %get3A_1247 = arith.constant 16 : index
    %get3A_1248 = tpu.vector_load %arg8[%get3A_1246, %get3A_1247] {strides = array<i32>} : memref<32x128xf32, #tpu.memory_space<vmem>>, vector<1x16xf32>,
    %get3A_1249 = vector.shape_cast %get3A_1248 : vector<1x16xf32> to vector<16xf32>
    %mul3A_1250 = arith.mulf %get3A_1244, %get3A_1249 : vector<16xf32>
    %add3A_1251 = arith.addf %mul3A_1239, %mul3A_1250 : vector<16xf32>
    %get3A_1252 = arith.constant 12 : i32
    %get3A_1253 = arith.index_cast %get3A_1252 : i32 to index
    %get3A_1254 = arith.constant 32 : index
    %get3A_1255 = tpu.vector_load %arg7[%get3A_1253, %get3A_1254] {strides = array<i32>} : memref<32x128xf32, #tpu.memory_space<vmem>>, vector<1x16xf32>,
    %get3A_1256 = vector.shape_cast %get3A_1255 : vector<1x16xf32> to vector<16xf32>
    %get3A_1257 = arith.constant 12 : i32
    %get3A_1258 = arith.index_cast %get3A_1257 : i32 to index
    %get3A_1259 = arith.constant 32 : index
    %get3A_1260 = tpu.vector_load %arg8[%get3A_1258, %get3A_1259] {strides = array<i32>} : memref<32x128xf32, #tpu.memory_space<vmem>>, vector<1x16xf32>,
    %get3A_1261 = vector.shape_cast %get3A_1260 : vector<1x16xf32> to vector<16xf32>
    %mul3A_1262 = arith.mulf %get3A_1256, %get3A_1261 : vector<16xf32>
    %add3A_1263 = arith.addf %add3A_1251, %mul3A_1262 : vector<16xf32>
    %get3A_1264 = arith.constant 12 : i32
    %get3A_1265 = arith.index_cast %get3A_1264 : i32 to index
    %get3A_1266 = arith.constant 48 : index
    %get3A_1267 = tpu.vector_load %arg7[%get3A_1265, %get3A_1266] {strides = array<i32>} : memref<32x128xf32, #tpu.memory_space<vmem>>, vector<1x16xf32>,
    %get3A_1268 = vector.shape_cast %get3A_1267 : vector<1x16xf32> to vector<16xf32>
    %get3A_1269 = arith.constant 12 : i32
    %get3A_1270 = arith.index_cast %get3A_1269 : i32 to index
    %get3A_1271 = arith.constant 48 : index
    %get3A_1272 = tpu.vector_load %arg8[%get3A_1270, %get3A_1271] {strides = array<i32>} : memref<32x128xf32, #tpu.memory_space<vmem>>, vector<1x16xf32>,
    %get3A_1273 = vector.shape_cast %get3A_1272 : vector<1x16xf32> to vector<16xf32>
    %mul3A_1274 = arith.mulf %get3A_1268, %get3A_1273 : vector<16xf32>
    %add3A_1275 = arith.addf %add3A_1263, %mul3A_1274 : vector<16xf32>
    %get3A_1276 = arith.constant 12 : i32
    %get3A_1277 = arith.index_cast %get3A_1276 : i32 to index
    %get3A_1278 = arith.constant 64 : index
    %get3A_1279 = tpu.vector_load %arg7[%get3A_1277, %get3A_1278] {strides = array<i32>} : memref<32x128xf32, #tpu.memory_space<vmem>>, vector<1x16xf32>,
    %get3A_1280 = vector.shape_cast %get3A_1279 : vector<1x16xf32> to vector<16xf32>
    %get3A_1281 = arith.constant 12 : i32
    %get3A_1282 = arith.index_cast %get3A_1281 : i32 to index
    %get3A_1283 = arith.constant 64 : index
    %get3A_1284 = tpu.vector_load %arg8[%get3A_1282, %get3A_1283] {strides = array<i32>} : memref<32x128xf32, #tpu.memory_space<vmem>>, vector<1x16xf32>,
    %get3A_1285 = vector.shape_cast %get3A_1284 : vector<1x16xf32> to vector<16xf32>
    %mul3A_1286 = arith.mulf %get3A_1280, %get3A_1285 : vector<16xf32>
    %add3A_1287 = arith.addf %add3A_1275, %mul3A_1286 : vector<16xf32>
    %get3A_1288 = arith.constant 12 : i32
    %get3A_1289 = arith.index_cast %get3A_1288 : i32 to index
    %get3A_1290 = arith.constant 80 : index
    %get3A_1291 = tpu.vector_load %arg7[%get3A_1289, %get3A_1290] {strides = array<i32>} : memref<32x128xf32, #tpu.memory_space<vmem>>, vector<1x16xf32>,
    %get3A_1292 = vector.shape_cast %get3A_1291 : vector<1x16xf32> to vector<16xf32>
    %get3A_1293 = arith.constant 12 : i32
    %get3A_1294 = arith.index_cast %get3A_1293 : i32 to index
    %get3A_1295 = arith.constant 80 : index
    %get3A_1296 = tpu.vector_load %arg8[%get3A_1294, %get3A_1295] {strides = array<i32>} : memref<32x128xf32, #tpu.memory_space<vmem>>, vector<1x16xf32>,
    %get3A_1297 = vector.shape_cast %get3A_1296 : vector<1x16xf32> to vector<16xf32>
    %mul3A_1298 = arith.mulf %get3A_1292, %get3A_1297 : vector<16xf32>
    %add3A_1299 = arith.addf %add3A_1287, %mul3A_1298 : vector<16xf32>
    %get3A_1300 = arith.constant 12 : i32
    %get3A_1301 = arith.index_cast %get3A_1300 : i32 to index
    %get3A_1302 = arith.constant 96 : index
    %get3A_1303 = tpu.vector_load %arg7[%get3A_1301, %get3A_1302] {strides = array<i32>} : memref<32x128xf32, #tpu.memory_space<vmem>>, vector<1x16xf32>,
    %get3A_1304 = vector.shape_cast %get3A_1303 : vector<1x16xf32> to vector<16xf32>
    %get3A_1305 = arith.constant 12 : i32
    %get3A_1306 = arith.index_cast %get3A_1305 : i32 to index
    %get3A_1307 = arith.constant 96 : index
    %get3A_1308 = tpu.vector_load %arg8[%get3A_1306, %get3A_1307] {strides = array<i32>} : memref<32x128xf32, #tpu.memory_space<vmem>>, vector<1x16xf32>,
    %get3A_1309 = vector.shape_cast %get3A_1308 : vector<1x16xf32> to vector<16xf32>
    %mul3A_1310 = arith.mulf %get3A_1304, %get3A_1309 : vector<16xf32>
    %add3A_1311 = arith.addf %add3A_1299, %mul3A_1310 : vector<16xf32>
    %get3A_1312 = arith.constant 12 : i32
    %get3A_1313 = arith.index_cast %get3A_1312 : i32 to index
    %get3A_1314 = arith.constant 112 : index
    %get3A_1315 = tpu.vector_load %arg7[%get3A_1313, %get3A_1314] {strides = array<i32>} : memref<32x128xf32, #tpu.memory_space<vmem>>, vector<1x16xf32>,
    %get3A_1316 = vector.shape_cast %get3A_1315 : vector<1x16xf32> to vector<16xf32>
    %get3A_1317 = arith.constant 12 : i32
    %get3A_1318 = arith.index_cast %get3A_1317 : i32 to index
    %get3A_1319 = arith.constant 112 : index
    %get3A_1320 = tpu.vector_load %arg8[%get3A_1318, %get3A_1319] {strides = array<i32>} : memref<32x128xf32, #tpu.memory_space<vmem>>, vector<1x16xf32>,
    %get3A_1321 = vector.shape_cast %get3A_1320 : vector<1x16xf32> to vector<16xf32>
    %mul3A_1322 = arith.mulf %get3A_1316, %get3A_1321 : vector<16xf32>
    %add3A_1323 = arith.addf %add3A_1311, %mul3A_1322 : vector<16xf32>
    %swap3A_1324 = arith.constant 12 : i32
    %swap3A_1325 = arith.index_cast %swap3A_1324 : i32 to index
    %swap3A_1326 = arith.constant 0 : index
    %swap3A_1327 = tpu.vector_load %arg9[%swap3A_1325, %swap3A_1326] {strides = array<i32>} : memref<32x16xf32, #tpu.memory_space<vmem>>, vector<1x16xf32>,
    %swap3A_1328 = vector.shape_cast %swap3A_1327 : vector<1x16xf32> to vector<16xf32>
    %swap3A_1329 = vector.shape_cast %add3A_1323 : vector<16xf32> to vector<1x16xf32>
    tpu.vector_store %arg9[%swap3A_1325, %swap3A_1326], %swap3A_1329 {strides = array<i32>} : memref<32x16xf32, #tpu.memory_space<vmem>>, vector<1x16xf32>,
    %get3A_1330 = arith.constant 13 : i32
    %get3A_1331 = arith.index_cast %get3A_1330 : i32 to index
    %get3A_1332 = arith.constant 0 : index
    %get3A_1333 = tpu.vector_load %arg7[%get3A_1331, %get3A_1332] {strides = array<i32>} : memref<32x128xf32, #tpu.memory_space<vmem>>, vector<1x16xf32>,
    %get3A_1334 = vector.shape_cast %get3A_1333 : vector<1x16xf32> to vector<16xf32>
    %get3A_1335 = arith.constant 13 : i32
    %get3A_1336 = arith.index_cast %get3A_1335 : i32 to index
    %get3A_1337 = arith.constant 0 : index
    %get3A_1338 = tpu.vector_load %arg8[%get3A_1336, %get3A_1337] {strides = array<i32>} : memref<32x128xf32, #tpu.memory_space<vmem>>, vector<1x16xf32>,
    %get3A_1339 = vector.shape_cast %get3A_1338 : vector<1x16xf32> to vector<16xf32>
    %mul3A_1340 = arith.mulf %get3A_1334, %get3A_1339 : vector<16xf32>
    %get3A_1341 = arith.constant 13 : i32
    %get3A_1342 = arith.index_cast %get3A_1341 : i32 to index
    %get3A_1343 = arith.constant 16 : index
    %get3A_1344 = tpu.vector_load %arg7[%get3A_1342, %get3A_1343] {strides = array<i32>} : memref<32x128xf32, #tpu.memory_space<vmem>>, vector<1x16xf32>,
    %get3A_1345 = vector.shape_cast %get3A_1344 : vector<1x16xf32> to vector<16xf32>
    %get3A_1346 = arith.constant 13 : i32
    %get3A_1347 = arith.index_cast %get3A_1346 : i32 to index
    %get3A_1348 = arith.constant 16 : index
    %get3A_1349 = tpu.vector_load %arg8[%get3A_1347, %get3A_1348] {strides = array<i32>} : memref<32x128xf32, #tpu.memory_space<vmem>>, vector<1x16xf32>,
    %get3A_1350 = vector.shape_cast %get3A_1349 : vector<1x16xf32> to vector<16xf32>
    %mul3A_1351 = arith.mulf %get3A_1345, %get3A_1350 : vector<16xf32>
    %add3A_1352 = arith.addf %mul3A_1340, %mul3A_1351 : vector<16xf32>
    %get3A_1353 = arith.constant 13 : i32
    %get3A_1354 = arith.index_cast %get3A_1353 : i32 to index
    %get3A_1355 = arith.constant 32 : index
    %get3A_1356 = tpu.vector_load %arg7[%get3A_1354, %get3A_1355] {strides = array<i32>} : memref<32x128xf32, #tpu.memory_space<vmem>>, vector<1x16xf32>,
    %get3A_1357 = vector.shape_cast %get3A_1356 : vector<1x16xf32> to vector<16xf32>
    %get3A_1358 = arith.constant 13 : i32
    %get3A_1359 = arith.index_cast %get3A_1358 : i32 to index
    %get3A_1360 = arith.constant 32 : index
    %get3A_1361 = tpu.vector_load %arg8[%get3A_1359, %get3A_1360] {strides = array<i32>} : memref<32x128xf32, #tpu.memory_space<vmem>>, vector<1x16xf32>,
    %get3A_1362 = vector.shape_cast %get3A_1361 : vector<1x16xf32> to vector<16xf32>
    %mul3A_1363 = arith.mulf %get3A_1357, %get3A_1362 : vector<16xf32>
    %add3A_1364 = arith.addf %add3A_1352, %mul3A_1363 : vector<16xf32>
    %get3A_1365 = arith.constant 13 : i32
    %get3A_1366 = arith.index_cast %get3A_1365 : i32 to index
    %get3A_1367 = arith.constant 48 : index
    %get3A_1368 = tpu.vector_load %arg7[%get3A_1366, %get3A_1367] {strides = array<i32>} : memref<32x128xf32, #tpu.memory_space<vmem>>, vector<1x16xf32>,
    %get3A_1369 = vector.shape_cast %get3A_1368 : vector<1x16xf32> to vector<16xf32>
    %get3A_1370 = arith.constant 13 : i32
    %get3A_1371 = arith.index_cast %get3A_1370 : i32 to index
    %get3A_1372 = arith.constant 48 : index
    %get3A_1373 = tpu.vector_load %arg8[%get3A_1371, %get3A_1372] {strides = array<i32>} : memref<32x128xf32, #tpu.memory_space<vmem>>, vector<1x16xf32>,
    %get3A_1374 = vector.shape_cast %get3A_1373 : vector<1x16xf32> to vector<16xf32>
    %mul3A_1375 = arith.mulf %get3A_1369, %get3A_1374 : vector<16xf32>
    %add3A_1376 = arith.addf %add3A_1364, %mul3A_1375 : vector<16xf32>
    %get3A_1377 = arith.constant 13 : i32
    %get3A_1378 = arith.index_cast %get3A_1377 : i32 to index
    %get3A_1379 = arith.constant 64 : index
    %get3A_1380 = tpu.vector_load %arg7[%get3A_1378, %get3A_1379] {strides = array<i32>} : memref<32x128xf32, #tpu.memory_space<vmem>>, vector<1x16xf32>,
    %get3A_1381 = vector.shape_cast %get3A_1380 : vector<1x16xf32> to vector<16xf32>
    %get3A_1382 = arith.constant 13 : i32
    %get3A_1383 = arith.index_cast %get3A_1382 : i32 to index
    %get3A_1384 = arith.constant 64 : index
    %get3A_1385 = tpu.vector_load %arg8[%get3A_1383, %get3A_1384] {strides = array<i32>} : memref<32x128xf32, #tpu.memory_space<vmem>>, vector<1x16xf32>,
    %get3A_1386 = vector.shape_cast %get3A_1385 : vector<1x16xf32> to vector<16xf32>
    %mul3A_1387 = arith.mulf %get3A_1381, %get3A_1386 : vector<16xf32>
    %add3A_1388 = arith.addf %add3A_1376, %mul3A_1387 : vector<16xf32>
    %get3A_1389 = arith.constant 13 : i32
    %get3A_1390 = arith.index_cast %get3A_1389 : i32 to index
    %get3A_1391 = arith.constant 80 : index
    %get3A_1392 = tpu.vector_load %arg7[%get3A_1390, %get3A_1391] {strides = array<i32>} : memref<32x128xf32, #tpu.memory_space<vmem>>, vector<1x16xf32>,
    %get3A_1393 = vector.shape_cast %get3A_1392 : vector<1x16xf32> to vector<16xf32>
    %get3A_1394 = arith.constant 13 : i32
    %get3A_1395 = arith.index_cast %get3A_1394 : i32 to index
    %get3A_1396 = arith.constant 80 : index
    %get3A_1397 = tpu.vector_load %arg8[%get3A_1395, %get3A_1396] {strides = array<i32>} : memref<32x128xf32, #tpu.memory_space<vmem>>, vector<1x16xf32>,
    %get3A_1398 = vector.shape_cast %get3A_1397 : vector<1x16xf32> to vector<16xf32>
    %mul3A_1399 = arith.mulf %get3A_1393, %get3A_1398 : vector<16xf32>
    %add3A_1400 = arith.addf %add3A_1388, %mul3A_1399 : vector<16xf32>
    %get3A_1401 = arith.constant 13 : i32
    %get3A_1402 = arith.index_cast %get3A_1401 : i32 to index
    %get3A_1403 = arith.constant 96 : index
    %get3A_1404 = tpu.vector_load %arg7[%get3A_1402, %get3A_1403] {strides = array<i32>} : memref<32x128xf32, #tpu.memory_space<vmem>>, vector<1x16xf32>,
    %get3A_1405 = vector.shape_cast %get3A_1404 : vector<1x16xf32> to vector<16xf32>
    %get3A_1406 = arith.constant 13 : i32
    %get3A_1407 = arith.index_cast %get3A_1406 : i32 to index
    %get3A_1408 = arith.constant 96 : index
    %get3A_1409 = tpu.vector_load %arg8[%get3A_1407, %get3A_1408] {strides = array<i32>} : memref<32x128xf32, #tpu.memory_space<vmem>>, vector<1x16xf32>,
    %get3A_1410 = vector.shape_cast %get3A_1409 : vector<1x16xf32> to vector<16xf32>
    %mul3A_1411 = arith.mulf %get3A_1405, %get3A_1410 : vector<16xf32>
    %add3A_1412 = arith.addf %add3A_1400, %mul3A_1411 : vector<16xf32>
    %get3A_1413 = arith.constant 13 : i32
    %get3A_1414 = arith.index_cast %get3A_1413 : i32 to index
    %get3A_1415 = arith.constant 112 : index
    %get3A_1416 = tpu.vector_load %arg7[%get3A_1414, %get3A_1415] {strides = array<i32>} : memref<32x128xf32, #tpu.memory_space<vmem>>, vector<1x16xf32>,
    %get3A_1417 = vector.shape_cast %get3A_1416 : vector<1x16xf32> to vector<16xf32>
    %get3A_1418 = arith.constant 13 : i32
    %get3A_1419 = arith.index_cast %get3A_1418 : i32 to index
    %get3A_1420 = arith.constant 112 : index
    %get3A_1421 = tpu.vector_load %arg8[%get3A_1419, %get3A_1420] {strides = array<i32>} : memref<32x128xf32, #tpu.memory_space<vmem>>, vector<1x16xf32>,
    %get3A_1422 = vector.shape_cast %get3A_1421 : vector<1x16xf32> to vector<16xf32>
    %mul3A_1423 = arith.mulf %get3A_1417, %get3A_1422 : vector<16xf32>
    %add3A_1424 = arith.addf %add3A_1412, %mul3A_1423 : vector<16xf32>
    %swap3A_1425 = arith.constant 13 : i32
    %swap3A_1426 = arith.index_cast %swap3A_1425 : i32 to index
    %swap3A_1427 = arith.constant 0 : index
    %swap3A_1428 = tpu.vector_load %arg9[%swap3A_1426, %swap3A_1427] {strides = array<i32>} : memref<32x16xf32, #tpu.memory_space<vmem>>, vector<1x16xf32>,
    %swap3A_1429 = vector.shape_cast %swap3A_1428 : vector<1x16xf32> to vector<16xf32>
    %swap3A_1430 = vector.shape_cast %add3A_1424 : vector<16xf32> to vector<1x16xf32>
    tpu.vector_store %arg9[%swap3A_1426, %swap3A_1427], %swap3A_1430 {strides = array<i32>} : memref<32x16xf32, #tpu.memory_space<vmem>>, vector<1x16xf32>,
    %get3A_1431 = arith.constant 14 : i32
    %get3A_1432 = arith.index_cast %get3A_1431 : i32 to index
    %get3A_1433 = arith.constant 0 : index
    %get3A_1434 = tpu.vector_load %arg7[%get3A_1432, %get3A_1433] {strides = array<i32>} : memref<32x128xf32, #tpu.memory_space<vmem>>, vector<1x16xf32>,
    %get3A_1435 = vector.shape_cast %get3A_1434 : vector<1x16xf32> to vector<16xf32>
    %get3A_1436 = arith.constant 14 : i32
    %get3A_1437 = arith.index_cast %get3A_1436 : i32 to index
    %get3A_1438 = arith.constant 0 : index
    %get3A_1439 = tpu.vector_load %arg8[%get3A_1437, %get3A_1438] {strides = array<i32>} : memref<32x128xf32, #tpu.memory_space<vmem>>, vector<1x16xf32>,
    %get3A_1440 = vector.shape_cast %get3A_1439 : vector<1x16xf32> to vector<16xf32>
    %mul3A_1441 = arith.mulf %get3A_1435, %get3A_1440 : vector<16xf32>
    %get3A_1442 = arith.constant 14 : i32
    %get3A_1443 = arith.index_cast %get3A_1442 : i32 to index
    %get3A_1444 = arith.constant 16 : index
    %get3A_1445 = tpu.vector_load %arg7[%get3A_1443, %get3A_1444] {strides = array<i32>} : memref<32x128xf32, #tpu.memory_space<vmem>>, vector<1x16xf32>,
    %get3A_1446 = vector.shape_cast %get3A_1445 : vector<1x16xf32> to vector<16xf32>
    %get3A_1447 = arith.constant 14 : i32
    %get3A_1448 = arith.index_cast %get3A_1447 : i32 to index
    %get3A_1449 = arith.constant 16 : index
    %get3A_1450 = tpu.vector_load %arg8[%get3A_1448, %get3A_1449] {strides = array<i32>} : memref<32x128xf32, #tpu.memory_space<vmem>>, vector<1x16xf32>,
    %get3A_1451 = vector.shape_cast %get3A_1450 : vector<1x16xf32> to vector<16xf32>
    %mul3A_1452 = arith.mulf %get3A_1446, %get3A_1451 : vector<16xf32>
    %add3A_1453 = arith.addf %mul3A_1441, %mul3A_1452 : vector<16xf32>
    %get3A_1454 = arith.constant 14 : i32
    %get3A_1455 = arith.index_cast %get3A_1454 : i32 to index
    %get3A_1456 = arith.constant 32 : index
    %get3A_1457 = tpu.vector_load %arg7[%get3A_1455, %get3A_1456] {strides = array<i32>} : memref<32x128xf32, #tpu.memory_space<vmem>>, vector<1x16xf32>,
    %get3A_1458 = vector.shape_cast %get3A_1457 : vector<1x16xf32> to vector<16xf32>
    %get3A_1459 = arith.constant 14 : i32
    %get3A_1460 = arith.index_cast %get3A_1459 : i32 to index
    %get3A_1461 = arith.constant 32 : index
    %get3A_1462 = tpu.vector_load %arg8[%get3A_1460, %get3A_1461] {strides = array<i32>} : memref<32x128xf32, #tpu.memory_space<vmem>>, vector<1x16xf32>,
    %get3A_1463 = vector.shape_cast %get3A_1462 : vector<1x16xf32> to vector<16xf32>
    %mul3A_1464 = arith.mulf %get3A_1458, %get3A_1463 : vector<16xf32>
    %add3A_1465 = arith.addf %add3A_1453, %mul3A_1464 : vector<16xf32>
    %get3A_1466 = arith.constant 14 : i32
    %get3A_1467 = arith.index_cast %get3A_1466 : i32 to index
    %get3A_1468 = arith.constant 48 : index
    %get3A_1469 = tpu.vector_load %arg7[%get3A_1467, %get3A_1468] {strides = array<i32>} : memref<32x128xf32, #tpu.memory_space<vmem>>, vector<1x16xf32>,
    %get3A_1470 = vector.shape_cast %get3A_1469 : vector<1x16xf32> to vector<16xf32>
    %get3A_1471 = arith.constant 14 : i32
    %get3A_1472 = arith.index_cast %get3A_1471 : i32 to index
    %get3A_1473 = arith.constant 48 : index
    %get3A_1474 = tpu.vector_load %arg8[%get3A_1472, %get3A_1473] {strides = array<i32>} : memref<32x128xf32, #tpu.memory_space<vmem>>, vector<1x16xf32>,
    %get3A_1475 = vector.shape_cast %get3A_1474 : vector<1x16xf32> to vector<16xf32>
    %mul3A_1476 = arith.mulf %get3A_1470, %get3A_1475 : vector<16xf32>
    %add3A_1477 = arith.addf %add3A_1465, %mul3A_1476 : vector<16xf32>
    %get3A_1478 = arith.constant 14 : i32
    %get3A_1479 = arith.index_cast %get3A_1478 : i32 to index
    %get3A_1480 = arith.constant 64 : index
    %get3A_1481 = tpu.vector_load %arg7[%get3A_1479, %get3A_1480] {strides = array<i32>} : memref<32x128xf32, #tpu.memory_space<vmem>>, vector<1x16xf32>,
    %get3A_1482 = vector.shape_cast %get3A_1481 : vector<1x16xf32> to vector<16xf32>
    %get3A_1483 = arith.constant 14 : i32
    %get3A_1484 = arith.index_cast %get3A_1483 : i32 to index
    %get3A_1485 = arith.constant 64 : index
    %get3A_1486 = tpu.vector_load %arg8[%get3A_1484, %get3A_1485] {strides = array<i32>} : memref<32x128xf32, #tpu.memory_space<vmem>>, vector<1x16xf32>,
    %get3A_1487 = vector.shape_cast %get3A_1486 : vector<1x16xf32> to vector<16xf32>
    %mul3A_1488 = arith.mulf %get3A_1482, %get3A_1487 : vector<16xf32>
    %add3A_1489 = arith.addf %add3A_1477, %mul3A_1488 : vector<16xf32>
    %get3A_1490 = arith.constant 14 : i32
    %get3A_1491 = arith.index_cast %get3A_1490 : i32 to index
    %get3A_1492 = arith.constant 80 : index
    %get3A_1493 = tpu.vector_load %arg7[%get3A_1491, %get3A_1492] {strides = array<i32>} : memref<32x128xf32, #tpu.memory_space<vmem>>, vector<1x16xf32>,
    %get3A_1494 = vector.shape_cast %get3A_1493 : vector<1x16xf32> to vector<16xf32>
    %get3A_1495 = arith.constant 14 : i32
    %get3A_1496 = arith.index_cast %get3A_1495 : i32 to index
    %get3A_1497 = arith.constant 80 : index
    %get3A_1498 = tpu.vector_load %arg8[%get3A_1496, %get3A_1497] {strides = array<i32>} : memref<32x128xf32, #tpu.memory_space<vmem>>, vector<1x16xf32>,
    %get3A_1499 = vector.shape_cast %get3A_1498 : vector<1x16xf32> to vector<16xf32>
    %mul3A_1500 = arith.mulf %get3A_1494, %get3A_1499 : vector<16xf32>
    %add3A_1501 = arith.addf %add3A_1489, %mul3A_1500 : vector<16xf32>
    %get3A_1502 = arith.constant 14 : i32
    %get3A_1503 = arith.index_cast %get3A_1502 : i32 to index
    %get3A_1504 = arith.constant 96 : index
    %get3A_1505 = tpu.vector_load %arg7[%get3A_1503, %get3A_1504] {strides = array<i32>} : memref<32x128xf32, #tpu.memory_space<vmem>>, vector<1x16xf32>,
    %get3A_1506 = vector.shape_cast %get3A_1505 : vector<1x16xf32> to vector<16xf32>
    %get3A_1507 = arith.constant 14 : i32
    %get3A_1508 = arith.index_cast %get3A_1507 : i32 to index
    %get3A_1509 = arith.constant 96 : index
    %get3A_1510 = tpu.vector_load %arg8[%get3A_1508, %get3A_1509] {strides = array<i32>} : memref<32x128xf32, #tpu.memory_space<vmem>>, vector<1x16xf32>,
    %get3A_1511 = vector.shape_cast %get3A_1510 : vector<1x16xf32> to vector<16xf32>
    %mul3A_1512 = arith.mulf %get3A_1506, %get3A_1511 : vector<16xf32>
    %add3A_1513 = arith.addf %add3A_1501, %mul3A_1512 : vector<16xf32>
    %get3A_1514 = arith.constant 14 : i32
    %get3A_1515 = arith.index_cast %get3A_1514 : i32 to index
    %get3A_1516 = arith.constant 112 : index
    %get3A_1517 = tpu.vector_load %arg7[%get3A_1515, %get3A_1516] {strides = array<i32>} : memref<32x128xf32, #tpu.memory_space<vmem>>, vector<1x16xf32>,
    %get3A_1518 = vector.shape_cast %get3A_1517 : vector<1x16xf32> to vector<16xf32>
    %get3A_1519 = arith.constant 14 : i32
    %get3A_1520 = arith.index_cast %get3A_1519 : i32 to index
    %get3A_1521 = arith.constant 112 : index
    %get3A_1522 = tpu.vector_load %arg8[%get3A_1520, %get3A_1521] {strides = array<i32>} : memref<32x128xf32, #tpu.memory_space<vmem>>, vector<1x16xf32>,
    %get3A_1523 = vector.shape_cast %get3A_1522 : vector<1x16xf32> to vector<16xf32>
    %mul3A_1524 = arith.mulf %get3A_1518, %get3A_1523 : vector<16xf32>
    %add3A_1525 = arith.addf %add3A_1513, %mul3A_1524 : vector<16xf32>
    %swap3A_1526 = arith.constant 14 : i32
    %swap3A_1527 = arith.index_cast %swap3A_1526 : i32 to index
    %swap3A_1528 = arith.constant 0 : index
    %swap3A_1529 = tpu.vector_load %arg9[%swap3A_1527, %swap3A_1528] {strides = array<i32>} : memref<32x16xf32, #tpu.memory_space<vmem>>, vector<1x16xf32>,
    %swap3A_1530 = vector.shape_cast %swap3A_1529 : vector<1x16xf32> to vector<16xf32>
    %swap3A_1531 = vector.shape_cast %add3A_1525 : vector<16xf32> to vector<1x16xf32>
    tpu.vector_store %arg9[%swap3A_1527, %swap3A_1528], %swap3A_1531 {strides = array<i32>} : memref<32x16xf32, #tpu.memory_space<vmem>>, vector<1x16xf32>,
    %get3A_1532 = arith.constant 15 : i32
    %get3A_1533 = arith.index_cast %get3A_1532 : i32 to index
    %get3A_1534 = arith.constant 0 : index
    %get3A_1535 = tpu.vector_load %arg7[%get3A_1533, %get3A_1534] {strides = array<i32>} : memref<32x128xf32, #tpu.memory_space<vmem>>, vector<1x16xf32>,
    %get3A_1536 = vector.shape_cast %get3A_1535 : vector<1x16xf32> to vector<16xf32>
    %get3A_1537 = arith.constant 15 : i32
    %get3A_1538 = arith.index_cast %get3A_1537 : i32 to index
    %get3A_1539 = arith.constant 0 : index
    %get3A_1540 = tpu.vector_load %arg8[%get3A_1538, %get3A_1539] {strides = array<i32>} : memref<32x128xf32, #tpu.memory_space<vmem>>, vector<1x16xf32>,
    %get3A_1541 = vector.shape_cast %get3A_1540 : vector<1x16xf32> to vector<16xf32>
    %mul3A_1542 = arith.mulf %get3A_1536, %get3A_1541 : vector<16xf32>
    %get3A_1543 = arith.constant 15 : i32
    %get3A_1544 = arith.index_cast %get3A_1543 : i32 to index
    %get3A_1545 = arith.constant 16 : index
    %get3A_1546 = tpu.vector_load %arg7[%get3A_1544, %get3A_1545] {strides = array<i32>} : memref<32x128xf32, #tpu.memory_space<vmem>>, vector<1x16xf32>,
    %get3A_1547 = vector.shape_cast %get3A_1546 : vector<1x16xf32> to vector<16xf32>
    %get3A_1548 = arith.constant 15 : i32
    %get3A_1549 = arith.index_cast %get3A_1548 : i32 to index
    %get3A_1550 = arith.constant 16 : index
    %get3A_1551 = tpu.vector_load %arg8[%get3A_1549, %get3A_1550] {strides = array<i32>} : memref<32x128xf32, #tpu.memory_space<vmem>>, vector<1x16xf32>,
    %get3A_1552 = vector.shape_cast %get3A_1551 : vector<1x16xf32> to vector<16xf32>
    %mul3A_1553 = arith.mulf %get3A_1547, %get3A_1552 : vector<16xf32>
    %add3A_1554 = arith.addf %mul3A_1542, %mul3A_1553 : vector<16xf32>
    %get3A_1555 = arith.constant 15 : i32
    %get3A_1556 = arith.index_cast %get3A_1555 : i32 to index
    %get3A_1557 = arith.constant 32 : index
    %get3A_1558 = tpu.vector_load %arg7[%get3A_1556, %get3A_1557] {strides = array<i32>} : memref<32x128xf32, #tpu.memory_space<vmem>>, vector<1x16xf32>,
    %get3A_1559 = vector.shape_cast %get3A_1558 : vector<1x16xf32> to vector<16xf32>
    %get3A_1560 = arith.constant 15 : i32
    %get3A_1561 = arith.index_cast %get3A_1560 : i32 to index
    %get3A_1562 = arith.constant 32 : index
    %get3A_1563 = tpu.vector_load %arg8[%get3A_1561, %get3A_1562] {strides = array<i32>} : memref<32x128xf32, #tpu.memory_space<vmem>>, vector<1x16xf32>,
    %get3A_1564 = vector.shape_cast %get3A_1563 : vector<1x16xf32> to vector<16xf32>
    %mul3A_1565 = arith.mulf %get3A_1559, %get3A_1564 : vector<16xf32>
    %add3A_1566 = arith.addf %add3A_1554, %mul3A_1565 : vector<16xf32>
    %get3A_1567 = arith.constant 15 : i32
    %get3A_1568 = arith.index_cast %get3A_1567 : i32 to index
    %get3A_1569 = arith.constant 48 : index
    %get3A_1570 = tpu.vector_load %arg7[%get3A_1568, %get3A_1569] {strides = array<i32>} : memref<32x128xf32, #tpu.memory_space<vmem>>, vector<1x16xf32>,
    %get3A_1571 = vector.shape_cast %get3A_1570 : vector<1x16xf32> to vector<16xf32>
    %get3A_1572 = arith.constant 15 : i32
    %get3A_1573 = arith.index_cast %get3A_1572 : i32 to index
    %get3A_1574 = arith.constant 48 : index
    %get3A_1575 = tpu.vector_load %arg8[%get3A_1573, %get3A_1574] {strides = array<i32>} : memref<32x128xf32, #tpu.memory_space<vmem>>, vector<1x16xf32>,
    %get3A_1576 = vector.shape_cast %get3A_1575 : vector<1x16xf32> to vector<16xf32>
    %mul3A_1577 = arith.mulf %get3A_1571, %get3A_1576 : vector<16xf32>
    %add3A_1578 = arith.addf %add3A_1566, %mul3A_1577 : vector<16xf32>
    %get3A_1579 = arith.constant 15 : i32
    %get3A_1580 = arith.index_cast %get3A_1579 : i32 to index
    %get3A_1581 = arith.constant 64 : index
    %get3A_1582 = tpu.vector_load %arg7[%get3A_1580, %get3A_1581] {strides = array<i32>} : memref<32x128xf32, #tpu.memory_space<vmem>>, vector<1x16xf32>,
    %get3A_1583 = vector.shape_cast %get3A_1582 : vector<1x16xf32> to vector<16xf32>
    %get3A_1584 = arith.constant 15 : i32
    %get3A_1585 = arith.index_cast %get3A_1584 : i32 to index
    %get3A_1586 = arith.constant 64 : index
    %get3A_1587 = tpu.vector_load %arg8[%get3A_1585, %get3A_1586] {strides = array<i32>} : memref<32x128xf32, #tpu.memory_space<vmem>>, vector<1x16xf32>,
    %get3A_1588 = vector.shape_cast %get3A_1587 : vector<1x16xf32> to vector<16xf32>
    %mul3A_1589 = arith.mulf %get3A_1583, %get3A_1588 : vector<16xf32>
    %add3A_1590 = arith.addf %add3A_1578, %mul3A_1589 : vector<16xf32>
    %get3A_1591 = arith.constant 15 : i32
    %get3A_1592 = arith.index_cast %get3A_1591 : i32 to index
    %get3A_1593 = arith.constant 80 : index
    %get3A_1594 = tpu.vector_load %arg7[%get3A_1592, %get3A_1593] {strides = array<i32>} : memref<32x128xf32, #tpu.memory_space<vmem>>, vector<1x16xf32>,
    %get3A_1595 = vector.shape_cast %get3A_1594 : vector<1x16xf32> to vector<16xf32>
    %get3A_1596 = arith.constant 15 : i32
    %get3A_1597 = arith.index_cast %get3A_1596 : i32 to index
    %get3A_1598 = arith.constant 80 : index
    %get3A_1599 = tpu.vector_load %arg8[%get3A_1597, %get3A_1598] {strides = array<i32>} : memref<32x128xf32, #tpu.memory_space<vmem>>, vector<1x16xf32>,
    %get3A_1600 = vector.shape_cast %get3A_1599 : vector<1x16xf32> to vector<16xf32>
    %mul3A_1601 = arith.mulf %get3A_1595, %get3A_1600 : vector<16xf32>
    %add3A_1602 = arith.addf %add3A_1590, %mul3A_1601 : vector<16xf32>
    %get3A_1603 = arith.constant 15 : i32
    %get3A_1604 = arith.index_cast %get3A_1603 : i32 to index
    %get3A_1605 = arith.constant 96 : index
    %get3A_1606 = tpu.vector_load %arg7[%get3A_1604, %get3A_1605] {strides = array<i32>} : memref<32x128xf32, #tpu.memory_space<vmem>>, vector<1x16xf32>,
    %get3A_1607 = vector.shape_cast %get3A_1606 : vector<1x16xf32> to vector<16xf32>
    %get3A_1608 = arith.constant 15 : i32
    %get3A_1609 = arith.index_cast %get3A_1608 : i32 to index
    %get3A_1610 = arith.constant 96 : index
    %get3A_1611 = tpu.vector_load %arg8[%get3A_1609, %get3A_1610] {strides = array<i32>} : memref<32x128xf32, #tpu.memory_space<vmem>>, vector<1x16xf32>,
    %get3A_1612 = vector.shape_cast %get3A_1611 : vector<1x16xf32> to vector<16xf32>
    %mul3A_1613 = arith.mulf %get3A_1607, %get3A_1612 : vector<16xf32>
    %add3A_1614 = arith.addf %add3A_1602, %mul3A_1613 : vector<16xf32>
    %get3A_1615 = arith.constant 15 : i32
    %get3A_1616 = arith.index_cast %get3A_1615 : i32 to index
    %get3A_1617 = arith.constant 112 : index
    %get3A_1618 = tpu.vector_load %arg7[%get3A_1616, %get3A_1617] {strides = array<i32>} : memref<32x128xf32, #tpu.memory_space<vmem>>, vector<1x16xf32>,
    %get3A_1619 = vector.shape_cast %get3A_1618 : vector<1x16xf32> to vector<16xf32>
    %get3A_1620 = arith.constant 15 : i32
    %get3A_1621 = arith.index_cast %get3A_1620 : i32 to index
    %get3A_1622 = arith.constant 112 : index
    %get3A_1623 = tpu.vector_load %arg8[%get3A_1621, %get3A_1622] {strides = array<i32>} : memref<32x128xf32, #tpu.memory_space<vmem>>, vector<1x16xf32>,
    %get3A_1624 = vector.shape_cast %get3A_1623 : vector<1x16xf32> to vector<16xf32>
    %mul3A_1625 = arith.mulf %get3A_1619, %get3A_1624 : vector<16xf32>
    %add3A_1626 = arith.addf %add3A_1614, %mul3A_1625 : vector<16xf32>
    %swap3A_1627 = arith.constant 15 : i32
    %swap3A_1628 = arith.index_cast %swap3A_1627 : i32 to index
    %swap3A_1629 = arith.constant 0 : index
    %swap3A_1630 = tpu.vector_load %arg9[%swap3A_1628, %swap3A_1629] {strides = array<i32>} : memref<32x16xf32, #tpu.memory_space<vmem>>, vector<1x16xf32>,
    %swap3A_1631 = vector.shape_cast %swap3A_1630 : vector<1x16xf32> to vector<16xf32>
    %swap3A_1632 = vector.shape_cast %add3A_1626 : vector<16xf32> to vector<1x16xf32>
    tpu.vector_store %arg9[%swap3A_1628, %swap3A_1629], %swap3A_1632 {strides = array<i32>} : memref<32x16xf32, #tpu.memory_space<vmem>>, vector<1x16xf32>,
    %get3A_1633 = arith.constant 16 : i32
    %get3A_1634 = arith.index_cast %get3A_1633 : i32 to index
    %get3A_1635 = arith.constant 0 : index
    %get3A_1636 = tpu.vector_load %arg7[%get3A_1634, %get3A_1635] {strides = array<i32>} : memref<32x128xf32, #tpu.memory_space<vmem>>, vector<1x16xf32>,
    %get3A_1637 = vector.shape_cast %get3A_1636 : vector<1x16xf32> to vector<16xf32>
    %get3A_1638 = arith.constant 16 : i32
    %get3A_1639 = arith.index_cast %get3A_1638 : i32 to index
    %get3A_1640 = arith.constant 0 : index
    %get3A_1641 = tpu.vector_load %arg8[%get3A_1639, %get3A_1640] {strides = array<i32>} : memref<32x128xf32, #tpu.memory_space<vmem>>, vector<1x16xf32>,
    %get3A_1642 = vector.shape_cast %get3A_1641 : vector<1x16xf32> to vector<16xf32>
    %mul3A_1643 = arith.mulf %get3A_1637, %get3A_1642 : vector<16xf32>
    %get3A_1644 = arith.constant 16 : i32
    %get3A_1645 = arith.index_cast %get3A_1644 : i32 to index
    %get3A_1646 = arith.constant 16 : index
    %get3A_1647 = tpu.vector_load %arg7[%get3A_1645, %get3A_1646] {strides = array<i32>} : memref<32x128xf32, #tpu.memory_space<vmem>>, vector<1x16xf32>,
    %get3A_1648 = vector.shape_cast %get3A_1647 : vector<1x16xf32> to vector<16xf32>
    %get3A_1649 = arith.constant 16 : i32
    %get3A_1650 = arith.index_cast %get3A_1649 : i32 to index
    %get3A_1651 = arith.constant 16 : index
    %get3A_1652 = tpu.vector_load %arg8[%get3A_1650, %get3A_1651] {strides = array<i32>} : memref<32x128xf32, #tpu.memory_space<vmem>>, vector<1x16xf32>,
    %get3A_1653 = vector.shape_cast %get3A_1652 : vector<1x16xf32> to vector<16xf32>
    %mul3A_1654 = arith.mulf %get3A_1648, %get3A_1653 : vector<16xf32>
    %add3A_1655 = arith.addf %mul3A_1643, %mul3A_1654 : vector<16xf32>
    %get3A_1656 = arith.constant 16 : i32
    %get3A_1657 = arith.index_cast %get3A_1656 : i32 to index
    %get3A_1658 = arith.constant 32 : index
    %get3A_1659 = tpu.vector_load %arg7[%get3A_1657, %get3A_1658] {strides = array<i32>} : memref<32x128xf32, #tpu.memory_space<vmem>>, vector<1x16xf32>,
    %get3A_1660 = vector.shape_cast %get3A_1659 : vector<1x16xf32> to vector<16xf32>
    %get3A_1661 = arith.constant 16 : i32
    %get3A_1662 = arith.index_cast %get3A_1661 : i32 to index
    %get3A_1663 = arith.constant 32 : index
    %get3A_1664 = tpu.vector_load %arg8[%get3A_1662, %get3A_1663] {strides = array<i32>} : memref<32x128xf32, #tpu.memory_space<vmem>>, vector<1x16xf32>,
    %get3A_1665 = vector.shape_cast %get3A_1664 : vector<1x16xf32> to vector<16xf32>
    %mul3A_1666 = arith.mulf %get3A_1660, %get3A_1665 : vector<16xf32>
    %add3A_1667 = arith.addf %add3A_1655, %mul3A_1666 : vector<16xf32>
    %get3A_1668 = arith.constant 16 : i32
    %get3A_1669 = arith.index_cast %get3A_1668 : i32 to index
    %get3A_1670 = arith.constant 48 : index
    %get3A_1671 = tpu.vector_load %arg7[%get3A_1669, %get3A_1670] {strides = array<i32>} : memref<32x128xf32, #tpu.memory_space<vmem>>, vector<1x16xf32>,
    %get3A_1672 = vector.shape_cast %get3A_1671 : vector<1x16xf32> to vector<16xf32>
    %get3A_1673 = arith.constant 16 : i32
    %get3A_1674 = arith.index_cast %get3A_1673 : i32 to index
    %get3A_1675 = arith.constant 48 : index
    %get3A_1676 = tpu.vector_load %arg8[%get3A_1674, %get3A_1675] {strides = array<i32>} : memref<32x128xf32, #tpu.memory_space<vmem>>, vector<1x16xf32>,
    %get3A_1677 = vector.shape_cast %get3A_1676 : vector<1x16xf32> to vector<16xf32>
    %mul3A_1678 = arith.mulf %get3A_1672, %get3A_1677 : vector<16xf32>
    %add3A_1679 = arith.addf %add3A_1667, %mul3A_1678 : vector<16xf32>
    %get3A_1680 = arith.constant 16 : i32
    %get3A_1681 = arith.index_cast %get3A_1680 : i32 to index
    %get3A_1682 = arith.constant 64 : index
    %get3A_1683 = tpu.vector_load %arg7[%get3A_1681, %get3A_1682] {strides = array<i32>} : memref<32x128xf32, #tpu.memory_space<vmem>>, vector<1x16xf32>,
    %get3A_1684 = vector.shape_cast %get3A_1683 : vector<1x16xf32> to vector<16xf32>
    %get3A_1685 = arith.constant 16 : i32
    %get3A_1686 = arith.index_cast %get3A_1685 : i32 to index
    %get3A_1687 = arith.constant 64 : index
    %get3A_1688 = tpu.vector_load %arg8[%get3A_1686, %get3A_1687] {strides = array<i32>} : memref<32x128xf32, #tpu.memory_space<vmem>>, vector<1x16xf32>,
    %get3A_1689 = vector.shape_cast %get3A_1688 : vector<1x16xf32> to vector<16xf32>
    %mul3A_1690 = arith.mulf %get3A_1684, %get3A_1689 : vector<16xf32>
    %add3A_1691 = arith.addf %add3A_1679, %mul3A_1690 : vector<16xf32>
    %get3A_1692 = arith.constant 16 : i32
    %get3A_1693 = arith.index_cast %get3A_1692 : i32 to index
    %get3A_1694 = arith.constant 80 : index
    %get3A_1695 = tpu.vector_load %arg7[%get3A_1693, %get3A_1694] {strides = array<i32>} : memref<32x128xf32, #tpu.memory_space<vmem>>, vector<1x16xf32>,
    %get3A_1696 = vector.shape_cast %get3A_1695 : vector<1x16xf32> to vector<16xf32>
    %get3A_1697 = arith.constant 16 : i32
    %get3A_1698 = arith.index_cast %get3A_1697 : i32 to index
    %get3A_1699 = arith.constant 80 : index
    %get3A_1700 = tpu.vector_load %arg8[%get3A_1698, %get3A_1699] {strides = array<i32>} : memref<32x128xf32, #tpu.memory_space<vmem>>, vector<1x16xf32>,
    %get3A_1701 = vector.shape_cast %get3A_1700 : vector<1x16xf32> to vector<16xf32>
    %mul3A_1702 = arith.mulf %get3A_1696, %get3A_1701 : vector<16xf32>
    %add3A_1703 = arith.addf %add3A_1691, %mul3A_1702 : vector<16xf32>
    %get3A_1704 = arith.constant 16 : i32
    %get3A_1705 = arith.index_cast %get3A_1704 : i32 to index
    %get3A_1706 = arith.constant 96 : index
    %get3A_1707 = tpu.vector_load %arg7[%get3A_1705, %get3A_1706] {strides = array<i32>} : memref<32x128xf32, #tpu.memory_space<vmem>>, vector<1x16xf32>,
    %get3A_1708 = vector.shape_cast %get3A_1707 : vector<1x16xf32> to vector<16xf32>
    %get3A_1709 = arith.constant 16 : i32
    %get3A_1710 = arith.index_cast %get3A_1709 : i32 to index
    %get3A_1711 = arith.constant 96 : index
    %get3A_1712 = tpu.vector_load %arg8[%get3A_1710, %get3A_1711] {strides = array<i32>} : memref<32x128xf32, #tpu.memory_space<vmem>>, vector<1x16xf32>,
    %get3A_1713 = vector.shape_cast %get3A_1712 : vector<1x16xf32> to vector<16xf32>
    %mul3A_1714 = arith.mulf %get3A_1708, %get3A_1713 : vector<16xf32>
    %add3A_1715 = arith.addf %add3A_1703, %mul3A_1714 : vector<16xf32>
    %get3A_1716 = arith.constant 16 : i32
    %get3A_1717 = arith.index_cast %get3A_1716 : i32 to index
    %get3A_1718 = arith.constant 112 : index
    %get3A_1719 = tpu.vector_load %arg7[%get3A_1717, %get3A_1718] {strides = array<i32>} : memref<32x128xf32, #tpu.memory_space<vmem>>, vector<1x16xf32>,
    %get3A_1720 = vector.shape_cast %get3A_1719 : vector<1x16xf32> to vector<16xf32>
    %get3A_1721 = arith.constant 16 : i32
    %get3A_1722 = arith.index_cast %get3A_1721 : i32 to index
    %get3A_1723 = arith.constant 112 : index
    %get3A_1724 = tpu.vector_load %arg8[%get3A_1722, %get3A_1723] {strides = array<i32>} : memref<32x128xf32, #tpu.memory_space<vmem>>, vector<1x16xf32>,
    %get3A_1725 = vector.shape_cast %get3A_1724 : vector<1x16xf32> to vector<16xf32>
    %mul3A_1726 = arith.mulf %get3A_1720, %get3A_1725 : vector<16xf32>
    %add3A_1727 = arith.addf %add3A_1715, %mul3A_1726 : vector<16xf32>
    %swap3A_1728 = arith.constant 16 : i32
    %swap3A_1729 = arith.index_cast %swap3A_1728 : i32 to index
    %swap3A_1730 = arith.constant 0 : index
    %swap3A_1731 = tpu.vector_load %arg9[%swap3A_1729, %swap3A_1730] {strides = array<i32>} : memref<32x16xf32, #tpu.memory_space<vmem>>, vector<1x16xf32>,
    %swap3A_1732 = vector.shape_cast %swap3A_1731 : vector<1x16xf32> to vector<16xf32>
    %swap3A_1733 = vector.shape_cast %add3A_1727 : vector<16xf32> to vector<1x16xf32>
    tpu.vector_store %arg9[%swap3A_1729, %swap3A_1730], %swap3A_1733 {strides = array<i32>} : memref<32x16xf32, #tpu.memory_space<vmem>>, vector<1x16xf32>,
    %get3A_1734 = arith.constant 17 : i32
    %get3A_1735 = arith.index_cast %get3A_1734 : i32 to index
    %get3A_1736 = arith.constant 0 : index
    %get3A_1737 = tpu.vector_load %arg7[%get3A_1735, %get3A_1736] {strides = array<i32>} : memref<32x128xf32, #tpu.memory_space<vmem>>, vector<1x16xf32>,
    %get3A_1738 = vector.shape_cast %get3A_1737 : vector<1x16xf32> to vector<16xf32>
    %get3A_1739 = arith.constant 17 : i32
    %get3A_1740 = arith.index_cast %get3A_1739 : i32 to index
    %get3A_1741 = arith.constant 0 : index
    %get3A_1742 = tpu.vector_load %arg8[%get3A_1740, %get3A_1741] {strides = array<i32>} : memref<32x128xf32, #tpu.memory_space<vmem>>, vector<1x16xf32>,
    %get3A_1743 = vector.shape_cast %get3A_1742 : vector<1x16xf32> to vector<16xf32>
    %mul3A_1744 = arith.mulf %get3A_1738, %get3A_1743 : vector<16xf32>
    %get3A_1745 = arith.constant 17 : i32
    %get3A_1746 = arith.index_cast %get3A_1745 : i32 to index
    %get3A_1747 = arith.constant 16 : index
    %get3A_1748 = tpu.vector_load %arg7[%get3A_1746, %get3A_1747] {strides = array<i32>} : memref<32x128xf32, #tpu.memory_space<vmem>>, vector<1x16xf32>,
    %get3A_1749 = vector.shape_cast %get3A_1748 : vector<1x16xf32> to vector<16xf32>
    %get3A_1750 = arith.constant 17 : i32
    %get3A_1751 = arith.index_cast %get3A_1750 : i32 to index
    %get3A_1752 = arith.constant 16 : index
    %get3A_1753 = tpu.vector_load %arg8[%get3A_1751, %get3A_1752] {strides = array<i32>} : memref<32x128xf32, #tpu.memory_space<vmem>>, vector<1x16xf32>,
    %get3A_1754 = vector.shape_cast %get3A_1753 : vector<1x16xf32> to vector<16xf32>
    %mul3A_1755 = arith.mulf %get3A_1749, %get3A_1754 : vector<16xf32>
    %add3A_1756 = arith.addf %mul3A_1744, %mul3A_1755 : vector<16xf32>
    %get3A_1757 = arith.constant 17 : i32
    %get3A_1758 = arith.index_cast %get3A_1757 : i32 to index
    %get3A_1759 = arith.constant 32 : index
    %get3A_1760 = tpu.vector_load %arg7[%get3A_1758, %get3A_1759] {strides = array<i32>} : memref<32x128xf32, #tpu.memory_space<vmem>>, vector<1x16xf32>,
    %get3A_1761 = vector.shape_cast %get3A_1760 : vector<1x16xf32> to vector<16xf32>
    %get3A_1762 = arith.constant 17 : i32
    %get3A_1763 = arith.index_cast %get3A_1762 : i32 to index
    %get3A_1764 = arith.constant 32 : index
    %get3A_1765 = tpu.vector_load %arg8[%get3A_1763, %get3A_1764] {strides = array<i32>} : memref<32x128xf32, #tpu.memory_space<vmem>>, vector<1x16xf32>,
    %get3A_1766 = vector.shape_cast %get3A_1765 : vector<1x16xf32> to vector<16xf32>
    %mul3A_1767 = arith.mulf %get3A_1761, %get3A_1766 : vector<16xf32>
    %add3A_1768 = arith.addf %add3A_1756, %mul3A_1767 : vector<16xf32>
    %get3A_1769 = arith.constant 17 : i32
    %get3A_1770 = arith.index_cast %get3A_1769 : i32 to index
    %get3A_1771 = arith.constant 48 : index
    %get3A_1772 = tpu.vector_load %arg7[%get3A_1770, %get3A_1771] {strides = array<i32>} : memref<32x128xf32, #tpu.memory_space<vmem>>, vector<1x16xf32>,
    %get3A_1773 = vector.shape_cast %get3A_1772 : vector<1x16xf32> to vector<16xf32>
    %get3A_1774 = arith.constant 17 : i32
    %get3A_1775 = arith.index_cast %get3A_1774 : i32 to index
    %get3A_1776 = arith.constant 48 : index
    %get3A_1777 = tpu.vector_load %arg8[%get3A_1775, %get3A_1776] {strides = array<i32>} : memref<32x128xf32, #tpu.memory_space<vmem>>, vector<1x16xf32>,
    %get3A_1778 = vector.shape_cast %get3A_1777 : vector<1x16xf32> to vector<16xf32>
    %mul3A_1779 = arith.mulf %get3A_1773, %get3A_1778 : vector<16xf32>
    %add3A_1780 = arith.addf %add3A_1768, %mul3A_1779 : vector<16xf32>
    %get3A_1781 = arith.constant 17 : i32
    %get3A_1782 = arith.index_cast %get3A_1781 : i32 to index
    %get3A_1783 = arith.constant 64 : index
    %get3A_1784 = tpu.vector_load %arg7[%get3A_1782, %get3A_1783] {strides = array<i32>} : memref<32x128xf32, #tpu.memory_space<vmem>>, vector<1x16xf32>,
    %get3A_1785 = vector.shape_cast %get3A_1784 : vector<1x16xf32> to vector<16xf32>
    %get3A_1786 = arith.constant 17 : i32
    %get3A_1787 = arith.index_cast %get3A_1786 : i32 to index
    %get3A_1788 = arith.constant 64 : index
    %get3A_1789 = tpu.vector_load %arg8[%get3A_1787, %get3A_1788] {strides = array<i32>} : memref<32x128xf32, #tpu.memory_space<vmem>>, vector<1x16xf32>,
    %get3A_1790 = vector.shape_cast %get3A_1789 : vector<1x16xf32> to vector<16xf32>
    %mul3A_1791 = arith.mulf %get3A_1785, %get3A_1790 : vector<16xf32>
    %add3A_1792 = arith.addf %add3A_1780, %mul3A_1791 : vector<16xf32>
    %get3A_1793 = arith.constant 17 : i32
    %get3A_1794 = arith.index_cast %get3A_1793 : i32 to index
    %get3A_1795 = arith.constant 80 : index
    %get3A_1796 = tpu.vector_load %arg7[%get3A_1794, %get3A_1795] {strides = array<i32>} : memref<32x128xf32, #tpu.memory_space<vmem>>, vector<1x16xf32>,
    %get3A_1797 = vector.shape_cast %get3A_1796 : vector<1x16xf32> to vector<16xf32>
    %get3A_1798 = arith.constant 17 : i32
    %get3A_1799 = arith.index_cast %get3A_1798 : i32 to index
    %get3A_1800 = arith.constant 80 : index
    %get3A_1801 = tpu.vector_load %arg8[%get3A_1799, %get3A_1800] {strides = array<i32>} : memref<32x128xf32, #tpu.memory_space<vmem>>, vector<1x16xf32>,
    %get3A_1802 = vector.shape_cast %get3A_1801 : vector<1x16xf32> to vector<16xf32>
    %mul3A_1803 = arith.mulf %get3A_1797, %get3A_1802 : vector<16xf32>
    %add3A_1804 = arith.addf %add3A_1792, %mul3A_1803 : vector<16xf32>
    %get3A_1805 = arith.constant 17 : i32
    %get3A_1806 = arith.index_cast %get3A_1805 : i32 to index
    %get3A_1807 = arith.constant 96 : index
    %get3A_1808 = tpu.vector_load %arg7[%get3A_1806, %get3A_1807] {strides = array<i32>} : memref<32x128xf32, #tpu.memory_space<vmem>>, vector<1x16xf32>,
    %get3A_1809 = vector.shape_cast %get3A_1808 : vector<1x16xf32> to vector<16xf32>
    %get3A_1810 = arith.constant 17 : i32
    %get3A_1811 = arith.index_cast %get3A_1810 : i32 to index
    %get3A_1812 = arith.constant 96 : index
    %get3A_1813 = tpu.vector_load %arg8[%get3A_1811, %get3A_1812] {strides = array<i32>} : memref<32x128xf32, #tpu.memory_space<vmem>>, vector<1x16xf32>,
    %get3A_1814 = vector.shape_cast %get3A_1813 : vector<1x16xf32> to vector<16xf32>
    %mul3A_1815 = arith.mulf %get3A_1809, %get3A_1814 : vector<16xf32>
    %add3A_1816 = arith.addf %add3A_1804, %mul3A_1815 : vector<16xf32>
    %get3A_1817 = arith.constant 17 : i32
    %get3A_1818 = arith.index_cast %get3A_1817 : i32 to index
    %get3A_1819 = arith.constant 112 : index
    %get3A_1820 = tpu.vector_load %arg7[%get3A_1818, %get3A_1819] {strides = array<i32>} : memref<32x128xf32, #tpu.memory_space<vmem>>, vector<1x16xf32>,
    %get3A_1821 = vector.shape_cast %get3A_1820 : vector<1x16xf32> to vector<16xf32>
    %get3A_1822 = arith.constant 17 : i32
    %get3A_1823 = arith.index_cast %get3A_1822 : i32 to index
    %get3A_1824 = arith.constant 112 : index
    %get3A_1825 = tpu.vector_load %arg8[%get3A_1823, %get3A_1824] {strides = array<i32>} : memref<32x128xf32, #tpu.memory_space<vmem>>, vector<1x16xf32>,
    %get3A_1826 = vector.shape_cast %get3A_1825 : vector<1x16xf32> to vector<16xf32>
    %mul3A_1827 = arith.mulf %get3A_1821, %get3A_1826 : vector<16xf32>
    %add3A_1828 = arith.addf %add3A_1816, %mul3A_1827 : vector<16xf32>
    %swap3A_1829 = arith.constant 17 : i32
    %swap3A_1830 = arith.index_cast %swap3A_1829 : i32 to index
    %swap3A_1831 = arith.constant 0 : index
    %swap3A_1832 = tpu.vector_load %arg9[%swap3A_1830, %swap3A_1831] {strides = array<i32>} : memref<32x16xf32, #tpu.memory_space<vmem>>, vector<1x16xf32>,
    %swap3A_1833 = vector.shape_cast %swap3A_1832 : vector<1x16xf32> to vector<16xf32>
    %swap3A_1834 = vector.shape_cast %add3A_1828 : vector<16xf32> to vector<1x16xf32>
    tpu.vector_store %arg9[%swap3A_1830, %swap3A_1831], %swap3A_1834 {strides = array<i32>} : memref<32x16xf32, #tpu.memory_space<vmem>>, vector<1x16xf32>,
    %get3A_1835 = arith.constant 18 : i32
    %get3A_1836 = arith.index_cast %get3A_1835 : i32 to index
    %get3A_1837 = arith.constant 0 : index
    %get3A_1838 = tpu.vector_load %arg7[%get3A_1836, %get3A_1837] {strides = array<i32>} : memref<32x128xf32, #tpu.memory_space<vmem>>, vector<1x16xf32>,
    %get3A_1839 = vector.shape_cast %get3A_1838 : vector<1x16xf32> to vector<16xf32>
    %get3A_1840 = arith.constant 18 : i32
    %get3A_1841 = arith.index_cast %get3A_1840 : i32 to index
    %get3A_1842 = arith.constant 0 : index
    %get3A_1843 = tpu.vector_load %arg8[%get3A_1841, %get3A_1842] {strides = array<i32>} : memref<32x128xf32, #tpu.memory_space<vmem>>, vector<1x16xf32>,
    %get3A_1844 = vector.shape_cast %get3A_1843 : vector<1x16xf32> to vector<16xf32>
    %mul3A_1845 = arith.mulf %get3A_1839, %get3A_1844 : vector<16xf32>
    %get3A_1846 = arith.constant 18 : i32
    %get3A_1847 = arith.index_cast %get3A_1846 : i32 to index
    %get3A_1848 = arith.constant 16 : index
    %get3A_1849 = tpu.vector_load %arg7[%get3A_1847, %get3A_1848] {strides = array<i32>} : memref<32x128xf32, #tpu.memory_space<vmem>>, vector<1x16xf32>,
    %get3A_1850 = vector.shape_cast %get3A_1849 : vector<1x16xf32> to vector<16xf32>
    %get3A_1851 = arith.constant 18 : i32
    %get3A_1852 = arith.index_cast %get3A_1851 : i32 to index
    %get3A_1853 = arith.constant 16 : index
    %get3A_1854 = tpu.vector_load %arg8[%get3A_1852, %get3A_1853] {strides = array<i32>} : memref<32x128xf32, #tpu.memory_space<vmem>>, vector<1x16xf32>,
    %get3A_1855 = vector.shape_cast %get3A_1854 : vector<1x16xf32> to vector<16xf32>
    %mul3A_1856 = arith.mulf %get3A_1850, %get3A_1855 : vector<16xf32>
    %add3A_1857 = arith.addf %mul3A_1845, %mul3A_1856 : vector<16xf32>
    %get3A_1858 = arith.constant 18 : i32
    %get3A_1859 = arith.index_cast %get3A_1858 : i32 to index
    %get3A_1860 = arith.constant 32 : index
    %get3A_1861 = tpu.vector_load %arg7[%get3A_1859, %get3A_1860] {strides = array<i32>} : memref<32x128xf32, #tpu.memory_space<vmem>>, vector<1x16xf32>,
    %get3A_1862 = vector.shape_cast %get3A_1861 : vector<1x16xf32> to vector<16xf32>
    %get3A_1863 = arith.constant 18 : i32
    %get3A_1864 = arith.index_cast %get3A_1863 : i32 to index
    %get3A_1865 = arith.constant 32 : index
    %get3A_1866 = tpu.vector_load %arg8[%get3A_1864, %get3A_1865] {strides = array<i32>} : memref<32x128xf32, #tpu.memory_space<vmem>>, vector<1x16xf32>,
    %get3A_1867 = vector.shape_cast %get3A_1866 : vector<1x16xf32> to vector<16xf32>
    %mul3A_1868 = arith.mulf %get3A_1862, %get3A_1867 : vector<16xf32>
    %add3A_1869 = arith.addf %add3A_1857, %mul3A_1868 : vector<16xf32>
    %get3A_1870 = arith.constant 18 : i32
    %get3A_1871 = arith.index_cast %get3A_1870 : i32 to index
    %get3A_1872 = arith.constant 48 : index
    %get3A_1873 = tpu.vector_load %arg7[%get3A_1871, %get3A_1872] {strides = array<i32>} : memref<32x128xf32, #tpu.memory_space<vmem>>, vector<1x16xf32>,
    %get3A_1874 = vector.shape_cast %get3A_1873 : vector<1x16xf32> to vector<16xf32>
    %get3A_1875 = arith.constant 18 : i32
    %get3A_1876 = arith.index_cast %get3A_1875 : i32 to index
    %get3A_1877 = arith.constant 48 : index
    %get3A_1878 = tpu.vector_load %arg8[%get3A_1876, %get3A_1877] {strides = array<i32>} : memref<32x128xf32, #tpu.memory_space<vmem>>, vector<1x16xf32>,
    %get3A_1879 = vector.shape_cast %get3A_1878 : vector<1x16xf32> to vector<16xf32>
    %mul3A_1880 = arith.mulf %get3A_1874, %get3A_1879 : vector<16xf32>
    %add3A_1881 = arith.addf %add3A_1869, %mul3A_1880 : vector<16xf32>
    %get3A_1882 = arith.constant 18 : i32
    %get3A_1883 = arith.index_cast %get3A_1882 : i32 to index
    %get3A_1884 = arith.constant 64 : index
    %get3A_1885 = tpu.vector_load %arg7[%get3A_1883, %get3A_1884] {strides = array<i32>} : memref<32x128xf32, #tpu.memory_space<vmem>>, vector<1x16xf32>,
    %get3A_1886 = vector.shape_cast %get3A_1885 : vector<1x16xf32> to vector<16xf32>
    %get3A_1887 = arith.constant 18 : i32
    %get3A_1888 = arith.index_cast %get3A_1887 : i32 to index
    %get3A_1889 = arith.constant 64 : index
    %get3A_1890 = tpu.vector_load %arg8[%get3A_1888, %get3A_1889] {strides = array<i32>} : memref<32x128xf32, #tpu.memory_space<vmem>>, vector<1x16xf32>,
    %get3A_1891 = vector.shape_cast %get3A_1890 : vector<1x16xf32> to vector<16xf32>
    %mul3A_1892 = arith.mulf %get3A_1886, %get3A_1891 : vector<16xf32>
    %add3A_1893 = arith.addf %add3A_1881, %mul3A_1892 : vector<16xf32>
    %get3A_1894 = arith.constant 18 : i32
    %get3A_1895 = arith.index_cast %get3A_1894 : i32 to index
    %get3A_1896 = arith.constant 80 : index
    %get3A_1897 = tpu.vector_load %arg7[%get3A_1895, %get3A_1896] {strides = array<i32>} : memref<32x128xf32, #tpu.memory_space<vmem>>, vector<1x16xf32>,
    %get3A_1898 = vector.shape_cast %get3A_1897 : vector<1x16xf32> to vector<16xf32>
    %get3A_1899 = arith.constant 18 : i32
    %get3A_1900 = arith.index_cast %get3A_1899 : i32 to index
    %get3A_1901 = arith.constant 80 : index
    %get3A_1902 = tpu.vector_load %arg8[%get3A_1900, %get3A_1901] {strides = array<i32>} : memref<32x128xf32, #tpu.memory_space<vmem>>, vector<1x16xf32>,
    %get3A_1903 = vector.shape_cast %get3A_1902 : vector<1x16xf32> to vector<16xf32>
    %mul3A_1904 = arith.mulf %get3A_1898, %get3A_1903 : vector<16xf32>
    %add3A_1905 = arith.addf %add3A_1893, %mul3A_1904 : vector<16xf32>
    %get3A_1906 = arith.constant 18 : i32
    %get3A_1907 = arith.index_cast %get3A_1906 : i32 to index
    %get3A_1908 = arith.constant 96 : index
    %get3A_1909 = tpu.vector_load %arg7[%get3A_1907, %get3A_1908] {strides = array<i32>} : memref<32x128xf32, #tpu.memory_space<vmem>>, vector<1x16xf32>,
    %get3A_1910 = vector.shape_cast %get3A_1909 : vector<1x16xf32> to vector<16xf32>
    %get3A_1911 = arith.constant 18 : i32
    %get3A_1912 = arith.index_cast %get3A_1911 : i32 to index
    %get3A_1913 = arith.constant 96 : index
    %get3A_1914 = tpu.vector_load %arg8[%get3A_1912, %get3A_1913] {strides = array<i32>} : memref<32x128xf32, #tpu.memory_space<vmem>>, vector<1x16xf32>,
    %get3A_1915 = vector.shape_cast %get3A_1914 : vector<1x16xf32> to vector<16xf32>
    %mul3A_1916 = arith.mulf %get3A_1910, %get3A_1915 : vector<16xf32>
    %add3A_1917 = arith.addf %add3A_1905, %mul3A_1916 : vector<16xf32>
    %get3A_1918 = arith.constant 18 : i32
    %get3A_1919 = arith.index_cast %get3A_1918 : i32 to index
    %get3A_1920 = arith.constant 112 : index
    %get3A_1921 = tpu.vector_load %arg7[%get3A_1919, %get3A_1920] {strides = array<i32>} : memref<32x128xf32, #tpu.memory_space<vmem>>, vector<1x16xf32>,
    %get3A_1922 = vector.shape_cast %get3A_1921 : vector<1x16xf32> to vector<16xf32>
    %get3A_1923 = arith.constant 18 : i32
    %get3A_1924 = arith.index_cast %get3A_1923 : i32 to index
    %get3A_1925 = arith.constant 112 : index
    %get3A_1926 = tpu.vector_load %arg8[%get3A_1924, %get3A_1925] {strides = array<i32>} : memref<32x128xf32, #tpu.memory_space<vmem>>, vector<1x16xf32>,
    %get3A_1927 = vector.shape_cast %get3A_1926 : vector<1x16xf32> to vector<16xf32>
    %mul3A_1928 = arith.mulf %get3A_1922, %get3A_1927 : vector<16xf32>
    %add3A_1929 = arith.addf %add3A_1917, %mul3A_1928 : vector<16xf32>
    %swap3A_1930 = arith.constant 18 : i32
    %swap3A_1931 = arith.index_cast %swap3A_1930 : i32 to index
    %swap3A_1932 = arith.constant 0 : index
    %swap3A_1933 = tpu.vector_load %arg9[%swap3A_1931, %swap3A_1932] {strides = array<i32>} : memref<32x16xf32, #tpu.memory_space<vmem>>, vector<1x16xf32>,
    %swap3A_1934 = vector.shape_cast %swap3A_1933 : vector<1x16xf32> to vector<16xf32>
    %swap3A_1935 = vector.shape_cast %add3A_1929 : vector<16xf32> to vector<1x16xf32>
    tpu.vector_store %arg9[%swap3A_1931, %swap3A_1932], %swap3A_1935 {strides = array<i32>} : memref<32x16xf32, #tpu.memory_space<vmem>>, vector<1x16xf32>,
    %get3A_1936 = arith.constant 19 : i32
    %get3A_1937 = arith.index_cast %get3A_1936 : i32 to index
    %get3A_1938 = arith.constant 0 : index
    %get3A_1939 = tpu.vector_load %arg7[%get3A_1937, %get3A_1938] {strides = array<i32>} : memref<32x128xf32, #tpu.memory_space<vmem>>, vector<1x16xf32>,
    %get3A_1940 = vector.shape_cast %get3A_1939 : vector<1x16xf32> to vector<16xf32>
    %get3A_1941 = arith.constant 19 : i32
    %get3A_1942 = arith.index_cast %get3A_1941 : i32 to index
    %get3A_1943 = arith.constant 0 : index
    %get3A_1944 = tpu.vector_load %arg8[%get3A_1942, %get3A_1943] {strides = array<i32>} : memref<32x128xf32, #tpu.memory_space<vmem>>, vector<1x16xf32>,
    %get3A_1945 = vector.shape_cast %get3A_1944 : vector<1x16xf32> to vector<16xf32>
    %mul3A_1946 = arith.mulf %get3A_1940, %get3A_1945 : vector<16xf32>
    %get3A_1947 = arith.constant 19 : i32
    %get3A_1948 = arith.index_cast %get3A_1947 : i32 to index
    %get3A_1949 = arith.constant 16 : index
    %get3A_1950 = tpu.vector_load %arg7[%get3A_1948, %get3A_1949] {strides = array<i32>} : memref<32x128xf32, #tpu.memory_space<vmem>>, vector<1x16xf32>,
    %get3A_1951 = vector.shape_cast %get3A_1950 : vector<1x16xf32> to vector<16xf32>
    %get3A_1952 = arith.constant 19 : i32
    %get3A_1953 = arith.index_cast %get3A_1952 : i32 to index
    %get3A_1954 = arith.constant 16 : index
    %get3A_1955 = tpu.vector_load %arg8[%get3A_1953, %get3A_1954] {strides = array<i32>} : memref<32x128xf32, #tpu.memory_space<vmem>>, vector<1x16xf32>,
    %get3A_1956 = vector.shape_cast %get3A_1955 : vector<1x16xf32> to vector<16xf32>
    %mul3A_1957 = arith.mulf %get3A_1951, %get3A_1956 : vector<16xf32>
    %add3A_1958 = arith.addf %mul3A_1946, %mul3A_1957 : vector<16xf32>
    %get3A_1959 = arith.constant 19 : i32
    %get3A_1960 = arith.index_cast %get3A_1959 : i32 to index
    %get3A_1961 = arith.constant 32 : index
    %get3A_1962 = tpu.vector_load %arg7[%get3A_1960, %get3A_1961] {strides = array<i32>} : memref<32x128xf32, #tpu.memory_space<vmem>>, vector<1x16xf32>,
    %get3A_1963 = vector.shape_cast %get3A_1962 : vector<1x16xf32> to vector<16xf32>
    %get3A_1964 = arith.constant 19 : i32
    %get3A_1965 = arith.index_cast %get3A_1964 : i32 to index
    %get3A_1966 = arith.constant 32 : index
    %get3A_1967 = tpu.vector_load %arg8[%get3A_1965, %get3A_1966] {strides = array<i32>} : memref<32x128xf32, #tpu.memory_space<vmem>>, vector<1x16xf32>,
    %get3A_1968 = vector.shape_cast %get3A_1967 : vector<1x16xf32> to vector<16xf32>
    %mul3A_1969 = arith.mulf %get3A_1963, %get3A_1968 : vector<16xf32>
    %add3A_1970 = arith.addf %add3A_1958, %mul3A_1969 : vector<16xf32>
    %get3A_1971 = arith.constant 19 : i32
    %get3A_1972 = arith.index_cast %get3A_1971 : i32 to index
    %get3A_1973 = arith.constant 48 : index
    %get3A_1974 = tpu.vector_load %arg7[%get3A_1972, %get3A_1973] {strides = array<i32>} : memref<32x128xf32, #tpu.memory_space<vmem>>, vector<1x16xf32>,
    %get3A_1975 = vector.shape_cast %get3A_1974 : vector<1x16xf32> to vector<16xf32>
    %get3A_1976 = arith.constant 19 : i32
    %get3A_1977 = arith.index_cast %get3A_1976 : i32 to index
    %get3A_1978 = arith.constant 48 : index
    %get3A_1979 = tpu.vector_load %arg8[%get3A_1977, %get3A_1978] {strides = array<i32>} : memref<32x128xf32, #tpu.memory_space<vmem>>, vector<1x16xf32>,
    %get3A_1980 = vector.shape_cast %get3A_1979 : vector<1x16xf32> to vector<16xf32>
    %mul3A_1981 = arith.mulf %get3A_1975, %get3A_1980 : vector<16xf32>
    %add3A_1982 = arith.addf %add3A_1970, %mul3A_1981 : vector<16xf32>
    %get3A_1983 = arith.constant 19 : i32
    %get3A_1984 = arith.index_cast %get3A_1983 : i32 to index
    %get3A_1985 = arith.constant 64 : index
    %get3A_1986 = tpu.vector_load %arg7[%get3A_1984, %get3A_1985] {strides = array<i32>} : memref<32x128xf32, #tpu.memory_space<vmem>>, vector<1x16xf32>,
    %get3A_1987 = vector.shape_cast %get3A_1986 : vector<1x16xf32> to vector<16xf32>
    %get3A_1988 = arith.constant 19 : i32
    %get3A_1989 = arith.index_cast %get3A_1988 : i32 to index
    %get3A_1990 = arith.constant 64 : index
    %get3A_1991 = tpu.vector_load %arg8[%get3A_1989, %get3A_1990] {strides = array<i32>} : memref<32x128xf32, #tpu.memory_space<vmem>>, vector<1x16xf32>,
    %get3A_1992 = vector.shape_cast %get3A_1991 : vector<1x16xf32> to vector<16xf32>
    %mul3A_1993 = arith.mulf %get3A_1987, %get3A_1992 : vector<16xf32>
    %add3A_1994 = arith.addf %add3A_1982, %mul3A_1993 : vector<16xf32>
    %get3A_1995 = arith.constant 19 : i32
    %get3A_1996 = arith.index_cast %get3A_1995 : i32 to index
    %get3A_1997 = arith.constant 80 : index
    %get3A_1998 = tpu.vector_load %arg7[%get3A_1996, %get3A_1997] {strides = array<i32>} : memref<32x128xf32, #tpu.memory_space<vmem>>, vector<1x16xf32>,
    %get3A_1999 = vector.shape_cast %get3A_1998 : vector<1x16xf32> to vector<16xf32>
    %get3A_2000 = arith.constant 19 : i32
    %get3A_2001 = arith.index_cast %get3A_2000 : i32 to index
    %get3A_2002 = arith.constant 80 : index
    %get3A_2003 = tpu.vector_load %arg8[%get3A_2001, %get3A_2002] {strides = array<i32>} : memref<32x128xf32, #tpu.memory_space<vmem>>, vector<1x16xf32>,
    %get3A_2004 = vector.shape_cast %get3A_2003 : vector<1x16xf32> to vector<16xf32>
    %mul3A_2005 = arith.mulf %get3A_1999, %get3A_2004 : vector<16xf32>
    %add3A_2006 = arith.addf %add3A_1994, %mul3A_2005 : vector<16xf32>
    %get3A_2007 = arith.constant 19 : i32
    %get3A_2008 = arith.index_cast %get3A_2007 : i32 to index
    %get3A_2009 = arith.constant 96 : index
    %get3A_2010 = tpu.vector_load %arg7[%get3A_2008, %get3A_2009] {strides = array<i32>} : memref<32x128xf32, #tpu.memory_space<vmem>>, vector<1x16xf32>,
    %get3A_2011 = vector.shape_cast %get3A_2010 : vector<1x16xf32> to vector<16xf32>
    %get3A_2012 = arith.constant 19 : i32
    %get3A_2013 = arith.index_cast %get3A_2012 : i32 to index
    %get3A_2014 = arith.constant 96 : index
    %get3A_2015 = tpu.vector_load %arg8[%get3A_2013, %get3A_2014] {strides = array<i32>} : memref<32x128xf32, #tpu.memory_space<vmem>>, vector<1x16xf32>,
    %get3A_2016 = vector.shape_cast %get3A_2015 : vector<1x16xf32> to vector<16xf32>
    %mul3A_2017 = arith.mulf %get3A_2011, %get3A_2016 : vector<16xf32>
    %add3A_2018 = arith.addf %add3A_2006, %mul3A_2017 : vector<16xf32>
    %get3A_2019 = arith.constant 19 : i32
    %get3A_2020 = arith.index_cast %get3A_2019 : i32 to index
    %get3A_2021 = arith.constant 112 : index
    %get3A_2022 = tpu.vector_load %arg7[%get3A_2020, %get3A_2021] {strides = array<i32>} : memref<32x128xf32, #tpu.memory_space<vmem>>, vector<1x16xf32>,
    %get3A_2023 = vector.shape_cast %get3A_2022 : vector<1x16xf32> to vector<16xf32>
    %get3A_2024 = arith.constant 19 : i32
    %get3A_2025 = arith.index_cast %get3A_2024 : i32 to index
    %get3A_2026 = arith.constant 112 : index
    %get3A_2027 = tpu.vector_load %arg8[%get3A_2025, %get3A_2026] {strides = array<i32>} : memref<32x128xf32, #tpu.memory_space<vmem>>, vector<1x16xf32>,
    %get3A_2028 = vector.shape_cast %get3A_2027 : vector<1x16xf32> to vector<16xf32>
    %mul3A_2029 = arith.mulf %get3A_2023, %get3A_2028 : vector<16xf32>
    %add3A_2030 = arith.addf %add3A_2018, %mul3A_2029 : vector<16xf32>
    %swap3A_2031 = arith.constant 19 : i32
    %swap3A_2032 = arith.index_cast %swap3A_2031 : i32 to index
    %swap3A_2033 = arith.constant 0 : index
    %swap3A_2034 = tpu.vector_load %arg9[%swap3A_2032, %swap3A_2033] {strides = array<i32>} : memref<32x16xf32, #tpu.memory_space<vmem>>, vector<1x16xf32>,
    %swap3A_2035 = vector.shape_cast %swap3A_2034 : vector<1x16xf32> to vector<16xf32>
    %swap3A_2036 = vector.shape_cast %add3A_2030 : vector<16xf32> to vector<1x16xf32>
    tpu.vector_store %arg9[%swap3A_2032, %swap3A_2033], %swap3A_2036 {strides = array<i32>} : memref<32x16xf32, #tpu.memory_space<vmem>>, vector<1x16xf32>,
    %get3A_2037 = arith.constant 20 : i32
    %get3A_2038 = arith.index_cast %get3A_2037 : i32 to index
    %get3A_2039 = arith.constant 0 : index
    %get3A_2040 = tpu.vector_load %arg7[%get3A_2038, %get3A_2039] {strides = array<i32>} : memref<32x128xf32, #tpu.memory_space<vmem>>, vector<1x16xf32>,
    %get3A_2041 = vector.shape_cast %get3A_2040 : vector<1x16xf32> to vector<16xf32>
    %get3A_2042 = arith.constant 20 : i32
    %get3A_2043 = arith.index_cast %get3A_2042 : i32 to index
    %get3A_2044 = arith.constant 0 : index
    %get3A_2045 = tpu.vector_load %arg8[%get3A_2043, %get3A_2044] {strides = array<i32>} : memref<32x128xf32, #tpu.memory_space<vmem>>, vector<1x16xf32>,
    %get3A_2046 = vector.shape_cast %get3A_2045 : vector<1x16xf32> to vector<16xf32>
    %mul3A_2047 = arith.mulf %get3A_2041, %get3A_2046 : vector<16xf32>
    %get3A_2048 = arith.constant 20 : i32
    %get3A_2049 = arith.index_cast %get3A_2048 : i32 to index
    %get3A_2050 = arith.constant 16 : index
    %get3A_2051 = tpu.vector_load %arg7[%get3A_2049, %get3A_2050] {strides = array<i32>} : memref<32x128xf32, #tpu.memory_space<vmem>>, vector<1x16xf32>,
    %get3A_2052 = vector.shape_cast %get3A_2051 : vector<1x16xf32> to vector<16xf32>
    %get3A_2053 = arith.constant 20 : i32
    %get3A_2054 = arith.index_cast %get3A_2053 : i32 to index
    %get3A_2055 = arith.constant 16 : index
    %get3A_2056 = tpu.vector_load %arg8[%get3A_2054, %get3A_2055] {strides = array<i32>} : memref<32x128xf32, #tpu.memory_space<vmem>>, vector<1x16xf32>,
    %get3A_2057 = vector.shape_cast %get3A_2056 : vector<1x16xf32> to vector<16xf32>
    %mul3A_2058 = arith.mulf %get3A_2052, %get3A_2057 : vector<16xf32>
    %add3A_2059 = arith.addf %mul3A_2047, %mul3A_2058 : vector<16xf32>
    %get3A_2060 = arith.constant 20 : i32
    %get3A_2061 = arith.index_cast %get3A_2060 : i32 to index
    %get3A_2062 = arith.constant 32 : index
    %get3A_2063 = tpu.vector_load %arg7[%get3A_2061, %get3A_2062] {strides = array<i32>} : memref<32x128xf32, #tpu.memory_space<vmem>>, vector<1x16xf32>,
    %get3A_2064 = vector.shape_cast %get3A_2063 : vector<1x16xf32> to vector<16xf32>
    %get3A_2065 = arith.constant 20 : i32
    %get3A_2066 = arith.index_cast %get3A_2065 : i32 to index
    %get3A_2067 = arith.constant 32 : index
    %get3A_2068 = tpu.vector_load %arg8[%get3A_2066, %get3A_2067] {strides = array<i32>} : memref<32x128xf32, #tpu.memory_space<vmem>>, vector<1x16xf32>,
    %get3A_2069 = vector.shape_cast %get3A_2068 : vector<1x16xf32> to vector<16xf32>
    %mul3A_2070 = arith.mulf %get3A_2064, %get3A_2069 : vector<16xf32>
    %add3A_2071 = arith.addf %add3A_2059, %mul3A_2070 : vector<16xf32>
    %get3A_2072 = arith.constant 20 : i32
    %get3A_2073 = arith.index_cast %get3A_2072 : i32 to index
    %get3A_2074 = arith.constant 48 : index
    %get3A_2075 = tpu.vector_load %arg7[%get3A_2073, %get3A_2074] {strides = array<i32>} : memref<32x128xf32, #tpu.memory_space<vmem>>, vector<1x16xf32>,
    %get3A_2076 = vector.shape_cast %get3A_2075 : vector<1x16xf32> to vector<16xf32>
    %get3A_2077 = arith.constant 20 : i32
    %get3A_2078 = arith.index_cast %get3A_2077 : i32 to index
    %get3A_2079 = arith.constant 48 : index
    %get3A_2080 = tpu.vector_load %arg8[%get3A_2078, %get3A_2079] {strides = array<i32>} : memref<32x128xf32, #tpu.memory_space<vmem>>, vector<1x16xf32>,
    %get3A_2081 = vector.shape_cast %get3A_2080 : vector<1x16xf32> to vector<16xf32>
    %mul3A_2082 = arith.mulf %get3A_2076, %get3A_2081 : vector<16xf32>
    %add3A_2083 = arith.addf %add3A_2071, %mul3A_2082 : vector<16xf32>
    %get3A_2084 = arith.constant 20 : i32
    %get3A_2085 = arith.index_cast %get3A_2084 : i32 to index
    %get3A_2086 = arith.constant 64 : index
    %get3A_2087 = tpu.vector_load %arg7[%get3A_2085, %get3A_2086] {strides = array<i32>} : memref<32x128xf32, #tpu.memory_space<vmem>>, vector<1x16xf32>,
    %get3A_2088 = vector.shape_cast %get3A_2087 : vector<1x16xf32> to vector<16xf32>
    %get3A_2089 = arith.constant 20 : i32
    %get3A_2090 = arith.index_cast %get3A_2089 : i32 to index
    %get3A_2091 = arith.constant 64 : index
    %get3A_2092 = tpu.vector_load %arg8[%get3A_2090, %get3A_2091] {strides = array<i32>} : memref<32x128xf32, #tpu.memory_space<vmem>>, vector<1x16xf32>,
    %get3A_2093 = vector.shape_cast %get3A_2092 : vector<1x16xf32> to vector<16xf32>
    %mul3A_2094 = arith.mulf %get3A_2088, %get3A_2093 : vector<16xf32>
    %add3A_2095 = arith.addf %add3A_2083, %mul3A_2094 : vector<16xf32>
    %get3A_2096 = arith.constant 20 : i32
    %get3A_2097 = arith.index_cast %get3A_2096 : i32 to index
    %get3A_2098 = arith.constant 80 : index
    %get3A_2099 = tpu.vector_load %arg7[%get3A_2097, %get3A_2098] {strides = array<i32>} : memref<32x128xf32, #tpu.memory_space<vmem>>, vector<1x16xf32>,
    %get3A_2100 = vector.shape_cast %get3A_2099 : vector<1x16xf32> to vector<16xf32>
    %get3A_2101 = arith.constant 20 : i32
    %get3A_2102 = arith.index_cast %get3A_2101 : i32 to index
    %get3A_2103 = arith.constant 80 : index
    %get3A_2104 = tpu.vector_load %arg8[%get3A_2102, %get3A_2103] {strides = array<i32>} : memref<32x128xf32, #tpu.memory_space<vmem>>, vector<1x16xf32>,
    %get3A_2105 = vector.shape_cast %get3A_2104 : vector<1x16xf32> to vector<16xf32>
    %mul3A_2106 = arith.mulf %get3A_2100, %get3A_2105 : vector<16xf32>
    %add3A_2107 = arith.addf %add3A_2095, %mul3A_2106 : vector<16xf32>
    %get3A_2108 = arith.constant 20 : i32
    %get3A_2109 = arith.index_cast %get3A_2108 : i32 to index
    %get3A_2110 = arith.constant 96 : index
    %get3A_2111 = tpu.vector_load %arg7[%get3A_2109, %get3A_2110] {strides = array<i32>} : memref<32x128xf32, #tpu.memory_space<vmem>>, vector<1x16xf32>,
    %get3A_2112 = vector.shape_cast %get3A_2111 : vector<1x16xf32> to vector<16xf32>
    %get3A_2113 = arith.constant 20 : i32
    %get3A_2114 = arith.index_cast %get3A_2113 : i32 to index
    %get3A_2115 = arith.constant 96 : index
    %get3A_2116 = tpu.vector_load %arg8[%get3A_2114, %get3A_2115] {strides = array<i32>} : memref<32x128xf32, #tpu.memory_space<vmem>>, vector<1x16xf32>,
    %get3A_2117 = vector.shape_cast %get3A_2116 : vector<1x16xf32> to vector<16xf32>
    %mul3A_2118 = arith.mulf %get3A_2112, %get3A_2117 : vector<16xf32>
    %add3A_2119 = arith.addf %add3A_2107, %mul3A_2118 : vector<16xf32>
    %get3A_2120 = arith.constant 20 : i32
    %get3A_2121 = arith.index_cast %get3A_2120 : i32 to index
    %get3A_2122 = arith.constant 112 : index
    %get3A_2123 = tpu.vector_load %arg7[%get3A_2121, %get3A_2122] {strides = array<i32>} : memref<32x128xf32, #tpu.memory_space<vmem>>, vector<1x16xf32>,
    %get3A_2124 = vector.shape_cast %get3A_2123 : vector<1x16xf32> to vector<16xf32>
    %get3A_2125 = arith.constant 20 : i32
    %get3A_2126 = arith.index_cast %get3A_2125 : i32 to index
    %get3A_2127 = arith.constant 112 : index
    %get3A_2128 = tpu.vector_load %arg8[%get3A_2126, %get3A_2127] {strides = array<i32>} : memref<32x128xf32, #tpu.memory_space<vmem>>, vector<1x16xf32>,
    %get3A_2129 = vector.shape_cast %get3A_2128 : vector<1x16xf32> to vector<16xf32>
    %mul3A_2130 = arith.mulf %get3A_2124, %get3A_2129 : vector<16xf32>
    %add3A_2131 = arith.addf %add3A_2119, %mul3A_2130 : vector<16xf32>
    %swap3A_2132 = arith.constant 20 : i32
    %swap3A_2133 = arith.index_cast %swap3A_2132 : i32 to index
    %swap3A_2134 = arith.constant 0 : index
    %swap3A_2135 = tpu.vector_load %arg9[%swap3A_2133, %swap3A_2134] {strides = array<i32>} : memref<32x16xf32, #tpu.memory_space<vmem>>, vector<1x16xf32>,
    %swap3A_2136 = vector.shape_cast %swap3A_2135 : vector<1x16xf32> to vector<16xf32>
    %swap3A_2137 = vector.shape_cast %add3A_2131 : vector<16xf32> to vector<1x16xf32>
    tpu.vector_store %arg9[%swap3A_2133, %swap3A_2134], %swap3A_2137 {strides = array<i32>} : memref<32x16xf32, #tpu.memory_space<vmem>>, vector<1x16xf32>,
    %get3A_2138 = arith.constant 21 : i32
    %get3A_2139 = arith.index_cast %get3A_2138 : i32 to index
    %get3A_2140 = arith.constant 0 : index
    %get3A_2141 = tpu.vector_load %arg7[%get3A_2139, %get3A_2140] {strides = array<i32>} : memref<32x128xf32, #tpu.memory_space<vmem>>, vector<1x16xf32>,
    %get3A_2142 = vector.shape_cast %get3A_2141 : vector<1x16xf32> to vector<16xf32>
    %get3A_2143 = arith.constant 21 : i32
    %get3A_2144 = arith.index_cast %get3A_2143 : i32 to index
    %get3A_2145 = arith.constant 0 : index
    %get3A_2146 = tpu.vector_load %arg8[%get3A_2144, %get3A_2145] {strides = array<i32>} : memref<32x128xf32, #tpu.memory_space<vmem>>, vector<1x16xf32>,
    %get3A_2147 = vector.shape_cast %get3A_2146 : vector<1x16xf32> to vector<16xf32>
    %mul3A_2148 = arith.mulf %get3A_2142, %get3A_2147 : vector<16xf32>
    %get3A_2149 = arith.constant 21 : i32
    %get3A_2150 = arith.index_cast %get3A_2149 : i32 to index
    %get3A_2151 = arith.constant 16 : index
    %get3A_2152 = tpu.vector_load %arg7[%get3A_2150, %get3A_2151] {strides = array<i32>} : memref<32x128xf32, #tpu.memory_space<vmem>>, vector<1x16xf32>,
    %get3A_2153 = vector.shape_cast %get3A_2152 : vector<1x16xf32> to vector<16xf32>
    %get3A_2154 = arith.constant 21 : i32
    %get3A_2155 = arith.index_cast %get3A_2154 : i32 to index
    %get3A_2156 = arith.constant 16 : index
    %get3A_2157 = tpu.vector_load %arg8[%get3A_2155, %get3A_2156] {strides = array<i32>} : memref<32x128xf32, #tpu.memory_space<vmem>>, vector<1x16xf32>,
    %get3A_2158 = vector.shape_cast %get3A_2157 : vector<1x16xf32> to vector<16xf32>
    %mul3A_2159 = arith.mulf %get3A_2153, %get3A_2158 : vector<16xf32>
    %add3A_2160 = arith.addf %mul3A_2148, %mul3A_2159 : vector<16xf32>
    %get3A_2161 = arith.constant 21 : i32
    %get3A_2162 = arith.index_cast %get3A_2161 : i32 to index
    %get3A_2163 = arith.constant 32 : index
    %get3A_2164 = tpu.vector_load %arg7[%get3A_2162, %get3A_2163] {strides = array<i32>} : memref<32x128xf32, #tpu.memory_space<vmem>>, vector<1x16xf32>,
    %get3A_2165 = vector.shape_cast %get3A_2164 : vector<1x16xf32> to vector<16xf32>
    %get3A_2166 = arith.constant 21 : i32
    %get3A_2167 = arith.index_cast %get3A_2166 : i32 to index
    %get3A_2168 = arith.constant 32 : index
    %get3A_2169 = tpu.vector_load %arg8[%get3A_2167, %get3A_2168] {strides = array<i32>} : memref<32x128xf32, #tpu.memory_space<vmem>>, vector<1x16xf32>,
    %get3A_2170 = vector.shape_cast %get3A_2169 : vector<1x16xf32> to vector<16xf32>
    %mul3A_2171 = arith.mulf %get3A_2165, %get3A_2170 : vector<16xf32>
    %add3A_2172 = arith.addf %add3A_2160, %mul3A_2171 : vector<16xf32>
    %get3A_2173 = arith.constant 21 : i32
    %get3A_2174 = arith.index_cast %get3A_2173 : i32 to index
    %get3A_2175 = arith.constant 48 : index
    %get3A_2176 = tpu.vector_load %arg7[%get3A_2174, %get3A_2175] {strides = array<i32>} : memref<32x128xf32, #tpu.memory_space<vmem>>, vector<1x16xf32>,
    %get3A_2177 = vector.shape_cast %get3A_2176 : vector<1x16xf32> to vector<16xf32>
    %get3A_2178 = arith.constant 21 : i32
    %get3A_2179 = arith.index_cast %get3A_2178 : i32 to index
    %get3A_2180 = arith.constant 48 : index
    %get3A_2181 = tpu.vector_load %arg8[%get3A_2179, %get3A_2180] {strides = array<i32>} : memref<32x128xf32, #tpu.memory_space<vmem>>, vector<1x16xf32>,
    %get3A_2182 = vector.shape_cast %get3A_2181 : vector<1x16xf32> to vector<16xf32>
    %mul3A_2183 = arith.mulf %get3A_2177, %get3A_2182 : vector<16xf32>
    %add3A_2184 = arith.addf %add3A_2172, %mul3A_2183 : vector<16xf32>
    %get3A_2185 = arith.constant 21 : i32
    %get3A_2186 = arith.index_cast %get3A_2185 : i32 to index
    %get3A_2187 = arith.constant 64 : index
    %get3A_2188 = tpu.vector_load %arg7[%get3A_2186, %get3A_2187] {strides = array<i32>} : memref<32x128xf32, #tpu.memory_space<vmem>>, vector<1x16xf32>,
    %get3A_2189 = vector.shape_cast %get3A_2188 : vector<1x16xf32> to vector<16xf32>
    %get3A_2190 = arith.constant 21 : i32
    %get3A_2191 = arith.index_cast %get3A_2190 : i32 to index
    %get3A_2192 = arith.constant 64 : index
    %get3A_2193 = tpu.vector_load %arg8[%get3A_2191, %get3A_2192] {strides = array<i32>} : memref<32x128xf32, #tpu.memory_space<vmem>>, vector<1x16xf32>,
    %get3A_2194 = vector.shape_cast %get3A_2193 : vector<1x16xf32> to vector<16xf32>
    %mul3A_2195 = arith.mulf %get3A_2189, %get3A_2194 : vector<16xf32>
    %add3A_2196 = arith.addf %add3A_2184, %mul3A_2195 : vector<16xf32>
    %get3A_2197 = arith.constant 21 : i32
    %get3A_2198 = arith.index_cast %get3A_2197 : i32 to index
    %get3A_2199 = arith.constant 80 : index
    %get3A_2200 = tpu.vector_load %arg7[%get3A_2198, %get3A_2199] {strides = array<i32>} : memref<32x128xf32, #tpu.memory_space<vmem>>, vector<1x16xf32>,
    %get3A_2201 = vector.shape_cast %get3A_2200 : vector<1x16xf32> to vector<16xf32>
    %get3A_2202 = arith.constant 21 : i32
    %get3A_2203 = arith.index_cast %get3A_2202 : i32 to index
    %get3A_2204 = arith.constant 80 : index
    %get3A_2205 = tpu.vector_load %arg8[%get3A_2203, %get3A_2204] {strides = array<i32>} : memref<32x128xf32, #tpu.memory_space<vmem>>, vector<1x16xf32>,
    %get3A_2206 = vector.shape_cast %get3A_2205 : vector<1x16xf32> to vector<16xf32>
    %mul3A_2207 = arith.mulf %get3A_2201, %get3A_2206 : vector<16xf32>
    %add3A_2208 = arith.addf %add3A_2196, %mul3A_2207 : vector<16xf32>
    %get3A_2209 = arith.constant 21 : i32
    %get3A_2210 = arith.index_cast %get3A_2209 : i32 to index
    %get3A_2211 = arith.constant 96 : index
    %get3A_2212 = tpu.vector_load %arg7[%get3A_2210, %get3A_2211] {strides = array<i32>} : memref<32x128xf32, #tpu.memory_space<vmem>>, vector<1x16xf32>,
    %get3A_2213 = vector.shape_cast %get3A_2212 : vector<1x16xf32> to vector<16xf32>
    %get3A_2214 = arith.constant 21 : i32
    %get3A_2215 = arith.index_cast %get3A_2214 : i32 to index
    %get3A_2216 = arith.constant 96 : index
    %get3A_2217 = tpu.vector_load %arg8[%get3A_2215, %get3A_2216] {strides = array<i32>} : memref<32x128xf32, #tpu.memory_space<vmem>>, vector<1x16xf32>,
    %get3A_2218 = vector.shape_cast %get3A_2217 : vector<1x16xf32> to vector<16xf32>
    %mul3A_2219 = arith.mulf %get3A_2213, %get3A_2218 : vector<16xf32>
    %add3A_2220 = arith.addf %add3A_2208, %mul3A_2219 : vector<16xf32>
    %get3A_2221 = arith.constant 21 : i32
    %get3A_2222 = arith.index_cast %get3A_2221 : i32 to index
    %get3A_2223 = arith.constant 112 : index
    %get3A_2224 = tpu.vector_load %arg7[%get3A_2222, %get3A_2223] {strides = array<i32>} : memref<32x128xf32, #tpu.memory_space<vmem>>, vector<1x16xf32>,
    %get3A_2225 = vector.shape_cast %get3A_2224 : vector<1x16xf32> to vector<16xf32>
    %get3A_2226 = arith.constant 21 : i32
    %get3A_2227 = arith.index_cast %get3A_2226 : i32 to index
    %get3A_2228 = arith.constant 112 : index
    %get3A_2229 = tpu.vector_load %arg8[%get3A_2227, %get3A_2228] {strides = array<i32>} : memref<32x128xf32, #tpu.memory_space<vmem>>, vector<1x16xf32>,
    %get3A_2230 = vector.shape_cast %get3A_2229 : vector<1x16xf32> to vector<16xf32>
    %mul3A_2231 = arith.mulf %get3A_2225, %get3A_2230 : vector<16xf32>
    %add3A_2232 = arith.addf %add3A_2220, %mul3A_2231 : vector<16xf32>
    %swap3A_2233 = arith.constant 21 : i32
    %swap3A_2234 = arith.index_cast %swap3A_2233 : i32 to index
    %swap3A_2235 = arith.constant 0 : index
    %swap3A_2236 = tpu.vector_load %arg9[%swap3A_2234, %swap3A_2235] {strides = array<i32>} : memref<32x16xf32, #tpu.memory_space<vmem>>, vector<1x16xf32>,
    %swap3A_2237 = vector.shape_cast %swap3A_2236 : vector<1x16xf32> to vector<16xf32>
    %swap3A_2238 = vector.shape_cast %add3A_2232 : vector<16xf32> to vector<1x16xf32>
    tpu.vector_store %arg9[%swap3A_2234, %swap3A_2235], %swap3A_2238 {strides = array<i32>} : memref<32x16xf32, #tpu.memory_space<vmem>>, vector<1x16xf32>,
    %get3A_2239 = arith.constant 22 : i32
    %get3A_2240 = arith.index_cast %get3A_2239 : i32 to index
    %get3A_2241 = arith.constant 0 : index
    %get3A_2242 = tpu.vector_load %arg7[%get3A_2240, %get3A_2241] {strides = array<i32>} : memref<32x128xf32, #tpu.memory_space<vmem>>, vector<1x16xf32>,
    %get3A_2243 = vector.shape_cast %get3A_2242 : vector<1x16xf32> to vector<16xf32>
    %get3A_2244 = arith.constant 22 : i32
    %get3A_2245 = arith.index_cast %get3A_2244 : i32 to index
    %get3A_2246 = arith.constant 0 : index
    %get3A_2247 = tpu.vector_load %arg8[%get3A_2245, %get3A_2246] {strides = array<i32>} : memref<32x128xf32, #tpu.memory_space<vmem>>, vector<1x16xf32>,
    %get3A_2248 = vector.shape_cast %get3A_2247 : vector<1x16xf32> to vector<16xf32>
    %mul3A_2249 = arith.mulf %get3A_2243, %get3A_2248 : vector<16xf32>
    %get3A_2250 = arith.constant 22 : i32
    %get3A_2251 = arith.index_cast %get3A_2250 : i32 to index
    %get3A_2252 = arith.constant 16 : index
    %get3A_2253 = tpu.vector_load %arg7[%get3A_2251, %get3A_2252] {strides = array<i32>} : memref<32x128xf32, #tpu.memory_space<vmem>>, vector<1x16xf32>,
    %get3A_2254 = vector.shape_cast %get3A_2253 : vector<1x16xf32> to vector<16xf32>
    %get3A_2255 = arith.constant 22 : i32
    %get3A_2256 = arith.index_cast %get3A_2255 : i32 to index
    %get3A_2257 = arith.constant 16 : index
    %get3A_2258 = tpu.vector_load %arg8[%get3A_2256, %get3A_2257] {strides = array<i32>} : memref<32x128xf32, #tpu.memory_space<vmem>>, vector<1x16xf32>,
    %get3A_2259 = vector.shape_cast %get3A_2258 : vector<1x16xf32> to vector<16xf32>
    %mul3A_2260 = arith.mulf %get3A_2254, %get3A_2259 : vector<16xf32>
    %add3A_2261 = arith.addf %mul3A_2249, %mul3A_2260 : vector<16xf32>
    %get3A_2262 = arith.constant 22 : i32
    %get3A_2263 = arith.index_cast %get3A_2262 : i32 to index
    %get3A_2264 = arith.constant 32 : index
    %get3A_2265 = tpu.vector_load %arg7[%get3A_2263, %get3A_2264] {strides = array<i32>} : memref<32x128xf32, #tpu.memory_space<vmem>>, vector<1x16xf32>,
    %get3A_2266 = vector.shape_cast %get3A_2265 : vector<1x16xf32> to vector<16xf32>
    %get3A_2267 = arith.constant 22 : i32
    %get3A_2268 = arith.index_cast %get3A_2267 : i32 to index
    %get3A_2269 = arith.constant 32 : index
    %get3A_2270 = tpu.vector_load %arg8[%get3A_2268, %get3A_2269] {strides = array<i32>} : memref<32x128xf32, #tpu.memory_space<vmem>>, vector<1x16xf32>,
    %get3A_2271 = vector.shape_cast %get3A_2270 : vector<1x16xf32> to vector<16xf32>
    %mul3A_2272 = arith.mulf %get3A_2266, %get3A_2271 : vector<16xf32>
    %add3A_2273 = arith.addf %add3A_2261, %mul3A_2272 : vector<16xf32>
    %get3A_2274 = arith.constant 22 : i32
    %get3A_2275 = arith.index_cast %get3A_2274 : i32 to index
    %get3A_2276 = arith.constant 48 : index
    %get3A_2277 = tpu.vector_load %arg7[%get3A_2275, %get3A_2276] {strides = array<i32>} : memref<32x128xf32, #tpu.memory_space<vmem>>, vector<1x16xf32>,
    %get3A_2278 = vector.shape_cast %get3A_2277 : vector<1x16xf32> to vector<16xf32>
    %get3A_2279 = arith.constant 22 : i32
    %get3A_2280 = arith.index_cast %get3A_2279 : i32 to index
    %get3A_2281 = arith.constant 48 : index
    %get3A_2282 = tpu.vector_load %arg8[%get3A_2280, %get3A_2281] {strides = array<i32>} : memref<32x128xf32, #tpu.memory_space<vmem>>, vector<1x16xf32>,
    %get3A_2283 = vector.shape_cast %get3A_2282 : vector<1x16xf32> to vector<16xf32>
    %mul3A_2284 = arith.mulf %get3A_2278, %get3A_2283 : vector<16xf32>
    %add3A_2285 = arith.addf %add3A_2273, %mul3A_2284 : vector<16xf32>
    %get3A_2286 = arith.constant 22 : i32
    %get3A_2287 = arith.index_cast %get3A_2286 : i32 to index
    %get3A_2288 = arith.constant 64 : index
    %get3A_2289 = tpu.vector_load %arg7[%get3A_2287, %get3A_2288] {strides = array<i32>} : memref<32x128xf32, #tpu.memory_space<vmem>>, vector<1x16xf32>,
    %get3A_2290 = vector.shape_cast %get3A_2289 : vector<1x16xf32> to vector<16xf32>
    %get3A_2291 = arith.constant 22 : i32
    %get3A_2292 = arith.index_cast %get3A_2291 : i32 to index
    %get3A_2293 = arith.constant 64 : index
    %get3A_2294 = tpu.vector_load %arg8[%get3A_2292, %get3A_2293] {strides = array<i32>} : memref<32x128xf32, #tpu.memory_space<vmem>>, vector<1x16xf32>,
    %get3A_2295 = vector.shape_cast %get3A_2294 : vector<1x16xf32> to vector<16xf32>
    %mul3A_2296 = arith.mulf %get3A_2290, %get3A_2295 : vector<16xf32>
    %add3A_2297 = arith.addf %add3A_2285, %mul3A_2296 : vector<16xf32>
    %get3A_2298 = arith.constant 22 : i32
    %get3A_2299 = arith.index_cast %get3A_2298 : i32 to index
    %get3A_2300 = arith.constant 80 : index
    %get3A_2301 = tpu.vector_load %arg7[%get3A_2299, %get3A_2300] {strides = array<i32>} : memref<32x128xf32, #tpu.memory_space<vmem>>, vector<1x16xf32>,
    %get3A_2302 = vector.shape_cast %get3A_2301 : vector<1x16xf32> to vector<16xf32>
    %get3A_2303 = arith.constant 22 : i32
    %get3A_2304 = arith.index_cast %get3A_2303 : i32 to index
    %get3A_2305 = arith.constant 80 : index
    %get3A_2306 = tpu.vector_load %arg8[%get3A_2304, %get3A_2305] {strides = array<i32>} : memref<32x128xf32, #tpu.memory_space<vmem>>, vector<1x16xf32>,
    %get3A_2307 = vector.shape_cast %get3A_2306 : vector<1x16xf32> to vector<16xf32>
    %mul3A_2308 = arith.mulf %get3A_2302, %get3A_2307 : vector<16xf32>
    %add3A_2309 = arith.addf %add3A_2297, %mul3A_2308 : vector<16xf32>
    %get3A_2310 = arith.constant 22 : i32
    %get3A_2311 = arith.index_cast %get3A_2310 : i32 to index
    %get3A_2312 = arith.constant 96 : index
    %get3A_2313 = tpu.vector_load %arg7[%get3A_2311, %get3A_2312] {strides = array<i32>} : memref<32x128xf32, #tpu.memory_space<vmem>>, vector<1x16xf32>,
    %get3A_2314 = vector.shape_cast %get3A_2313 : vector<1x16xf32> to vector<16xf32>
    %get3A_2315 = arith.constant 22 : i32
    %get3A_2316 = arith.index_cast %get3A_2315 : i32 to index
    %get3A_2317 = arith.constant 96 : index
    %get3A_2318 = tpu.vector_load %arg8[%get3A_2316, %get3A_2317] {strides = array<i32>} : memref<32x128xf32, #tpu.memory_space<vmem>>, vector<1x16xf32>,
    %get3A_2319 = vector.shape_cast %get3A_2318 : vector<1x16xf32> to vector<16xf32>
    %mul3A_2320 = arith.mulf %get3A_2314, %get3A_2319 : vector<16xf32>
    %add3A_2321 = arith.addf %add3A_2309, %mul3A_2320 : vector<16xf32>
    %get3A_2322 = arith.constant 22 : i32
    %get3A_2323 = arith.index_cast %get3A_2322 : i32 to index
    %get3A_2324 = arith.constant 112 : index
    %get3A_2325 = tpu.vector_load %arg7[%get3A_2323, %get3A_2324] {strides = array<i32>} : memref<32x128xf32, #tpu.memory_space<vmem>>, vector<1x16xf32>,
    %get3A_2326 = vector.shape_cast %get3A_2325 : vector<1x16xf32> to vector<16xf32>
    %get3A_2327 = arith.constant 22 : i32
    %get3A_2328 = arith.index_cast %get3A_2327 : i32 to index
    %get3A_2329 = arith.constant 112 : index
    %get3A_2330 = tpu.vector_load %arg8[%get3A_2328, %get3A_2329] {strides = array<i32>} : memref<32x128xf32, #tpu.memory_space<vmem>>, vector<1x16xf32>,
    %get3A_2331 = vector.shape_cast %get3A_2330 : vector<1x16xf32> to vector<16xf32>
    %mul3A_2332 = arith.mulf %get3A_2326, %get3A_2331 : vector<16xf32>
    %add3A_2333 = arith.addf %add3A_2321, %mul3A_2332 : vector<16xf32>
    %swap3A_2334 = arith.constant 22 : i32
    %swap3A_2335 = arith.index_cast %swap3A_2334 : i32 to index
    %swap3A_2336 = arith.constant 0 : index
    %swap3A_2337 = tpu.vector_load %arg9[%swap3A_2335, %swap3A_2336] {strides = array<i32>} : memref<32x16xf32, #tpu.memory_space<vmem>>, vector<1x16xf32>,
    %swap3A_2338 = vector.shape_cast %swap3A_2337 : vector<1x16xf32> to vector<16xf32>
    %swap3A_2339 = vector.shape_cast %add3A_2333 : vector<16xf32> to vector<1x16xf32>
    tpu.vector_store %arg9[%swap3A_2335, %swap3A_2336], %swap3A_2339 {strides = array<i32>} : memref<32x16xf32, #tpu.memory_space<vmem>>, vector<1x16xf32>,
    %get3A_2340 = arith.constant 23 : i32
    %get3A_2341 = arith.index_cast %get3A_2340 : i32 to index
    %get3A_2342 = arith.constant 0 : index
    %get3A_2343 = tpu.vector_load %arg7[%get3A_2341, %get3A_2342] {strides = array<i32>} : memref<32x128xf32, #tpu.memory_space<vmem>>, vector<1x16xf32>,
    %get3A_2344 = vector.shape_cast %get3A_2343 : vector<1x16xf32> to vector<16xf32>
    %get3A_2345 = arith.constant 23 : i32
    %get3A_2346 = arith.index_cast %get3A_2345 : i32 to index
    %get3A_2347 = arith.constant 0 : index
    %get3A_2348 = tpu.vector_load %arg8[%get3A_2346, %get3A_2347] {strides = array<i32>} : memref<32x128xf32, #tpu.memory_space<vmem>>, vector<1x16xf32>,
    %get3A_2349 = vector.shape_cast %get3A_2348 : vector<1x16xf32> to vector<16xf32>
    %mul3A_2350 = arith.mulf %get3A_2344, %get3A_2349 : vector<16xf32>
    %get3A_2351 = arith.constant 23 : i32
    %get3A_2352 = arith.index_cast %get3A_2351 : i32 to index
    %get3A_2353 = arith.constant 16 : index
    %get3A_2354 = tpu.vector_load %arg7[%get3A_2352, %get3A_2353] {strides = array<i32>} : memref<32x128xf32, #tpu.memory_space<vmem>>, vector<1x16xf32>,
    %get3A_2355 = vector.shape_cast %get3A_2354 : vector<1x16xf32> to vector<16xf32>
    %get3A_2356 = arith.constant 23 : i32
    %get3A_2357 = arith.index_cast %get3A_2356 : i32 to index
    %get3A_2358 = arith.constant 16 : index
    %get3A_2359 = tpu.vector_load %arg8[%get3A_2357, %get3A_2358] {strides = array<i32>} : memref<32x128xf32, #tpu.memory_space<vmem>>, vector<1x16xf32>,
    %get3A_2360 = vector.shape_cast %get3A_2359 : vector<1x16xf32> to vector<16xf32>
    %mul3A_2361 = arith.mulf %get3A_2355, %get3A_2360 : vector<16xf32>
    %add3A_2362 = arith.addf %mul3A_2350, %mul3A_2361 : vector<16xf32>
    %get3A_2363 = arith.constant 23 : i32
    %get3A_2364 = arith.index_cast %get3A_2363 : i32 to index
    %get3A_2365 = arith.constant 32 : index
    %get3A_2366 = tpu.vector_load %arg7[%get3A_2364, %get3A_2365] {strides = array<i32>} : memref<32x128xf32, #tpu.memory_space<vmem>>, vector<1x16xf32>,
    %get3A_2367 = vector.shape_cast %get3A_2366 : vector<1x16xf32> to vector<16xf32>
    %get3A_2368 = arith.constant 23 : i32
    %get3A_2369 = arith.index_cast %get3A_2368 : i32 to index
    %get3A_2370 = arith.constant 32 : index
    %get3A_2371 = tpu.vector_load %arg8[%get3A_2369, %get3A_2370] {strides = array<i32>} : memref<32x128xf32, #tpu.memory_space<vmem>>, vector<1x16xf32>,
    %get3A_2372 = vector.shape_cast %get3A_2371 : vector<1x16xf32> to vector<16xf32>
    %mul3A_2373 = arith.mulf %get3A_2367, %get3A_2372 : vector<16xf32>
    %add3A_2374 = arith.addf %add3A_2362, %mul3A_2373 : vector<16xf32>
    %get3A_2375 = arith.constant 23 : i32
    %get3A_2376 = arith.index_cast %get3A_2375 : i32 to index
    %get3A_2377 = arith.constant 48 : index
    %get3A_2378 = tpu.vector_load %arg7[%get3A_2376, %get3A_2377] {strides = array<i32>} : memref<32x128xf32, #tpu.memory_space<vmem>>, vector<1x16xf32>,
    %get3A_2379 = vector.shape_cast %get3A_2378 : vector<1x16xf32> to vector<16xf32>
    %get3A_2380 = arith.constant 23 : i32
    %get3A_2381 = arith.index_cast %get3A_2380 : i32 to index
    %get3A_2382 = arith.constant 48 : index
    %get3A_2383 = tpu.vector_load %arg8[%get3A_2381, %get3A_2382] {strides = array<i32>} : memref<32x128xf32, #tpu.memory_space<vmem>>, vector<1x16xf32>,
    %get3A_2384 = vector.shape_cast %get3A_2383 : vector<1x16xf32> to vector<16xf32>
    %mul3A_2385 = arith.mulf %get3A_2379, %get3A_2384 : vector<16xf32>
    %add3A_2386 = arith.addf %add3A_2374, %mul3A_2385 : vector<16xf32>
    %get3A_2387 = arith.constant 23 : i32
    %get3A_2388 = arith.index_cast %get3A_2387 : i32 to index
    %get3A_2389 = arith.constant 64 : index
    %get3A_2390 = tpu.vector_load %arg7[%get3A_2388, %get3A_2389] {strides = array<i32>} : memref<32x128xf32, #tpu.memory_space<vmem>>, vector<1x16xf32>,
    %get3A_2391 = vector.shape_cast %get3A_2390 : vector<1x16xf32> to vector<16xf32>
    %get3A_2392 = arith.constant 23 : i32
    %get3A_2393 = arith.index_cast %get3A_2392 : i32 to index
    %get3A_2394 = arith.constant 64 : index
    %get3A_2395 = tpu.vector_load %arg8[%get3A_2393, %get3A_2394] {strides = array<i32>} : memref<32x128xf32, #tpu.memory_space<vmem>>, vector<1x16xf32>,
    %get3A_2396 = vector.shape_cast %get3A_2395 : vector<1x16xf32> to vector<16xf32>
    %mul3A_2397 = arith.mulf %get3A_2391, %get3A_2396 : vector<16xf32>
    %add3A_2398 = arith.addf %add3A_2386, %mul3A_2397 : vector<16xf32>
    %get3A_2399 = arith.constant 23 : i32
    %get3A_2400 = arith.index_cast %get3A_2399 : i32 to index
    %get3A_2401 = arith.constant 80 : index
    %get3A_2402 = tpu.vector_load %arg7[%get3A_2400, %get3A_2401] {strides = array<i32>} : memref<32x128xf32, #tpu.memory_space<vmem>>, vector<1x16xf32>,
    %get3A_2403 = vector.shape_cast %get3A_2402 : vector<1x16xf32> to vector<16xf32>
    %get3A_2404 = arith.constant 23 : i32
    %get3A_2405 = arith.index_cast %get3A_2404 : i32 to index
    %get3A_2406 = arith.constant 80 : index
    %get3A_2407 = tpu.vector_load %arg8[%get3A_2405, %get3A_2406] {strides = array<i32>} : memref<32x128xf32, #tpu.memory_space<vmem>>, vector<1x16xf32>,
    %get3A_2408 = vector.shape_cast %get3A_2407 : vector<1x16xf32> to vector<16xf32>
    %mul3A_2409 = arith.mulf %get3A_2403, %get3A_2408 : vector<16xf32>
    %add3A_2410 = arith.addf %add3A_2398, %mul3A_2409 : vector<16xf32>
    %get3A_2411 = arith.constant 23 : i32
    %get3A_2412 = arith.index_cast %get3A_2411 : i32 to index
    %get3A_2413 = arith.constant 96 : index
    %get3A_2414 = tpu.vector_load %arg7[%get3A_2412, %get3A_2413] {strides = array<i32>} : memref<32x128xf32, #tpu.memory_space<vmem>>, vector<1x16xf32>,
    %get3A_2415 = vector.shape_cast %get3A_2414 : vector<1x16xf32> to vector<16xf32>
    %get3A_2416 = arith.constant 23 : i32
    %get3A_2417 = arith.index_cast %get3A_2416 : i32 to index
    %get3A_2418 = arith.constant 96 : index
    %get3A_2419 = tpu.vector_load %arg8[%get3A_2417, %get3A_2418] {strides = array<i32>} : memref<32x128xf32, #tpu.memory_space<vmem>>, vector<1x16xf32>,
    %get3A_2420 = vector.shape_cast %get3A_2419 : vector<1x16xf32> to vector<16xf32>
    %mul3A_2421 = arith.mulf %get3A_2415, %get3A_2420 : vector<16xf32>
    %add3A_2422 = arith.addf %add3A_2410, %mul3A_2421 : vector<16xf32>
    %get3A_2423 = arith.constant 23 : i32
    %get3A_2424 = arith.index_cast %get3A_2423 : i32 to index
    %get3A_2425 = arith.constant 112 : index
    %get3A_2426 = tpu.vector_load %arg7[%get3A_2424, %get3A_2425] {strides = array<i32>} : memref<32x128xf32, #tpu.memory_space<vmem>>, vector<1x16xf32>,
    %get3A_2427 = vector.shape_cast %get3A_2426 : vector<1x16xf32> to vector<16xf32>
    %get3A_2428 = arith.constant 23 : i32
    %get3A_2429 = arith.index_cast %get3A_2428 : i32 to index
    %get3A_2430 = arith.constant 112 : index
    %get3A_2431 = tpu.vector_load %arg8[%get3A_2429, %get3A_2430] {strides = array<i32>} : memref<32x128xf32, #tpu.memory_space<vmem>>, vector<1x16xf32>,
    %get3A_2432 = vector.shape_cast %get3A_2431 : vector<1x16xf32> to vector<16xf32>
    %mul3A_2433 = arith.mulf %get3A_2427, %get3A_2432 : vector<16xf32>
    %add3A_2434 = arith.addf %add3A_2422, %mul3A_2433 : vector<16xf32>
    %swap3A_2435 = arith.constant 23 : i32
    %swap3A_2436 = arith.index_cast %swap3A_2435 : i32 to index
    %swap3A_2437 = arith.constant 0 : index
    %swap3A_2438 = tpu.vector_load %arg9[%swap3A_2436, %swap3A_2437] {strides = array<i32>} : memref<32x16xf32, #tpu.memory_space<vmem>>, vector<1x16xf32>,
    %swap3A_2439 = vector.shape_cast %swap3A_2438 : vector<1x16xf32> to vector<16xf32>
    %swap3A_2440 = vector.shape_cast %add3A_2434 : vector<16xf32> to vector<1x16xf32>
    tpu.vector_store %arg9[%swap3A_2436, %swap3A_2437], %swap3A_2440 {strides = array<i32>} : memref<32x16xf32, #tpu.memory_space<vmem>>, vector<1x16xf32>,
    %get3A_2441 = arith.constant 24 : i32
    %get3A_2442 = arith.index_cast %get3A_2441 : i32 to index
    %get3A_2443 = arith.constant 0 : index
    %get3A_2444 = tpu.vector_load %arg7[%get3A_2442, %get3A_2443] {strides = array<i32>} : memref<32x128xf32, #tpu.memory_space<vmem>>, vector<1x16xf32>,
    %get3A_2445 = vector.shape_cast %get3A_2444 : vector<1x16xf32> to vector<16xf32>
    %get3A_2446 = arith.constant 24 : i32
    %get3A_2447 = arith.index_cast %get3A_2446 : i32 to index
    %get3A_2448 = arith.constant 0 : index
    %get3A_2449 = tpu.vector_load %arg8[%get3A_2447, %get3A_2448] {strides = array<i32>} : memref<32x128xf32, #tpu.memory_space<vmem>>, vector<1x16xf32>,
    %get3A_2450 = vector.shape_cast %get3A_2449 : vector<1x16xf32> to vector<16xf32>
    %mul3A_2451 = arith.mulf %get3A_2445, %get3A_2450 : vector<16xf32>
    %get3A_2452 = arith.constant 24 : i32
    %get3A_2453 = arith.index_cast %get3A_2452 : i32 to index
    %get3A_2454 = arith.constant 16 : index
    %get3A_2455 = tpu.vector_load %arg7[%get3A_2453, %get3A_2454] {strides = array<i32>} : memref<32x128xf32, #tpu.memory_space<vmem>>, vector<1x16xf32>,
    %get3A_2456 = vector.shape_cast %get3A_2455 : vector<1x16xf32> to vector<16xf32>
    %get3A_2457 = arith.constant 24 : i32
    %get3A_2458 = arith.index_cast %get3A_2457 : i32 to index
    %get3A_2459 = arith.constant 16 : index
    %get3A_2460 = tpu.vector_load %arg8[%get3A_2458, %get3A_2459] {strides = array<i32>} : memref<32x128xf32, #tpu.memory_space<vmem>>, vector<1x16xf32>,
    %get3A_2461 = vector.shape_cast %get3A_2460 : vector<1x16xf32> to vector<16xf32>
    %mul3A_2462 = arith.mulf %get3A_2456, %get3A_2461 : vector<16xf32>
    %add3A_2463 = arith.addf %mul3A_2451, %mul3A_2462 : vector<16xf32>
    %get3A_2464 = arith.constant 24 : i32
    %get3A_2465 = arith.index_cast %get3A_2464 : i32 to index
    %get3A_2466 = arith.constant 32 : index
    %get3A_2467 = tpu.vector_load %arg7[%get3A_2465, %get3A_2466] {strides = array<i32>} : memref<32x128xf32, #tpu.memory_space<vmem>>, vector<1x16xf32>,
    %get3A_2468 = vector.shape_cast %get3A_2467 : vector<1x16xf32> to vector<16xf32>
    %get3A_2469 = arith.constant 24 : i32
    %get3A_2470 = arith.index_cast %get3A_2469 : i32 to index
    %get3A_2471 = arith.constant 32 : index
    %get3A_2472 = tpu.vector_load %arg8[%get3A_2470, %get3A_2471] {strides = array<i32>} : memref<32x128xf32, #tpu.memory_space<vmem>>, vector<1x16xf32>,
    %get3A_2473 = vector.shape_cast %get3A_2472 : vector<1x16xf32> to vector<16xf32>
    %mul3A_2474 = arith.mulf %get3A_2468, %get3A_2473 : vector<16xf32>
    %add3A_2475 = arith.addf %add3A_2463, %mul3A_2474 : vector<16xf32>
    %get3A_2476 = arith.constant 24 : i32
    %get3A_2477 = arith.index_cast %get3A_2476 : i32 to index
    %get3A_2478 = arith.constant 48 : index
    %get3A_2479 = tpu.vector_load %arg7[%get3A_2477, %get3A_2478] {strides = array<i32>} : memref<32x128xf32, #tpu.memory_space<vmem>>, vector<1x16xf32>,
    %get3A_2480 = vector.shape_cast %get3A_2479 : vector<1x16xf32> to vector<16xf32>
    %get3A_2481 = arith.constant 24 : i32
    %get3A_2482 = arith.index_cast %get3A_2481 : i32 to index
    %get3A_2483 = arith.constant 48 : index
    %get3A_2484 = tpu.vector_load %arg8[%get3A_2482, %get3A_2483] {strides = array<i32>} : memref<32x128xf32, #tpu.memory_space<vmem>>, vector<1x16xf32>,
    %get3A_2485 = vector.shape_cast %get3A_2484 : vector<1x16xf32> to vector<16xf32>
    %mul3A_2486 = arith.mulf %get3A_2480, %get3A_2485 : vector<16xf32>
    %add3A_2487 = arith.addf %add3A_2475, %mul3A_2486 : vector<16xf32>
    %get3A_2488 = arith.constant 24 : i32
    %get3A_2489 = arith.index_cast %get3A_2488 : i32 to index
    %get3A_2490 = arith.constant 64 : index
    %get3A_2491 = tpu.vector_load %arg7[%get3A_2489, %get3A_2490] {strides = array<i32>} : memref<32x128xf32, #tpu.memory_space<vmem>>, vector<1x16xf32>,
    %get3A_2492 = vector.shape_cast %get3A_2491 : vector<1x16xf32> to vector<16xf32>
    %get3A_2493 = arith.constant 24 : i32
    %get3A_2494 = arith.index_cast %get3A_2493 : i32 to index
    %get3A_2495 = arith.constant 64 : index
    %get3A_2496 = tpu.vector_load %arg8[%get3A_2494, %get3A_2495] {strides = array<i32>} : memref<32x128xf32, #tpu.memory_space<vmem>>, vector<1x16xf32>,
    %get3A_2497 = vector.shape_cast %get3A_2496 : vector<1x16xf32> to vector<16xf32>
    %mul3A_2498 = arith.mulf %get3A_2492, %get3A_2497 : vector<16xf32>
    %add3A_2499 = arith.addf %add3A_2487, %mul3A_2498 : vector<16xf32>
    %get3A_2500 = arith.constant 24 : i32
    %get3A_2501 = arith.index_cast %get3A_2500 : i32 to index
    %get3A_2502 = arith.constant 80 : index
    %get3A_2503 = tpu.vector_load %arg7[%get3A_2501, %get3A_2502] {strides = array<i32>} : memref<32x128xf32, #tpu.memory_space<vmem>>, vector<1x16xf32>,
    %get3A_2504 = vector.shape_cast %get3A_2503 : vector<1x16xf32> to vector<16xf32>
    %get3A_2505 = arith.constant 24 : i32
    %get3A_2506 = arith.index_cast %get3A_2505 : i32 to index
    %get3A_2507 = arith.constant 80 : index
    %get3A_2508 = tpu.vector_load %arg8[%get3A_2506, %get3A_2507] {strides = array<i32>} : memref<32x128xf32, #tpu.memory_space<vmem>>, vector<1x16xf32>,
    %get3A_2509 = vector.shape_cast %get3A_2508 : vector<1x16xf32> to vector<16xf32>
    %mul3A_2510 = arith.mulf %get3A_2504, %get3A_2509 : vector<16xf32>
    %add3A_2511 = arith.addf %add3A_2499, %mul3A_2510 : vector<16xf32>
    %get3A_2512 = arith.constant 24 : i32
    %get3A_2513 = arith.index_cast %get3A_2512 : i32 to index
    %get3A_2514 = arith.constant 96 : index
    %get3A_2515 = tpu.vector_load %arg7[%get3A_2513, %get3A_2514] {strides = array<i32>} : memref<32x128xf32, #tpu.memory_space<vmem>>, vector<1x16xf32>,
    %get3A_2516 = vector.shape_cast %get3A_2515 : vector<1x16xf32> to vector<16xf32>
    %get3A_2517 = arith.constant 24 : i32
    %get3A_2518 = arith.index_cast %get3A_2517 : i32 to index
    %get3A_2519 = arith.constant 96 : index
    %get3A_2520 = tpu.vector_load %arg8[%get3A_2518, %get3A_2519] {strides = array<i32>} : memref<32x128xf32, #tpu.memory_space<vmem>>, vector<1x16xf32>,
    %get3A_2521 = vector.shape_cast %get3A_2520 : vector<1x16xf32> to vector<16xf32>
    %mul3A_2522 = arith.mulf %get3A_2516, %get3A_2521 : vector<16xf32>
    %add3A_2523 = arith.addf %add3A_2511, %mul3A_2522 : vector<16xf32>
    %get3A_2524 = arith.constant 24 : i32
    %get3A_2525 = arith.index_cast %get3A_2524 : i32 to index
    %get3A_2526 = arith.constant 112 : index
    %get3A_2527 = tpu.vector_load %arg7[%get3A_2525, %get3A_2526] {strides = array<i32>} : memref<32x128xf32, #tpu.memory_space<vmem>>, vector<1x16xf32>,
    %get3A_2528 = vector.shape_cast %get3A_2527 : vector<1x16xf32> to vector<16xf32>
    %get3A_2529 = arith.constant 24 : i32
    %get3A_2530 = arith.index_cast %get3A_2529 : i32 to index
    %get3A_2531 = arith.constant 112 : index
    %get3A_2532 = tpu.vector_load %arg8[%get3A_2530, %get3A_2531] {strides = array<i32>} : memref<32x128xf32, #tpu.memory_space<vmem>>, vector<1x16xf32>,
    %get3A_2533 = vector.shape_cast %get3A_2532 : vector<1x16xf32> to vector<16xf32>
    %mul3A_2534 = arith.mulf %get3A_2528, %get3A_2533 : vector<16xf32>
    %add3A_2535 = arith.addf %add3A_2523, %mul3A_2534 : vector<16xf32>
    %swap3A_2536 = arith.constant 24 : i32
    %swap3A_2537 = arith.index_cast %swap3A_2536 : i32 to index
    %swap3A_2538 = arith.constant 0 : index
    %swap3A_2539 = tpu.vector_load %arg9[%swap3A_2537, %swap3A_2538] {strides = array<i32>} : memref<32x16xf32, #tpu.memory_space<vmem>>, vector<1x16xf32>,
    %swap3A_2540 = vector.shape_cast %swap3A_2539 : vector<1x16xf32> to vector<16xf32>
    %swap3A_2541 = vector.shape_cast %add3A_2535 : vector<16xf32> to vector<1x16xf32>
    tpu.vector_store %arg9[%swap3A_2537, %swap3A_2538], %swap3A_2541 {strides = array<i32>} : memref<32x16xf32, #tpu.memory_space<vmem>>, vector<1x16xf32>,
    %get3A_2542 = arith.constant 25 : i32
    %get3A_2543 = arith.index_cast %get3A_2542 : i32 to index
    %get3A_2544 = arith.constant 0 : index
    %get3A_2545 = tpu.vector_load %arg7[%get3A_2543, %get3A_2544] {strides = array<i32>} : memref<32x128xf32, #tpu.memory_space<vmem>>, vector<1x16xf32>,
    %get3A_2546 = vector.shape_cast %get3A_2545 : vector<1x16xf32> to vector<16xf32>
    %get3A_2547 = arith.constant 25 : i32
    %get3A_2548 = arith.index_cast %get3A_2547 : i32 to index
    %get3A_2549 = arith.constant 0 : index
    %get3A_2550 = tpu.vector_load %arg8[%get3A_2548, %get3A_2549] {strides = array<i32>} : memref<32x128xf32, #tpu.memory_space<vmem>>, vector<1x16xf32>,
    %get3A_2551 = vector.shape_cast %get3A_2550 : vector<1x16xf32> to vector<16xf32>
    %mul3A_2552 = arith.mulf %get3A_2546, %get3A_2551 : vector<16xf32>
    %get3A_2553 = arith.constant 25 : i32
    %get3A_2554 = arith.index_cast %get3A_2553 : i32 to index
    %get3A_2555 = arith.constant 16 : index
    %get3A_2556 = tpu.vector_load %arg7[%get3A_2554, %get3A_2555] {strides = array<i32>} : memref<32x128xf32, #tpu.memory_space<vmem>>, vector<1x16xf32>,
    %get3A_2557 = vector.shape_cast %get3A_2556 : vector<1x16xf32> to vector<16xf32>
    %get3A_2558 = arith.constant 25 : i32
    %get3A_2559 = arith.index_cast %get3A_2558 : i32 to index
    %get3A_2560 = arith.constant 16 : index
    %get3A_2561 = tpu.vector_load %arg8[%get3A_2559, %get3A_2560] {strides = array<i32>} : memref<32x128xf32, #tpu.memory_space<vmem>>, vector<1x16xf32>,
    %get3A_2562 = vector.shape_cast %get3A_2561 : vector<1x16xf32> to vector<16xf32>
    %mul3A_2563 = arith.mulf %get3A_2557, %get3A_2562 : vector<16xf32>
    %add3A_2564 = arith.addf %mul3A_2552, %mul3A_2563 : vector<16xf32>
    %get3A_2565 = arith.constant 25 : i32
    %get3A_2566 = arith.index_cast %get3A_2565 : i32 to index
    %get3A_2567 = arith.constant 32 : index
    %get3A_2568 = tpu.vector_load %arg7[%get3A_2566, %get3A_2567] {strides = array<i32>} : memref<32x128xf32, #tpu.memory_space<vmem>>, vector<1x16xf32>,
    %get3A_2569 = vector.shape_cast %get3A_2568 : vector<1x16xf32> to vector<16xf32>
    %get3A_2570 = arith.constant 25 : i32
    %get3A_2571 = arith.index_cast %get3A_2570 : i32 to index
    %get3A_2572 = arith.constant 32 : index
    %get3A_2573 = tpu.vector_load %arg8[%get3A_2571, %get3A_2572] {strides = array<i32>} : memref<32x128xf32, #tpu.memory_space<vmem>>, vector<1x16xf32>,
    %get3A_2574 = vector.shape_cast %get3A_2573 : vector<1x16xf32> to vector<16xf32>
    %mul3A_2575 = arith.mulf %get3A_2569, %get3A_2574 : vector<16xf32>
    %add3A_2576 = arith.addf %add3A_2564, %mul3A_2575 : vector<16xf32>
    %get3A_2577 = arith.constant 25 : i32
    %get3A_2578 = arith.index_cast %get3A_2577 : i32 to index
    %get3A_2579 = arith.constant 48 : index
    %get3A_2580 = tpu.vector_load %arg7[%get3A_2578, %get3A_2579] {strides = array<i32>} : memref<32x128xf32, #tpu.memory_space<vmem>>, vector<1x16xf32>,
    %get3A_2581 = vector.shape_cast %get3A_2580 : vector<1x16xf32> to vector<16xf32>
    %get3A_2582 = arith.constant 25 : i32
    %get3A_2583 = arith.index_cast %get3A_2582 : i32 to index
    %get3A_2584 = arith.constant 48 : index
    %get3A_2585 = tpu.vector_load %arg8[%get3A_2583, %get3A_2584] {strides = array<i32>} : memref<32x128xf32, #tpu.memory_space<vmem>>, vector<1x16xf32>,
    %get3A_2586 = vector.shape_cast %get3A_2585 : vector<1x16xf32> to vector<16xf32>
    %mul3A_2587 = arith.mulf %get3A_2581, %get3A_2586 : vector<16xf32>
    %add3A_2588 = arith.addf %add3A_2576, %mul3A_2587 : vector<16xf32>
    %get3A_2589 = arith.constant 25 : i32
    %get3A_2590 = arith.index_cast %get3A_2589 : i32 to index
    %get3A_2591 = arith.constant 64 : index
    %get3A_2592 = tpu.vector_load %arg7[%get3A_2590, %get3A_2591] {strides = array<i32>} : memref<32x128xf32, #tpu.memory_space<vmem>>, vector<1x16xf32>,
    %get3A_2593 = vector.shape_cast %get3A_2592 : vector<1x16xf32> to vector<16xf32>
    %get3A_2594 = arith.constant 25 : i32
    %get3A_2595 = arith.index_cast %get3A_2594 : i32 to index
    %get3A_2596 = arith.constant 64 : index
    %get3A_2597 = tpu.vector_load %arg8[%get3A_2595, %get3A_2596] {strides = array<i32>} : memref<32x128xf32, #tpu.memory_space<vmem>>, vector<1x16xf32>,
    %get3A_2598 = vector.shape_cast %get3A_2597 : vector<1x16xf32> to vector<16xf32>
    %mul3A_2599 = arith.mulf %get3A_2593, %get3A_2598 : vector<16xf32>
    %add3A_2600 = arith.addf %add3A_2588, %mul3A_2599 : vector<16xf32>
    %get3A_2601 = arith.constant 25 : i32
    %get3A_2602 = arith.index_cast %get3A_2601 : i32 to index
    %get3A_2603 = arith.constant 80 : index
    %get3A_2604 = tpu.vector_load %arg7[%get3A_2602, %get3A_2603] {strides = array<i32>} : memref<32x128xf32, #tpu.memory_space<vmem>>, vector<1x16xf32>,
    %get3A_2605 = vector.shape_cast %get3A_2604 : vector<1x16xf32> to vector<16xf32>
    %get3A_2606 = arith.constant 25 : i32
    %get3A_2607 = arith.index_cast %get3A_2606 : i32 to index
    %get3A_2608 = arith.constant 80 : index
    %get3A_2609 = tpu.vector_load %arg8[%get3A_2607, %get3A_2608] {strides = array<i32>} : memref<32x128xf32, #tpu.memory_space<vmem>>, vector<1x16xf32>,
    %get3A_2610 = vector.shape_cast %get3A_2609 : vector<1x16xf32> to vector<16xf32>
    %mul3A_2611 = arith.mulf %get3A_2605, %get3A_2610 : vector<16xf32>
    %add3A_2612 = arith.addf %add3A_2600, %mul3A_2611 : vector<16xf32>
    %get3A_2613 = arith.constant 25 : i32
    %get3A_2614 = arith.index_cast %get3A_2613 : i32 to index
    %get3A_2615 = arith.constant 96 : index
    %get3A_2616 = tpu.vector_load %arg7[%get3A_2614, %get3A_2615] {strides = array<i32>} : memref<32x128xf32, #tpu.memory_space<vmem>>, vector<1x16xf32>,
    %get3A_2617 = vector.shape_cast %get3A_2616 : vector<1x16xf32> to vector<16xf32>
    %get3A_2618 = arith.constant 25 : i32
    %get3A_2619 = arith.index_cast %get3A_2618 : i32 to index
    %get3A_2620 = arith.constant 96 : index
    %get3A_2621 = tpu.vector_load %arg8[%get3A_2619, %get3A_2620] {strides = array<i32>} : memref<32x128xf32, #tpu.memory_space<vmem>>, vector<1x16xf32>,
    %get3A_2622 = vector.shape_cast %get3A_2621 : vector<1x16xf32> to vector<16xf32>
    %mul3A_2623 = arith.mulf %get3A_2617, %get3A_2622 : vector<16xf32>
    %add3A_2624 = arith.addf %add3A_2612, %mul3A_2623 : vector<16xf32>
    %get3A_2625 = arith.constant 25 : i32
    %get3A_2626 = arith.index_cast %get3A_2625 : i32 to index
    %get3A_2627 = arith.constant 112 : index
    %get3A_2628 = tpu.vector_load %arg7[%get3A_2626, %get3A_2627] {strides = array<i32>} : memref<32x128xf32, #tpu.memory_space<vmem>>, vector<1x16xf32>,
    %get3A_2629 = vector.shape_cast %get3A_2628 : vector<1x16xf32> to vector<16xf32>
    %get3A_2630 = arith.constant 25 : i32
    %get3A_2631 = arith.index_cast %get3A_2630 : i32 to index
    %get3A_2632 = arith.constant 112 : index
    %get3A_2633 = tpu.vector_load %arg8[%get3A_2631, %get3A_2632] {strides = array<i32>} : memref<32x128xf32, #tpu.memory_space<vmem>>, vector<1x16xf32>,
    %get3A_2634 = vector.shape_cast %get3A_2633 : vector<1x16xf32> to vector<16xf32>
    %mul3A_2635 = arith.mulf %get3A_2629, %get3A_2634 : vector<16xf32>
    %add3A_2636 = arith.addf %add3A_2624, %mul3A_2635 : vector<16xf32>
    %swap3A_2637 = arith.constant 25 : i32
    %swap3A_2638 = arith.index_cast %swap3A_2637 : i32 to index
    %swap3A_2639 = arith.constant 0 : index
    %swap3A_2640 = tpu.vector_load %arg9[%swap3A_2638, %swap3A_2639] {strides = array<i32>} : memref<32x16xf32, #tpu.memory_space<vmem>>, vector<1x16xf32>,
    %swap3A_2641 = vector.shape_cast %swap3A_2640 : vector<1x16xf32> to vector<16xf32>
    %swap3A_2642 = vector.shape_cast %add3A_2636 : vector<16xf32> to vector<1x16xf32>
    tpu.vector_store %arg9[%swap3A_2638, %swap3A_2639], %swap3A_2642 {strides = array<i32>} : memref<32x16xf32, #tpu.memory_space<vmem>>, vector<1x16xf32>,
    %get3A_2643 = arith.constant 26 : i32
    %get3A_2644 = arith.index_cast %get3A_2643 : i32 to index
    %get3A_2645 = arith.constant 0 : index
    %get3A_2646 = tpu.vector_load %arg7[%get3A_2644, %get3A_2645] {strides = array<i32>} : memref<32x128xf32, #tpu.memory_space<vmem>>, vector<1x16xf32>,
    %get3A_2647 = vector.shape_cast %get3A_2646 : vector<1x16xf32> to vector<16xf32>
    %get3A_2648 = arith.constant 26 : i32
    %get3A_2649 = arith.index_cast %get3A_2648 : i32 to index
    %get3A_2650 = arith.constant 0 : index
    %get3A_2651 = tpu.vector_load %arg8[%get3A_2649, %get3A_2650] {strides = array<i32>} : memref<32x128xf32, #tpu.memory_space<vmem>>, vector<1x16xf32>,
    %get3A_2652 = vector.shape_cast %get3A_2651 : vector<1x16xf32> to vector<16xf32>
    %mul3A_2653 = arith.mulf %get3A_2647, %get3A_2652 : vector<16xf32>
    %get3A_2654 = arith.constant 26 : i32
    %get3A_2655 = arith.index_cast %get3A_2654 : i32 to index
    %get3A_2656 = arith.constant 16 : index
    %get3A_2657 = tpu.vector_load %arg7[%get3A_2655, %get3A_2656] {strides = array<i32>} : memref<32x128xf32, #tpu.memory_space<vmem>>, vector<1x16xf32>,
    %get3A_2658 = vector.shape_cast %get3A_2657 : vector<1x16xf32> to vector<16xf32>
    %get3A_2659 = arith.constant 26 : i32
    %get3A_2660 = arith.index_cast %get3A_2659 : i32 to index
    %get3A_2661 = arith.constant 16 : index
    %get3A_2662 = tpu.vector_load %arg8[%get3A_2660, %get3A_2661] {strides = array<i32>} : memref<32x128xf32, #tpu.memory_space<vmem>>, vector<1x16xf32>,
    %get3A_2663 = vector.shape_cast %get3A_2662 : vector<1x16xf32> to vector<16xf32>
    %mul3A_2664 = arith.mulf %get3A_2658, %get3A_2663 : vector<16xf32>
    %add3A_2665 = arith.addf %mul3A_2653, %mul3A_2664 : vector<16xf32>
    %get3A_2666 = arith.constant 26 : i32
    %get3A_2667 = arith.index_cast %get3A_2666 : i32 to index
    %get3A_2668 = arith.constant 32 : index
    %get3A_2669 = tpu.vector_load %arg7[%get3A_2667, %get3A_2668] {strides = array<i32>} : memref<32x128xf32, #tpu.memory_space<vmem>>, vector<1x16xf32>,
    %get3A_2670 = vector.shape_cast %get3A_2669 : vector<1x16xf32> to vector<16xf32>
    %get3A_2671 = arith.constant 26 : i32
    %get3A_2672 = arith.index_cast %get3A_2671 : i32 to index
    %get3A_2673 = arith.constant 32 : index
    %get3A_2674 = tpu.vector_load %arg8[%get3A_2672, %get3A_2673] {strides = array<i32>} : memref<32x128xf32, #tpu.memory_space<vmem>>, vector<1x16xf32>,
    %get3A_2675 = vector.shape_cast %get3A_2674 : vector<1x16xf32> to vector<16xf32>
    %mul3A_2676 = arith.mulf %get3A_2670, %get3A_2675 : vector<16xf32>
    %add3A_2677 = arith.addf %add3A_2665, %mul3A_2676 : vector<16xf32>
    %get3A_2678 = arith.constant 26 : i32
    %get3A_2679 = arith.index_cast %get3A_2678 : i32 to index
    %get3A_2680 = arith.constant 48 : index
    %get3A_2681 = tpu.vector_load %arg7[%get3A_2679, %get3A_2680] {strides = array<i32>} : memref<32x128xf32, #tpu.memory_space<vmem>>, vector<1x16xf32>,
    %get3A_2682 = vector.shape_cast %get3A_2681 : vector<1x16xf32> to vector<16xf32>
    %get3A_2683 = arith.constant 26 : i32
    %get3A_2684 = arith.index_cast %get3A_2683 : i32 to index
    %get3A_2685 = arith.constant 48 : index
    %get3A_2686 = tpu.vector_load %arg8[%get3A_2684, %get3A_2685] {strides = array<i32>} : memref<32x128xf32, #tpu.memory_space<vmem>>, vector<1x16xf32>,
    %get3A_2687 = vector.shape_cast %get3A_2686 : vector<1x16xf32> to vector<16xf32>
    %mul3A_2688 = arith.mulf %get3A_2682, %get3A_2687 : vector<16xf32>
    %add3A_2689 = arith.addf %add3A_2677, %mul3A_2688 : vector<16xf32>
    %get3A_2690 = arith.constant 26 : i32
    %get3A_2691 = arith.index_cast %get3A_2690 : i32 to index
    %get3A_2692 = arith.constant 64 : index
    %get3A_2693 = tpu.vector_load %arg7[%get3A_2691, %get3A_2692] {strides = array<i32>} : memref<32x128xf32, #tpu.memory_space<vmem>>, vector<1x16xf32>,
    %get3A_2694 = vector.shape_cast %get3A_2693 : vector<1x16xf32> to vector<16xf32>
    %get3A_2695 = arith.constant 26 : i32
    %get3A_2696 = arith.index_cast %get3A_2695 : i32 to index
    %get3A_2697 = arith.constant 64 : index
    %get3A_2698 = tpu.vector_load %arg8[%get3A_2696, %get3A_2697] {strides = array<i32>} : memref<32x128xf32, #tpu.memory_space<vmem>>, vector<1x16xf32>,
    %get3A_2699 = vector.shape_cast %get3A_2698 : vector<1x16xf32> to vector<16xf32>
    %mul3A_2700 = arith.mulf %get3A_2694, %get3A_2699 : vector<16xf32>
    %add3A_2701 = arith.addf %add3A_2689, %mul3A_2700 : vector<16xf32>
    %get3A_2702 = arith.constant 26 : i32
    %get3A_2703 = arith.index_cast %get3A_2702 : i32 to index
    %get3A_2704 = arith.constant 80 : index
    %get3A_2705 = tpu.vector_load %arg7[%get3A_2703, %get3A_2704] {strides = array<i32>} : memref<32x128xf32, #tpu.memory_space<vmem>>, vector<1x16xf32>,
    %get3A_2706 = vector.shape_cast %get3A_2705 : vector<1x16xf32> to vector<16xf32>
    %get3A_2707 = arith.constant 26 : i32
    %get3A_2708 = arith.index_cast %get3A_2707 : i32 to index
    %get3A_2709 = arith.constant 80 : index
    %get3A_2710 = tpu.vector_load %arg8[%get3A_2708, %get3A_2709] {strides = array<i32>} : memref<32x128xf32, #tpu.memory_space<vmem>>, vector<1x16xf32>,
    %get3A_2711 = vector.shape_cast %get3A_2710 : vector<1x16xf32> to vector<16xf32>
    %mul3A_2712 = arith.mulf %get3A_2706, %get3A_2711 : vector<16xf32>
    %add3A_2713 = arith.addf %add3A_2701, %mul3A_2712 : vector<16xf32>
    %get3A_2714 = arith.constant 26 : i32
    %get3A_2715 = arith.index_cast %get3A_2714 : i32 to index
    %get3A_2716 = arith.constant 96 : index
    %get3A_2717 = tpu.vector_load %arg7[%get3A_2715, %get3A_2716] {strides = array<i32>} : memref<32x128xf32, #tpu.memory_space<vmem>>, vector<1x16xf32>,
    %get3A_2718 = vector.shape_cast %get3A_2717 : vector<1x16xf32> to vector<16xf32>
    %get3A_2719 = arith.constant 26 : i32
    %get3A_2720 = arith.index_cast %get3A_2719 : i32 to index
    %get3A_2721 = arith.constant 96 : index
    %get3A_2722 = tpu.vector_load %arg8[%get3A_2720, %get3A_2721] {strides = array<i32>} : memref<32x128xf32, #tpu.memory_space<vmem>>, vector<1x16xf32>,
    %get3A_2723 = vector.shape_cast %get3A_2722 : vector<1x16xf32> to vector<16xf32>
    %mul3A_2724 = arith.mulf %get3A_2718, %get3A_2723 : vector<16xf32>
    %add3A_2725 = arith.addf %add3A_2713, %mul3A_2724 : vector<16xf32>
    %get3A_2726 = arith.constant 26 : i32
    %get3A_2727 = arith.index_cast %get3A_2726 : i32 to index
    %get3A_2728 = arith.constant 112 : index
    %get3A_2729 = tpu.vector_load %arg7[%get3A_2727, %get3A_2728] {strides = array<i32>} : memref<32x128xf32, #tpu.memory_space<vmem>>, vector<1x16xf32>,
    %get3A_2730 = vector.shape_cast %get3A_2729 : vector<1x16xf32> to vector<16xf32>
    %get3A_2731 = arith.constant 26 : i32
    %get3A_2732 = arith.index_cast %get3A_2731 : i32 to index
    %get3A_2733 = arith.constant 112 : index
    %get3A_2734 = tpu.vector_load %arg8[%get3A_2732, %get3A_2733] {strides = array<i32>} : memref<32x128xf32, #tpu.memory_space<vmem>>, vector<1x16xf32>,
    %get3A_2735 = vector.shape_cast %get3A_2734 : vector<1x16xf32> to vector<16xf32>
    %mul3A_2736 = arith.mulf %get3A_2730, %get3A_2735 : vector<16xf32>
    %add3A_2737 = arith.addf %add3A_2725, %mul3A_2736 : vector<16xf32>
    %swap3A_2738 = arith.constant 26 : i32
    %swap3A_2739 = arith.index_cast %swap3A_2738 : i32 to index
    %swap3A_2740 = arith.constant 0 : index
    %swap3A_2741 = tpu.vector_load %arg9[%swap3A_2739, %swap3A_2740] {strides = array<i32>} : memref<32x16xf32, #tpu.memory_space<vmem>>, vector<1x16xf32>,
    %swap3A_2742 = vector.shape_cast %swap3A_2741 : vector<1x16xf32> to vector<16xf32>
    %swap3A_2743 = vector.shape_cast %add3A_2737 : vector<16xf32> to vector<1x16xf32>
    tpu.vector_store %arg9[%swap3A_2739, %swap3A_2740], %swap3A_2743 {strides = array<i32>} : memref<32x16xf32, #tpu.memory_space<vmem>>, vector<1x16xf32>,
    %get3A_2744 = arith.constant 27 : i32
    %get3A_2745 = arith.index_cast %get3A_2744 : i32 to index
    %get3A_2746 = arith.constant 0 : index
    %get3A_2747 = tpu.vector_load %arg7[%get3A_2745, %get3A_2746] {strides = array<i32>} : memref<32x128xf32, #tpu.memory_space<vmem>>, vector<1x16xf32>,
    %get3A_2748 = vector.shape_cast %get3A_2747 : vector<1x16xf32> to vector<16xf32>
    %get3A_2749 = arith.constant 27 : i32
    %get3A_2750 = arith.index_cast %get3A_2749 : i32 to index
    %get3A_2751 = arith.constant 0 : index
    %get3A_2752 = tpu.vector_load %arg8[%get3A_2750, %get3A_2751] {strides = array<i32>} : memref<32x128xf32, #tpu.memory_space<vmem>>, vector<1x16xf32>,
    %get3A_2753 = vector.shape_cast %get3A_2752 : vector<1x16xf32> to vector<16xf32>
    %mul3A_2754 = arith.mulf %get3A_2748, %get3A_2753 : vector<16xf32>
    %get3A_2755 = arith.constant 27 : i32
    %get3A_2756 = arith.index_cast %get3A_2755 : i32 to index
    %get3A_2757 = arith.constant 16 : index
    %get3A_2758 = tpu.vector_load %arg7[%get3A_2756, %get3A_2757] {strides = array<i32>} : memref<32x128xf32, #tpu.memory_space<vmem>>, vector<1x16xf32>,
    %get3A_2759 = vector.shape_cast %get3A_2758 : vector<1x16xf32> to vector<16xf32>
    %get3A_2760 = arith.constant 27 : i32
    %get3A_2761 = arith.index_cast %get3A_2760 : i32 to index
    %get3A_2762 = arith.constant 16 : index
    %get3A_2763 = tpu.vector_load %arg8[%get3A_2761, %get3A_2762] {strides = array<i32>} : memref<32x128xf32, #tpu.memory_space<vmem>>, vector<1x16xf32>,
    %get3A_2764 = vector.shape_cast %get3A_2763 : vector<1x16xf32> to vector<16xf32>
    %mul3A_2765 = arith.mulf %get3A_2759, %get3A_2764 : vector<16xf32>
    %add3A_2766 = arith.addf %mul3A_2754, %mul3A_2765 : vector<16xf32>
    %get3A_2767 = arith.constant 27 : i32
    %get3A_2768 = arith.index_cast %get3A_2767 : i32 to index
    %get3A_2769 = arith.constant 32 : index
    %get3A_2770 = tpu.vector_load %arg7[%get3A_2768, %get3A_2769] {strides = array<i32>} : memref<32x128xf32, #tpu.memory_space<vmem>>, vector<1x16xf32>,
    %get3A_2771 = vector.shape_cast %get3A_2770 : vector<1x16xf32> to vector<16xf32>
    %get3A_2772 = arith.constant 27 : i32
    %get3A_2773 = arith.index_cast %get3A_2772 : i32 to index
    %get3A_2774 = arith.constant 32 : index
    %get3A_2775 = tpu.vector_load %arg8[%get3A_2773, %get3A_2774] {strides = array<i32>} : memref<32x128xf32, #tpu.memory_space<vmem>>, vector<1x16xf32>,
    %get3A_2776 = vector.shape_cast %get3A_2775 : vector<1x16xf32> to vector<16xf32>
    %mul3A_2777 = arith.mulf %get3A_2771, %get3A_2776 : vector<16xf32>
    %add3A_2778 = arith.addf %add3A_2766, %mul3A_2777 : vector<16xf32>
    %get3A_2779 = arith.constant 27 : i32
    %get3A_2780 = arith.index_cast %get3A_2779 : i32 to index
    %get3A_2781 = arith.constant 48 : index
    %get3A_2782 = tpu.vector_load %arg7[%get3A_2780, %get3A_2781] {strides = array<i32>} : memref<32x128xf32, #tpu.memory_space<vmem>>, vector<1x16xf32>,
    %get3A_2783 = vector.shape_cast %get3A_2782 : vector<1x16xf32> to vector<16xf32>
    %get3A_2784 = arith.constant 27 : i32
    %get3A_2785 = arith.index_cast %get3A_2784 : i32 to index
    %get3A_2786 = arith.constant 48 : index
    %get3A_2787 = tpu.vector_load %arg8[%get3A_2785, %get3A_2786] {strides = array<i32>} : memref<32x128xf32, #tpu.memory_space<vmem>>, vector<1x16xf32>,
    %get3A_2788 = vector.shape_cast %get3A_2787 : vector<1x16xf32> to vector<16xf32>
    %mul3A_2789 = arith.mulf %get3A_2783, %get3A_2788 : vector<16xf32>
    %add3A_2790 = arith.addf %add3A_2778, %mul3A_2789 : vector<16xf32>
    %get3A_2791 = arith.constant 27 : i32
    %get3A_2792 = arith.index_cast %get3A_2791 : i32 to index
    %get3A_2793 = arith.constant 64 : index
    %get3A_2794 = tpu.vector_load %arg7[%get3A_2792, %get3A_2793] {strides = array<i32>} : memref<32x128xf32, #tpu.memory_space<vmem>>, vector<1x16xf32>,
    %get3A_2795 = vector.shape_cast %get3A_2794 : vector<1x16xf32> to vector<16xf32>
    %get3A_2796 = arith.constant 27 : i32
    %get3A_2797 = arith.index_cast %get3A_2796 : i32 to index
    %get3A_2798 = arith.constant 64 : index
    %get3A_2799 = tpu.vector_load %arg8[%get3A_2797, %get3A_2798] {strides = array<i32>} : memref<32x128xf32, #tpu.memory_space<vmem>>, vector<1x16xf32>,
    %get3A_2800 = vector.shape_cast %get3A_2799 : vector<1x16xf32> to vector<16xf32>
    %mul3A_2801 = arith.mulf %get3A_2795, %get3A_2800 : vector<16xf32>
    %add3A_2802 = arith.addf %add3A_2790, %mul3A_2801 : vector<16xf32>
    %get3A_2803 = arith.constant 27 : i32
    %get3A_2804 = arith.index_cast %get3A_2803 : i32 to index
    %get3A_2805 = arith.constant 80 : index
    %get3A_2806 = tpu.vector_load %arg7[%get3A_2804, %get3A_2805] {strides = array<i32>} : memref<32x128xf32, #tpu.memory_space<vmem>>, vector<1x16xf32>,
    %get3A_2807 = vector.shape_cast %get3A_2806 : vector<1x16xf32> to vector<16xf32>
    %get3A_2808 = arith.constant 27 : i32
    %get3A_2809 = arith.index_cast %get3A_2808 : i32 to index
    %get3A_2810 = arith.constant 80 : index
    %get3A_2811 = tpu.vector_load %arg8[%get3A_2809, %get3A_2810] {strides = array<i32>} : memref<32x128xf32, #tpu.memory_space<vmem>>, vector<1x16xf32>,
    %get3A_2812 = vector.shape_cast %get3A_2811 : vector<1x16xf32> to vector<16xf32>
    %mul3A_2813 = arith.mulf %get3A_2807, %get3A_2812 : vector<16xf32>
    %add3A_2814 = arith.addf %add3A_2802, %mul3A_2813 : vector<16xf32>
    %get3A_2815 = arith.constant 27 : i32
    %get3A_2816 = arith.index_cast %get3A_2815 : i32 to index
    %get3A_2817 = arith.constant 96 : index
    %get3A_2818 = tpu.vector_load %arg7[%get3A_2816, %get3A_2817] {strides = array<i32>} : memref<32x128xf32, #tpu.memory_space<vmem>>, vector<1x16xf32>,
    %get3A_2819 = vector.shape_cast %get3A_2818 : vector<1x16xf32> to vector<16xf32>
    %get3A_2820 = arith.constant 27 : i32
    %get3A_2821 = arith.index_cast %get3A_2820 : i32 to index
    %get3A_2822 = arith.constant 96 : index
    %get3A_2823 = tpu.vector_load %arg8[%get3A_2821, %get3A_2822] {strides = array<i32>} : memref<32x128xf32, #tpu.memory_space<vmem>>, vector<1x16xf32>,
    %get3A_2824 = vector.shape_cast %get3A_2823 : vector<1x16xf32> to vector<16xf32>
    %mul3A_2825 = arith.mulf %get3A_2819, %get3A_2824 : vector<16xf32>
    %add3A_2826 = arith.addf %add3A_2814, %mul3A_2825 : vector<16xf32>
    %get3A_2827 = arith.constant 27 : i32
    %get3A_2828 = arith.index_cast %get3A_2827 : i32 to index
    %get3A_2829 = arith.constant 112 : index
    %get3A_2830 = tpu.vector_load %arg7[%get3A_2828, %get3A_2829] {strides = array<i32>} : memref<32x128xf32, #tpu.memory_space<vmem>>, vector<1x16xf32>,
    %get3A_2831 = vector.shape_cast %get3A_2830 : vector<1x16xf32> to vector<16xf32>
    %get3A_2832 = arith.constant 27 : i32
    %get3A_2833 = arith.index_cast %get3A_2832 : i32 to index
    %get3A_2834 = arith.constant 112 : index
    %get3A_2835 = tpu.vector_load %arg8[%get3A_2833, %get3A_2834] {strides = array<i32>} : memref<32x128xf32, #tpu.memory_space<vmem>>, vector<1x16xf32>,
    %get3A_2836 = vector.shape_cast %get3A_2835 : vector<1x16xf32> to vector<16xf32>
    %mul3A_2837 = arith.mulf %get3A_2831, %get3A_2836 : vector<16xf32>
    %add3A_2838 = arith.addf %add3A_2826, %mul3A_2837 : vector<16xf32>
    %swap3A_2839 = arith.constant 27 : i32
    %swap3A_2840 = arith.index_cast %swap3A_2839 : i32 to index
    %swap3A_2841 = arith.constant 0 : index
    %swap3A_2842 = tpu.vector_load %arg9[%swap3A_2840, %swap3A_2841] {strides = array<i32>} : memref<32x16xf32, #tpu.memory_space<vmem>>, vector<1x16xf32>,
    %swap3A_2843 = vector.shape_cast %swap3A_2842 : vector<1x16xf32> to vector<16xf32>
    %swap3A_2844 = vector.shape_cast %add3A_2838 : vector<16xf32> to vector<1x16xf32>
    tpu.vector_store %arg9[%swap3A_2840, %swap3A_2841], %swap3A_2844 {strides = array<i32>} : memref<32x16xf32, #tpu.memory_space<vmem>>, vector<1x16xf32>,
    %get3A_2845 = arith.constant 28 : i32
    %get3A_2846 = arith.index_cast %get3A_2845 : i32 to index
    %get3A_2847 = arith.constant 0 : index
    %get3A_2848 = tpu.vector_load %arg7[%get3A_2846, %get3A_2847] {strides = array<i32>} : memref<32x128xf32, #tpu.memory_space<vmem>>, vector<1x16xf32>,
    %get3A_2849 = vector.shape_cast %get3A_2848 : vector<1x16xf32> to vector<16xf32>
    %get3A_2850 = arith.constant 28 : i32
    %get3A_2851 = arith.index_cast %get3A_2850 : i32 to index
    %get3A_2852 = arith.constant 0 : index
    %get3A_2853 = tpu.vector_load %arg8[%get3A_2851, %get3A_2852] {strides = array<i32>} : memref<32x128xf32, #tpu.memory_space<vmem>>, vector<1x16xf32>,
    %get3A_2854 = vector.shape_cast %get3A_2853 : vector<1x16xf32> to vector<16xf32>
    %mul3A_2855 = arith.mulf %get3A_2849, %get3A_2854 : vector<16xf32>
    %get3A_2856 = arith.constant 28 : i32
    %get3A_2857 = arith.index_cast %get3A_2856 : i32 to index
    %get3A_2858 = arith.constant 16 : index
    %get3A_2859 = tpu.vector_load %arg7[%get3A_2857, %get3A_2858] {strides = array<i32>} : memref<32x128xf32, #tpu.memory_space<vmem>>, vector<1x16xf32>,
    %get3A_2860 = vector.shape_cast %get3A_2859 : vector<1x16xf32> to vector<16xf32>
    %get3A_2861 = arith.constant 28 : i32
    %get3A_2862 = arith.index_cast %get3A_2861 : i32 to index
    %get3A_2863 = arith.constant 16 : index
    %get3A_2864 = tpu.vector_load %arg8[%get3A_2862, %get3A_2863] {strides = array<i32>} : memref<32x128xf32, #tpu.memory_space<vmem>>, vector<1x16xf32>,
    %get3A_2865 = vector.shape_cast %get3A_2864 : vector<1x16xf32> to vector<16xf32>
    %mul3A_2866 = arith.mulf %get3A_2860, %get3A_2865 : vector<16xf32>
    %add3A_2867 = arith.addf %mul3A_2855, %mul3A_2866 : vector<16xf32>
    %get3A_2868 = arith.constant 28 : i32
    %get3A_2869 = arith.index_cast %get3A_2868 : i32 to index
    %get3A_2870 = arith.constant 32 : index
    %get3A_2871 = tpu.vector_load %arg7[%get3A_2869, %get3A_2870] {strides = array<i32>} : memref<32x128xf32, #tpu.memory_space<vmem>>, vector<1x16xf32>,
    %get3A_2872 = vector.shape_cast %get3A_2871 : vector<1x16xf32> to vector<16xf32>
    %get3A_2873 = arith.constant 28 : i32
    %get3A_2874 = arith.index_cast %get3A_2873 : i32 to index
    %get3A_2875 = arith.constant 32 : index
    %get3A_2876 = tpu.vector_load %arg8[%get3A_2874, %get3A_2875] {strides = array<i32>} : memref<32x128xf32, #tpu.memory_space<vmem>>, vector<1x16xf32>,
    %get3A_2877 = vector.shape_cast %get3A_2876 : vector<1x16xf32> to vector<16xf32>
    %mul3A_2878 = arith.mulf %get3A_2872, %get3A_2877 : vector<16xf32>
    %add3A_2879 = arith.addf %add3A_2867, %mul3A_2878 : vector<16xf32>
    %get3A_2880 = arith.constant 28 : i32
    %get3A_2881 = arith.index_cast %get3A_2880 : i32 to index
    %get3A_2882 = arith.constant 48 : index
    %get3A_2883 = tpu.vector_load %arg7[%get3A_2881, %get3A_2882] {strides = array<i32>} : memref<32x128xf32, #tpu.memory_space<vmem>>, vector<1x16xf32>,
    %get3A_2884 = vector.shape_cast %get3A_2883 : vector<1x16xf32> to vector<16xf32>
    %get3A_2885 = arith.constant 28 : i32
    %get3A_2886 = arith.index_cast %get3A_2885 : i32 to index
    %get3A_2887 = arith.constant 48 : index
    %get3A_2888 = tpu.vector_load %arg8[%get3A_2886, %get3A_2887] {strides = array<i32>} : memref<32x128xf32, #tpu.memory_space<vmem>>, vector<1x16xf32>,
    %get3A_2889 = vector.shape_cast %get3A_2888 : vector<1x16xf32> to vector<16xf32>
    %mul3A_2890 = arith.mulf %get3A_2884, %get3A_2889 : vector<16xf32>
    %add3A_2891 = arith.addf %add3A_2879, %mul3A_2890 : vector<16xf32>
    %get3A_2892 = arith.constant 28 : i32
    %get3A_2893 = arith.index_cast %get3A_2892 : i32 to index
    %get3A_2894 = arith.constant 64 : index
    %get3A_2895 = tpu.vector_load %arg7[%get3A_2893, %get3A_2894] {strides = array<i32>} : memref<32x128xf32, #tpu.memory_space<vmem>>, vector<1x16xf32>,
    %get3A_2896 = vector.shape_cast %get3A_2895 : vector<1x16xf32> to vector<16xf32>
    %get3A_2897 = arith.constant 28 : i32
    %get3A_2898 = arith.index_cast %get3A_2897 : i32 to index
    %get3A_2899 = arith.constant 64 : index
    %get3A_2900 = tpu.vector_load %arg8[%get3A_2898, %get3A_2899] {strides = array<i32>} : memref<32x128xf32, #tpu.memory_space<vmem>>, vector<1x16xf32>,
    %get3A_2901 = vector.shape_cast %get3A_2900 : vector<1x16xf32> to vector<16xf32>
    %mul3A_2902 = arith.mulf %get3A_2896, %get3A_2901 : vector<16xf32>
    %add3A_2903 = arith.addf %add3A_2891, %mul3A_2902 : vector<16xf32>
    %get3A_2904 = arith.constant 28 : i32
    %get3A_2905 = arith.index_cast %get3A_2904 : i32 to index
    %get3A_2906 = arith.constant 80 : index
    %get3A_2907 = tpu.vector_load %arg7[%get3A_2905, %get3A_2906] {strides = array<i32>} : memref<32x128xf32, #tpu.memory_space<vmem>>, vector<1x16xf32>,
    %get3A_2908 = vector.shape_cast %get3A_2907 : vector<1x16xf32> to vector<16xf32>
    %get3A_2909 = arith.constant 28 : i32
    %get3A_2910 = arith.index_cast %get3A_2909 : i32 to index
    %get3A_2911 = arith.constant 80 : index
    %get3A_2912 = tpu.vector_load %arg8[%get3A_2910, %get3A_2911] {strides = array<i32>} : memref<32x128xf32, #tpu.memory_space<vmem>>, vector<1x16xf32>,
    %get3A_2913 = vector.shape_cast %get3A_2912 : vector<1x16xf32> to vector<16xf32>
    %mul3A_2914 = arith.mulf %get3A_2908, %get3A_2913 : vector<16xf32>
    %add3A_2915 = arith.addf %add3A_2903, %mul3A_2914 : vector<16xf32>
    %get3A_2916 = arith.constant 28 : i32
    %get3A_2917 = arith.index_cast %get3A_2916 : i32 to index
    %get3A_2918 = arith.constant 96 : index
    %get3A_2919 = tpu.vector_load %arg7[%get3A_2917, %get3A_2918] {strides = array<i32>} : memref<32x128xf32, #tpu.memory_space<vmem>>, vector<1x16xf32>,
    %get3A_2920 = vector.shape_cast %get3A_2919 : vector<1x16xf32> to vector<16xf32>
    %get3A_2921 = arith.constant 28 : i32
    %get3A_2922 = arith.index_cast %get3A_2921 : i32 to index
    %get3A_2923 = arith.constant 96 : index
    %get3A_2924 = tpu.vector_load %arg8[%get3A_2922, %get3A_2923] {strides = array<i32>} : memref<32x128xf32, #tpu.memory_space<vmem>>, vector<1x16xf32>,
    %get3A_2925 = vector.shape_cast %get3A_2924 : vector<1x16xf32> to vector<16xf32>
    %mul3A_2926 = arith.mulf %get3A_2920, %get3A_2925 : vector<16xf32>
    %add3A_2927 = arith.addf %add3A_2915, %mul3A_2926 : vector<16xf32>
    %get3A_2928 = arith.constant 28 : i32
    %get3A_2929 = arith.index_cast %get3A_2928 : i32 to index
    %get3A_2930 = arith.constant 112 : index
    %get3A_2931 = tpu.vector_load %arg7[%get3A_2929, %get3A_2930] {strides = array<i32>} : memref<32x128xf32, #tpu.memory_space<vmem>>, vector<1x16xf32>,
    %get3A_2932 = vector.shape_cast %get3A_2931 : vector<1x16xf32> to vector<16xf32>
    %get3A_2933 = arith.constant 28 : i32
    %get3A_2934 = arith.index_cast %get3A_2933 : i32 to index
    %get3A_2935 = arith.constant 112 : index
    %get3A_2936 = tpu.vector_load %arg8[%get3A_2934, %get3A_2935] {strides = array<i32>} : memref<32x128xf32, #tpu.memory_space<vmem>>, vector<1x16xf32>,
    %get3A_2937 = vector.shape_cast %get3A_2936 : vector<1x16xf32> to vector<16xf32>
    %mul3A_2938 = arith.mulf %get3A_2932, %get3A_2937 : vector<16xf32>
    %add3A_2939 = arith.addf %add3A_2927, %mul3A_2938 : vector<16xf32>
    %swap3A_2940 = arith.constant 28 : i32
    %swap3A_2941 = arith.index_cast %swap3A_2940 : i32 to index
    %swap3A_2942 = arith.constant 0 : index
    %swap3A_2943 = tpu.vector_load %arg9[%swap3A_2941, %swap3A_2942] {strides = array<i32>} : memref<32x16xf32, #tpu.memory_space<vmem>>, vector<1x16xf32>,
    %swap3A_2944 = vector.shape_cast %swap3A_2943 : vector<1x16xf32> to vector<16xf32>
    %swap3A_2945 = vector.shape_cast %add3A_2939 : vector<16xf32> to vector<1x16xf32>
    tpu.vector_store %arg9[%swap3A_2941, %swap3A_2942], %swap3A_2945 {strides = array<i32>} : memref<32x16xf32, #tpu.memory_space<vmem>>, vector<1x16xf32>,
    %get3A_2946 = arith.constant 29 : i32
    %get3A_2947 = arith.index_cast %get3A_2946 : i32 to index
    %get3A_2948 = arith.constant 0 : index
    %get3A_2949 = tpu.vector_load %arg7[%get3A_2947, %get3A_2948] {strides = array<i32>} : memref<32x128xf32, #tpu.memory_space<vmem>>, vector<1x16xf32>,
    %get3A_2950 = vector.shape_cast %get3A_2949 : vector<1x16xf32> to vector<16xf32>
    %get3A_2951 = arith.constant 29 : i32
    %get3A_2952 = arith.index_cast %get3A_2951 : i32 to index
    %get3A_2953 = arith.constant 0 : index
    %get3A_2954 = tpu.vector_load %arg8[%get3A_2952, %get3A_2953] {strides = array<i32>} : memref<32x128xf32, #tpu.memory_space<vmem>>, vector<1x16xf32>,
    %get3A_2955 = vector.shape_cast %get3A_2954 : vector<1x16xf32> to vector<16xf32>
    %mul3A_2956 = arith.mulf %get3A_2950, %get3A_2955 : vector<16xf32>
    %get3A_2957 = arith.constant 29 : i32
    %get3A_2958 = arith.index_cast %get3A_2957 : i32 to index
    %get3A_2959 = arith.constant 16 : index
    %get3A_2960 = tpu.vector_load %arg7[%get3A_2958, %get3A_2959] {strides = array<i32>} : memref<32x128xf32, #tpu.memory_space<vmem>>, vector<1x16xf32>,
    %get3A_2961 = vector.shape_cast %get3A_2960 : vector<1x16xf32> to vector<16xf32>
    %get3A_2962 = arith.constant 29 : i32
    %get3A_2963 = arith.index_cast %get3A_2962 : i32 to index
    %get3A_2964 = arith.constant 16 : index
    %get3A_2965 = tpu.vector_load %arg8[%get3A_2963, %get3A_2964] {strides = array<i32>} : memref<32x128xf32, #tpu.memory_space<vmem>>, vector<1x16xf32>,
    %get3A_2966 = vector.shape_cast %get3A_2965 : vector<1x16xf32> to vector<16xf32>
    %mul3A_2967 = arith.mulf %get3A_2961, %get3A_2966 : vector<16xf32>
    %add3A_2968 = arith.addf %mul3A_2956, %mul3A_2967 : vector<16xf32>
    %get3A_2969 = arith.constant 29 : i32
    %get3A_2970 = arith.index_cast %get3A_2969 : i32 to index
    %get3A_2971 = arith.constant 32 : index
    %get3A_2972 = tpu.vector_load %arg7[%get3A_2970, %get3A_2971] {strides = array<i32>} : memref<32x128xf32, #tpu.memory_space<vmem>>, vector<1x16xf32>,
    %get3A_2973 = vector.shape_cast %get3A_2972 : vector<1x16xf32> to vector<16xf32>
    %get3A_2974 = arith.constant 29 : i32
    %get3A_2975 = arith.index_cast %get3A_2974 : i32 to index
    %get3A_2976 = arith.constant 32 : index
    %get3A_2977 = tpu.vector_load %arg8[%get3A_2975, %get3A_2976] {strides = array<i32>} : memref<32x128xf32, #tpu.memory_space<vmem>>, vector<1x16xf32>,
    %get3A_2978 = vector.shape_cast %get3A_2977 : vector<1x16xf32> to vector<16xf32>
    %mul3A_2979 = arith.mulf %get3A_2973, %get3A_2978 : vector<16xf32>
    %add3A_2980 = arith.addf %add3A_2968, %mul3A_2979 : vector<16xf32>
    %get3A_2981 = arith.constant 29 : i32
    %get3A_2982 = arith.index_cast %get3A_2981 : i32 to index
    %get3A_2983 = arith.constant 48 : index
    %get3A_2984 = tpu.vector_load %arg7[%get3A_2982, %get3A_2983] {strides = array<i32>} : memref<32x128xf32, #tpu.memory_space<vmem>>, vector<1x16xf32>,
    %get3A_2985 = vector.shape_cast %get3A_2984 : vector<1x16xf32> to vector<16xf32>
    %get3A_2986 = arith.constant 29 : i32
    %get3A_2987 = arith.index_cast %get3A_2986 : i32 to index
    %get3A_2988 = arith.constant 48 : index
    %get3A_2989 = tpu.vector_load %arg8[%get3A_2987, %get3A_2988] {strides = array<i32>} : memref<32x128xf32, #tpu.memory_space<vmem>>, vector<1x16xf32>,
    %get3A_2990 = vector.shape_cast %get3A_2989 : vector<1x16xf32> to vector<16xf32>
    %mul3A_2991 = arith.mulf %get3A_2985, %get3A_2990 : vector<16xf32>
    %add3A_2992 = arith.addf %add3A_2980, %mul3A_2991 : vector<16xf32>
    %get3A_2993 = arith.constant 29 : i32
    %get3A_2994 = arith.index_cast %get3A_2993 : i32 to index
    %get3A_2995 = arith.constant 64 : index
    %get3A_2996 = tpu.vector_load %arg7[%get3A_2994, %get3A_2995] {strides = array<i32>} : memref<32x128xf32, #tpu.memory_space<vmem>>, vector<1x16xf32>,
    %get3A_2997 = vector.shape_cast %get3A_2996 : vector<1x16xf32> to vector<16xf32>
    %get3A_2998 = arith.constant 29 : i32
    %get3A_2999 = arith.index_cast %get3A_2998 : i32 to index
    %get3A_3000 = arith.constant 64 : index
    %get3A_3001 = tpu.vector_load %arg8[%get3A_2999, %get3A_3000] {strides = array<i32>} : memref<32x128xf32, #tpu.memory_space<vmem>>, vector<1x16xf32>,
    %get3A_3002 = vector.shape_cast %get3A_3001 : vector<1x16xf32> to vector<16xf32>
    %mul3A_3003 = arith.mulf %get3A_2997, %get3A_3002 : vector<16xf32>
    %add3A_3004 = arith.addf %add3A_2992, %mul3A_3003 : vector<16xf32>
    %get3A_3005 = arith.constant 29 : i32
    %get3A_3006 = arith.index_cast %get3A_3005 : i32 to index
    %get3A_3007 = arith.constant 80 : index
    %get3A_3008 = tpu.vector_load %arg7[%get3A_3006, %get3A_3007] {strides = array<i32>} : memref<32x128xf32, #tpu.memory_space<vmem>>, vector<1x16xf32>,
    %get3A_3009 = vector.shape_cast %get3A_3008 : vector<1x16xf32> to vector<16xf32>
    %get3A_3010 = arith.constant 29 : i32
    %get3A_3011 = arith.index_cast %get3A_3010 : i32 to index
    %get3A_3012 = arith.constant 80 : index
    %get3A_3013 = tpu.vector_load %arg8[%get3A_3011, %get3A_3012] {strides = array<i32>} : memref<32x128xf32, #tpu.memory_space<vmem>>, vector<1x16xf32>,
    %get3A_3014 = vector.shape_cast %get3A_3013 : vector<1x16xf32> to vector<16xf32>
    %mul3A_3015 = arith.mulf %get3A_3009, %get3A_3014 : vector<16xf32>
    %add3A_3016 = arith.addf %add3A_3004, %mul3A_3015 : vector<16xf32>
    %get3A_3017 = arith.constant 29 : i32
    %get3A_3018 = arith.index_cast %get3A_3017 : i32 to index
    %get3A_3019 = arith.constant 96 : index
    %get3A_3020 = tpu.vector_load %arg7[%get3A_3018, %get3A_3019] {strides = array<i32>} : memref<32x128xf32, #tpu.memory_space<vmem>>, vector<1x16xf32>,
    %get3A_3021 = vector.shape_cast %get3A_3020 : vector<1x16xf32> to vector<16xf32>
    %get3A_3022 = arith.constant 29 : i32
    %get3A_3023 = arith.index_cast %get3A_3022 : i32 to index
    %get3A_3024 = arith.constant 96 : index
    %get3A_3025 = tpu.vector_load %arg8[%get3A_3023, %get3A_3024] {strides = array<i32>} : memref<32x128xf32, #tpu.memory_space<vmem>>, vector<1x16xf32>,
    %get3A_3026 = vector.shape_cast %get3A_3025 : vector<1x16xf32> to vector<16xf32>
    %mul3A_3027 = arith.mulf %get3A_3021, %get3A_3026 : vector<16xf32>
    %add3A_3028 = arith.addf %add3A_3016, %mul3A_3027 : vector<16xf32>
    %get3A_3029 = arith.constant 29 : i32
    %get3A_3030 = arith.index_cast %get3A_3029 : i32 to index
    %get3A_3031 = arith.constant 112 : index
    %get3A_3032 = tpu.vector_load %arg7[%get3A_3030, %get3A_3031] {strides = array<i32>} : memref<32x128xf32, #tpu.memory_space<vmem>>, vector<1x16xf32>,
    %get3A_3033 = vector.shape_cast %get3A_3032 : vector<1x16xf32> to vector<16xf32>
    %get3A_3034 = arith.constant 29 : i32
    %get3A_3035 = arith.index_cast %get3A_3034 : i32 to index
    %get3A_3036 = arith.constant 112 : index
    %get3A_3037 = tpu.vector_load %arg8[%get3A_3035, %get3A_3036] {strides = array<i32>} : memref<32x128xf32, #tpu.memory_space<vmem>>, vector<1x16xf32>,
    %get3A_3038 = vector.shape_cast %get3A_3037 : vector<1x16xf32> to vector<16xf32>
    %mul3A_3039 = arith.mulf %get3A_3033, %get3A_3038 : vector<16xf32>
    %add3A_3040 = arith.addf %add3A_3028, %mul3A_3039 : vector<16xf32>
    %swap3A_3041 = arith.constant 29 : i32
    %swap3A_3042 = arith.index_cast %swap3A_3041 : i32 to index
    %swap3A_3043 = arith.constant 0 : index
    %swap3A_3044 = tpu.vector_load %arg9[%swap3A_3042, %swap3A_3043] {strides = array<i32>} : memref<32x16xf32, #tpu.memory_space<vmem>>, vector<1x16xf32>,
    %swap3A_3045 = vector.shape_cast %swap3A_3044 : vector<1x16xf32> to vector<16xf32>
    %swap3A_3046 = vector.shape_cast %add3A_3040 : vector<16xf32> to vector<1x16xf32>
    tpu.vector_store %arg9[%swap3A_3042, %swap3A_3043], %swap3A_3046 {strides = array<i32>} : memref<32x16xf32, #tpu.memory_space<vmem>>, vector<1x16xf32>,
    %get3A_3047 = arith.constant 30 : i32
    %get3A_3048 = arith.index_cast %get3A_3047 : i32 to index
    %get3A_3049 = arith.constant 0 : index
    %get3A_3050 = tpu.vector_load %arg7[%get3A_3048, %get3A_3049] {strides = array<i32>} : memref<32x128xf32, #tpu.memory_space<vmem>>, vector<1x16xf32>,
    %get3A_3051 = vector.shape_cast %get3A_3050 : vector<1x16xf32> to vector<16xf32>
    %get3A_3052 = arith.constant 30 : i32
    %get3A_3053 = arith.index_cast %get3A_3052 : i32 to index
    %get3A_3054 = arith.constant 0 : index
    %get3A_3055 = tpu.vector_load %arg8[%get3A_3053, %get3A_3054] {strides = array<i32>} : memref<32x128xf32, #tpu.memory_space<vmem>>, vector<1x16xf32>,
    %get3A_3056 = vector.shape_cast %get3A_3055 : vector<1x16xf32> to vector<16xf32>
    %mul3A_3057 = arith.mulf %get3A_3051, %get3A_3056 : vector<16xf32>
    %get3A_3058 = arith.constant 30 : i32
    %get3A_3059 = arith.index_cast %get3A_3058 : i32 to index
    %get3A_3060 = arith.constant 16 : index
    %get3A_3061 = tpu.vector_load %arg7[%get3A_3059, %get3A_3060] {strides = array<i32>} : memref<32x128xf32, #tpu.memory_space<vmem>>, vector<1x16xf32>,
    %get3A_3062 = vector.shape_cast %get3A_3061 : vector<1x16xf32> to vector<16xf32>
    %get3A_3063 = arith.constant 30 : i32
    %get3A_3064 = arith.index_cast %get3A_3063 : i32 to index
    %get3A_3065 = arith.constant 16 : index
    %get3A_3066 = tpu.vector_load %arg8[%get3A_3064, %get3A_3065] {strides = array<i32>} : memref<32x128xf32, #tpu.memory_space<vmem>>, vector<1x16xf32>,
    %get3A_3067 = vector.shape_cast %get3A_3066 : vector<1x16xf32> to vector<16xf32>
    %mul3A_3068 = arith.mulf %get3A_3062, %get3A_3067 : vector<16xf32>
    %add3A_3069 = arith.addf %mul3A_3057, %mul3A_3068 : vector<16xf32>
    %get3A_3070 = arith.constant 30 : i32
    %get3A_3071 = arith.index_cast %get3A_3070 : i32 to index
    %get3A_3072 = arith.constant 32 : index
    %get3A_3073 = tpu.vector_load %arg7[%get3A_3071, %get3A_3072] {strides = array<i32>} : memref<32x128xf32, #tpu.memory_space<vmem>>, vector<1x16xf32>,
    %get3A_3074 = vector.shape_cast %get3A_3073 : vector<1x16xf32> to vector<16xf32>
    %get3A_3075 = arith.constant 30 : i32
    %get3A_3076 = arith.index_cast %get3A_3075 : i32 to index
    %get3A_3077 = arith.constant 32 : index
    %get3A_3078 = tpu.vector_load %arg8[%get3A_3076, %get3A_3077] {strides = array<i32>} : memref<32x128xf32, #tpu.memory_space<vmem>>, vector<1x16xf32>,
    %get3A_3079 = vector.shape_cast %get3A_3078 : vector<1x16xf32> to vector<16xf32>
    %mul3A_3080 = arith.mulf %get3A_3074, %get3A_3079 : vector<16xf32>
    %add3A_3081 = arith.addf %add3A_3069, %mul3A_3080 : vector<16xf32>
    %get3A_3082 = arith.constant 30 : i32
    %get3A_3083 = arith.index_cast %get3A_3082 : i32 to index
    %get3A_3084 = arith.constant 48 : index
    %get3A_3085 = tpu.vector_load %arg7[%get3A_3083, %get3A_3084] {strides = array<i32>} : memref<32x128xf32, #tpu.memory_space<vmem>>, vector<1x16xf32>,
    %get3A_3086 = vector.shape_cast %get3A_3085 : vector<1x16xf32> to vector<16xf32>
    %get3A_3087 = arith.constant 30 : i32
    %get3A_3088 = arith.index_cast %get3A_3087 : i32 to index
    %get3A_3089 = arith.constant 48 : index
    %get3A_3090 = tpu.vector_load %arg8[%get3A_3088, %get3A_3089] {strides = array<i32>} : memref<32x128xf32, #tpu.memory_space<vmem>>, vector<1x16xf32>,
    %get3A_3091 = vector.shape_cast %get3A_3090 : vector<1x16xf32> to vector<16xf32>
    %mul3A_3092 = arith.mulf %get3A_3086, %get3A_3091 : vector<16xf32>
    %add3A_3093 = arith.addf %add3A_3081, %mul3A_3092 : vector<16xf32>
    %get3A_3094 = arith.constant 30 : i32
    %get3A_3095 = arith.index_cast %get3A_3094 : i32 to index
    %get3A_3096 = arith.constant 64 : index
    %get3A_3097 = tpu.vector_load %arg7[%get3A_3095, %get3A_3096] {strides = array<i32>} : memref<32x128xf32, #tpu.memory_space<vmem>>, vector<1x16xf32>,
    %get3A_3098 = vector.shape_cast %get3A_3097 : vector<1x16xf32> to vector<16xf32>
    %get3A_3099 = arith.constant 30 : i32
    %get3A_3100 = arith.index_cast %get3A_3099 : i32 to index
    %get3A_3101 = arith.constant 64 : index
    %get3A_3102 = tpu.vector_load %arg8[%get3A_3100, %get3A_3101] {strides = array<i32>} : memref<32x128xf32, #tpu.memory_space<vmem>>, vector<1x16xf32>,
    %get3A_3103 = vector.shape_cast %get3A_3102 : vector<1x16xf32> to vector<16xf32>
    %mul3A_3104 = arith.mulf %get3A_3098, %get3A_3103 : vector<16xf32>
    %add3A_3105 = arith.addf %add3A_3093, %mul3A_3104 : vector<16xf32>
    %get3A_3106 = arith.constant 30 : i32
    %get3A_3107 = arith.index_cast %get3A_3106 : i32 to index
    %get3A_3108 = arith.constant 80 : index
    %get3A_3109 = tpu.vector_load %arg7[%get3A_3107, %get3A_3108] {strides = array<i32>} : memref<32x128xf32, #tpu.memory_space<vmem>>, vector<1x16xf32>,
    %get3A_3110 = vector.shape_cast %get3A_3109 : vector<1x16xf32> to vector<16xf32>
    %get3A_3111 = arith.constant 30 : i32
    %get3A_3112 = arith.index_cast %get3A_3111 : i32 to index
    %get3A_3113 = arith.constant 80 : index
    %get3A_3114 = tpu.vector_load %arg8[%get3A_3112, %get3A_3113] {strides = array<i32>} : memref<32x128xf32, #tpu.memory_space<vmem>>, vector<1x16xf32>,
    %get3A_3115 = vector.shape_cast %get3A_3114 : vector<1x16xf32> to vector<16xf32>
    %mul3A_3116 = arith.mulf %get3A_3110, %get3A_3115 : vector<16xf32>
    %add3A_3117 = arith.addf %add3A_3105, %mul3A_3116 : vector<16xf32>
    %get3A_3118 = arith.constant 30 : i32
    %get3A_3119 = arith.index_cast %get3A_3118 : i32 to index
    %get3A_3120 = arith.constant 96 : index
    %get3A_3121 = tpu.vector_load %arg7[%get3A_3119, %get3A_3120] {strides = array<i32>} : memref<32x128xf32, #tpu.memory_space<vmem>>, vector<1x16xf32>,
    %get3A_3122 = vector.shape_cast %get3A_3121 : vector<1x16xf32> to vector<16xf32>
    %get3A_3123 = arith.constant 30 : i32
    %get3A_3124 = arith.index_cast %get3A_3123 : i32 to index
    %get3A_3125 = arith.constant 96 : index
    %get3A_3126 = tpu.vector_load %arg8[%get3A_3124, %get3A_3125] {strides = array<i32>} : memref<32x128xf32, #tpu.memory_space<vmem>>, vector<1x16xf32>,
    %get3A_3127 = vector.shape_cast %get3A_3126 : vector<1x16xf32> to vector<16xf32>
    %mul3A_3128 = arith.mulf %get3A_3122, %get3A_3127 : vector<16xf32>
    %add3A_3129 = arith.addf %add3A_3117, %mul3A_3128 : vector<16xf32>
    %get3A_3130 = arith.constant 30 : i32
    %get3A_3131 = arith.index_cast %get3A_3130 : i32 to index
    %get3A_3132 = arith.constant 112 : index
    %get3A_3133 = tpu.vector_load %arg7[%get3A_3131, %get3A_3132] {strides = array<i32>} : memref<32x128xf32, #tpu.memory_space<vmem>>, vector<1x16xf32>,
    %get3A_3134 = vector.shape_cast %get3A_3133 : vector<1x16xf32> to vector<16xf32>
    %get3A_3135 = arith.constant 30 : i32
    %get3A_3136 = arith.index_cast %get3A_3135 : i32 to index
    %get3A_3137 = arith.constant 112 : index
    %get3A_3138 = tpu.vector_load %arg8[%get3A_3136, %get3A_3137] {strides = array<i32>} : memref<32x128xf32, #tpu.memory_space<vmem>>, vector<1x16xf32>,
    %get3A_3139 = vector.shape_cast %get3A_3138 : vector<1x16xf32> to vector<16xf32>
    %mul3A_3140 = arith.mulf %get3A_3134, %get3A_3139 : vector<16xf32>
    %add3A_3141 = arith.addf %add3A_3129, %mul3A_3140 : vector<16xf32>
    %swap3A_3142 = arith.constant 30 : i32
    %swap3A_3143 = arith.index_cast %swap3A_3142 : i32 to index
    %swap3A_3144 = arith.constant 0 : index
    %swap3A_3145 = tpu.vector_load %arg9[%swap3A_3143, %swap3A_3144] {strides = array<i32>} : memref<32x16xf32, #tpu.memory_space<vmem>>, vector<1x16xf32>,
    %swap3A_3146 = vector.shape_cast %swap3A_3145 : vector<1x16xf32> to vector<16xf32>
    %swap3A_3147 = vector.shape_cast %add3A_3141 : vector<16xf32> to vector<1x16xf32>
    tpu.vector_store %arg9[%swap3A_3143, %swap3A_3144], %swap3A_3147 {strides = array<i32>} : memref<32x16xf32, #tpu.memory_space<vmem>>, vector<1x16xf32>,
    %get3A_3148 = arith.constant 31 : i32
    %get3A_3149 = arith.index_cast %get3A_3148 : i32 to index
    %get3A_3150 = arith.constant 0 : index
    %get3A_3151 = tpu.vector_load %arg7[%get3A_3149, %get3A_3150] {strides = array<i32>} : memref<32x128xf32, #tpu.memory_space<vmem>>, vector<1x16xf32>,
    %get3A_3152 = vector.shape_cast %get3A_3151 : vector<1x16xf32> to vector<16xf32>
    %get3A_3153 = arith.constant 31 : i32
    %get3A_3154 = arith.index_cast %get3A_3153 : i32 to index
    %get3A_3155 = arith.constant 0 : index
    %get3A_3156 = tpu.vector_load %arg8[%get3A_3154, %get3A_3155] {strides = array<i32>} : memref<32x128xf32, #tpu.memory_space<vmem>>, vector<1x16xf32>,
    %get3A_3157 = vector.shape_cast %get3A_3156 : vector<1x16xf32> to vector<16xf32>
    %mul3A_3158 = arith.mulf %get3A_3152, %get3A_3157 : vector<16xf32>
    %get3A_3159 = arith.constant 31 : i32
    %get3A_3160 = arith.index_cast %get3A_3159 : i32 to index
    %get3A_3161 = arith.constant 16 : index
    %get3A_3162 = tpu.vector_load %arg7[%get3A_3160, %get3A_3161] {strides = array<i32>} : memref<32x128xf32, #tpu.memory_space<vmem>>, vector<1x16xf32>,
    %get3A_3163 = vector.shape_cast %get3A_3162 : vector<1x16xf32> to vector<16xf32>
    %get3A_3164 = arith.constant 31 : i32
    %get3A_3165 = arith.index_cast %get3A_3164 : i32 to index
    %get3A_3166 = arith.constant 16 : index
    %get3A_3167 = tpu.vector_load %arg8[%get3A_3165, %get3A_3166] {strides = array<i32>} : memref<32x128xf32, #tpu.memory_space<vmem>>, vector<1x16xf32>,
    %get3A_3168 = vector.shape_cast %get3A_3167 : vector<1x16xf32> to vector<16xf32>
    %mul3A_3169 = arith.mulf %get3A_3163, %get3A_3168 : vector<16xf32>
    %add3A_3170 = arith.addf %mul3A_3158, %mul3A_3169 : vector<16xf32>
    %get3A_3171 = arith.constant 31 : i32
    %get3A_3172 = arith.index_cast %get3A_3171 : i32 to index
    %get3A_3173 = arith.constant 32 : index
    %get3A_3174 = tpu.vector_load %arg7[%get3A_3172, %get3A_3173] {strides = array<i32>} : memref<32x128xf32, #tpu.memory_space<vmem>>, vector<1x16xf32>,
    %get3A_3175 = vector.shape_cast %get3A_3174 : vector<1x16xf32> to vector<16xf32>
    %get3A_3176 = arith.constant 31 : i32
    %get3A_3177 = arith.index_cast %get3A_3176 : i32 to index
    %get3A_3178 = arith.constant 32 : index
    %get3A_3179 = tpu.vector_load %arg8[%get3A_3177, %get3A_3178] {strides = array<i32>} : memref<32x128xf32, #tpu.memory_space<vmem>>, vector<1x16xf32>,
    %get3A_3180 = vector.shape_cast %get3A_3179 : vector<1x16xf32> to vector<16xf32>
    %mul3A_3181 = arith.mulf %get3A_3175, %get3A_3180 : vector<16xf32>
    %add3A_3182 = arith.addf %add3A_3170, %mul3A_3181 : vector<16xf32>
    %get3A_3183 = arith.constant 31 : i32
    %get3A_3184 = arith.index_cast %get3A_3183 : i32 to index
    %get3A_3185 = arith.constant 48 : index
    %get3A_3186 = tpu.vector_load %arg7[%get3A_3184, %get3A_3185] {strides = array<i32>} : memref<32x128xf32, #tpu.memory_space<vmem>>, vector<1x16xf32>,
    %get3A_3187 = vector.shape_cast %get3A_3186 : vector<1x16xf32> to vector<16xf32>
    %get3A_3188 = arith.constant 31 : i32
    %get3A_3189 = arith.index_cast %get3A_3188 : i32 to index
    %get3A_3190 = arith.constant 48 : index
    %get3A_3191 = tpu.vector_load %arg8[%get3A_3189, %get3A_3190] {strides = array<i32>} : memref<32x128xf32, #tpu.memory_space<vmem>>, vector<1x16xf32>,
    %get3A_3192 = vector.shape_cast %get3A_3191 : vector<1x16xf32> to vector<16xf32>
    %mul3A_3193 = arith.mulf %get3A_3187, %get3A_3192 : vector<16xf32>
    %add3A_3194 = arith.addf %add3A_3182, %mul3A_3193 : vector<16xf32>
    %get3A_3195 = arith.constant 31 : i32
    %get3A_3196 = arith.index_cast %get3A_3195 : i32 to index
    %get3A_3197 = arith.constant 64 : index
    %get3A_3198 = tpu.vector_load %arg7[%get3A_3196, %get3A_3197] {strides = array<i32>} : memref<32x128xf32, #tpu.memory_space<vmem>>, vector<1x16xf32>,
    %get3A_3199 = vector.shape_cast %get3A_3198 : vector<1x16xf32> to vector<16xf32>
    %get3A_3200 = arith.constant 31 : i32
    %get3A_3201 = arith.index_cast %get3A_3200 : i32 to index
    %get3A_3202 = arith.constant 64 : index
    %get3A_3203 = tpu.vector_load %arg8[%get3A_3201, %get3A_3202] {strides = array<i32>} : memref<32x128xf32, #tpu.memory_space<vmem>>, vector<1x16xf32>,
    %get3A_3204 = vector.shape_cast %get3A_3203 : vector<1x16xf32> to vector<16xf32>
    %mul3A_3205 = arith.mulf %get3A_3199, %get3A_3204 : vector<16xf32>
    %add3A_3206 = arith.addf %add3A_3194, %mul3A_3205 : vector<16xf32>
    %get3A_3207 = arith.constant 31 : i32
    %get3A_3208 = arith.index_cast %get3A_3207 : i32 to index
    %get3A_3209 = arith.constant 80 : index
    %get3A_3210 = tpu.vector_load %arg7[%get3A_3208, %get3A_3209] {strides = array<i32>} : memref<32x128xf32, #tpu.memory_space<vmem>>, vector<1x16xf32>,
    %get3A_3211 = vector.shape_cast %get3A_3210 : vector<1x16xf32> to vector<16xf32>
    %get3A_3212 = arith.constant 31 : i32
    %get3A_3213 = arith.index_cast %get3A_3212 : i32 to index
    %get3A_3214 = arith.constant 80 : index
    %get3A_3215 = tpu.vector_load %arg8[%get3A_3213, %get3A_3214] {strides = array<i32>} : memref<32x128xf32, #tpu.memory_space<vmem>>, vector<1x16xf32>,
    %get3A_3216 = vector.shape_cast %get3A_3215 : vector<1x16xf32> to vector<16xf32>
    %mul3A_3217 = arith.mulf %get3A_3211, %get3A_3216 : vector<16xf32>
    %add3A_3218 = arith.addf %add3A_3206, %mul3A_3217 : vector<16xf32>
    %get3A_3219 = arith.constant 31 : i32
    %get3A_3220 = arith.index_cast %get3A_3219 : i32 to index
    %get3A_3221 = arith.constant 96 : index
    %get3A_3222 = tpu.vector_load %arg7[%get3A_3220, %get3A_3221] {strides = array<i32>} : memref<32x128xf32, #tpu.memory_space<vmem>>, vector<1x16xf32>,
    %get3A_3223 = vector.shape_cast %get3A_3222 : vector<1x16xf32> to vector<16xf32>
    %get3A_3224 = arith.constant 31 : i32
    %get3A_3225 = arith.index_cast %get3A_3224 : i32 to index
    %get3A_3226 = arith.constant 96 : index
    %get3A_3227 = tpu.vector_load %arg8[%get3A_3225, %get3A_3226] {strides = array<i32>} : memref<32x128xf32, #tpu.memory_space<vmem>>, vector<1x16xf32>,
    %get3A_3228 = vector.shape_cast %get3A_3227 : vector<1x16xf32> to vector<16xf32>
    %mul3A_3229 = arith.mulf %get3A_3223, %get3A_3228 : vector<16xf32>
    %add3A_3230 = arith.addf %add3A_3218, %mul3A_3229 : vector<16xf32>
    %get3A_3231 = arith.constant 31 : i32
    %get3A_3232 = arith.index_cast %get3A_3231 : i32 to index
    %get3A_3233 = arith.constant 112 : index
    %get3A_3234 = tpu.vector_load %arg7[%get3A_3232, %get3A_3233] {strides = array<i32>} : memref<32x128xf32, #tpu.memory_space<vmem>>, vector<1x16xf32>,
    %get3A_3235 = vector.shape_cast %get3A_3234 : vector<1x16xf32> to vector<16xf32>
    %get3A_3236 = arith.constant 31 : i32
    %get3A_3237 = arith.index_cast %get3A_3236 : i32 to index
    %get3A_3238 = arith.constant 112 : index
    %get3A_3239 = tpu.vector_load %arg8[%get3A_3237, %get3A_3238] {strides = array<i32>} : memref<32x128xf32, #tpu.memory_space<vmem>>, vector<1x16xf32>,
    %get3A_3240 = vector.shape_cast %get3A_3239 : vector<1x16xf32> to vector<16xf32>
    %mul3A_3241 = arith.mulf %get3A_3235, %get3A_3240 : vector<16xf32>
    %add3A_3242 = arith.addf %add3A_3230, %mul3A_3241 : vector<16xf32>
    %swap3A_3243 = arith.constant 31 : i32
    %swap3A_3244 = arith.index_cast %swap3A_3243 : i32 to index
    %swap3A_3245 = arith.constant 0 : index
    %swap3A_3246 = tpu.vector_load %arg9[%swap3A_3244, %swap3A_3245] {strides = array<i32>} : memref<32x16xf32, #tpu.memory_space<vmem>>, vector<1x16xf32>,
    %swap3A_3247 = vector.shape_cast %swap3A_3246 : vector<1x16xf32> to vector<16xf32>
    %swap3A_3248 = vector.shape_cast %add3A_3242 : vector<16xf32> to vector<1x16xf32>
    tpu.vector_store %arg9[%swap3A_3244, %swap3A_3245], %swap3A_3248 {strides = array<i32>} : memref<32x16xf32, #tpu.memory_space<vmem>>, vector<1x16xf32>,
    "tpu.region"() ({
      %run_scoped3A = tpu.sem_alloc : memref<!tpu.dma_semaphore, #tpu.memory_space<semaphore_mem>>
      %dma_start3A_3249 = arith.constant 0 : i32
      %dma_start3A_3250 = tpu.memref_slice %arg5[%mul3A_2, %dma_start3A_3249] : memref<1024x16xf32, #tpu.memory_space<hbm>> -> memref<32x16xf32, #tpu.memory_space<hbm>>
      %dma_start3A_3251 = arith.constant 0 : i32
      %dma_start3A_3252 = tpu.memref_slice %arg5[%mul3A_2, %dma_start3A_3251] : memref<1024x16xf32, #tpu.memory_space<hbm>> -> memref<32x16xf32, #tpu.memory_space<hbm>>
      tpu.enqueue_dma source(%arg9 : memref<32x16xf32, #tpu.memory_space<vmem>>) target(%dma_start3A_3252 : memref<32x16xf32, #tpu.memory_space<hbm>>) target_semaphore(%run_scoped3A : memref<!tpu.dma_semaphore, #tpu.memory_space<semaphore_mem>>)
      %dma_wait3A_3253 = arith.constant 0 : i32
      %dma_wait3A_3254 = tpu.memref_slice %arg5[%mul3A_2, %dma_wait3A_3253] : memref<1024x16xf32, #tpu.memory_space<hbm>> -> memref<32x16xf32, #tpu.memory_space<hbm>>
      %dma_wait3A_3255 = arith.constant 0 : i32
      %dma_wait3A_3256 = tpu.memref_slice %arg5[%mul3A_2, %dma_wait3A_3255] : memref<1024x16xf32, #tpu.memory_space<hbm>> -> memref<32x16xf32, #tpu.memory_space<hbm>>
      tpu.wait_dma2 semaphore(%run_scoped3A : memref<!tpu.dma_semaphore, #tpu.memory_space<semaphore_mem>>) src(%arg9 : memref<32x16xf32, #tpu.memory_space<vmem>>) dst(%dma_wait3A_3256 : memref<32x16xf32, #tpu.memory_space<hbm>>)
      tpu.yield
    }) : () -> ()
    return
  }
}

module attributes {stable_mosaic.version = 14 : i64} {
  func.func @_ce_body(%arg0: i32, %arg1: memref<1024x128xf32, #tpu.memory_space<vmem>>, %arg2: memref<10000x128xf32, #tpu.memory_space<vmem>>, %arg3: memref<1x1xf32, #tpu.memory_space<smem>>, %arg4: memref<1024x128xf32, #tpu.memory_space<vmem>>) attributes {dimension_semantics = [#tpu.dimension_semantics<arbitrary>], iteration_bounds = array<i64: 10>, scalar_prefetch = 0 : i64, scratch_operands = 1 : i64, tpu.core_type = #tpu.core_type<tc>, window_params = [{pipeline_mode = #tpu.pipeline_mode<synchronous>, transform_indices = @transform_0, window_bounds = array<i64: 1024, 128>}, {transform_indices = @transform_1, window_bounds = array<i64: 10000, 128>}, {transform_indices = @transform_2, window_bounds = array<i64: 1, 1>}]} {
    %eq3A = arith.constant 0 : i32
    %eq3A_0 = arith.cmpi eq, %arg0, %eq3A : i32
    %convert_element_type3A = arith.extui %eq3A_0 : i1 to i32
    %cond3A = arith.constant 0 : i32
    %cond3A_1 = arith.cmpi ne, %convert_element_type3A, %cond3A : i32
    scf.if %cond3A_1 {
      %broadcast_in_dim3A = arith.constant 0.000000e+00 : f32
      %broadcast_in_dim3A_184 = vector.broadcast %broadcast_in_dim3A : f32 to vector<1024x128xf32>
      %swap3A_185 = arith.constant 0 : index
      %swap3A_186 = arith.constant 0 : index
      %swap3A_187 = vector.load %arg4[%swap3A_185, %swap3A_186] : memref<1024x128xf32, #tpu.memory_space<vmem>>, vector<1024x128xf32>
      tpu.vector_store %arg4[%swap3A_185, %swap3A_186], %broadcast_in_dim3A_184 {strides = array<i32>} : memref<1024x128xf32, #tpu.memory_space<vmem>>, vector<1024x128xf32>,
    } else {
    }
    %get3A = arith.constant 0 : index
    %get3A_2 = arith.constant 0 : index
    %get3A_3 = vector.load %arg1[%get3A, %get3A_2] : memref<1024x128xf32, #tpu.memory_space<vmem>>, vector<1024x128xf32>
    %mul3A = arith.constant 2.885390e+01 : f32
    %mul3A_4 = vector.broadcast %mul3A : f32 to vector<1024x128xf32>
    %mul3A_5 = arith.mulf %get3A_3, %mul3A_4 : vector<1024x128xf32>
    %convert_element_type3A_6 = arith.truncf %mul3A_5 : vector<1024x128xf32> to vector<1024x128xbf16>
    %get3A_7 = arith.constant 0 : index
    %get3A_8 = arith.constant 0 : index
    %get3A_9 = vector.load %arg2[%get3A_7, %get3A_8] : memref<10000x128xf32, #tpu.memory_space<vmem>>, vector<10000x128xf32>
    %convert_element_type3A_10 = arith.truncf %get3A_9 : vector<10000x128xf32> to vector<10000x128xbf16>
    %dot_general3A = arith.constant dense<0.000000e+00> : vector<1024x10000xf32>
    %dot_general3A_11 = tpu.matmul %convert_element_type3A_6, %convert_element_type3A_10, %dot_general3A {dimension_numbers = #tpu.dot_dimension_numbers<[1], [1], [0], [0], [0, 0, 1, 0], [], []>, transpose_lhs_hint = false} : vector<1024x128xbf16>, vector<10000x128xbf16>, vector<1024x10000xf32> -> vector<1024x10000xf32>
    %exp23A = math.exp2 %dot_general3A_11 : vector<1024x10000xf32>
    %slice3A = vector.extract_strided_slice %exp23A {offsets = [0, 0], sizes = [1024, 128], strides = [1, 1]} : vector<1024x10000xf32> to vector<1024x128xf32>
    %slice3A_12 = vector.extract_strided_slice %exp23A {offsets = [0, 128], sizes = [1024, 128], strides = [1, 1]} : vector<1024x10000xf32> to vector<1024x128xf32>
    %add3A = arith.addf %slice3A, %slice3A_12 : vector<1024x128xf32>
    %slice3A_13 = vector.extract_strided_slice %exp23A {offsets = [0, 256], sizes = [1024, 128], strides = [1, 1]} : vector<1024x10000xf32> to vector<1024x128xf32>
    %add3A_14 = arith.addf %add3A, %slice3A_13 : vector<1024x128xf32>
    %slice3A_15 = vector.extract_strided_slice %exp23A {offsets = [0, 384], sizes = [1024, 128], strides = [1, 1]} : vector<1024x10000xf32> to vector<1024x128xf32>
    %add3A_16 = arith.addf %add3A_14, %slice3A_15 : vector<1024x128xf32>
    %slice3A_17 = vector.extract_strided_slice %exp23A {offsets = [0, 512], sizes = [1024, 128], strides = [1, 1]} : vector<1024x10000xf32> to vector<1024x128xf32>
    %add3A_18 = arith.addf %add3A_16, %slice3A_17 : vector<1024x128xf32>
    %slice3A_19 = vector.extract_strided_slice %exp23A {offsets = [0, 640], sizes = [1024, 128], strides = [1, 1]} : vector<1024x10000xf32> to vector<1024x128xf32>
    %add3A_20 = arith.addf %add3A_18, %slice3A_19 : vector<1024x128xf32>
    %slice3A_21 = vector.extract_strided_slice %exp23A {offsets = [0, 768], sizes = [1024, 128], strides = [1, 1]} : vector<1024x10000xf32> to vector<1024x128xf32>
    %add3A_22 = arith.addf %add3A_20, %slice3A_21 : vector<1024x128xf32>
    %slice3A_23 = vector.extract_strided_slice %exp23A {offsets = [0, 896], sizes = [1024, 128], strides = [1, 1]} : vector<1024x10000xf32> to vector<1024x128xf32>
    %add3A_24 = arith.addf %add3A_22, %slice3A_23 : vector<1024x128xf32>
    %slice3A_25 = vector.extract_strided_slice %exp23A {offsets = [0, 1024], sizes = [1024, 128], strides = [1, 1]} : vector<1024x10000xf32> to vector<1024x128xf32>
    %add3A_26 = arith.addf %add3A_24, %slice3A_25 : vector<1024x128xf32>
    %slice3A_27 = vector.extract_strided_slice %exp23A {offsets = [0, 1152], sizes = [1024, 128], strides = [1, 1]} : vector<1024x10000xf32> to vector<1024x128xf32>
    %add3A_28 = arith.addf %add3A_26, %slice3A_27 : vector<1024x128xf32>
    %slice3A_29 = vector.extract_strided_slice %exp23A {offsets = [0, 1280], sizes = [1024, 128], strides = [1, 1]} : vector<1024x10000xf32> to vector<1024x128xf32>
    %add3A_30 = arith.addf %add3A_28, %slice3A_29 : vector<1024x128xf32>
    %slice3A_31 = vector.extract_strided_slice %exp23A {offsets = [0, 1408], sizes = [1024, 128], strides = [1, 1]} : vector<1024x10000xf32> to vector<1024x128xf32>
    %add3A_32 = arith.addf %add3A_30, %slice3A_31 : vector<1024x128xf32>
    %slice3A_33 = vector.extract_strided_slice %exp23A {offsets = [0, 1536], sizes = [1024, 128], strides = [1, 1]} : vector<1024x10000xf32> to vector<1024x128xf32>
    %add3A_34 = arith.addf %add3A_32, %slice3A_33 : vector<1024x128xf32>
    %slice3A_35 = vector.extract_strided_slice %exp23A {offsets = [0, 1664], sizes = [1024, 128], strides = [1, 1]} : vector<1024x10000xf32> to vector<1024x128xf32>
    %add3A_36 = arith.addf %add3A_34, %slice3A_35 : vector<1024x128xf32>
    %slice3A_37 = vector.extract_strided_slice %exp23A {offsets = [0, 1792], sizes = [1024, 128], strides = [1, 1]} : vector<1024x10000xf32> to vector<1024x128xf32>
    %add3A_38 = arith.addf %add3A_36, %slice3A_37 : vector<1024x128xf32>
    %slice3A_39 = vector.extract_strided_slice %exp23A {offsets = [0, 1920], sizes = [1024, 128], strides = [1, 1]} : vector<1024x10000xf32> to vector<1024x128xf32>
    %add3A_40 = arith.addf %add3A_38, %slice3A_39 : vector<1024x128xf32>
    %slice3A_41 = vector.extract_strided_slice %exp23A {offsets = [0, 2048], sizes = [1024, 128], strides = [1, 1]} : vector<1024x10000xf32> to vector<1024x128xf32>
    %add3A_42 = arith.addf %add3A_40, %slice3A_41 : vector<1024x128xf32>
    %slice3A_43 = vector.extract_strided_slice %exp23A {offsets = [0, 2176], sizes = [1024, 128], strides = [1, 1]} : vector<1024x10000xf32> to vector<1024x128xf32>
    %add3A_44 = arith.addf %add3A_42, %slice3A_43 : vector<1024x128xf32>
    %slice3A_45 = vector.extract_strided_slice %exp23A {offsets = [0, 2304], sizes = [1024, 128], strides = [1, 1]} : vector<1024x10000xf32> to vector<1024x128xf32>
    %add3A_46 = arith.addf %add3A_44, %slice3A_45 : vector<1024x128xf32>
    %slice3A_47 = vector.extract_strided_slice %exp23A {offsets = [0, 2432], sizes = [1024, 128], strides = [1, 1]} : vector<1024x10000xf32> to vector<1024x128xf32>
    %add3A_48 = arith.addf %add3A_46, %slice3A_47 : vector<1024x128xf32>
    %slice3A_49 = vector.extract_strided_slice %exp23A {offsets = [0, 2560], sizes = [1024, 128], strides = [1, 1]} : vector<1024x10000xf32> to vector<1024x128xf32>
    %add3A_50 = arith.addf %add3A_48, %slice3A_49 : vector<1024x128xf32>
    %slice3A_51 = vector.extract_strided_slice %exp23A {offsets = [0, 2688], sizes = [1024, 128], strides = [1, 1]} : vector<1024x10000xf32> to vector<1024x128xf32>
    %add3A_52 = arith.addf %add3A_50, %slice3A_51 : vector<1024x128xf32>
    %slice3A_53 = vector.extract_strided_slice %exp23A {offsets = [0, 2816], sizes = [1024, 128], strides = [1, 1]} : vector<1024x10000xf32> to vector<1024x128xf32>
    %add3A_54 = arith.addf %add3A_52, %slice3A_53 : vector<1024x128xf32>
    %slice3A_55 = vector.extract_strided_slice %exp23A {offsets = [0, 2944], sizes = [1024, 128], strides = [1, 1]} : vector<1024x10000xf32> to vector<1024x128xf32>
    %add3A_56 = arith.addf %add3A_54, %slice3A_55 : vector<1024x128xf32>
    %slice3A_57 = vector.extract_strided_slice %exp23A {offsets = [0, 3072], sizes = [1024, 128], strides = [1, 1]} : vector<1024x10000xf32> to vector<1024x128xf32>
    %add3A_58 = arith.addf %add3A_56, %slice3A_57 : vector<1024x128xf32>
    %slice3A_59 = vector.extract_strided_slice %exp23A {offsets = [0, 3200], sizes = [1024, 128], strides = [1, 1]} : vector<1024x10000xf32> to vector<1024x128xf32>
    %add3A_60 = arith.addf %add3A_58, %slice3A_59 : vector<1024x128xf32>
    %slice3A_61 = vector.extract_strided_slice %exp23A {offsets = [0, 3328], sizes = [1024, 128], strides = [1, 1]} : vector<1024x10000xf32> to vector<1024x128xf32>
    %add3A_62 = arith.addf %add3A_60, %slice3A_61 : vector<1024x128xf32>
    %slice3A_63 = vector.extract_strided_slice %exp23A {offsets = [0, 3456], sizes = [1024, 128], strides = [1, 1]} : vector<1024x10000xf32> to vector<1024x128xf32>
    %add3A_64 = arith.addf %add3A_62, %slice3A_63 : vector<1024x128xf32>
    %slice3A_65 = vector.extract_strided_slice %exp23A {offsets = [0, 3584], sizes = [1024, 128], strides = [1, 1]} : vector<1024x10000xf32> to vector<1024x128xf32>
    %add3A_66 = arith.addf %add3A_64, %slice3A_65 : vector<1024x128xf32>
    %slice3A_67 = vector.extract_strided_slice %exp23A {offsets = [0, 3712], sizes = [1024, 128], strides = [1, 1]} : vector<1024x10000xf32> to vector<1024x128xf32>
    %add3A_68 = arith.addf %add3A_66, %slice3A_67 : vector<1024x128xf32>
    %slice3A_69 = vector.extract_strided_slice %exp23A {offsets = [0, 3840], sizes = [1024, 128], strides = [1, 1]} : vector<1024x10000xf32> to vector<1024x128xf32>
    %add3A_70 = arith.addf %add3A_68, %slice3A_69 : vector<1024x128xf32>
    %slice3A_71 = vector.extract_strided_slice %exp23A {offsets = [0, 3968], sizes = [1024, 128], strides = [1, 1]} : vector<1024x10000xf32> to vector<1024x128xf32>
    %add3A_72 = arith.addf %add3A_70, %slice3A_71 : vector<1024x128xf32>
    %slice3A_73 = vector.extract_strided_slice %exp23A {offsets = [0, 4096], sizes = [1024, 128], strides = [1, 1]} : vector<1024x10000xf32> to vector<1024x128xf32>
    %add3A_74 = arith.addf %add3A_72, %slice3A_73 : vector<1024x128xf32>
    %slice3A_75 = vector.extract_strided_slice %exp23A {offsets = [0, 4224], sizes = [1024, 128], strides = [1, 1]} : vector<1024x10000xf32> to vector<1024x128xf32>
    %add3A_76 = arith.addf %add3A_74, %slice3A_75 : vector<1024x128xf32>
    %slice3A_77 = vector.extract_strided_slice %exp23A {offsets = [0, 4352], sizes = [1024, 128], strides = [1, 1]} : vector<1024x10000xf32> to vector<1024x128xf32>
    %add3A_78 = arith.addf %add3A_76, %slice3A_77 : vector<1024x128xf32>
    %slice3A_79 = vector.extract_strided_slice %exp23A {offsets = [0, 4480], sizes = [1024, 128], strides = [1, 1]} : vector<1024x10000xf32> to vector<1024x128xf32>
    %add3A_80 = arith.addf %add3A_78, %slice3A_79 : vector<1024x128xf32>
    %slice3A_81 = vector.extract_strided_slice %exp23A {offsets = [0, 4608], sizes = [1024, 128], strides = [1, 1]} : vector<1024x10000xf32> to vector<1024x128xf32>
    %add3A_82 = arith.addf %add3A_80, %slice3A_81 : vector<1024x128xf32>
    %slice3A_83 = vector.extract_strided_slice %exp23A {offsets = [0, 4736], sizes = [1024, 128], strides = [1, 1]} : vector<1024x10000xf32> to vector<1024x128xf32>
    %add3A_84 = arith.addf %add3A_82, %slice3A_83 : vector<1024x128xf32>
    %slice3A_85 = vector.extract_strided_slice %exp23A {offsets = [0, 4864], sizes = [1024, 128], strides = [1, 1]} : vector<1024x10000xf32> to vector<1024x128xf32>
    %add3A_86 = arith.addf %add3A_84, %slice3A_85 : vector<1024x128xf32>
    %slice3A_87 = vector.extract_strided_slice %exp23A {offsets = [0, 4992], sizes = [1024, 128], strides = [1, 1]} : vector<1024x10000xf32> to vector<1024x128xf32>
    %add3A_88 = arith.addf %add3A_86, %slice3A_87 : vector<1024x128xf32>
    %slice3A_89 = vector.extract_strided_slice %exp23A {offsets = [0, 5120], sizes = [1024, 128], strides = [1, 1]} : vector<1024x10000xf32> to vector<1024x128xf32>
    %add3A_90 = arith.addf %add3A_88, %slice3A_89 : vector<1024x128xf32>
    %slice3A_91 = vector.extract_strided_slice %exp23A {offsets = [0, 5248], sizes = [1024, 128], strides = [1, 1]} : vector<1024x10000xf32> to vector<1024x128xf32>
    %add3A_92 = arith.addf %add3A_90, %slice3A_91 : vector<1024x128xf32>
    %slice3A_93 = vector.extract_strided_slice %exp23A {offsets = [0, 5376], sizes = [1024, 128], strides = [1, 1]} : vector<1024x10000xf32> to vector<1024x128xf32>
    %add3A_94 = arith.addf %add3A_92, %slice3A_93 : vector<1024x128xf32>
    %slice3A_95 = vector.extract_strided_slice %exp23A {offsets = [0, 5504], sizes = [1024, 128], strides = [1, 1]} : vector<1024x10000xf32> to vector<1024x128xf32>
    %add3A_96 = arith.addf %add3A_94, %slice3A_95 : vector<1024x128xf32>
    %slice3A_97 = vector.extract_strided_slice %exp23A {offsets = [0, 5632], sizes = [1024, 128], strides = [1, 1]} : vector<1024x10000xf32> to vector<1024x128xf32>
    %add3A_98 = arith.addf %add3A_96, %slice3A_97 : vector<1024x128xf32>
    %slice3A_99 = vector.extract_strided_slice %exp23A {offsets = [0, 5760], sizes = [1024, 128], strides = [1, 1]} : vector<1024x10000xf32> to vector<1024x128xf32>
    %add3A_100 = arith.addf %add3A_98, %slice3A_99 : vector<1024x128xf32>
    %slice3A_101 = vector.extract_strided_slice %exp23A {offsets = [0, 5888], sizes = [1024, 128], strides = [1, 1]} : vector<1024x10000xf32> to vector<1024x128xf32>
    %add3A_102 = arith.addf %add3A_100, %slice3A_101 : vector<1024x128xf32>
    %slice3A_103 = vector.extract_strided_slice %exp23A {offsets = [0, 6016], sizes = [1024, 128], strides = [1, 1]} : vector<1024x10000xf32> to vector<1024x128xf32>
    %add3A_104 = arith.addf %add3A_102, %slice3A_103 : vector<1024x128xf32>
    %slice3A_105 = vector.extract_strided_slice %exp23A {offsets = [0, 6144], sizes = [1024, 128], strides = [1, 1]} : vector<1024x10000xf32> to vector<1024x128xf32>
    %add3A_106 = arith.addf %add3A_104, %slice3A_105 : vector<1024x128xf32>
    %slice3A_107 = vector.extract_strided_slice %exp23A {offsets = [0, 6272], sizes = [1024, 128], strides = [1, 1]} : vector<1024x10000xf32> to vector<1024x128xf32>
    %add3A_108 = arith.addf %add3A_106, %slice3A_107 : vector<1024x128xf32>
    %slice3A_109 = vector.extract_strided_slice %exp23A {offsets = [0, 6400], sizes = [1024, 128], strides = [1, 1]} : vector<1024x10000xf32> to vector<1024x128xf32>
    %add3A_110 = arith.addf %add3A_108, %slice3A_109 : vector<1024x128xf32>
    %slice3A_111 = vector.extract_strided_slice %exp23A {offsets = [0, 6528], sizes = [1024, 128], strides = [1, 1]} : vector<1024x10000xf32> to vector<1024x128xf32>
    %add3A_112 = arith.addf %add3A_110, %slice3A_111 : vector<1024x128xf32>
    %slice3A_113 = vector.extract_strided_slice %exp23A {offsets = [0, 6656], sizes = [1024, 128], strides = [1, 1]} : vector<1024x10000xf32> to vector<1024x128xf32>
    %add3A_114 = arith.addf %add3A_112, %slice3A_113 : vector<1024x128xf32>
    %slice3A_115 = vector.extract_strided_slice %exp23A {offsets = [0, 6784], sizes = [1024, 128], strides = [1, 1]} : vector<1024x10000xf32> to vector<1024x128xf32>
    %add3A_116 = arith.addf %add3A_114, %slice3A_115 : vector<1024x128xf32>
    %slice3A_117 = vector.extract_strided_slice %exp23A {offsets = [0, 6912], sizes = [1024, 128], strides = [1, 1]} : vector<1024x10000xf32> to vector<1024x128xf32>
    %add3A_118 = arith.addf %add3A_116, %slice3A_117 : vector<1024x128xf32>
    %slice3A_119 = vector.extract_strided_slice %exp23A {offsets = [0, 7040], sizes = [1024, 128], strides = [1, 1]} : vector<1024x10000xf32> to vector<1024x128xf32>
    %add3A_120 = arith.addf %add3A_118, %slice3A_119 : vector<1024x128xf32>
    %slice3A_121 = vector.extract_strided_slice %exp23A {offsets = [0, 7168], sizes = [1024, 128], strides = [1, 1]} : vector<1024x10000xf32> to vector<1024x128xf32>
    %add3A_122 = arith.addf %add3A_120, %slice3A_121 : vector<1024x128xf32>
    %slice3A_123 = vector.extract_strided_slice %exp23A {offsets = [0, 7296], sizes = [1024, 128], strides = [1, 1]} : vector<1024x10000xf32> to vector<1024x128xf32>
    %add3A_124 = arith.addf %add3A_122, %slice3A_123 : vector<1024x128xf32>
    %slice3A_125 = vector.extract_strided_slice %exp23A {offsets = [0, 7424], sizes = [1024, 128], strides = [1, 1]} : vector<1024x10000xf32> to vector<1024x128xf32>
    %add3A_126 = arith.addf %add3A_124, %slice3A_125 : vector<1024x128xf32>
    %slice3A_127 = vector.extract_strided_slice %exp23A {offsets = [0, 7552], sizes = [1024, 128], strides = [1, 1]} : vector<1024x10000xf32> to vector<1024x128xf32>
    %add3A_128 = arith.addf %add3A_126, %slice3A_127 : vector<1024x128xf32>
    %slice3A_129 = vector.extract_strided_slice %exp23A {offsets = [0, 7680], sizes = [1024, 128], strides = [1, 1]} : vector<1024x10000xf32> to vector<1024x128xf32>
    %add3A_130 = arith.addf %add3A_128, %slice3A_129 : vector<1024x128xf32>
    %slice3A_131 = vector.extract_strided_slice %exp23A {offsets = [0, 7808], sizes = [1024, 128], strides = [1, 1]} : vector<1024x10000xf32> to vector<1024x128xf32>
    %add3A_132 = arith.addf %add3A_130, %slice3A_131 : vector<1024x128xf32>
    %slice3A_133 = vector.extract_strided_slice %exp23A {offsets = [0, 7936], sizes = [1024, 128], strides = [1, 1]} : vector<1024x10000xf32> to vector<1024x128xf32>
    %add3A_134 = arith.addf %add3A_132, %slice3A_133 : vector<1024x128xf32>
    %slice3A_135 = vector.extract_strided_slice %exp23A {offsets = [0, 8064], sizes = [1024, 128], strides = [1, 1]} : vector<1024x10000xf32> to vector<1024x128xf32>
    %add3A_136 = arith.addf %add3A_134, %slice3A_135 : vector<1024x128xf32>
    %slice3A_137 = vector.extract_strided_slice %exp23A {offsets = [0, 8192], sizes = [1024, 128], strides = [1, 1]} : vector<1024x10000xf32> to vector<1024x128xf32>
    %add3A_138 = arith.addf %add3A_136, %slice3A_137 : vector<1024x128xf32>
    %slice3A_139 = vector.extract_strided_slice %exp23A {offsets = [0, 8320], sizes = [1024, 128], strides = [1, 1]} : vector<1024x10000xf32> to vector<1024x128xf32>
    %add3A_140 = arith.addf %add3A_138, %slice3A_139 : vector<1024x128xf32>
    %slice3A_141 = vector.extract_strided_slice %exp23A {offsets = [0, 8448], sizes = [1024, 128], strides = [1, 1]} : vector<1024x10000xf32> to vector<1024x128xf32>
    %add3A_142 = arith.addf %add3A_140, %slice3A_141 : vector<1024x128xf32>
    %slice3A_143 = vector.extract_strided_slice %exp23A {offsets = [0, 8576], sizes = [1024, 128], strides = [1, 1]} : vector<1024x10000xf32> to vector<1024x128xf32>
    %add3A_144 = arith.addf %add3A_142, %slice3A_143 : vector<1024x128xf32>
    %slice3A_145 = vector.extract_strided_slice %exp23A {offsets = [0, 8704], sizes = [1024, 128], strides = [1, 1]} : vector<1024x10000xf32> to vector<1024x128xf32>
    %add3A_146 = arith.addf %add3A_144, %slice3A_145 : vector<1024x128xf32>
    %slice3A_147 = vector.extract_strided_slice %exp23A {offsets = [0, 8832], sizes = [1024, 128], strides = [1, 1]} : vector<1024x10000xf32> to vector<1024x128xf32>
    %add3A_148 = arith.addf %add3A_146, %slice3A_147 : vector<1024x128xf32>
    %slice3A_149 = vector.extract_strided_slice %exp23A {offsets = [0, 8960], sizes = [1024, 128], strides = [1, 1]} : vector<1024x10000xf32> to vector<1024x128xf32>
    %add3A_150 = arith.addf %add3A_148, %slice3A_149 : vector<1024x128xf32>
    %slice3A_151 = vector.extract_strided_slice %exp23A {offsets = [0, 9088], sizes = [1024, 128], strides = [1, 1]} : vector<1024x10000xf32> to vector<1024x128xf32>
    %add3A_152 = arith.addf %add3A_150, %slice3A_151 : vector<1024x128xf32>
    %slice3A_153 = vector.extract_strided_slice %exp23A {offsets = [0, 9216], sizes = [1024, 128], strides = [1, 1]} : vector<1024x10000xf32> to vector<1024x128xf32>
    %add3A_154 = arith.addf %add3A_152, %slice3A_153 : vector<1024x128xf32>
    %slice3A_155 = vector.extract_strided_slice %exp23A {offsets = [0, 9344], sizes = [1024, 128], strides = [1, 1]} : vector<1024x10000xf32> to vector<1024x128xf32>
    %add3A_156 = arith.addf %add3A_154, %slice3A_155 : vector<1024x128xf32>
    %slice3A_157 = vector.extract_strided_slice %exp23A {offsets = [0, 9472], sizes = [1024, 128], strides = [1, 1]} : vector<1024x10000xf32> to vector<1024x128xf32>
    %add3A_158 = arith.addf %add3A_156, %slice3A_157 : vector<1024x128xf32>
    %slice3A_159 = vector.extract_strided_slice %exp23A {offsets = [0, 9600], sizes = [1024, 128], strides = [1, 1]} : vector<1024x10000xf32> to vector<1024x128xf32>
    %add3A_160 = arith.addf %add3A_158, %slice3A_159 : vector<1024x128xf32>
    %slice3A_161 = vector.extract_strided_slice %exp23A {offsets = [0, 9728], sizes = [1024, 128], strides = [1, 1]} : vector<1024x10000xf32> to vector<1024x128xf32>
    %add3A_162 = arith.addf %add3A_160, %slice3A_161 : vector<1024x128xf32>
    %slice3A_163 = vector.extract_strided_slice %exp23A {offsets = [0, 9856], sizes = [1024, 128], strides = [1, 1]} : vector<1024x10000xf32> to vector<1024x128xf32>
    %add3A_164 = arith.addf %add3A_162, %slice3A_163 : vector<1024x128xf32>
    %get3A_165 = arith.constant 0 : index
    %get3A_166 = arith.constant 0 : index
    %get3A_167 = vector.load %arg4[%get3A_165, %get3A_166] : memref<1024x128xf32, #tpu.memory_space<vmem>>, vector<1024x128xf32>
    %add3A_168 = arith.addf %get3A_167, %add3A_164 : vector<1024x128xf32>
    %swap3A = arith.constant 0 : index
    %swap3A_169 = arith.constant 0 : index
    %swap3A_170 = vector.load %arg4[%swap3A, %swap3A_169] : memref<1024x128xf32, #tpu.memory_space<vmem>>, vector<1024x128xf32>
    tpu.vector_store %arg4[%swap3A, %swap3A_169], %add3A_168 {strides = array<i32>} : memref<1024x128xf32, #tpu.memory_space<vmem>>, vector<1024x128xf32>,
    %get3A_171 = arith.constant 0 : index
    %get3A_172 = arith.constant 0 : index
    %get3A_173 = vector.load %arg4[%get3A_171, %get3A_172] : memref<1024x128xf32, #tpu.memory_space<vmem>>, vector<1024x16xf32>
    %slice3A_174 = vector.extract_strided_slice %exp23A {offsets = [0, 9984], sizes = [1024, 16], strides = [1, 1]} : vector<1024x10000xf32> to vector<1024x16xf32>
    %add3A_175 = arith.addf %get3A_173, %slice3A_174 : vector<1024x16xf32>
    %swap3A_176 = arith.constant 0 : index
    %swap3A_177 = arith.constant 0 : index
    %swap3A_178 = vector.load %arg4[%swap3A_176, %swap3A_177] : memref<1024x128xf32, #tpu.memory_space<vmem>>, vector<1024x16xf32>
    tpu.vector_store %arg4[%swap3A_176, %swap3A_177], %add3A_175 {strides = array<i32>} : memref<1024x128xf32, #tpu.memory_space<vmem>>, vector<1024x16xf32>,
    %eq3A_179 = arith.constant 9 : i32
    %eq3A_180 = arith.cmpi eq, %arg0, %eq3A_179 : i32
    %convert_element_type3A_181 = arith.extui %eq3A_180 : i1 to i32
    %cond3A_182 = arith.constant 0 : i32
    %cond3A_183 = arith.cmpi ne, %convert_element_type3A_181, %cond3A_182 : i32
    scf.if %cond3A_183 {
      %get3A_184 = arith.constant 0 : index
      %get3A_185 = arith.constant 0 : index
      %get3A_186 = vector.load %arg4[%get3A_184, %get3A_185] : memref<1024x128xf32, #tpu.memory_space<vmem>>, vector<1024x128xf32>
      %reduce_sum3A = arith.constant dense<0.000000e+00> : vector<1024xf32>
      %reduce_sum3A_187 = vector.multi_reduction <add>, %get3A_186, %reduce_sum3A [1] : vector<1024x128xf32> to vector<1024xf32>
      %broadcast_in_dim3A = vector.shape_cast %reduce_sum3A_187 : vector<1024xf32> to vector<1024x1xf32>
      %log3A = math.log %broadcast_in_dim3A : vector<1024x1xf32>
      %reduce_sum3A_188 = vector.shape_cast %log3A : vector<1024x1xf32> to vector<1x1024x1xf32>
      %reduce_sum3A_189 = arith.constant dense<0.000000e+00> : vector<1xf32>
      %reduce_sum3A_190 = vector.multi_reduction <add>, %reduce_sum3A_188, %reduce_sum3A_189 [1, 2] : vector<1x1024x1xf32> to vector<1xf32>
      %reduce_sum3A_191 = vector.shape_cast %reduce_sum3A_190 : vector<1xf32> to vector<1x1x1xf32>
      %reduce_sum3A_192 = vector.extract %reduce_sum3A_191[0, 0, 0] : f32 from vector<1x1x1xf32>
      %mul3A_193 = arith.constant 9.765625E-4 : f32
      %mul3A_194 = arith.mulf %reduce_sum3A_192, %mul3A_193 : f32
      %swap3A_195 = arith.constant 0 : index
      %swap3A_196 = arith.constant 0 : index
      %swap3A_197 = memref.load %arg3[%swap3A_195, %swap3A_196] : memref<1x1xf32, #tpu.memory_space<smem>>
      memref.store %mul3A_194, %arg3[%swap3A_195, %swap3A_196] : memref<1x1xf32, #tpu.memory_space<smem>>
    } else {
    }
    return
  }
  func.func @transform_0(%arg0: i32) -> (i32, i32) {
    %c0_i32 = arith.constant 0 : i32
    %c0_i32_0 = arith.constant 0 : i32
    %c0_i32_1 = arith.constant 0 : i32
    return %c0_i32, %c0_i32_0 : i32, i32
  }
  func.func @transform_1(%arg0: i32) -> (i32, i32) {
    %c0_i32 = arith.constant 0 : i32
    %c0_i32_0 = arith.constant 0 : i32
    return %arg0, %c0_i32 : i32, i32
  }
  func.func @transform_2(%arg0: i32) -> (i32, i32) {
    %c0_i32 = arith.constant 0 : i32
    %c0_i32_0 = arith.constant 0 : i32
    %c0_i32_1 = arith.constant 0 : i32
    return %c0_i32, %c0_i32_0 : i32, i32
  }
}

</mosaic_0001>

<sc_bundles>
// kernel: kernel.4.cloned.1.call-start
scs
__scs_entry_jumppad:
0x0: {  	(pc) =	sbr.rel $0x88, $3  }
0x1: {  	(tag) =	ssettag $0x0;
	lr =	simm.s32 $0x1  }
0x2: {  	[smem:$0x3F9E] =	sst lr;
	_ =	strace $0xD0000000  }
0x3: {  	_ = 	snop  }
0x4: {  	_ = 	snop  }
0x5: {  	_ = 	snop  }
0x6: {  	_ = 	snop  }
0x7: {  	_ = 	snop  }
__scs_overlays_trampoline_lowered:
0x8: {  	[smem:$0x3FAD] =	sst s0  }
0x9: {  	[smem:$0x3FAE] =	sst s1  }
0xa: {  	[smem:$0x3FAF] =	sst s2  }
0xb: {  	[smem:$0x3FB0] =	sst s3  }
0xc: {  	[smem:$0x3FB1] =	sst s4  }
0xd: {  	[smem:$0x3FB2] =	sst s5  }
0xe: {  	[smem:$0x3FB3] =	sst s6  }
0xf: {  	[smem:$0x3FB4] =	sst s7  }
0x10: {  	[smem:$0x3FB5] =	sst s8  }
0x11: {  	[smem:$0x3FB6] =	sst s9;
	s0 =	simm.s32 @!p0 $0x0  }
0x12: {  	s1 =	sld [smem:$0x3F9C];
	s0 =	simm.s32 @p0 $0x1  }
0x13: {  	[smem:$0x3FB7] =	sst s0;
	s0 =	simm.s32 @!p1 $0x0  }
0x14: {  	s2 =	sld [smem:$0x3F9B];
	s0 =	simm.s32 @p1 $0x1  }
0x15: {  	[smem:$0x3FB8] =	sst s0;
	s0 =	simm.s32 @!p2 $0x0  }
0x16: {  	s3 =	sld [smem:$0x3FDB];
	s0 =	simm.s32 @p2 $0x1  }
0x17: {  	s4 =	simm.s32 $0x1BF5;
	[smem:$0x3FBA] =	sst s0  }
0x18: {  	s0 =	sld [smem:$0x3F9D];
	_ =	swait.ge [sflag:s4], $0x0  }
0x19: {  	s7 =	sld [smem:$0x3F9E]  }
0x1a: {  	s8 =	sadd.s32 $0xFFFFE003, lr  }
0x1b: {  	s9 =	sadd.s32 $0xFFFFFEF7, lr;
	s5 =	simm.s32 $0xFFFFFFFF;
	p2 =	slt.u32 s8, $0xFFFFF086  }
0x1c: {  	p1 =	slt.u32 s9, $0xF7A;
	s5 =	simm.s32 @!p2 $0x0  }
0x1d: {  	s5 =	simm.s32 @p1 $0x1;
	p0 =	seq.s32 s7, s2  }
0x1e: {  	s7 =	smul.u32 @!p0 $0xF7A, s2;
	p2 =	seq.s32 @!p0 s5, $0x0  }
0x1f: {  	s9 =	smul.u32 $0xF7A, s1;
	s8 =	simm.s32 @!p0 $0x1BF5;
	p2 =	por !p2, p0  }
0x20: {  	[sflag:s8] =	ssyncset.s32 @!p0 $0xFFFFF086;
	s6 =	sadd.s32 @!p0 s3, s7;
	s7 =	simm.s32 @!p0 $0x108  }
0x21: {  	s3 =	sadd.s32 s3, s9;
	s6 =	sadd.s32 @!p0 $0x88, s6;
	s7 =	simm.s32 @p2 $0x1082  }
0x22: {  	[simem:s7], [sflag:s8] =	dma.local @!p0 [hbm:s6], $0xF7A  }
0x23: {  	s9 =	sor.u32 $0xD0000000, s2;
	s6 =	simm.s32 $0x108;
	_ =	swait.ge @!p0 [sflag:s8], $0x0  }
0x24: {  	s3 =	sadd.s32 $0x88, s3;
	s6 =	simm.s32 @!p1 $0x1082;
	[sflag:s4] =	ssyncset.s32 $0xFFFFF086  }
0x25: {  	[simem:s6], [sflag:s4] =	dma.local [hbm:s3], $0xF7A  }
0x26: {  	[smem:$0x3F9E] =	sst s1;
	(tag) =	ssettag s2;
	_ =	strace s9  }
0x27: {  	s1 =	sld [smem:$0x3FAE]  }
0x28: {  	s2 =	sld [smem:$0x3FAF]  }
0x29: {  	s4 =	sld [smem:$0x3FB1]  }
0x2a: {  	p0 =	seq.s32 s5, $0x0;
	s5 =	sld [smem:$0x3FB2]  }
0x2b: {  	s6 =	sld [smem:$0x3FB3]  }
0x2c: {  	s7 =	sld [smem:$0x3FB4]  }
0x2d: {  	s3 =	simm.s32 $0x108;
	s8 =	sld [smem:$0x3FB5]  }
0x2e: {  	s3 =	simm.s32 @!p0 $0x1082;
	s9 =	sld [smem:$0x3FB6]  }
0x2f: {  	lr =	sadd.s32 s0, s3;
	s0 =	sld [smem:$0x3FAD]  }
0x30: {  	s3 =	sld [smem:$0x3FB0]  }
0x31: {  	[smem:$0x3FB9] =	sst s10  }
0x32: {  	s10 =	sld [smem:$0x3FB7];
	_ =	sdelay $0x3  }
0x33: {  	p0 =	seq.s32 s10, $0x1;
	s10 =	sld [smem:$0x3FB9];
	_ =	sdelay $0x3  }
0x34: {  	[smem:$0x3FB9] =	sst s10  }
0x35: {  	s10 =	sld [smem:$0x3FB8];
	_ =	sdelay $0x3  }
0x36: {  	p1 =	seq.s32 s10, $0x1;
	s10 =	sld [smem:$0x3FB9];
	_ =	sdelay $0x3  }
0x37: {  	[smem:$0x3FB9] =	sst s10  }
0x38: {  	s10 =	sld [smem:$0x3FBA]  }
0x39: {  	_ = 	snop;
	(pc) =	sbr.ind lr, $3  }
0x3a: {  	_ = 	snop  }
0x3b: {  	_ = 	snop  }
0x3c: {  	p2 =	seq.s32 s10, $0x1;
	s10 =	sld [smem:$0x3FB9]  }
0x3d: {  	_ =	shalt  }
0x3e: {  	_ =	shalt  }
0x3f: {  	_ =	shalt  }
0x40: {  	_ =	shalt  }
0x41: {  	_ =	shalt  }
0x42: {  	_ =	shalt  }
0x43: {  	_ =	shalt  }
0x44: {  	_ =	shalt  }
0x45: {  	_ =	shalt  }
0x46: {  	_ =	shalt  }
0x47: {  	_ =	shalt  }
0x48: {  	_ =	shalt  }
0x49: {  	_ =	shalt  }
0x4a: {  	_ =	shalt  }
0x4b: {  	_ =	shalt  }
0x4c: {  	_ =	shalt  }
0x4d: {  	_ =	shalt  }
0x4e: {  	_ =	shalt  }
0x4f: {  	_ =	shalt  }
0x50: {  	_ =	shalt  }
0x51: {  	_ =	shalt  }
0x52: {  	_ =	shalt  }
0x53: {  	_ =	shalt  }
0x54: {  	_ =	shalt  }
0x55: {  	_ =	shalt  }
0x56: {  	_ =	shalt  }
0x57: {  	_ =	shalt  }
0x58: {  	_ =	shalt  }
0x59: {  	_ =	shalt  }
0x5a: {  	_ =	shalt  }
0x5b: {  	_ =	shalt  }
0x5c: {  	_ =	shalt  }
0x5d: {  	_ =	shalt  }
0x5e: {  	_ =	shalt  }
0x5f: {  	_ =	shalt  }
0x60: {  	_ =	shalt  }
0x61: {  	_ =	shalt  }
0x62: {  	_ =	shalt  }
0x63: {  	_ =	shalt  }
0x64: {  	_ =	shalt  }
0x65: {  	_ =	shalt  }
0x66: {  	_ =	shalt  }
0x67: {  	_ =	shalt  }
0x68: {  	_ =	shalt  }
0x69: {  	_ =	shalt  }
0x6a: {  	_ =	shalt  }
0x6b: {  	_ =	shalt  }
0x6c: {  	_ =	shalt  }
0x6d: {  	_ =	shalt  }
0x6e: {  	_ =	shalt  }
0x6f: {  	_ =	shalt  }
0x70: {  	_ =	shalt  }
0x71: {  	_ =	shalt  }
0x72: {  	_ =	shalt  }
0x73: {  	_ =	shalt  }
0x74: {  	_ =	shalt  }
0x75: {  	_ =	shalt  }
0x76: {  	_ =	shalt  }
0x77: {  	_ =	shalt  }
0x78: {  	_ =	shalt  }
0x79: {  	_ =	shalt  }
0x7a: {  	_ =	shalt  }
0x7b: {  	_ =	shalt  }
0x7c: {  	_ =	shalt  }
0x7d: {  	_ =	shalt  }
0x7e: {  	_ =	shalt  }
0x7f: {  	_ =	shalt  }
0x80: {  	_ =	shalt  }
0x81: {  	_ =	shalt  }
0x82: {  	_ =	shalt  }
0x83: {  	_ =	shalt  }
0x84: {  	_ =	shalt  }
0x85: {  	_ =	shalt  }
0x86: {  	_ =	shalt  }
0x87: {  	_ =	shalt  }
.Lfunc_end0:
.L_simem_size_0:
called_computation_lowered:
.L_overlay_start_0:
0x88: {  	s2 =	sld [smem:$0x3FD9]  }
0x89: {  	s3 =	sld [smem:$0x3FFE];
	_ =	sdelay $0x1  }
0x8a: {  	s1 =	srdreg.scid  }
0x8b: {  	s0 =	sand.u32 $0x1, s1  }
0x8c: {  	s17 =	sshll.u32 s0, $0xA;
	s2 =	sadd.s32 s3, s2  }
0x8d: {  	s2 =	sadd.s32 s2, s17  }
0x8e: {  	[smem:$0x3FC5] =	sst s2  }
0x8f: {  	_ = 	snop  }
0x90: {  	s2 =	sld [smem:$0x3FC9]  }
0x91: {  	s18 =	sld [smem:$0x3FC8]  }
0x92: {  	s4 =	sld [smem:$0x3FC7];
	(tm) =	ssettm $0x1  }
0x93: {  	s5 =	sld [smem:$0x3FFB];
	_ =	sdelay $0x3  }
0x94: {  	_ =	strace s5  }
0x95: {  	s5 =	sld [smem:$0x3FFC];
	_ =	sdelay $0x3  }
0x96: {  	_ =	strace s5  }
0x97: {  	s5 =	sld [smem:$0x3FFD];
	_ =	sdelay $0x3  }
0x98: {  	_ =	strace s5  }
0x99: {  	_ =	strace $0x8FFFFFFF  }
0x9a: {  	s19 =	sld [smem:$0x3FDB];
	_ =	sdelay $0x1  }
0x9b: {  	s6 =	simm.s32 $_scs_section_size  }
0x9c: {  	s7 =	simm.s32 $_size__tile_overlayer_lowered;
	s8 =	simm.s32 $_tile_overlayer_lowered  }
0x9d: {  	s22 =	simm.s32 $0x1BFF;
	s21 =	sshll.u32 s8, $0x1;
	s5 =	sadd.s32 s6, s19  }
0x9e: {  	s9 =	simm.s32 $0x0;
	s20 =	sshll.u32 s7, $0x1;
	s7 =	sadd.s32 s21, s5  }
0x9f: {  	[timem:s9], [sflag:s22] =	dma.local [hbm:s7], s20  }
0xa0: {  	_ =	swait.ge [sflag:s22], s20  }
0xa1: {  	s6 =	ssub.s32 $0x0, s20;
	[sflag:s22] =	ssyncset.done $0x0  }
0xa2: {  	[sflag:s22] =	ssyncadd.s32 s6;
	_ =	sdelay $0x1  }
0xa3: {  	s23 =	simm.s32 $0x1B8B  }
0xa4: {  	_ =	swait.ge [sflag:s23], $0x1  }
0xa5: {  	[sflag:s23] =	ssyncset.done $0x0  }
0xa6: {  	s25 =	simm.s32 $0x1B8E;
	s24 =	sld [smem:$0x3FFE];
	[sflag:s23] =	ssyncadd.s32 $0xFFFFFFFF  }
0xa7: {  	s26 =	simm.s32 $execute0_lowered;
	[smem:$0x3FD2] =	sst s25  }
0xa8: {  	s7 =	sshll.u32 s26, $0x1;
	_ =	strace $0x80000046;
	[dreg:$0x1] =	wrdreg $0xFFFFFFFF  }
0xa9: {  	s28 =	simm.s32 $_size_execute0_lowered;
	s5 =	sadd.s32 s5, s7;
	[dreg:$0x0] =	wrdreg $0x0  }
0xaa: {  	s7 =	sshll.u32 s28, $0x1;
	[dreg:$0x2] =	wrdreg s5  }
0xab: {  	[dreg:$0x3] =	wrdreg s7  }
0xac: {  	[dreg:$0x4] =	wrdreg $0xC0  }
0xad: {  	_ =	task [dreg:s9], $0x5FFFF  }
0xae: {  	[dreg:$0x1] =	wrdreg $0xFFFFFFFF  }
0xaf: {  	[dreg:$0x0] =	wrdreg $0x60  }
0xb0: {  	[dreg:$0x2] =	wrdreg s18  }
0xb1: {  	[dreg:$0x3] =	wrdreg s4  }
0xb2: {  	[dreg:$0x4] =	wrdreg s2  }
0xb3: {  	[dreg:$0x5] =	wrdreg s24  }
0xb4: {  	[dreg:$0x6] =	wrdreg $0x9  }
0xb5: {  	_ =	task.clear_ibuf [dreg:s9], $0x7FFFF;
	_ =	strace $0x90000046  }
0xb6: {  	s29 =	simm.s32 $0x9;
	_ =	strace $0x80000048  }
0xb7: {  	_ =	swait.ge [sflag:s29], $0x1  }
0xb8: {  	[sflag:s29] =	ssyncadd.s32 $0xFFFFFFFF  }
0xb9: {  	_ =	strace $0x90000048  }
0xba: {  	_ =	sfence  }
0xbb: {  	s30 =	sld [smem:$0x0];
	_ =	sdelay $0x2  }
0xbc: {  	s31 =	sshll.u32 s1, $0xD;
	s1 =	sshrl.u32 s1, $0x2  }
0xbd: {  	s3 =	sand.u32 $0x4000, s31;
	s1 =	sadd.s32 s1, s30  }
0xbe: {  	s0 =	sor.u32 s3, s0;
	s1 =	sshll.u32 s1, $0x11  }
0xbf: {  	s0 =	sor.u32 s1, s0  }
0xc0: {  	s0 =	sadd.s32 $0x8F2B, s0  }
0xc1: {  	[sflag:s0] =	ssyncadd.remote.s32 $0x1  }
0xc2: {  	_ =	sfence.sel $0xFFFF  }
0xc3: {  	[dreg:$0x0] =	wrdreg $0xFFFFFFFF;
	(pc) =	sbr.abs _section_cstart, $3  }
0xc4: {  	[dreg:$0x1] =	wrdreg $0xFFFFFFFF  }
0xc5: {  	_ =	task.clear_ibuf [dreg:s9], $0x2FFFF;
	_ =	strace $0x9FFFFFFF  }
0xc6: {  	(tm) =	ssettm $0x7FFFFFFF  }
0xc7: {  	_ =	shalt  }
tec
execute0_lowered:
.L_overlay_start_1:
0x0: {  	(tag) =	ssettag $0x1  }
0x1: {  	s4 =	rddreg [dreg:$0x0]  }
0x2: {  	s1 =	rddreg [dreg:$0x1]  }
0x3: {  	s5 =	rddreg [dreg:$0x2]  }
0x4: {  	s6 =	rddreg [dreg:$0x3];
	s3 =	srdreg.scid  }
0x5: {  	s0 =	rddreg [dreg:$0x4];
	s2 =	stileid.u32;
	s11 =	simm.s32 $0x80  }
0x6: {  	s12 =	simm.s32 $0x2;
	s13 =	simm.s32 $0x3;
	s14 =	simm.s32 $0x2080  }
0x7: {  	s15 =	simm.s32 $0x4;
	s7 =	sand.u32 $0x1, s3;
	s3 =	simm.s32 $0x0  }
0x8: {  	s8 =	sshll.u32 s2, $0x6;
	s9 =	sshll.u32 s7, $0x5;
	s7 =	ssub.s32 $0x2, s7  }
0x9: {  	[smem:$0x7FF] =	sst s3;
	s8 =	sor.u32 s9, s8;
	s10 =	sshrl.u32 s7, $0x1  }
0xa: {  	_ =	strace $0x80000047;
	s9 =	sshll.u32 s8, $0x4;
	s7 =	ssub.s32 s7, s10  }
0xb: {  	s8 =	sshrl.u32 s8, $0x3;
	s10 =	simm.s32 $0x20;
	s6 =	sadd.s32 s9, s6  }
0xc: {  	s4 =	sadd.s32 s4, s8;
	s5 =	sadd.s32 s5, s9;
	s7 =	smax.u32 s7, $0x1  }
0xd: {  	s8 =	simm.s32 $0x1080;
	s9 =	simm.s32 $0x1;
	s6 =	sadd.s32 $0x200, s6  }
.LBB2_1:
0xe: {  	[tilespmem:s3], [sflag:$0x1] =	stream.linear.gather [hbm4b:s4+s3], $0x20, $0x38;
	[tilespmem:$0x3080] =	vst v63  }
0xf: {  	_ = 	snop  }
0x10: {  	[tilespmem:s8], [sflag:$0x2] =	stream.linear.gather [hbm4b:s5+s3], $0x1000, $0x38;
	[tilespmem:$0x3080] =	vst v63  }
0x11: {  	_ =	swait.ge [sflag:s9], $0x20  }
0x12: {  	[sflag:s9] =	ssyncset.done $0x0  }
0x13: {  	[sflag:s9] =	ssyncadd.s32 $0xFFFFFFE0  }
0x14: {  	[tilespmem:s11], [sflag:$0x3] =	stream.indirect.gather [hbm4b:s1+s10], $0x80, s3, s10, $0xb8;
	[tilespmem:$0x3080] =	vst v63  }
0x15: {  	_ =	swait.ge [sflag:s12], $0x1000  }
0x16: {  	[sflag:s12] =	ssyncset.done $0x0  }
0x17: {  	[sflag:s12] =	ssyncadd.s32 $0xFFFFF000  }
0x18: {  	_ =	swait.ge [sflag:s13], $0x1000  }
0x19: {  	[sflag:s13] =	ssyncset.done $0x0  }
0x1a: {  	[sflag:s13] =	ssyncadd.s32 $0xFFFFF000  }
0x1b: {  	v0 =	vld [tilespmem:$0x80]  }
0x1c: {  	v1 =	vld [tilespmem:$0x1080]  }
0x1d: {  	v2 =	vld [tilespmem:$0x90]  }
0x1e: {  	v3 =	vld [tilespmem:$0x1090]  }
0x1f: {  	v4 =	vld [tilespmem:$0xA0]  }
0x20: {  	v5 =	vld [tilespmem:$0x10A0]  }
0x21: {  	v6 =	vld [tilespmem:$0xB0]  }
0x22: {  	v7 =	vld [tilespmem:$0x10B0]  }
0x23: {  	v8 =	vld [tilespmem:$0xC0]  }
0x24: {  	v9 =	vld [tilespmem:$0x10C0]  }
0x25: {  	v10 =	vld [tilespmem:$0xD0]  }
0x26: {  	v11 =	vld [tilespmem:$0x10D0]  }
0x27: {  	v12 =	vld [tilespmem:$0xE0]  }
0x28: {  	v13 =	vld [tilespmem:$0x10E0]  }
0x29: {  	v14 =	vld [tilespmem:$0xF0]  }
0x2a: {  	v15 =	vld [tilespmem:$0x10F0]  }
0x2b: {  	v16 =	vld [tilespmem:$0x100]  }
0x2c: {  	v17 =	vld [tilespmem:$0x1100]  }
0x2d: {  	v18 =	vld [tilespmem:$0x110]  }
0x2e: {  	v60 =	vld [tilespmem:$0x370]  }
0x2f: {  	v19 =	vld [tilespmem:$0x1110]  }
0x30: {  	v20 =	vld [tilespmem:$0x120]  }
0x31: {  	v21 =	vld [tilespmem:$0x1120]  }
0x32: {  	v22 =	vld [tilespmem:$0x130]  }
0x33: {  	[tilespmem:$0x1EC60] =	vst v60;
	v60 =	vld [tilespmem:$0x1440]  }
0x34: {  	v23 =	vld [tilespmem:$0x1130]  }
0x35: {  	v24 =	vld [tilespmem:$0x140]  }
0x36: {  	v25 =	vld [tilespmem:$0x1140]  }
0x37: {  	v26 =	vld [tilespmem:$0x150]  }
0x38: {  	[tilespmem:$0x1EC90] =	vst v60;
	v60 =	vld [tilespmem:$0x4B0]  }
0x39: {  	v36 =	vld [tilespmem:$0x1150]  }
0x3a: {  	v39 =	vld [tilespmem:$0x160]  }
0x3b: {  	v41 =	vld [tilespmem:$0x1160]  }
0x3c: {  	v43 =	vld [tilespmem:$0x170]  }
0x3d: {  	[tilespmem:$0x1ECE0] =	vst v60;
	v60 =	vld [tilespmem:$0x14B0]  }
0x3e: {  	v58 =	vld [tilespmem:$0x1170]  }
0x3f: {  	v63 =	vld [tilespmem:$0x180]  }
0x40: {  	v48 =	vld [tilespmem:$0x1190]  }
0x41: {  	v54 =	vld [tilespmem:$0x1A0]  }
0x42: {  	[tilespmem:$0x1ECF0] =	vst v60;
	v60 =	vld [tilespmem:$0x4C0]  }
0x43: {  	v45 =	vld [tilespmem:$0x11A0]  }
0x44: {  	v46 =	vld [tilespmem:$0x1B0]  }
0x45: {  	v44 =	vld [tilespmem:$0x1C0]  }
0x46: {  	v33 =	vld [tilespmem:$0x11C0]  }
0x47: {  	[tilespmem:$0x1ED40] =	vst v60;
	v60 =	vld [tilespmem:$0x14C0]  }
0x48: {  	v47 =	vld [tilespmem:$0x1D0]  }
0x49: {  	v27 =	vld [tilespmem:$0x11E0]  }
0x4a: {  	v28 =	vld [tilespmem:$0x1F0]  }
0x4b: {  	v29 =	vld [tilespmem:$0x11F0]  }
0x4c: {  	[tilespmem:$0x1ED50] =	vst v60;
	v60 =	vld [tilespmem:$0x4D0]  }
0x4d: {  	v55 =	vld [tilespmem:$0x240]  }
0x4e: {  	v49 =	vld [tilespmem:$0x1240]  }
0x4f: {  	v56 =	vld [tilespmem:$0x250]  }
0x50: {  	v50 =	vld [tilespmem:$0x1250]  }
0x51: {  	[tilespmem:$0x1EDA0] =	vst v60;
	v60 =	vld [tilespmem:$0x14D0]  }
0x52: {  	v30 =	vld [tilespmem:$0x260]  }
0x53: {  	v31 =	vld [tilespmem:$0x1260]  }
0x54: {  	v32 =	vld [tilespmem:$0x270]  }
0x55: {  	v34 =	vld [tilespmem:$0x1270]  }
0x56: {  	[tilespmem:$0x1EDB0] =	vst v60;
	v60 =	vld [tilespmem:$0x4E0]  }
0x57: {  	v51 =	vld [tilespmem:$0x12F0]  }
0x58: {  	v52 =	vld [tilespmem:$0x350]  }
0x59: {  	v53 =	vld [tilespmem:$0x1350]  }
0x5a: {  	v61 =	vld [tilespmem:$0x1370]  }
0x5b: {  	[tilespmem:$0x1EE30] =	vst v60;
	v60 =	vld [tilespmem:$0x14E0]  }
0x5c: {  	v62 =	vmul.f32 v9, v8;
	v9 =	vld [tilespmem:$0x1180]  }
0x5d: {  	v38 =	vmul.f32 v19, v18;
	v19 =	vld [tilespmem:$0x190]  }
0x5e: {  	v35 =	vmul.f32 v3, v2;
	v2 =	vmul.f32 v36, v26;
	v36 =	vld [tilespmem:$0x11B0]  }
0x5f: {  	v59 =	vmul.f32 v23, v22;
	v22 =	vmul.f32 v41, v39;
	v41 =	vld [tilespmem:$0x11D0]  }
0x60: {  	[tilespmem:$0x1EE40] =	vst v60;
	v60 =	vld [tilespmem:$0x4F0]  }
0x61: {  	v26 =	vld [tilespmem:$0x1E0]  }
0x62: {  	v23 =	vmul.f32 v15, v14;
	v14 =	vld [tilespmem:$0x200]  }
0x63: {  	v42 =	vmul.f32 v21, v20;
	v21 =	vmul.f32 v13, v12;
	v12 =	vld [tilespmem:$0x1200]  }
0x64: {  	v13 =	vld [tilespmem:$0x210]  }
0x65: {  	[tilespmem:$0x1EF30] =	vst v60;
	v60 =	vld [tilespmem:$0x14F0]  }
0x66: {  	v20 =	vmul.f32 v11, v10;
	v10 =	vld [tilespmem:$0x1210]  }
0x67: {  	v37 =	vmul.f32 v17, v16;
	v16 =	vld [tilespmem:$0x1220]  }
0x68: {  	v39 =	vld [tilespmem:$0x230]  }
0x69: {  	[tilespmem:$0x1EB10] =	vst v29;
	v29 =	vld [tilespmem:$0x1230]  }
0x6a: {  	[tilespmem:$0x1EF40] =	vst v60;
	v60 =	vld [tilespmem:$0x500]  }
0x6b: {  	v40 =	vmul.f32 v5, v4;
	v4 =	vld [tilespmem:$0x280]  }
0x6c: {  	v0 =	vmul.f32 v1, v0;
	v1 =	vld [tilespmem:$0x1290]  }
0x6d: {  	v11 =	vld [tilespmem:$0x2A0]  }
0x6e: {  	v8 =	vld [tilespmem:$0x12A0]  }
0x6f: {  	[tilespmem:$0x1ED60] =	vst v60;
	v60 =	vld [tilespmem:$0x1500]  }
0x70: {  	v18 =	vmul.f32 v25, v24;
	v24 =	vmul.f32 v58, v43;
	v43 =	vld [tilespmem:$0x2F0]  }
0x71: {  	v57 =	vmul.f32 v7, v6;
	v6 =	vld [tilespmem:$0x1300]  }
0x72: {  	v7 =	vld [tilespmem:$0x310]  }
0x73: {  	v5 =	vld [tilespmem:$0x1310]  }
0x74: {  	[tilespmem:$0x1ED70] =	vst v60;
	v60 =	vld [tilespmem:$0x510]  }
0x75: {  	v17 =	vld [tilespmem:$0x320]  }
0x76: {  	v15 =	vld [tilespmem:$0x1320]  }
0x77: {  	[tilespmem:$0x1EB20] =	vst v30;
	v30 =	vld [tilespmem:$0x330]  }
0x78: {  	[tilespmem:$0x1EAF0] =	vst v27;
	v27 =	vld [tilespmem:$0x1330]  }
0x79: {  	[tilespmem:$0x1ED80] =	vst v60;
	v60 =	vld [tilespmem:$0x1510]  }
0x7a: {  	[tilespmem:$0x1EBC0] =	vst v51;
	v51 =	vld [tilespmem:$0x1340]  }
0x7b: {  	v58 =	vld [tilespmem:$0x360]  }
0x7c: {  	[tilespmem:$0x1EB30] =	vst v31;
	v31 =	vld [tilespmem:$0x1380]  }
0x7d: {  	[tilespmem:$0x1EB50] =	vst v32;
	v32 =	vld [tilespmem:$0x390]  }
0x7e: {  	[tilespmem:$0x1ED90] =	vst v60;
	v60 =	vld [tilespmem:$0x520]  }
0x7f: {  	[tilespmem:$0x1EB90] =	vst v52;
	v52 =	vld [tilespmem:$0x13A0]  }
0x80: {  	[tilespmem:$0x1EB00] =	vst v28;
	v28 =	vld [tilespmem:$0x13D0]  }
0x81: {  	[tilespmem:$0x1EB60] =	vst v34;
	v34 =	vld [tilespmem:$0x3E0]  }
0x82: {  	[tilespmem:$0x1EBA0] =	vst v53;
	v53 =	vld [tilespmem:$0x430]  }
0x83: {  	[tilespmem:$0x1EDE0] =	vst v60;
	v60 =	vld [tilespmem:$0x1520]  }
0x84: {  	[tilespmem:$0x1EC70] =	vst v61;
	v61 =	vld [tilespmem:$0x1430]  }
0x85: {  	v3 =	vadd.f32 v38, v37;
	v37 =	vld [tilespmem:$0x12C0]  }
0x86: {  	v0 =	vadd.f32 v35, v0;
	v35 =	vld [tilespmem:$0x2D0]  }
0x87: {  	v38 =	vld [tilespmem:$0x2E0]  }
0x88: {  	[tilespmem:$0x1EDF0] =	vst v60;
	v60 =	vld [tilespmem:$0x530]  }
0x89: {  	v3 =	vadd.f32 v42, v3;
	v42 =	vld [tilespmem:$0x2C0]  }
0x8a: {  	v0 =	vadd.f32 v40, v0;
	v40 =	vld [tilespmem:$0x12E0]  }
0x8b: {  	[tilespmem:$0x1EAD0] =	vst v19;
	v19 =	vld [tilespmem:$0x12B0]  }
0x8c: {  	[tilespmem:$0x1EAC0] =	vst v9;
	v9 =	vld [tilespmem:$0x300]  }
0x8d: {  	[tilespmem:$0x1EE50] =	vst v60;
	v60 =	vld [tilespmem:$0x1530]  }
0x8e: {  	[tilespmem:$0x1EBD0] =	vst v58;
	v58 =	vld [tilespmem:$0x3A0]  }
0x8f: {  	[tilespmem:$0x1EAE0] =	vst v26;
	v26 =	vld [tilespmem:$0x3D0]  }
0x90: {  	[tilespmem:$0x1EBB0] =	vst v43;
	v43 =	vld [tilespmem:$0x13F0]  }
0x91: {  	[tilespmem:$0x1EC40] =	vst v28;
	v28 =	vld [tilespmem:$0x1450]  }
0x92: {  	[tilespmem:$0x1EE60] =	vst v60;
	v60 =	vld [tilespmem:$0x540]  }
0x93: {  	[tilespmem:$0x1ECA0] =	vst v34;
	v34 =	vld [tilespmem:$0x460]  }
0x94: {  	[tilespmem:$0x1EC50] =	vst v53;
	v53 =	vld [tilespmem:$0x470]  }
0x95: {  	v0 =	vadd.f32 v57, v0;
	v57 =	vld [tilespmem:$0x340]  }
0x96: {  	v3 =	vadd.f32 v59, v3;
	v59 =	vld [tilespmem:$0x1360]  }
0x97: {  	[tilespmem:$0x1EE90] =	vst v60;
	v60 =	vld [tilespmem:$0x1540]  }
0x98: {  	[tilespmem:$0x1EB70] =	vst v38;
	v38 =	vld [tilespmem:$0x380]  }
0x99: {  	[tilespmem:$0x1EB40] =	vst v35;
	v35 =	vld [tilespmem:$0x13E0]  }
0x9a: {  	v3 =	vadd.f32 v18, v3;
	v18 =	vld [tilespmem:$0x220]  }
0x9b: {  	v0 =	vadd.f32 v62, v0;
	v62 =	vld [tilespmem:$0x12D0]  }
0x9c: {  	[tilespmem:$0x1EEA0] =	vst v60;
	v60 =	vld [tilespmem:$0x550]  }
0x9d: {  	[tilespmem:$0x1EB80] =	vst v40;
	v40 =	vld [tilespmem:$0x3F0]  }
0x9e: {  	v2 =	vadd.f32 v2, v3;
	v3 =	vld [tilespmem:$0x290]  }
0x9f: {  	v0 =	vadd.f32 v20, v0;
	v20 =	vld [tilespmem:$0x3B0]  }
0xa0: {  	[tilespmem:$0x1ED10] =	vst v43;
	v43 =	vld [tilespmem:$0x420]  }
0xa1: {  	[tilespmem:$0x1EEB0] =	vst v60;
	v60 =	vld [tilespmem:$0x1550]  }
0xa2: {  	[tilespmem:$0x1EC30] =	vst v26;
	v26 =	vld [tilespmem:$0x450]  }
0xa3: {  	[tilespmem:$0x1ED20] =	vst v34;
	v34 =	vld [tilespmem:$0x1480]  }
0xa4: {  	[tilespmem:$0x1ECD0] =	vst v28;
	v28 =	vld [tilespmem:$0x490]  }
0xa5: {  	[tilespmem:$0x1EDC0] =	vst v53;
	v53 =	vld [tilespmem:$0x14A0]  }
0xa6: {  	[tilespmem:$0x1EEC0] =	vst v60;
	v60 =	vld [tilespmem:$0x560]  }
0xa7: {  	[tilespmem:$0x1EBE0] =	vst v59;
	v59 =	vld [tilespmem:$0x440]  }
0xa8: {  	v0 =	vadd.f32 v21, v0;
	v21 =	vld [tilespmem:$0x2B0]  }
0xa9: {  	v2 =	vadd.f32 v22, v2;
	v22 =	vld [tilespmem:$0x13B0]  }
0xaa: {  	[tilespmem:$0x1ECB0] =	vst v35;
	v35 =	vld [tilespmem:$0x1460]  }
0xab: {  	[tilespmem:$0x1EF90] =	vst v60;
	v60 =	vld [tilespmem:$0x1560]  }
0xac: {  	v25 =	vadd.f32 v24, v2;
	v2 =	vld [tilespmem:$0x1280]  }
0xad: {  	v0 =	vadd.f32 v23, v0;
	v23 =	vld [tilespmem:$0x3C0];
	[tilespmem:$0x1ED00] =	vst v40  }
0xae: {  	v24 =	vld [tilespmem:$0x13C0];
	[tilespmem:$0x1EBF0] =	vst v20  }
0xaf: {  	v40 =	vld [tilespmem:$0x1420];
	[tilespmem:$0x1ECC0] =	vst v26  }
0xb0: {  	[tilespmem:$0x1EFA0] =	vst v60;
	v60 =	vld [tilespmem:$0x570]  }
0xb1: {  	v20 =	vld [tilespmem:$0x1410];
	[tilespmem:$0x2080] =	vst v0  }
0xb2: {  	v26 =	vld [tilespmem:$0x1490];
	[tilespmem:$0x2100] =	vst v25  }
0xb3: {  	v25 =	vld [tilespmem:$0x1390];
	[tilespmem:$0x1EC80] =	vst v59  }
0xb4: {  	v59 =	vld [tilespmem:$0x1470];
	[tilespmem:$0x1EC00] =	vst v22  }
0xb5: {  	[tilespmem:$0x1EFF0] =	vst v60;
	v60 =	vld [tilespmem:$0x1570]  }
0xb6: {  	v22 =	vld [tilespmem:$0x1400];
	[tilespmem:$0x1ED30] =	vst v35  }
0xb7: {  	v35 =	vld [tilespmem:$0x480];
	[tilespmem:$0x1EC10] =	vst v23  }
0xb8: {  	[tilespmem:$0x1EC20] =	vst v24;
	v24 =	vld [tilespmem:$0x400]  }
0xb9: {  	v23 =	vld [tilespmem:$0x410];
	[tilespmem:$0x1EDD0] =	vst v59  }
0xba: {  	v59 =	vld [tilespmem:$0x4A0];
	[tilespmem:$0x1F000] =	vst v60  }
0xbb: {  	v0 =	vld [tilespmem:$0x580];
	_ =	sdelay $0x4  }
0xbc: {  	[tilespmem:$0x1EE00] =	vst v0;
	v0 =	vld [tilespmem:$0x5A0];
	_ =	sdelay $0x4  }
0xbd: {  	[tilespmem:$0x1EE70] =	vst v0;
	v0 =	vld [tilespmem:$0x15A0];
	_ =	sdelay $0x4  }
0xbe: {  	[tilespmem:$0x1EE80] =	vst v0;
	v0 =	vld [tilespmem:$0x5B0];
	_ =	sdelay $0x4  }
0xbf: {  	[tilespmem:$0x1EED0] =	vst v0;
	v0 =	vld [tilespmem:$0x15B0];
	_ =	sdelay $0x4  }
0xc0: {  	[tilespmem:$0x1EEE0] =	vst v0;
	v0 =	vld [tilespmem:$0x5C0];
	_ =	sdelay $0x4  }
0xc1: {  	[tilespmem:$0x1EF50] =	vst v0;
	v0 =	vld [tilespmem:$0x15C0];
	_ =	sdelay $0x4  }
0xc2: {  	[tilespmem:$0x1EF60] =	vst v0;
	v0 =	vld [tilespmem:$0x5D0];
	_ =	sdelay $0x4  }
0xc3: {  	[tilespmem:$0x1EFB0] =	vst v0;
	v0 =	vld [tilespmem:$0x15D0];
	_ =	sdelay $0x4  }
0xc4: {  	[tilespmem:$0x1EFC0] =	vst v0;
	v0 =	vld [tilespmem:$0x5E0];
	_ =	sdelay $0x4  }
0xc5: {  	[tilespmem:$0x1F010] =	vst v0;
	v0 =	vld [tilespmem:$0x15E0];
	_ =	sdelay $0x4  }
0xc6: {  	[tilespmem:$0x1F020] =	vst v0;
	v0 =	vld [tilespmem:$0x5F0];
	_ =	sdelay $0x4  }
0xc7: {  	[tilespmem:$0x1F0B0] =	vst v0;
	v0 =	vld [tilespmem:$0x15F0];
	_ =	sdelay $0x4  }
0xc8: {  	[tilespmem:$0x1F0C0] =	vst v0;
	v0 =	vld [tilespmem:$0x600];
	_ =	sdelay $0x4  }
0xc9: {  	[tilespmem:$0x1EEF0] =	vst v0;
	v0 =	vld [tilespmem:$0x1600];
	_ =	sdelay $0x4  }
0xca: {  	[tilespmem:$0x1EF00] =	vst v0;
	v0 =	vld [tilespmem:$0x610];
	_ =	sdelay $0x4  }
0xcb: {  	[tilespmem:$0x1EF10] =	vst v0;
	v0 =	vld [tilespmem:$0x1610];
	_ =	sdelay $0x4  }
0xcc: {  	[tilespmem:$0x1EF20] =	vst v0;
	v0 =	vld [tilespmem:$0x620];
	_ =	sdelay $0x4  }
0xcd: {  	[tilespmem:$0x1EF70] =	vst v0;
	v0 =	vld [tilespmem:$0x1620];
	_ =	sdelay $0x4  }
0xce: {  	[tilespmem:$0x1EF80] =	vst v0;
	v0 =	vld [tilespmem:$0x630];
	_ =	sdelay $0x4  }
0xcf: {  	[tilespmem:$0x1EFD0] =	vst v0;
	v0 =	vld [tilespmem:$0x1630];
	_ =	sdelay $0x4  }
0xd0: {  	[tilespmem:$0x1EFE0] =	vst v0;
	v0 =	vld [tilespmem:$0x640];
	_ =	sdelay $0x4  }
0xd1: {  	[tilespmem:$0x1F030] =	vst v0;
	v0 =	vld [tilespmem:$0x1640];
	_ =	sdelay $0x4  }
0xd2: {  	[tilespmem:$0x1F040] =	vst v0;
	v0 =	vld [tilespmem:$0x650];
	_ =	sdelay $0x4  }
0xd3: {  	[tilespmem:$0x1F090] =	vst v0;
	v0 =	vld [tilespmem:$0x1650];
	_ =	sdelay $0x4  }
0xd4: {  	[tilespmem:$0x1F0A0] =	vst v0;
	v0 =	vld [tilespmem:$0x660];
	_ =	sdelay $0x4  }
0xd5: {  	[tilespmem:$0x1F130] =	vst v0;
	v0 =	vld [tilespmem:$0x1660];
	_ =	sdelay $0x4  }
0xd6: {  	[tilespmem:$0x1F140] =	vst v0;
	v0 =	vld [tilespmem:$0x670];
	_ =	sdelay $0x4  }
0xd7: {  	[tilespmem:$0x1F230] =	vst v0;
	v0 =	vld [tilespmem:$0x1670];
	_ =	sdelay $0x4  }
0xd8: {  	[tilespmem:$0x1F240] =	vst v0;
	v0 =	vld [tilespmem:$0x680];
	_ =	sdelay $0x4  }
0xd9: {  	[tilespmem:$0x1F050] =	vst v0;
	v0 =	vld [tilespmem:$0x1680];
	_ =	sdelay $0x4  }
0xda: {  	[tilespmem:$0x1F060] =	vst v0;
	v0 =	vld [tilespmem:$0x690];
	_ =	sdelay $0x4  }
0xdb: {  	[tilespmem:$0x1F070] =	vst v0;
	v0 =	vld [tilespmem:$0x1690];
	_ =	sdelay $0x4  }
0xdc: {  	[tilespmem:$0x1F080] =	vst v0;
	v0 =	vld [tilespmem:$0x6A0];
	_ =	sdelay $0x4  }
0xdd: {  	[tilespmem:$0x1F0D0] =	vst v0;
	v0 =	vld [tilespmem:$0x16A0];
	_ =	sdelay $0x4  }
0xde: {  	[tilespmem:$0x1F0E0] =	vst v0;
	v0 =	vld [tilespmem:$0x6B0];
	_ =	sdelay $0x4  }
0xdf: {  	[tilespmem:$0x1F150] =	vst v0;
	v0 =	vld [tilespmem:$0x16B0];
	_ =	sdelay $0x4  }
0xe0: {  	[tilespmem:$0x1F160] =	vst v0;
	v0 =	vld [tilespmem:$0x6C0];
	_ =	sdelay $0x4  }
0xe1: {  	[tilespmem:$0x1F190] =	vst v0;
	v0 =	vld [tilespmem:$0x16C0];
	_ =	sdelay $0x4  }
0xe2: {  	[tilespmem:$0x1F1A0] =	vst v0;
	v0 =	vld [tilespmem:$0x6D0];
	_ =	sdelay $0x4  }
0xe3: {  	[tilespmem:$0x1F1B0] =	vst v0;
	v0 =	vld [tilespmem:$0x16D0];
	_ =	sdelay $0x4  }
0xe4: {  	[tilespmem:$0x1F1C0] =	vst v0;
	v0 =	vld [tilespmem:$0x6E0];
	_ =	sdelay $0x4  }
0xe5: {  	[tilespmem:$0x1F290] =	vst v0;
	v0 =	vld [tilespmem:$0x16E0];
	_ =	sdelay $0x4  }
0xe6: {  	[tilespmem:$0x1F2A0] =	vst v0;
	v0 =	vld [tilespmem:$0x6F0];
	_ =	sdelay $0x4  }
0xe7: {  	[tilespmem:$0x1F2F0] =	vst v0;
	v0 =	vld [tilespmem:$0x16F0];
	_ =	sdelay $0x4  }
0xe8: {  	[tilespmem:$0x1F300] =	vst v0;
	v0 =	vld [tilespmem:$0x700];
	_ =	sdelay $0x4  }
0xe9: {  	[tilespmem:$0x1F0F0] =	vst v0;
	v0 =	vld [tilespmem:$0x1700];
	_ =	sdelay $0x4  }
0xea: {  	[tilespmem:$0x1F100] =	vst v0;
	v0 =	vld [tilespmem:$0x710];
	_ =	sdelay $0x4  }
0xeb: {  	[tilespmem:$0x1F110] =	vst v0;
	v0 =	vld [tilespmem:$0x1710];
	_ =	sdelay $0x4  }
0xec: {  	[tilespmem:$0x1F120] =	vst v0;
	v0 =	vld [tilespmem:$0x720];
	_ =	sdelay $0x4  }
0xed: {  	[tilespmem:$0x1F170] =	vst v0;
	v0 =	vld [tilespmem:$0x1720];
	_ =	sdelay $0x4  }
0xee: {  	[tilespmem:$0x1F180] =	vst v0;
	v0 =	vld [tilespmem:$0x730];
	_ =	sdelay $0x4  }
0xef: {  	[tilespmem:$0x1F1D0] =	vst v0;
	v0 =	vld [tilespmem:$0x1730];
	_ =	sdelay $0x4  }
0xf0: {  	[tilespmem:$0x1F1E0] =	vst v0;
	v0 =	vld [tilespmem:$0x740];
	_ =	sdelay $0x4  }
0xf1: {  	[tilespmem:$0x1F250] =	vst v0;
	v0 =	vld [tilespmem:$0x1740];
	_ =	sdelay $0x4  }
0xf2: {  	[tilespmem:$0x1F260] =	vst v0;
	v0 =	vld [tilespmem:$0x750];
	_ =	sdelay $0x4  }
0xf3: {  	[tilespmem:$0x1F2B0] =	vst v0;
	v0 =	vld [tilespmem:$0x1750];
	_ =	sdelay $0x4  }
0xf4: {  	[tilespmem:$0x1F2C0] =	vst v0;
	v0 =	vld [tilespmem:$0x760];
	_ =	sdelay $0x4  }
0xf5: {  	[tilespmem:$0x1F310] =	vst v0;
	v0 =	vld [tilespmem:$0x1760];
	_ =	sdelay $0x4  }
0xf6: {  	[tilespmem:$0x1F320] =	vst v0;
	v0 =	vld [tilespmem:$0x770];
	_ =	sdelay $0x4  }
0xf7: {  	[tilespmem:$0x1F3B0] =	vst v0;
	v0 =	vld [tilespmem:$0x1770];
	_ =	sdelay $0x4  }
0xf8: {  	[tilespmem:$0x1F3C0] =	vst v0;
	v0 =	vld [tilespmem:$0x780];
	_ =	sdelay $0x4  }
0xf9: {  	[tilespmem:$0x1F1F0] =	vst v0;
	v0 =	vld [tilespmem:$0x1780];
	_ =	sdelay $0x4  }
0xfa: {  	[tilespmem:$0x1F200] =	vst v0;
	v0 =	vld [tilespmem:$0x790];
	_ =	sdelay $0x4  }
0xfb: {  	[tilespmem:$0x1F210] =	vst v0;
	v0 =	vld [tilespmem:$0x1790];
	_ =	sdelay $0x4  }
0xfc: {  	[tilespmem:$0x1F220] =	vst v0;
	v0 =	vld [tilespmem:$0x7A0];
	_ =	sdelay $0x4  }
0xfd: {  	[tilespmem:$0x1F270] =	vst v0;
	v0 =	vld [tilespmem:$0x17A0];
	_ =	sdelay $0x4  }
0xfe: {  	[tilespmem:$0x1F280] =	vst v0;
	v0 =	vld [tilespmem:$0x7B0];
	_ =	sdelay $0x4  }
0xff: {  	[tilespmem:$0x1F2D0] =	vst v0;
	v0 =	vld [tilespmem:$0x17B0];
	_ =	sdelay $0x4  }
0x100: {  	[tilespmem:$0x1F2E0] =	vst v0;
	v0 =	vld [tilespmem:$0x7C0];
	_ =	sdelay $0x4  }
0x101: {  	[tilespmem:$0x1F330] =	vst v0;
	v0 =	vld [tilespmem:$0x17C0];
	_ =	sdelay $0x4  }
0x102: {  	[tilespmem:$0x1F340] =	vst v0;
	v0 =	vld [tilespmem:$0x7D0];
	_ =	sdelay $0x4  }
0x103: {  	[tilespmem:$0x1F390] =	vst v0;
	v0 =	vld [tilespmem:$0x17D0];
	_ =	sdelay $0x4  }
0x104: {  	[tilespmem:$0x1F3A0] =	vst v0;
	v0 =	vld [tilespmem:$0x7E0];
	_ =	sdelay $0x4  }
0x105: {  	[tilespmem:$0x1F430] =	vst v0;
	v0 =	vld [tilespmem:$0x17E0];
	_ =	sdelay $0x4  }
0x106: {  	[tilespmem:$0x1F440] =	vst v0;
	v0 =	vld [tilespmem:$0x7F0];
	_ =	sdelay $0x4  }
0x107: {  	[tilespmem:$0x1F530] =	vst v0;
	v0 =	vld [tilespmem:$0x17F0];
	_ =	sdelay $0x4  }
0x108: {  	[tilespmem:$0x1F540] =	vst v0;
	v0 =	vld [tilespmem:$0x800];
	_ =	sdelay $0x4  }
0x109: {  	[tilespmem:$0x1F350] =	vst v0;
	v0 =	vld [tilespmem:$0x1800];
	_ =	sdelay $0x4  }
0x10a: {  	[tilespmem:$0x1F360] =	vst v0;
	v0 =	vld [tilespmem:$0x810];
	_ =	sdelay $0x4  }
0x10b: {  	[tilespmem:$0x1F370] =	vst v0;
	v0 =	vld [tilespmem:$0x1810];
	_ =	sdelay $0x4  }
0x10c: {  	[tilespmem:$0x1F380] =	vst v0;
	v0 =	vld [tilespmem:$0x820];
	_ =	sdelay $0x4  }
0x10d: {  	[tilespmem:$0x1F3D0] =	vst v0;
	v0 =	vld [tilespmem:$0x1820];
	_ =	sdelay $0x4  }
0x10e: {  	[tilespmem:$0x1F3E0] =	vst v0;
	v0 =	vld [tilespmem:$0x830];
	_ =	sdelay $0x4  }
0x10f: {  	[tilespmem:$0x1F450] =	vst v0;
	v0 =	vld [tilespmem:$0x1830];
	_ =	sdelay $0x4  }
0x110: {  	[tilespmem:$0x1F460] =	vst v0;
	v0 =	vld [tilespmem:$0x840];
	_ =	sdelay $0x4  }
0x111: {  	[tilespmem:$0x1F490] =	vst v0;
	v0 =	vld [tilespmem:$0x1840];
	_ =	sdelay $0x4  }
0x112: {  	[tilespmem:$0x1F4A0] =	vst v0;
	v0 =	vld [tilespmem:$0x850];
	_ =	sdelay $0x4  }
0x113: {  	[tilespmem:$0x1F4B0] =	vst v0;
	v0 =	vld [tilespmem:$0x1850];
	_ =	sdelay $0x4  }
0x114: {  	[tilespmem:$0x1F4C0] =	vst v0;
	v0 =	vld [tilespmem:$0x860];
	_ =	sdelay $0x4  }
0x115: {  	[tilespmem:$0x1F590] =	vst v0;
	v0 =	vld [tilespmem:$0x1860];
	_ =	sdelay $0x4  }
0x116: {  	[tilespmem:$0x1F5A0] =	vst v0;
	v0 =	vld [tilespmem:$0x870];
	_ =	sdelay $0x4  }
0x117: {  	[tilespmem:$0x1F5F0] =	vst v0;
	v0 =	vld [tilespmem:$0x1870];
	_ =	sdelay $0x4  }
0x118: {  	[tilespmem:$0x1F600] =	vst v0;
	v0 =	vld [tilespmem:$0x880];
	_ =	sdelay $0x4  }
0x119: {  	[tilespmem:$0x1F3F0] =	vst v0;
	v0 =	vld [tilespmem:$0x1880];
	_ =	sdelay $0x4  }
0x11a: {  	[tilespmem:$0x1F400] =	vst v0;
	v0 =	vld [tilespmem:$0x890];
	_ =	sdelay $0x4  }
0x11b: {  	[tilespmem:$0x1F410] =	vst v0;
	v0 =	vld [tilespmem:$0x1890];
	_ =	sdelay $0x4  }
0x11c: {  	[tilespmem:$0x1F420] =	vst v0;
	v0 =	vld [tilespmem:$0x8A0];
	_ =	sdelay $0x4  }
0x11d: {  	[tilespmem:$0x1F470] =	vst v0;
	v0 =	vld [tilespmem:$0x18A0];
	_ =	sdelay $0x4  }
0x11e: {  	[tilespmem:$0x1F480] =	vst v0;
	v0 =	vld [tilespmem:$0x8B0];
	_ =	sdelay $0x4  }
0x11f: {  	[tilespmem:$0x1F4D0] =	vst v0;
	v0 =	vld [tilespmem:$0x18B0];
	_ =	sdelay $0x4  }
0x120: {  	[tilespmem:$0x1F4E0] =	vst v0;
	v0 =	vld [tilespmem:$0x8C0];
	_ =	sdelay $0x4  }
0x121: {  	[tilespmem:$0x1F550] =	vst v0;
	v0 =	vld [tilespmem:$0x18C0];
	_ =	sdelay $0x4  }
0x122: {  	[tilespmem:$0x1F560] =	vst v0;
	v0 =	vld [tilespmem:$0x8D0];
	_ =	sdelay $0x4  }
0x123: {  	[tilespmem:$0x1F5B0] =	vst v0;
	v0 =	vld [tilespmem:$0x18D0];
	_ =	sdelay $0x4  }
0x124: {  	[tilespmem:$0x1F5C0] =	vst v0;
	v0 =	vld [tilespmem:$0x8E0];
	_ =	sdelay $0x4  }
0x125: {  	[tilespmem:$0x1F610] =	vst v0;
	v0 =	vld [tilespmem:$0x18E0];
	_ =	sdelay $0x4  }
0x126: {  	[tilespmem:$0x1F620] =	vst v0;
	v0 =	vld [tilespmem:$0x8F0];
	_ =	sdelay $0x4  }
0x127: {  	[tilespmem:$0x1F6B0] =	vst v0;
	v0 =	vld [tilespmem:$0x18F0];
	_ =	sdelay $0x4  }
0x128: {  	[tilespmem:$0x1F6C0] =	vst v0;
	v0 =	vld [tilespmem:$0x900];
	_ =	sdelay $0x4  }
0x129: {  	[tilespmem:$0x1F4F0] =	vst v0;
	v0 =	vld [tilespmem:$0x1900];
	_ =	sdelay $0x4  }
0x12a: {  	[tilespmem:$0x1F500] =	vst v0;
	v0 =	vld [tilespmem:$0x910];
	_ =	sdelay $0x4  }
0x12b: {  	[tilespmem:$0x1F510] =	vst v0;
	v0 =	vld [tilespmem:$0x1910];
	_ =	sdelay $0x4  }
0x12c: {  	[tilespmem:$0x1F520] =	vst v0;
	v0 =	vld [tilespmem:$0x920];
	_ =	sdelay $0x4  }
0x12d: {  	[tilespmem:$0x1F570] =	vst v0;
	v0 =	vld [tilespmem:$0x1920];
	_ =	sdelay $0x4  }
0x12e: {  	[tilespmem:$0x1F580] =	vst v0;
	v0 =	vld [tilespmem:$0x930];
	_ =	sdelay $0x4  }
0x12f: {  	[tilespmem:$0x1F5D0] =	vst v0;
	v0 =	vld [tilespmem:$0x1930];
	_ =	sdelay $0x4  }
0x130: {  	[tilespmem:$0x1F5E0] =	vst v0;
	v0 =	vld [tilespmem:$0x940];
	_ =	sdelay $0x4  }
0x131: {  	[tilespmem:$0x1F630] =	vst v0;
	v0 =	vld [tilespmem:$0x1940];
	_ =	sdelay $0x4  }
0x132: {  	[tilespmem:$0x1F640] =	vst v0;
	v0 =	vld [tilespmem:$0x950];
	_ =	sdelay $0x4  }
0x133: {  	[tilespmem:$0x1F690] =	vst v0;
	v0 =	vld [tilespmem:$0x1950];
	_ =	sdelay $0x4  }
0x134: {  	[tilespmem:$0x1F6A0] =	vst v0;
	v0 =	vld [tilespmem:$0x960];
	_ =	sdelay $0x4  }
0x135: {  	[tilespmem:$0x1F730] =	vst v0;
	v0 =	vld [tilespmem:$0x1960];
	_ =	sdelay $0x4  }
0x136: {  	[tilespmem:$0x1F740] =	vst v0;
	v0 =	vld [tilespmem:$0x970];
	_ =	sdelay $0x4  }
0x137: {  	[tilespmem:$0x1F830] =	vst v0;
	v0 =	vld [tilespmem:$0x1970];
	_ =	sdelay $0x4  }
0x138: {  	[tilespmem:$0x1F840] =	vst v0;
	v0 =	vld [tilespmem:$0x980];
	_ =	sdelay $0x4  }
0x139: {  	[tilespmem:$0x1F650] =	vst v0;
	v0 =	vld [tilespmem:$0x1980];
	_ =	sdelay $0x4  }
0x13a: {  	[tilespmem:$0x1F660] =	vst v0;
	v0 =	vld [tilespmem:$0x990];
	_ =	sdelay $0x4  }
0x13b: {  	[tilespmem:$0x1F670] =	vst v0;
	v0 =	vld [tilespmem:$0x1990];
	_ =	sdelay $0x4  }
0x13c: {  	[tilespmem:$0x1F680] =	vst v0;
	v0 =	vld [tilespmem:$0x9A0];
	_ =	sdelay $0x4  }
0x13d: {  	[tilespmem:$0x1F6D0] =	vst v0;
	v0 =	vld [tilespmem:$0x19A0];
	_ =	sdelay $0x4  }
0x13e: {  	[tilespmem:$0x1F6E0] =	vst v0;
	v0 =	vld [tilespmem:$0x9B0];
	_ =	sdelay $0x4  }
0x13f: {  	[tilespmem:$0x1F750] =	vst v0;
	v0 =	vld [tilespmem:$0x19B0];
	_ =	sdelay $0x4  }
0x140: {  	[tilespmem:$0x1F760] =	vst v0;
	v0 =	vld [tilespmem:$0x9C0];
	_ =	sdelay $0x4  }
0x141: {  	[tilespmem:$0x1F790] =	vst v0;
	v0 =	vld [tilespmem:$0x19C0];
	_ =	sdelay $0x4  }
0x142: {  	[tilespmem:$0x1F7A0] =	vst v0;
	v0 =	vld [tilespmem:$0x9D0];
	_ =	sdelay $0x4  }
0x143: {  	[tilespmem:$0x1F7B0] =	vst v0;
	v0 =	vld [tilespmem:$0x19D0];
	_ =	sdelay $0x4  }
0x144: {  	[tilespmem:$0x1F7C0] =	vst v0;
	v0 =	vld [tilespmem:$0x9E0];
	_ =	sdelay $0x4  }
0x145: {  	[tilespmem:$0x1F890] =	vst v0;
	v0 =	vld [tilespmem:$0xB00];
	_ =	sdelay $0x4  }
0x146: {  	[tilespmem:$0x1F950] =	vst v0;
	v0 =	vld [tilespmem:$0x19E0];
	_ =	sdelay $0x4  }
0x147: {  	[tilespmem:$0x1F8A0] =	vst v0;
	v0 =	vld [tilespmem:$0x9F0];
	_ =	sdelay $0x4  }
0x148: {  	[tilespmem:$0x1F8F0] =	vst v0;
	v0 =	vld [tilespmem:$0x19F0];
	_ =	sdelay $0x4  }
0x149: {  	[tilespmem:$0x1F900] =	vst v0;
	v0 =	vld [tilespmem:$0xA00];
	_ =	sdelay $0x4  }
0x14a: {  	[tilespmem:$0x1F6F0] =	vst v0;
	v0 =	vld [tilespmem:$0x1A00];
	_ =	sdelay $0x4  }
0x14b: {  	[tilespmem:$0x1F700] =	vst v0;
	v0 =	vld [tilespmem:$0xA10];
	_ =	sdelay $0x4  }
0x14c: {  	[tilespmem:$0x1F710] =	vst v0;
	v0 =	vld [tilespmem:$0x1A10];
	_ =	sdelay $0x4  }
0x14d: {  	[tilespmem:$0x1F720] =	vst v0;
	v0 =	vld [tilespmem:$0xA20];
	_ =	sdelay $0x4  }
0x14e: {  	[tilespmem:$0x1F770] =	vst v0;
	v0 =	vld [tilespmem:$0x1A20];
	_ =	sdelay $0x4  }
0x14f: {  	[tilespmem:$0x1F780] =	vst v0;
	v0 =	vld [tilespmem:$0xA30];
	_ =	sdelay $0x4  }
0x150: {  	[tilespmem:$0x1F7D0] =	vst v0;
	v0 =	vld [tilespmem:$0xA50];
	_ =	sdelay $0x4  }
0x151: {  	[tilespmem:$0x1F8B0] =	vst v0;
	v0 =	vld [tilespmem:$0x1A30];
	_ =	sdelay $0x4  }
0x152: {  	[tilespmem:$0x1F7E0] =	vst v0;
	v0 =	vld [tilespmem:$0xA40];
	_ =	sdelay $0x4  }
0x153: {  	[tilespmem:$0x1F850] =	vst v0;
	v0 =	vld [tilespmem:$0x1A40];
	_ =	sdelay $0x4  }
0x154: {  	[tilespmem:$0x1F860] =	vst v0;
	v0 =	vld [tilespmem:$0x1A50];
	_ =	sdelay $0x4  }
0x155: {  	[tilespmem:$0x1F8C0] =	vst v0;
	v0 =	vld [tilespmem:$0xA60];
	_ =	sdelay $0x4  }
0x156: {  	[tilespmem:$0x1F910] =	vst v0;
	v0 =	vld [tilespmem:$0x1A60];
	_ =	sdelay $0x4  }
0x157: {  	[tilespmem:$0x1F920] =	vst v0;
	v0 =	vld [tilespmem:$0xA70];
	_ =	sdelay $0x4  }
0x158: {  	[tilespmem:$0x1F9B0] =	vst v0;
	v0 =	vld [tilespmem:$0x1CD0];
	_ =	sdelay $0x4  }
0x159: {  	[tilespmem:$0x1FCF0] =	vst v0;
	v0 =	vld [tilespmem:$0x1A70];
	_ =	sdelay $0x4  }
0x15a: {  	[tilespmem:$0x1F9C0] =	vst v0;
	v0 =	vld [tilespmem:$0xBF0];
	_ =	sdelay $0x4  }
0x15b: {  	[tilespmem:$0x1FC50] =	vst v0;
	v0 =	vld [tilespmem:$0xA80];
	_ =	sdelay $0x4  }
0x15c: {  	[tilespmem:$0x1F7F0] =	vst v0;
	v0 =	vld [tilespmem:$0x1A80];
	_ =	sdelay $0x4  }
0x15d: {  	[tilespmem:$0x1F800] =	vst v0;
	v0 =	vld [tilespmem:$0xA90];
	_ =	sdelay $0x4  }
0x15e: {  	[tilespmem:$0x1F810] =	vst v0;
	v0 =	vld [tilespmem:$0xCA0];
	_ =	sdelay $0x4  }
0x15f: {  	[tilespmem:$0x1FC00] =	vst v0;
	v0 =	vld [tilespmem:$0x1A90];
	_ =	sdelay $0x4  }
0x160: {  	[tilespmem:$0x1F820] =	vst v0;
	v0 =	vld [tilespmem:$0xC50];
	_ =	sdelay $0x4  }
0x161: {  	[tilespmem:$0x1FBC0] =	vst v0;
	v0 =	vld [tilespmem:$0xAA0];
	_ =	sdelay $0x4  }
0x162: {  	[tilespmem:$0x1F870] =	vst v0;
	v0 =	vld [tilespmem:$0xC80];
	_ =	sdelay $0x4  }
0x163: {  	[tilespmem:$0x1FB90] =	vst v0;
	v0 =	vld [tilespmem:$0xC90];
	_ =	sdelay $0x4  }
0x164: {  	[tilespmem:$0x1FBA0] =	vst v0;
	v0 =	vld [tilespmem:$0x1BE0];
	_ =	sdelay $0x4  }
0x165: {  	[tilespmem:$0x1FB70] =	vst v0;
	v0 =	vld [tilespmem:$0x1AA0];
	_ =	sdelay $0x4  }
0x166: {  	[tilespmem:$0x1F880] =	vst v0;
	v0 =	vld [tilespmem:$0xAB0];
	_ =	sdelay $0x4  }
0x167: {  	[tilespmem:$0x1F8D0] =	vst v0;
	v0 =	vld [tilespmem:$0x1AB0];
	_ =	sdelay $0x4  }
0x168: {  	[tilespmem:$0x1F8E0] =	vst v0;
	v0 =	vld [tilespmem:$0xAC0];
	_ =	sdelay $0x4  }
0x169: {  	[tilespmem:$0x1F930] =	vst v0;
	v0 =	vld [tilespmem:$0x1AC0];
	_ =	sdelay $0x4  }
0x16a: {  	[tilespmem:$0x1F940] =	vst v0;
	v0 =	vld [tilespmem:$0xBD0];
	_ =	sdelay $0x4  }
0x16b: {  	[tilespmem:$0x1FB20] =	vst v0;
	v0 =	vld [tilespmem:$0xC30];
	_ =	sdelay $0x4  }
0x16c: {  	[tilespmem:$0x1FB40] =	vst v0;
	v0 =	vld [tilespmem:$0xAD0];
	_ =	sdelay $0x4  }
0x16d: {  	[tilespmem:$0x1F990] =	vst v0;
	v0 =	vld [tilespmem:$0x1AD0];
	_ =	sdelay $0x4  }
0x16e: {  	[tilespmem:$0x1F9A0] =	vst v0;
	v0 =	vld [tilespmem:$0xBC0];
	_ =	sdelay $0x4  }
0x16f: {  	[tilespmem:$0x1FAE0] =	vst v0;
	v0 =	vld [tilespmem:$0xB60];
	_ =	sdelay $0x4  }
0x170: {  	[tilespmem:$0x1FB00] =	vst v0;
	v0 =	vld [tilespmem:$0x1C00];
	_ =	sdelay $0x4  }
0x171: {  	[tilespmem:$0x1FAB0] =	vst v0;
	v0 =	vld [tilespmem:$0xAE0];
	_ =	sdelay $0x4  }
0x172: {  	[tilespmem:$0x1FA10] =	vst v0;
	v0 =	vld [tilespmem:$0x1AE0];
	_ =	sdelay $0x4  }
0x173: {  	[tilespmem:$0x1FA20] =	vst v0;
	v0 =	vld [tilespmem:$0xAF0];
	_ =	sdelay $0x4  }
0x174: {  	[tilespmem:$0x1FAC0] =	vst v0;
	v0 =	vld [tilespmem:$0xC20];
	_ =	sdelay $0x4  }
0x175: {  	[tilespmem:$0x1FAF0] =	vst v0;
	v0 =	vld [tilespmem:$0x1AF0];
	_ =	sdelay $0x4  }
0x176: {  	[tilespmem:$0x1FAD0] =	vst v0;
	v0 =	vld [tilespmem:$0x1B30];
	_ =	sdelay $0x4  }
0x177: {  	[tilespmem:$0x1FA30] =	vst v0;
	v0 =	vld [tilespmem:$0x1B00];
	_ =	sdelay $0x4  }
0x178: {  	[tilespmem:$0x1F960] =	vst v0;
	v0 =	vld [tilespmem:$0x1BA0];
	_ =	sdelay $0x4  }
0x179: {  	[tilespmem:$0x1FA50] =	vst v0;
	v0 =	vld [tilespmem:$0xB10];
	_ =	sdelay $0x4  }
0x17a: {  	[tilespmem:$0x1F970] =	vst v0;
	v0 =	vld [tilespmem:$0x1B10];
	_ =	sdelay $0x4  }
0x17b: {  	[tilespmem:$0x1F980] =	vst v0;
	v0 =	vld [tilespmem:$0xB20];
	_ =	sdelay $0x4  }
0x17c: {  	[tilespmem:$0x1F9D0] =	vst v0;
	v0 =	vld [tilespmem:$0x1B80];
	_ =	sdelay $0x4  }
0x17d: {  	[tilespmem:$0x1F9F0] =	vst v0;
	v0 =	vld [tilespmem:$0x1B20];
	_ =	sdelay $0x4  }
0x17e: {  	[tilespmem:$0x1F9E0] =	vst v0;
	v0 =	vld [tilespmem:$0xB30];
	_ =	sdelay $0x4  }
0x17f: {  	[tilespmem:$0x1FA40] =	vst v0;
	v0 =	vld [tilespmem:$0xB40];
	_ =	sdelay $0x4  }
0x180: {  	[tilespmem:$0x1FA70] =	vst v0;
	v0 =	vld [tilespmem:$0x1B40];
	_ =	sdelay $0x4  }
0x181: {  	[tilespmem:$0x1FA80] =	vst v0;
	v0 =	vld [tilespmem:$0xB50]  }
0x182: {  	v60 =	vld [tilespmem:$0x1580]  }
0x183: {  	v45 =	vmul.f32 v45, v54;
	v54 =	vld [tilespmem:$0xB70]  }
0x184: {  	v36 =	vmul.f32 v36, v46;
	v46 =	vld [tilespmem:$0xB80]  }
0x185: {  	v33 =	vmul.f32 v33, v44;
	v44 =	vld [tilespmem:$0x1B90]  }
0x186: {  	[tilespmem:$0x1FA90] =	vst v0;
	v0 =	vld [tilespmem:$0x1EAC0]  }
0x187: {  	v12 =	vmul.f32 v12, v14;
	v10 =	vmul.f32 v10, v13;
	v14 =	vld [tilespmem:$0xBB0]  }
0x188: {  	v47 =	vmul.f32 v41, v47;
	v41 =	vmul.f32 v8, v11;
	v13 =	vld [tilespmem:$0x1BC0]  }
0x189: {  	v1 =	vmul.f32 v1, v3;
	v2 =	vmul.f32 v2, v4;
	v11 =	vld [tilespmem:$0xC00]  }
0x18a: {  	v10 =	vadd.f32 v10, v12;
	v12 =	vld [tilespmem:$0x1C10]  }
0x18b: {  	v1 =	vadd.f32 v1, v2;
	v0 =	vmul.f32 v0, v63;
	v63 =	vld [tilespmem:$0x1EAD0]  }
0x18c: {  	[tilespmem:$0x1EE10] =	vst v60;
	v60 =	vld [tilespmem:$0x590]  }
0x18d: {  	v1 =	vadd.f32 v41, v1;
	v41 =	vld [tilespmem:$0x1EB60]  }
0x18e: {  	v8 =	vld [tilespmem:$0x1ECE0]  }
0x18f: {  	[tilespmem:$0x1FB50] =	vst v54;
	v54 =	vld [tilespmem:$0x1EAE0]  }
0x190: {  	v48 =	vmul.f32 v48, v63;
	v63 =	vld [tilespmem:$0x1B50]  }
0x191: {  	[tilespmem:$0x1EE20] =	vst v60;
	v60 =	vld [tilespmem:$0x1590]  }
0x192: {  	v0 =	vadd.f32 v48, v0;
	v48 =	vmul.f32 v16, v18;
	v16 =	vld [tilespmem:$0x1BB0]  }
0x193: {  	v18 =	vld [tilespmem:$0x1EAF0]  }
0x194: {  	v0 =	vadd.f32 v45, v0;
	v45 =	vld [tilespmem:$0xBA0]  }
0x195: {  	[tilespmem:$0x1FAA0] =	vst v63;
	v63 =	vld [tilespmem:$0x1B60]  }
0x196: {  	v0 =	vadd.f32 v36, v0;
	v36 =	vmul.f32 v29, v39;
	v39 =	vld [tilespmem:$0x1BD0]  }
0x197: {  	v29 =	vld [tilespmem:$0xBE0]  }
0x198: {  	v3 =	vmul.f32 v18, v54;
	v54 =	vld [tilespmem:$0x1EB10]  }
0x199: {  	v18 =	vmul.f32 v52, v58;
	v52 =	vld [tilespmem:$0xCC0]  }
0x19a: {  	v58 =	vld [tilespmem:$0x1ECC0]  }
0x19b: {  	v0 =	vadd.f32 v33, v0;
	v33 =	vadd.f32 v48, v10;
	v10 =	vld [tilespmem:$0x1BF0]  }
0x19c: {  	v48 =	vmul.f32 v19, v21;
	v19 =	vld [tilespmem:$0x1EB20]  }
0x19d: {  	v21 =	vld [tilespmem:$0x1EB30]  }
0x19e: {  	[tilespmem:$0x1FA60] =	vst v45;
	v45 =	vmul.f32 v49, v55;
	v49 =	vmul.f32 v6, v9;
	v9 =	vld [tilespmem:$0xC10]  }
0x19f: {  	v55 =	vmul.f32 v37, v42;
	v37 =	vmul.f32 v27, v30;
	v27 =	vld [tilespmem:$0xC40]  }
0x1a0: {  	v42 =	vld [tilespmem:$0x1C40]  }
0x1a1: {  	v30 =	vld [tilespmem:$0x1EBF0]  }
0x1a2: {  	[tilespmem:$0x1FB10] =	vst v63;
	v63 =	vld [tilespmem:$0x1B70]  }
0x1a3: {  	v0 =	vadd.f32 v47, v0;
	v47 =	vmul.f32 v50, v56;
	v50 =	vld [tilespmem:$0x1EB00]  }
0x1a4: {  	v56 =	vmul.f32 v15, v17;
	v17 =	vld [tilespmem:$0x1C20]  }
0x1a5: {  	[tilespmem:$0x1FA00] =	vst v44;
	v44 =	vadd.f32 v36, v33;
	v33 =	vld [tilespmem:$0x1EB40]  }
0x1a6: {  	v15 =	vld [tilespmem:$0x1C30]  }
0x1a7: {  	v5 =	vmul.f32 v5, v7;
	v1 =	vadd.f32 v48, v1;
	v48 =	vld [tilespmem:$0x1C50]  }
0x1a8: {  	[tilespmem:$0x1FB30] =	vst v39;
	v39 =	vld [tilespmem:$0x1EB50]  }
0x1a9: {  	v4 =	vadd.f32 v5, v49;
	v49 =	vmul.f32 v31, v38;
	v31 =	vld [tilespmem:$0x1EC00]  }
0x1aa: {  	v38 =	vld [tilespmem:$0x1EC20]  }
0x1ab: {  	v0 =	vadd.f32 v3, v0;
	v3 =	vadd.f32 v45, v44;
	v44 =	vld [tilespmem:$0x1EB70]  }
0x1ac: {  	v45 =	vld [tilespmem:$0x1EB80]  }
0x1ad: {  	v1 =	vadd.f32 v55, v1;
	v55 =	vld [tilespmem:$0x1EBA0]  }
0x1ae: {  	v36 =	vadd.f32 v56, v4;
	v56 =	vld [tilespmem:$0x1C60]  }
0x1af: {  	v7 =	vmul.f32 v21, v19;
	v19 =	vld [tilespmem:$0xC70]  }
0x1b0: {  	v21 =	vmul.f32 v22, v24;
	v22 =	vmul.f32 v20, v23;
	v23 =	vld [tilespmem:$0x1C70]  }
0x1b1: {  	v24 =	vld [tilespmem:$0x1EBD0]  }
0x1b2: {  	v3 =	vadd.f32 v47, v3;
	v47 =	vmul.f32 v51, v57;
	v51 =	vld [tilespmem:$0xC60]  }
0x1b3: {  	v57 =	vld [tilespmem:$0x1EBB0]  }
0x1b4: {  	[tilespmem:$0x1FB80] =	vst v42;
	v42 =	vld [tilespmem:$0x1EC50]  }
0x1b5: {  	[tilespmem:$0x1FB60] =	vst v63;
	v63 =	vld [tilespmem:$0xB90]  }
0x1b6: {  	v6 =	vmul.f32 v54, v50;
	v54 =	vld [tilespmem:$0x1EB90]  }
0x1b7: {  	v2 =	vmul.f32 v62, v33;
	v62 =	vld [tilespmem:$0x1EBC0]  }
0x1b8: {  	v50 =	vmul.f32 v25, v32;
	v25 =	vld [tilespmem:$0x1EBE0]  }
0x1b9: {  	v33 =	vmul.f32 v40, v43;
	v40 =	vld [tilespmem:$0x1EC30]  }
0x1ba: {  	v43 =	vld [tilespmem:$0x1CA0]  }
0x1bb: {  	[tilespmem:$0x1FBD0] =	vst v48;
	v48 =	vld [tilespmem:$0x1EC60]  }
0x1bc: {  	[tilespmem:$0x1FCB0] =	vst v52;
	v5 =	vmul.f32 v41, v39;
	v39 =	vld [tilespmem:$0x1C90]  }
0x1bd: {  	v41 =	vld [tilespmem:$0x1EC40];
	[tilespmem:$0x1FBF0] =	vst v56  }
0x1be: {  	v3 =	vadd.f32 v7, v3;
	v0 =	vadd.f32 v6, v0;
	[tilespmem:$0x1FC90] =	vst v19;
	v56 =	vld [tilespmem:$0x1ECA0]  }
0x1bf: {  	v1 =	vadd.f32 v2, v1;
	[tilespmem:$0x1FCA0] =	vst v23;
	v19 =	vld [tilespmem:$0xCE0]  }
0x1c0: {  	v2 =	vmul.f32 v45, v44;
	v3 =	vadd.f32 v5, v3;
	[tilespmem:$0x1FE30] =	vst v0;
	v0 =	vadd.f32 v37, v36;
	v36 =	vld [tilespmem:$0x1CB0]  }
0x1c1: {  	[tilespmem:$0x1FBE0] =	vst v51;
	v37 =	vld [tilespmem:$0x1EC10]  }
0x1c2: {  	v1 =	vadd.f32 v2, v1;
	[tilespmem:$0x1FE80] =	vst v3;
	v4 =	vmul.f32 v62, v57;
	v3 =	vadd.f32 v50, v49;
	v49 =	vld [tilespmem:$0x1EC70]  }
0x1c3: {  	v2 =	vmul.f32 v55, v54;
	[tilespmem:$0x1FC10] =	vst v43;
	v55 =	vld [tilespmem:$0x1CC0];
	v0 =	vadd.f32 v47, v0  }
0x1c4: {  	[tilespmem:$0x1FBB0] =	vst v39;
	v47 =	vld [tilespmem:$0xCB0];
	v1 =	vadd.f32 v4, v1  }
0x1c5: {  	v7 =	vmul.f32 v25, v24;
	v0 =	vadd.f32 v2, v0;
	v2 =	vmul.f32 v61, v42;
	v61 =	vld [tilespmem:$0xCD0];
	[tilespmem:$0x1FD10] =	vst v19  }
0x1c6: {  	v5 =	vmul.f32 v31, v30;
	v51 =	vld [tilespmem:$0x1EC90];
	v3 =	vadd.f32 v18, v3;
	[tilespmem:$0x1FEB0] =	vst v1  }
0x1c7: {  	v25 =	vld [tilespmem:$0x1C80];
	[tilespmem:$0x1FC60] =	vst v36;
	v0 =	vadd.f32 v7, v0;
	v7 =	vmul.f32 v49, v48  }
0x1c8: {  	v50 =	vld [tilespmem:$0x1EC80];
	v3 =	vadd.f32 v5, v3;
	v4 =	vmul.f32 v38, v37;
	[tilespmem:$0x1FCC0] =	vst v55  }
0x1c9: {  	v57 =	vld [tilespmem:$0x1ECB0];
	[tilespmem:$0x1FC70] =	vst v47;
	v0 =	vadd.f32 v7, v0  }
0x1ca: {  	v54 =	vmul.f32 v53, v59;
	v59 =	vld [tilespmem:$0x1ECD0];
	v5 =	vmul.f32 v41, v40;
	v3 =	vadd.f32 v4, v3;
	[tilespmem:$0x1FD00] =	vst v61  }
0x1cb: {  	v18 =	vld [tilespmem:$0x1ECF0];
	[tilespmem:$0x1FEC0] =	vst v0  }
0x1cc: {  	v3 =	vadd.f32 v5, v3;
	v5 =	vld [tilespmem:$0x1ED00]  }
0x1cd: {  	v20 =	vld [tilespmem:$0x1ED10]  }
0x1ce: {  	v32 =	vadd.f32 v22, v21;
	v21 =	vld [tilespmem:$0x1CE0]  }
0x1cf: {  	v22 =	vld [tilespmem:$0x1ED20]  }
0x1d0: {  	v23 =	vld [tilespmem:$0x1ED30]  }
0x1d1: {  	v24 =	vld [tilespmem:$0x1ED40]  }
0x1d2: {  	v45 =	vmul.f32 v26, v28;
	v26 =	vld [tilespmem:$0x1ED50]  }
0x1d3: {  	v28 =	vld [tilespmem:$0xCF0]  }
0x1d4: {  	v30 =	vld [tilespmem:$0x1ED60]  }
0x1d5: {  	v31 =	vld [tilespmem:$0x1ED70]  }
0x1d6: {  	v1 =	vadd.f32 v33, v32;
	v32 =	vld [tilespmem:$0x1ED80]  }
0x1d7: {  	v33 =	vld [tilespmem:$0x1ED90]  }
0x1d8: {  	v44 =	vmul.f32 v34, v35;
	v34 =	vld [tilespmem:$0x1CF0]  }
0x1d9: {  	v35 =	vld [tilespmem:$0x1EDA0]  }
0x1da: {  	v36 =	vld [tilespmem:$0x1EDB0]  }
0x1db: {  	v37 =	vld [tilespmem:$0xD00]  }
0x1dc: {  	v38 =	vld [tilespmem:$0x1EDC0]  }
0x1dd: {  	v39 =	vld [tilespmem:$0x1EDD0]  }
0x1de: {  	v40 =	vld [tilespmem:$0x1EDE0]  }
0x1df: {  	v41 =	vld [tilespmem:$0x1EDF0]  }
0x1e0: {  	v42 =	vld [tilespmem:$0x1D00]  }
0x1e1: {  	v43 =	vld [tilespmem:$0x1EE00]  }
0x1e2: {  	v4 =	vadd.f32 v45, v44;
	v44 =	vld [tilespmem:$0x1EE10]  }
0x1e3: {  	v45 =	vld [tilespmem:$0x1EE20]  }
0x1e4: {  	v47 =	vld [tilespmem:$0xD10]  }
0x1e5: {  	v48 =	vld [tilespmem:$0x1EE30]  }
0x1e6: {  	v49 =	vld [tilespmem:$0x1EE40]  }
0x1e7: {  	v1 =	vadd.f32 v2, v1;
	v2 =	vmul.f32 v51, v50;
	v50 =	vld [tilespmem:$0x1EE50]  }
0x1e8: {  	v51 =	vld [tilespmem:$0x1EE60]  }
0x1e9: {  	v53 =	vld [tilespmem:$0x1EE70]  }
0x1ea: {  	v62 =	vadd.f32 v54, v4;
	v54 =	vld [tilespmem:$0x1EE80]  }
0x1eb: {  	v55 =	vld [tilespmem:$0xD20]  }
0x1ec: {  	v6 =	vmul.f32 v57, v56;
	v56 =	vld [tilespmem:$0x1EE90]  }
0x1ed: {  	v57 =	vld [tilespmem:$0x1EEA0]  }
0x1ee: {  	v1 =	vadd.f32 v2, v1;
	v2 =	vmul.f32 v59, v58;
	v58 =	vld [tilespmem:$0x1EEB0]  }
0x1ef: {  	v4 =	vmul.f32 v18, v8;
	v59 =	vld [tilespmem:$0x1EEC0]  }
0x1f0: {  	v61 =	vld [tilespmem:$0x1EEE0]  }
0x1f1: {  	v0 =	vadd.f32 v4, v62;
	v62 =	vld [tilespmem:$0xD30]  }
0x1f2: {  	v18 =	vld [tilespmem:$0x1EEF0]  }
0x1f3: {  	v19 =	vld [tilespmem:$0x1EF00]  }
0x1f4: {  	v8 =	vld [tilespmem:$0x1F770]  }
0x1f5: {  	[tilespmem:$0x1FC20] =	vst v37;
	v37 =	vld [tilespmem:$0x1D20]  }
0x1f6: {  	v3 =	vadd.f32 v6, v3;
	v6 =	vmul.f32 v60, v45;
	v60 =	vld [tilespmem:$0x1EED0]  }
0x1f7: {  	v5 =	vmul.f32 v20, v5;
	v20 =	vld [tilespmem:$0x1EF10]  }
0x1f8: {  	[tilespmem:$0x1FD20] =	vst v21;
	v21 =	vld [tilespmem:$0x1EF20]  }
0x1f9: {  	v1 =	vadd.f32 v2, v1;
	v2 =	vmul.f32 v23, v22;
	v22 =	vld [tilespmem:$0x1D30]  }
0x1fa: {  	v23 =	vld [tilespmem:$0x1EF30]  }
0x1fb: {  	v4 =	vmul.f32 v26, v24;
	v24 =	vld [tilespmem:$0x1EF40]  }
0x1fc: {  	v26 =	vld [tilespmem:$0x1EF50]  }
0x1fd: {  	[tilespmem:$0x1FD50] =	vst v28;
	v28 =	vld [tilespmem:$0x1EF60]  }
0x1fe: {  	[tilespmem:$0x1FD60] =	vst v34;
	v34 =	vld [tilespmem:$0x1EF90]  }
0x1ff: {  	[tilespmem:$0x1FC30] =	vst v42;
	v42 =	vld [tilespmem:$0x1EFD0]  }
0x200: {  	v45 =	vld [tilespmem:$0x1EFF0]  }
0x201: {  	[tilespmem:$0x1FC40] =	vst v47;
	v47 =	vld [tilespmem:$0x1F000]  }
0x202: {  	v7 =	vmul.f32 v49, v48;
	v48 =	vld [tilespmem:$0xD60]  }
0x203: {  	v49 =	vld [tilespmem:$0x1F010]  }
0x204: {  	[tilespmem:$0x1FC80] =	vst v55;
	v55 =	vld [tilespmem:$0x1F060]  }
0x205: {  	[tilespmem:$0x1FCD0] =	vst v62;
	v62 =	vld [tilespmem:$0x1F0B0]  }
0x206: {  	v1 =	vadd.f32 v2, v1;
	v2 =	vmul.f32 v36, v35;
	v36 =	vld [tilespmem:$0x1D10]  }
0x207: {  	v3 =	vadd.f32 v5, v3;
	v5 =	vmul.f32 v33, v32;
	v32 =	vld [tilespmem:$0x1EF80]  }
0x208: {  	v33 =	vld [tilespmem:$0x1D40]  }
0x209: {  	v35 =	vld [tilespmem:$0x1EFA0]  }
0x20a: {  	v0 =	vadd.f32 v4, v0;
	v4 =	vmul.f32 v39, v38;
	v38 =	vld [tilespmem:$0x1EFB0]  }
0x20b: {  	v39 =	vld [tilespmem:$0x1EFC0]  }
0x20c: {  	[tilespmem:$0x1FED0] =	vst v3;
	v3 =	vmul.f32 v31, v30;
	v30 =	vld [tilespmem:$0xD40]  }
0x20d: {  	v31 =	vld [tilespmem:$0x1EF70]  }
0x20e: {  	v0 =	vadd.f32 v2, v0;
	v2 =	vmul.f32 v44, v43;
	v43 =	vld [tilespmem:$0x1EFE0]  }
0x20f: {  	v44 =	vld [tilespmem:$0x1D50]  }
0x210: {  	v1 =	vadd.f32 v4, v1;
	v4 =	vmul.f32 v57, v56;
	v56 =	vld [tilespmem:$0x1F070]  }
0x211: {  	v57 =	vld [tilespmem:$0x1F080]  }
0x212: {  	[tilespmem:$0x1FCE0] =	vst v22;
	v22 =	vld [tilespmem:$0x1F0F0]  }
0x213: {  	[tilespmem:$0x1FDF0] =	vst v48;
	v48 =	vld [tilespmem:$0x1F1E0]  }
0x214: {  	v3 =	vadd.f32 v5, v3;
	v5 =	vmul.f32 v41, v40;
	v40 =	vld [tilespmem:$0xD50]  }
0x215: {  	v52 =	vadd.f32 v6, v2;
	v2 =	vmul.f32 v54, v53;
	v53 =	vld [tilespmem:$0x1D60]  }
0x216: {  	v54 =	vld [tilespmem:$0x1F050]  }
0x217: {  	v6 =	vmul.f32 v21, v20;
	v20 =	vld [tilespmem:$0x1F0E0]  }
0x218: {  	v21 =	vld [tilespmem:$0xD80]  }
0x219: {  	v0 =	vadd.f32 v7, v0;
	v7 =	vmul.f32 v24, v23;
	v23 =	vld [tilespmem:$0x1F100]  }
0x21a: {  	v24 =	vld [tilespmem:$0x1F110]  }
0x21b: {  	[tilespmem:$0x1FD40] =	vst v33;
	v33 =	vld [tilespmem:$0x1F160]  }
0x21c: {  	v3 =	vadd.f32 v5, v3;
	v5 =	vmul.f32 v51, v50;
	v50 =	vld [tilespmem:$0x1F020]  }
0x21d: {  	v51 =	vld [tilespmem:$0x1F030]  }
0x21e: {  	[tilespmem:$0x1FEE0] =	vst v1;
	v1 =	vadd.f32 v2, v52;
	v52 =	vld [tilespmem:$0x1F040]  }
0x21f: {  	v2 =	vmul.f32 v61, v60;
	v60 =	vld [tilespmem:$0x1F0A0]  }
0x220: {  	v61 =	vld [tilespmem:$0x1D70]  }
0x221: {  	[tilespmem:$0x1FD30] =	vst v30;
	v30 =	vld [tilespmem:$0x1F130]  }
0x222: {  	[tilespmem:$0x1FD80] =	vst v44;
	v44 =	vld [tilespmem:$0x1F1B0]  }
0x223: {  	v3 =	vadd.f32 v5, v3;
	v5 =	vmul.f32 v59, v58;
	v58 =	vld [tilespmem:$0xD70]  }
0x224: {  	v59 =	vld [tilespmem:$0x1F090]  }
0x225: {  	v1 =	vadd.f32 v2, v1;
	v2 =	vmul.f32 v28, v26;
	v26 =	vld [tilespmem:$0x1F120]  }
0x226: {  	v28 =	vld [tilespmem:$0x1D80]  }
0x227: {  	[tilespmem:$0x1FD70] =	vst v40;
	v40 =	vld [tilespmem:$0x1D90]  }
0x228: {  	[tilespmem:$0x1FE00] =	vst v53;
	v53 =	vld [tilespmem:$0x1F220]  }
0x229: {  	[tilespmem:$0x1FD90] =	vst v21;
	v21 =	vld [tilespmem:$0x1F2C0]  }
0x22a: {  	v3 =	vadd.f32 v4, v3;
	v4 =	vmul.f32 v19, v18;
	v18 =	vld [tilespmem:$0x1F0C0]  }
0x22b: {  	v19 =	vld [tilespmem:$0x1F0D0]  }
0x22c: {  	v1 =	vadd.f32 v2, v1;
	v2 =	vmul.f32 v39, v38;
	v38 =	vld [tilespmem:$0x1F170]  }
0x22d: {  	v39 =	vld [tilespmem:$0x1F180]  }
0x22e: {  	[tilespmem:$0x1FE50] =	vst v61;
	v61 =	vld [tilespmem:$0x1F280]  }
0x22f: {  	v3 =	vadd.f32 v5, v3;
	v5 =	vmul.f32 v32, v31;
	v31 =	vld [tilespmem:$0x1F140]  }
0x230: {  	v32 =	vld [tilespmem:$0x1F150]  }
0x231: {  	v4 =	vadd.f32 v6, v4;
	v6 =	vmul.f32 v35, v34;
	v34 =	vld [tilespmem:$0xD90]  }
0x232: {  	v1 =	vadd.f32 v2, v1;
	v2 =	vmul.f32 v50, v49;
	v49 =	vld [tilespmem:$0x1DA0]  }
0x233: {  	v50 =	vld [tilespmem:$0x1F1F0]  }
0x234: {  	[tilespmem:$0x1FE40] =	vst v58;
	v58 =	vld [tilespmem:$0x1F260]  }
0x235: {  	[tilespmem:$0x1FDA0] =	vst v28;
	v28 =	vld [tilespmem:$0xDD0]  }
0x236: {  	v41 =	vadd.f32 v5, v4;
	v4 =	vmul.f32 v43, v42;
	v42 =	vld [tilespmem:$0x1F1A0]  }
0x237: {  	v43 =	vld [tilespmem:$0xDA0]  }
0x238: {  	v5 =	vmul.f32 v47, v45;
	v45 =	vld [tilespmem:$0x1F1C0]  }
0x239: {  	v47 =	vld [tilespmem:$0x1F1D0]  }
0x23a: {  	v1 =	vadd.f32 v2, v1;
	v2 =	vmul.f32 v60, v59;
	v59 =	vld [tilespmem:$0x1DB0]  }
0x23b: {  	v60 =	vld [tilespmem:$0x1F270]  }
0x23c: {  	v3 =	vadd.f32 v6, v3;
	v6 =	vmul.f32 v26, v24;
	v24 =	vld [tilespmem:$0x1F2D0]  }
0x23d: {  	v0 =	vadd.f32 v7, v0;
	v26 =	vld [tilespmem:$0x1F2E0]  }
0x23e: {  	[tilespmem:$0x1FDC0] =	vst v40;
	v40 =	vld [tilespmem:$0x1F350]  }
0x23f: {  	[tilespmem:$0x1FF30] =	vst v0;
	v0 =	vadd.f32 v4, v41;
	v41 =	vld [tilespmem:$0x1F190]  }
0x240: {  	v4 =	vmul.f32 v52, v51;
	v51 =	vld [tilespmem:$0x1F200]  }
0x241: {  	v52 =	vld [tilespmem:$0x1F210]  }
0x242: {  	v3 =	vadd.f32 v5, v3;
	v5 =	vmul.f32 v57, v56;
	v56 =	vld [tilespmem:$0x1F240]  }
0x243: {  	v57 =	vld [tilespmem:$0x1F250]  }
0x244: {  	v7 =	vmul.f32 v31, v30;
	v30 =	vld [tilespmem:$0x1F2F0]  }
0x245: {  	v31 =	vld [tilespmem:$0x1F300]  }
0x246: {  	[tilespmem:$0x1FDB0] =	vst v34;
	v34 =	vld [tilespmem:$0x1F320]  }
0x247: {  	[tilespmem:$0x1FDE0] =	vst v49;
	v49 =	vld [tilespmem:$0x1F3B0]  }
0x248: {  	[tilespmem:$0x1FF50] =	vst v3;
	v3 =	vmul.f32 v55, v54;
	v54 =	vld [tilespmem:$0xDB0]  }
0x249: {  	v55 =	vld [tilespmem:$0x1F230]  }
0x24a: {  	v0 =	vadd.f32 v4, v0;
	v4 =	vmul.f32 v18, v62;
	v62 =	vld [tilespmem:$0xDC0]  }
0x24b: {  	v18 =	vld [tilespmem:$0x1F290]  }
0x24c: {  	[tilespmem:$0x1FE90] =	vst v28;
	v28 =	vld [tilespmem:$0x1F4E0]  }
0x24d: {  	[tilespmem:$0x1FDD0] =	vst v43;
	v43 =	vld [tilespmem:$0x1F380]  }
0x24e: {  	[tilespmem:$0x1FE20] =	vst v59;
	v59 =	vld [tilespmem:$0x1F440]  }
0x24f: {  	v3 =	vadd.f32 v5, v3;
	v5 =	vmul.f32 v20, v19;
	v19 =	vld [tilespmem:$0x1F2A0]  }
0x250: {  	v20 =	vld [tilespmem:$0x1F2B0]  }
0x251: {  	v0 =	vadd.f32 v2, v0;
	v2 =	vmul.f32 v23, v22;
	v22 =	vld [tilespmem:$0x1DC0]  }
0x252: {  	v1 =	vadd.f32 v4, v1;
	v4 =	vmul.f32 v42, v41;
	v41 =	vld [tilespmem:$0x1F360]  }
0x253: {  	v42 =	vld [tilespmem:$0x1F370]  }
0x254: {  	v3 =	vadd.f32 v5, v3;
	v5 =	vmul.f32 v33, v32;
	v32 =	vld [tilespmem:$0x1DD0]  }
0x255: {  	v33 =	vld [tilespmem:$0x1F310]  }
0x256: {  	v35 =	vadd.f32 v6, v2;
	v2 =	vmul.f32 v39, v38;
	v38 =	vld [tilespmem:$0x1F340]  }
0x257: {  	v39 =	vld [tilespmem:$0xDE0]  }
0x258: {  	v6 =	vmul.f32 v53, v52;
	v52 =	vld [tilespmem:$0x1F3E0]  }
0x259: {  	v53 =	vld [tilespmem:$0x1DF0]  }
0x25a: {  	[tilespmem:$0x1FE10] =	vst v54;
	v54 =	vld [tilespmem:$0x1F3F0]  }
0x25b: {  	v0 =	vadd.f32 v7, v0;
	v7 =	vmul.f32 v56, v55;
	v55 =	vld [tilespmem:$0x1F400]  }
0x25c: {  	v56 =	vld [tilespmem:$0x1F410]  }
0x25d: {  	[tilespmem:$0x1FE60] =	vst v62;
	v62 =	vld [tilespmem:$0x1F460]  }
0x25e: {  	[tilespmem:$0x1FF60] =	vst v1;
	v1 =	vadd.f32 v2, v35;
	v35 =	vld [tilespmem:$0x1F330]  }
0x25f: {  	v3 =	vadd.f32 v5, v3;
	v5 =	vmul.f32 v45, v44;
	v44 =	vld [tilespmem:$0x1DE0]  }
0x260: {  	v45 =	vld [tilespmem:$0x1F390]  }
0x261: {  	v2 =	vmul.f32 v48, v47;
	v47 =	vld [tilespmem:$0x1F3A0]  }
0x262: {  	v48 =	vld [tilespmem:$0xDF0]  }
0x263: {  	[tilespmem:$0x1FE70] =	vst v22;
	v22 =	vld [tilespmem:$0x1F4A0]  }
0x264: {  	v3 =	vadd.f32 v4, v3;
	v4 =	vmul.f32 v51, v50;
	v50 =	vld [tilespmem:$0x1F3C0]  }
0x265: {  	v51 =	vld [tilespmem:$0x1F3D0]  }
0x266: {  	v1 =	vadd.f32 v2, v1;
	v2 =	vmul.f32 v58, v57;
	v57 =	vld [tilespmem:$0x1F420]  }
0x267: {  	v58 =	vld [tilespmem:$0x1F430]  }
0x268: {  	[tilespmem:$0x1FEA0] =	vst v32;
	v32 =	vld [tilespmem:$0x1F510]  }
0x269: {  	[tilespmem:$0x1FEF0] =	vst v39;
	v39 =	vld [tilespmem:$0x1F560]  }
0x26a: {  	[tilespmem:$0x1FF20] =	vst v53;
	v53 =	vld [tilespmem:$0x1E50]  }
0x26b: {  	v3 =	vadd.f32 v5, v3;
	v5 =	vmul.f32 v61, v60;
	v61 =	vld [tilespmem:$0xE00]  }
0x26c: {  	v60 =	vld [tilespmem:$0x1F450]  }
0x26d: {  	v4 =	vadd.f32 v6, v4;
	v6 =	vmul.f32 v19, v18;
	v19 =	vld [tilespmem:$0x1F470]  }
0x26e: {  	v1 =	vadd.f32 v2, v1;
	v2 =	vmul.f32 v21, v20;
	v20 =	vld [tilespmem:$0x1F480]  }
0x26f: {  	v21 =	vld [tilespmem:$0x1F490]  }
0x270: {  	[tilespmem:$0x1FF10] =	vst v48;
	v48 =	vld [tilespmem:$0x1E20]  }
0x271: {  	[tilespmem:$0x1FF00] =	vst v44;
	v44 =	vld [tilespmem:$0x1F5B0]  }
0x272: {  	v23 =	vadd.f32 v5, v4;
	v4 =	vmul.f32 v26, v24;
	v24 =	vld [tilespmem:$0x1F4C0]  }
0x273: {  	v26 =	vld [tilespmem:$0x1F4D0]  }
0x274: {  	v5 =	vmul.f32 v31, v30;
	v30 =	vld [tilespmem:$0x1F4F0]  }
0x275: {  	v31 =	vld [tilespmem:$0x1F500]  }
0x276: {  	v1 =	vadd.f32 v2, v1;
	v2 =	vmul.f32 v34, v33;
	v33 =	vld [tilespmem:$0x1F520]  }
0x277: {  	v34 =	vld [tilespmem:$0x1F530]  }
0x278: {  	v0 =	vadd.f32 v7, v0;
	v7 =	vmul.f32 v59, v58;
	v58 =	vld [tilespmem:$0x1E00]  }
0x279: {  	v3 =	vadd.f32 v6, v3;
	v6 =	vmul.f32 v57, v56;
	v57 =	vld [tilespmem:$0xE40]  }
0x27a: {  	v56 =	vld [tilespmem:$0x1F5D0]  }
0x27b: {  	v59 =	vld [tilespmem:$0x1F5E0]  }
0x27c: {  	[tilespmem:$0x1FF70] =	vst v0;
	v0 =	vadd.f32 v4, v23;
	v23 =	vld [tilespmem:$0x1F4B0]  }
0x27d: {  	v4 =	vmul.f32 v38, v35;
	v35 =	vld [tilespmem:$0x1F540]  }
0x27e: {  	v38 =	vld [tilespmem:$0x1F550]  }
0x27f: {  	v3 =	vadd.f32 v5, v3;
	v5 =	vmul.f32 v43, v42;
	v42 =	vld [tilespmem:$0x1F590]  }
0x280: {  	v43 =	vld [tilespmem:$0x1F5A0]  }
0x281: {  	v1 =	vadd.f32 v2, v1;
	v2 =	vmul.f32 v47, v45;
	v45 =	vld [tilespmem:$0x1F5C0]  }
0x282: {  	v0 =	vadd.f32 v4, v0;
	v4 =	vmul.f32 v50, v49;
	v50 =	vld [tilespmem:$0x1E10]  }
0x283: {  	[tilespmem:$0x1FFA0] =	vst v3;
	v3 =	vmul.f32 v41, v40;
	v40 =	vld [tilespmem:$0x1F570]  }
0x284: {  	v41 =	vld [tilespmem:$0x1F580]  }
0x285: {  	v49 =	vld [tilespmem:$0x1E30]  }
0x286: {  	v0 =	vadd.f32 v2, v0;
	v2 =	vmul.f32 v55, v54;
	v54 =	vld [tilespmem:$0xE10]  }
0x287: {  	v55 =	vld [tilespmem:$0xE20]  }
0x288: {  	v3 =	vadd.f32 v5, v3;
	v5 =	vmul.f32 v52, v51;
	v52 =	vld [tilespmem:$0xE30]  }
0x289: {  	v51 =	vld [tilespmem:$0x1E40]  }
0x28a: {  	v1 =	vadd.f32 v4, v1;
	v4 =	vmul.f32 v22, v21;
	v21 =	vld [tilespmem:$0x1F640]  }
0x28b: {  	v22 =	vld [tilespmem:$0x1F650]  }
0x28c: {  	v3 =	vadd.f32 v5, v3;
	v5 =	vmul.f32 v62, v60;
	v60 =	vld [tilespmem:$0x1F5F0]  }
0x28d: {  	v62 =	vld [tilespmem:$0x1F600]  }
0x28e: {  	v18 =	vadd.f32 v6, v2;
	v2 =	vmul.f32 v20, v19;
	v19 =	vld [tilespmem:$0x1F620]  }
0x28f: {  	v20 =	vld [tilespmem:$0x1F630]  }
0x290: {  	v6 =	vmul.f32 v33, v32;
	v32 =	vld [tilespmem:$0x1F6B0]  }
0x291: {  	v33 =	vld [tilespmem:$0x1F6C0]  }
0x292: {  	v0 =	vadd.f32 v7, v0;
	v7 =	vmul.f32 v35, v34;
	v34 =	vld [tilespmem:$0x1F6D0]  }
0x293: {  	v35 =	vld [tilespmem:$0x1F6E0]  }
0x294: {  	[tilespmem:$0x1FFB0] =	vst v1;
	v1 =	vadd.f32 v2, v18;
	v18 =	vld [tilespmem:$0x1F610]  }
0x295: {  	v3 =	vadd.f32 v5, v3;
	v5 =	vmul.f32 v24, v23;
	v23 =	vld [tilespmem:$0x1F660]  }
0x296: {  	v24 =	vld [tilespmem:$0x1F670]  }
0x297: {  	v2 =	vmul.f32 v28, v26;
	v26 =	vld [tilespmem:$0x1F680]  }
0x298: {  	v28 =	vld [tilespmem:$0xE60]  }
0x299: {  	v50 =	vmul.f32 v50, v54;
	v54 =	vld [tilespmem:$0xFB0]  }
0x29a: {  	v48 =	vmul.f32 v48, v55;
	v55 =	vld [tilespmem:$0x1FE20]  }
0x29b: {  	v3 =	vadd.f32 v4, v3;
	v4 =	vmul.f32 v31, v30;
	v30 =	vld [tilespmem:$0x1F690]  }
0x29c: {  	v31 =	vld [tilespmem:$0x1F6A0]  }
0x29d: {  	v1 =	vadd.f32 v2, v1;
	v2 =	vmul.f32 v39, v38;
	v38 =	vld [tilespmem:$0xE70]  }
0x29e: {  	v39 =	vld [tilespmem:$0x1F6F0]  }
0x29f: {  	v3 =	vadd.f32 v5, v3;
	v5 =	vmul.f32 v41, v40;
	v40 =	vld [tilespmem:$0x1F700]  }
0x2a0: {  	v41 =	vld [tilespmem:$0x1F710]  }
0x2a1: {  	v4 =	vadd.f32 v6, v4;
	v6 =	vmul.f32 v43, v42;
	v42 =	vld [tilespmem:$0x1F720]  }
0x2a2: {  	v43 =	vld [tilespmem:$0x1E70]  }
0x2a3: {  	v1 =	vadd.f32 v2, v1;
	v2 =	vmul.f32 v45, v44;
	v44 =	vld [tilespmem:$0x1F730]  }
0x2a4: {  	v45 =	vld [tilespmem:$0x1F740]  }
0x2a5: {  	[tilespmem:$0x1FF40] =	vst v28;
	v28 =	vld [tilespmem:$0x1F800]  }
0x2a6: {  	v47 =	vadd.f32 v5, v4;
	v4 =	vmul.f32 v59, v56;
	v59 =	vld [tilespmem:$0xE50]  }
0x2a7: {  	v5 =	vmul.f32 v62, v60;
	v60 =	vld [tilespmem:$0x1E60]  }
0x2a8: {  	v56 =	vld [tilespmem:$0x1F760]  }
0x2a9: {  	v1 =	vadd.f32 v2, v1;
	v2 =	vmul.f32 v19, v18;
	v18 =	vld [tilespmem:$0x1F780]  }
0x2aa: {  	v0 =	vadd.f32 v7, v0;
	v19 =	vld [tilespmem:$0x1F790]  }
0x2ab: {  	[tilespmem:$0x1FF80] =	vst v38;
	v38 =	vld [tilespmem:$0xEA0]  }
0x2ac: {  	[tilespmem:$0x1FFC0] =	vst v0;
	v0 =	vadd.f32 v4, v47;
	v47 =	vld [tilespmem:$0x1F750]  }
0x2ad: {  	v3 =	vadd.f32 v6, v3;
	v4 =	vmul.f32 v21, v20;
	v20 =	vld [tilespmem:$0x1F7A0]  }
0x2ae: {  	v21 =	vld [tilespmem:$0x1F7B0]  }
0x2af: {  	v3 =	vadd.f32 v5, v3;
	v5 =	vmul.f32 v26, v24;
	v24 =	vld [tilespmem:$0x1F7E0]  }
0x2b0: {  	v26 =	vld [tilespmem:$0x1F7F0]  }
0x2b1: {  	v1 =	vadd.f32 v2, v1;
	v2 =	vmul.f32 v31, v30;
	v30 =	vld [tilespmem:$0x1F810]  }
0x2b2: {  	v6 =	vmul.f32 v42, v41;
	v41 =	vld [tilespmem:$0x1F860]  }
0x2b3: {  	v42 =	vld [tilespmem:$0x1F870]  }
0x2b4: {  	v7 =	vmul.f32 v45, v44;
	v44 =	vld [tilespmem:$0x1F880]  }
0x2b5: {  	v45 =	vld [tilespmem:$0x1F890]  }
0x2b6: {  	[tilespmem:$0x1FFD0] =	vst v3;
	v3 =	vmul.f32 v23, v22;
	v22 =	vld [tilespmem:$0x1F7C0]  }
0x2b7: {  	v23 =	vld [tilespmem:$0x1F7D0]  }
0x2b8: {  	v0 =	vadd.f32 v4, v0;
	v4 =	vmul.f32 v33, v32;
	v32 =	vld [tilespmem:$0x1F820]  }
0x2b9: {  	v33 =	vld [tilespmem:$0x1F830]  }
0x2ba: {  	v3 =	vadd.f32 v5, v3;
	v5 =	vmul.f32 v35, v34;
	v35 =	vld [tilespmem:$0x1F840]  }
0x2bb: {  	v0 =	vadd.f32 v2, v0;
	v2 =	vmul.f32 v40, v39;
	v40 =	vld [tilespmem:$0x1F850]  }
0x2bc: {  	v1 =	vadd.f32 v4, v1;
	v4 =	vmul.f32 v20, v19;
	v19 =	vld [tilespmem:$0x1F8D0]  }
0x2bd: {  	v20 =	vld [tilespmem:$0x1F8E0]  }
0x2be: {  	v3 =	vadd.f32 v5, v3;
	v5 =	vmul.f32 v56, v47;
	v47 =	vld [tilespmem:$0x1F8A0]  }
0x2bf: {  	v62 =	vadd.f32 v6, v2;
	v2 =	vmul.f32 v18, v8;
	v56 =	vld [tilespmem:$0x1F8B0]  }
0x2c0: {  	v6 =	vmul.f32 v32, v30;
	v30 =	vld [tilespmem:$0x1F950]  }
0x2c1: {  	[tilespmem:$0x1FFE0] =	vst v1;
	v1 =	vadd.f32 v2, v62;
	v62 =	vld [tilespmem:$0x1F8C0]  }
0x2c2: {  	v3 =	vadd.f32 v5, v3;
	v5 =	vmul.f32 v22, v21;
	v21 =	vld [tilespmem:$0x1F8F0]  }
0x2c3: {  	v22 =	vld [tilespmem:$0x1F900]  }
0x2c4: {  	v2 =	vmul.f32 v24, v23;
	v23 =	vld [tilespmem:$0x1F910]  }
0x2c5: {  	v24 =	vld [tilespmem:$0x1F920]  }
0x2c6: {  	v3 =	vadd.f32 v4, v3;
	v4 =	vmul.f32 v28, v26;
	v26 =	vld [tilespmem:$0x1F930]  }
0x2c7: {  	v28 =	vld [tilespmem:$0x1F940]  }
0x2c8: {  	v1 =	vadd.f32 v2, v1;
	v2 =	vmul.f32 v41, v40;
	v41 =	vld [tilespmem:$0x1F960];
	v3 =	vadd.f32 v5, v3  }
0x2c9: {  	v4 =	vadd.f32 v6, v4;
	v5 =	vmul.f32 v44, v42;
	v6 =	vmul.f32 v47, v45;
	v45 =	vld [tilespmem:$0x1F970]  }
0x2ca: {  	v47 =	vld [tilespmem:$0x1F980]  }
0x2cb: {  	v18 =	vadd.f32 v5, v4;
	v4 =	vmul.f32 v20, v19;
	v19 =	vld [tilespmem:$0x1F9A0]  }
0x2cc: {  	v20 =	vld [tilespmem:$0x1F9B0]  }
0x2cd: {  	v1 =	vadd.f32 v2, v1;
	v2 =	vmul.f32 v62, v56;
	v5 =	vmul.f32 v22, v21;
	v21 =	vld [tilespmem:$0x1F9C0]  }
0x2ce: {  	v0 =	vadd.f32 v7, v0;
	v22 =	vld [tilespmem:$0x1F9D0]  }
0x2cf: {  	v7 =	vmul.f32 v35, v33;
	v1 =	vadd.f32 v2, v1;
	v2 =	vmul.f32 v24, v23;
	v23 =	vld [tilespmem:$0x1F9E0]  }
0x2d0: {  	v24 =	vld [tilespmem:$0x1F9F0]  }
0x2d1: {  	v62 =	vadd.f32 v7, v0;
	v0 =	vadd.f32 v4, v18;
	v18 =	vld [tilespmem:$0x1F990]  }
0x2d2: {  	v3 =	vadd.f32 v6, v3;
	v4 =	vmul.f32 v28, v26;
	v26 =	vld [tilespmem:$0x1FA00]  }
0x2d3: {  	v28 =	vld [tilespmem:$0xEF0]  }
0x2d4: {  	v56 =	vadd.f32 v5, v3;
	v3 =	vmul.f32 v41, v30;
	v30 =	vld [tilespmem:$0x1FA10];
	v5 =	vmul.f32 v47, v45  }
0x2d5: {  	v0 =	vadd.f32 v4, v0;
	v4 =	vmul.f32 v21, v20;
	v21 =	vld [tilespmem:$0x1FA70]  }
0x2d6: {  	v3 =	vadd.f32 v5, v3;
	v5 =	vmul.f32 v23, v22;
	v22 =	vld [tilespmem:$0x1FA80]  }
0x2d7: {  	v6 =	vmul.f32 v26, v63;
	v63 =	vld [tilespmem:$0x1FA30]  }
0x2d8: {  	v1 =	vadd.f32 v2, v1;
	v2 =	vmul.f32 v19, v18;
	v18 =	vld [tilespmem:$0x1FA40]  }
0x2d9: {  	v26 =	vld [tilespmem:$0x1FA50]  }
0x2da: {  	v0 =	vadd.f32 v2, v0;
	v2 =	vmul.f32 v24, v46;
	v46 =	vld [tilespmem:$0x1FA20]  }
0x2db: {  	[tilespmem:$0x1FFF0] =	vst v28;
	v28 =	vld [tilespmem:$0x1FA60]  }
0x2dc: {  	v31 =	vld [tilespmem:$0x1E90]  }
0x2dd: {  	[tilespmem:$0x1FF90] =	vst v43;
	v43 =	vld [tilespmem:$0xE80];
	v3 =	vadd.f32 v5, v3;
	v5 =	vmul.f32 v63, v18  }
0x2de: {  	v39 =	vld [tilespmem:$0x1E80]  }
0x2df: {  	v24 =	vld [tilespmem:$0x1FA90];
	v7 =	vmul.f32 v46, v30;
	v30 =	vadd.f32 v5, v3;
	v3 =	vmul.f32 v22, v21  }
0x2e0: {  	v19 =	vadd.f32 v6, v2;
	v2 =	vmul.f32 v26, v28;
	v26 =	vld [tilespmem:$0x1FAA0]  }
0x2e1: {  	v3 =	vadd.f32 v3, v30;
	v30 =	vld [tilespmem:$0x1FAB0]  }
0x2e2: {  	v34 =	vld [tilespmem:$0xE90]  }
0x2e3: {  	v32 =	vld [tilespmem:$0x1EA0]  }
0x2e4: {  	v33 =	vld [tilespmem:$0x1EB0]  }
0x2e5: {  	v6 =	vmul.f32 v26, v24;
	v24 =	vld [tilespmem:$0x1FAC0]  }
0x2e6: {  	v5 =	vmul.f32 v30, v11;
	v30 =	vld [tilespmem:$0x1FAE0]  }
0x2e7: {  	v26 =	vld [tilespmem:$0x1FAD0]  }
0x2e8: {  	v35 =	vld [tilespmem:$0x1EC0]  }
0x2e9: {  	v28 =	vmul.f32 v16, v14;
	v46 =	vadd.f32 v4, v1;
	v1 =	vadd.f32 v2, v19;
	v4 =	vld [tilespmem:$0x1FAF0]  }
0x2ea: {  	v22 =	vld [tilespmem:$0x1FB00]  }
0x2eb: {  	v28 =	vadd.f32 v28, v1;
	v14 =	vadd.f32 v6, v3;
	v6 =	vld [tilespmem:$0x1FB20];
	v13 =	vmul.f32 v13, v30  }
0x2ec: {  	v11 =	vmul.f32 v26, v24;
	v24 =	vld [tilespmem:$0x1FB10]  }
0x2ed: {  	v9 =	vmul.f32 v12, v9;
	v12 =	vadd.f32 v13, v28;
	v13 =	vld [tilespmem:$0x1FB30]  }
0x2ee: {  	v31 =	vmul.f32 v31, v34;
	v34 =	vld [tilespmem:$0x1FE0]  }
0x2ef: {  	v19 =	vld [tilespmem:$0x1FB40]  }
0x2f0: {  	v40 =	vld [tilespmem:$0xEB0];
	v7 =	vadd.f32 v7, v0  }
0x2f1: {  	v3 =	vadd.f32 v9, v5;
	v5 =	vmul.f32 v17, v4;
	v4 =	vld [tilespmem:$0x1FB70];
	v26 =	vmul.f32 v24, v22  }
0x2f2: {  	v24 =	vld [tilespmem:$0x1FB50];
	v13 =	vmul.f32 v13, v6  }
0x2f3: {  	v30 =	vadd.f32 v11, v7;
	v9 =	vadd.f32 v26, v14;
	v26 =	vld [tilespmem:$0x1FB60]  }
0x2f4: {  	v8 =	vmul.f32 v15, v19;
	v7 =	vadd.f32 v5, v3;
	v12 =	vadd.f32 v13, v12;
	v13 =	vld [tilespmem:$0x1FB80]  }
0x2f5: {  	v11 =	vld [tilespmem:$0x1FBD0]  }
0x2f6: {  	v8 =	vadd.f32 v8, v7;
	v7 =	vld [tilespmem:$0x1FBC0]  }
0x2f7: {  	v14 =	vld [tilespmem:$0x1FB90]  }
0x2f8: {  	v28 =	vmul.f32 v26, v24;
	v26 =	vld [tilespmem:$0x1FBA0]  }
0x2f9: {  	v0 =	vmul.f32 v13, v27;
	v27 =	vld [tilespmem:$0x1FBB0]  }
0x2fa: {  	v42 =	vld [tilespmem:$0xEC0];
	v5 =	vmul.f32 v4, v29  }
0x2fb: {  	v44 =	vld [tilespmem:$0xED0]  }
0x2fc: {  	v15 =	vadd.f32 v5, v12;
	v12 =	vld [tilespmem:$0x1FBE0]  }
0x2fd: {  	v28 =	vadd.f32 v28, v9;
	v9 =	vmul.f32 v25, v14;
	v5 =	vld [tilespmem:$0x1FC10]  }
0x2fe: {  	v8 =	vadd.f32 v0, v8;
	v0 =	vmul.f32 v11, v7;
	v11 =	vld [tilespmem:$0x1FC40];
	v29 =	vmul.f32 v27, v26  }
0x2ff: {  	v27 =	vld [tilespmem:$0x1FBF0]  }
0x300: {  	v9 =	vadd.f32 v29, v9;
	v29 =	vld [tilespmem:$0x1FC00]  }
0x301: {  	v41 =	vld [tilespmem:$0x1ED0]  }
0x302: {  	v6 =	vld [tilespmem:$0x1FC20]  }
0x303: {  	v7 =	vld [tilespmem:$0x1FC30]  }
0x304: {  	v8 =	vadd.f32 v0, v8;
	v0 =	vmul.f32 v36, v11;
	v11 =	vld [tilespmem:$0x1FCA0]  }
0x305: {  	v4 =	vmul.f32 v27, v12;
	v12 =	vld [tilespmem:$0x1FC50];
	v14 =	vmul.f32 v5, v29  }
0x306: {  	v29 =	vld [tilespmem:$0x1FC70]  }
0x307: {  	v9 =	vadd.f32 v14, v9;
	v14 =	vld [tilespmem:$0x1FC60]  }
0x308: {  	v2 =	vmul.f32 v7, v6;
	v6 =	vld [tilespmem:$0x1FCD0]  }
0x309: {  	v4 =	vadd.f32 v4, v8;
	v8 =	vld [tilespmem:$0x1FC80]  }
0x30a: {  	v3 =	vmul.f32 v10, v12;
	v10 =	vld [tilespmem:$0x1FC90]  }
0x30b: {  	v12 =	vld [tilespmem:$0x1FCB0]  }
0x30c: {  	v1 =	vmul.f32 v14, v29;
	v14 =	vld [tilespmem:$0x1FCC0]  }
0x30d: {  	v7 =	vld [tilespmem:$0x1FCE0]  }
0x30e: {  	v47 =	vld [tilespmem:$0xEE0]  }
0x30f: {  	v45 =	vld [tilespmem:$0x1EE0];
	v0 =	vadd.f32 v0, v2;
	v2 =	vmul.f32 v37, v8;
	v8 =	vmul.f32 v11, v10  }
0x310: {  	v20 =	vld [tilespmem:$0xF20]  }
0x311: {  	v9 =	vadd.f32 v1, v9;
	v1 =	vmul.f32 v14, v12;
	v14 =	vadd.f32 v8, v4;
	v8 =	vld [tilespmem:$0x1FCF0]  }
0x312: {  	v12 =	vadd.f32 v3, v15;
	v15 =	vmul.f32 v7, v6;
	v6 =	vld [tilespmem:$0x1FD10]  }
0x313: {  	v7 =	vld [tilespmem:$0x1FD20]  }
0x314: {  	v1 =	vadd.f32 v1, v9;
	v9 =	vld [tilespmem:$0x1FD00]  }
0x315: {  	v23 =	vld [tilespmem:$0xF00]  }
0x316: {  	v18 =	vld [tilespmem:$0xF10];
	v2 =	vadd.f32 v2, v0  }
0x317: {  	v16 =	vld [tilespmem:$0x1F10]  }
0x318: {  	v2 =	vadd.f32 v15, v2;
	v15 =	vld [tilespmem:$0x1FD30]  }
0x319: {  	v4 =	vmul.f32 v7, v6;
	v6 =	vld [tilespmem:$0x1FD40];
	v8 =	vmul.f32 v8, v9  }
0x31a: {  	v7 =	vld [tilespmem:$0x1FD50]  }
0x31b: {  	v1 =	vadd.f32 v8, v1;
	v8 =	vld [tilespmem:$0x1FD60]  }
0x31c: {  	v63 =	vld [tilespmem:$0x1EF0]  }
0x31d: {  	v21 =	vld [tilespmem:$0x1F00]  }
0x31e: {  	v16 =	vmul.f32 v16, v18;
	v18 =	vld [tilespmem:$0x1010]  }
0x31f: {  	v15 =	vmul.f32 v6, v15;
	v6 =	vld [tilespmem:$0x1FD70]  }
0x320: {  	v8 =	vmul.f32 v8, v7;
	v7 =	vld [tilespmem:$0x1FD80]  }
0x321: {  	v1 =	vadd.f32 v4, v1;
	v4 =	vmul.f32 v58, v61;
	v61 =	vld [tilespmem:$0x1FDD0]  }
0x322: {  	v58 =	vld [tilespmem:$0x1FDE0]  }
0x323: {  	v0 =	vld [tilespmem:$0x1FD90]  }
0x324: {  	v2 =	vadd.f32 v15, v2;
	v15 =	vld [tilespmem:$0x1FDA0]  }
0x325: {  	v19 =	vld [tilespmem:$0x1F30];
	v3 =	vmul.f32 v7, v6  }
0x326: {  	v17 =	vld [tilespmem:$0x1F20]  }
0x327: {  	v2 =	vadd.f32 v3, v2;
	v3 =	vmul.f32 v58, v61;
	v58 =	vld [tilespmem:$0x1FDF0]  }
0x328: {  	v61 =	vld [tilespmem:$0x1FE00]  }
0x329: {  	v15 =	vmul.f32 v15, v0;
	v0 =	vld [tilespmem:$0x1FDB0]  }
0x32a: {  	v6 =	vld [tilespmem:$0x1FDC0]  }
0x32b: {  	v22 =	vld [tilespmem:$0xF30]  }
0x32c: {  	v17 =	vmul.f32 v17, v20;
	v20 =	vld [tilespmem:$0x1020]  }
0x32d: {  	v24 =	vld [tilespmem:$0xF40];
	v58 =	vmul.f32 v61, v58  }
0x32e: {  	v61 =	vld [tilespmem:$0x1FE10]  }
0x32f: {  	v0 =	vmul.f32 v6, v0;
	v2 =	vadd.f32 v58, v2;
	v58 =	vld [tilespmem:$0x1FE30]  }
0x330: {  	v25 =	vld [tilespmem:$0x1F50]  }
0x331: {  	v13 =	vld [tilespmem:$0x1F40];
	v0 =	vadd.f32 v0, v15  }
0x332: {  	v26 =	vld [tilespmem:$0xF50]  }
0x333: {  	v0 =	vadd.f32 v3, v0;
	v3 =	vmul.f32 v55, v61;
	v61 =	vld [tilespmem:$0x1FE40]  }
0x334: {  	[tilespmem:$0x2180] =	vst v58;
	v58 =	vld [tilespmem:$0x1FE50]  }
0x335: {  	v36 =	vld [tilespmem:$0x1F60]  }
0x336: {  	v27 =	vld [tilespmem:$0xF60]  }
0x337: {  	v5 =	vld [tilespmem:$0x1F90];
	v4 =	vadd.f32 v50, v4  }
0x338: {  	v37 =	vld [tilespmem:$0x1F70]  }
0x339: {  	v4 =	vadd.f32 v48, v4;
	v48 =	vmul.f32 v49, v52;
	v52 =	vmul.f32 v58, v61;
	v61 =	vld [tilespmem:$0x1FE60]  }
0x33a: {  	v58 =	vld [tilespmem:$0x1FE70]  }
0x33b: {  	v29 =	vld [tilespmem:$0xF70]  }
0x33c: {  	v11 =	vld [tilespmem:$0xF80]  }
0x33d: {  	v10 =	vld [tilespmem:$0x1F80]  }
0x33e: {  	v9 =	vld [tilespmem:$0xF90]  }
0x33f: {  	v0 =	vadd.f32 v3, v0;
	v3 =	vmul.f32 v58, v61;
	v61 =	vld [tilespmem:$0x1FE80]  }
0x340: {  	v50 =	vld [tilespmem:$0xFC0]  }
0x341: {  	v49 =	vld [tilespmem:$0xFD0]  }
0x342: {  	v4 =	vadd.f32 v48, v4;
	v48 =	vmul.f32 v51, v57;
	v57 =	vld [tilespmem:$0x1FEE0]  }
0x343: {  	v58 =	vld [tilespmem:$0x1FE90]  }
0x344: {  	[tilespmem:$0x2200] =	vst v61;
	v61 =	vld [tilespmem:$0x1FEA0]  }
0x345: {  	v1 =	vadd.f32 v8, v1;
	v8 =	vld [tilespmem:$0x1FC0]  }
0x346: {  	v51 =	vld [tilespmem:$0xFE0]  }
0x347: {  	v7 =	vld [tilespmem:$0xFA0]  }
0x348: {  	[tilespmem:$0x2400] =	vst v57;
	v57 =	vld [tilespmem:$0x1FF20]  }
0x349: {  	v58 =	vmul.f32 v61, v58;
	v61 =	vld [tilespmem:$0x1FEB0]  }
0x34a: {  	v6 =	vld [tilespmem:$0x1FA0]  }
0x34b: {  	v15 =	vld [tilespmem:$0x1FB0];
	v0 =	vadd.f32 v3, v0  }
0x34c: {  	v55 =	vld [tilespmem:$0x1FD0]  }
0x34d: {  	v0 =	vadd.f32 v58, v0;
	v58 =	vld [tilespmem:$0x1FEF0]  }
0x34e: {  	[tilespmem:$0x2280] =	vst v61;
	v61 =	vmul.f32 v39, v43;
	v43 =	vld [tilespmem:$0x1FEC0]  }
0x34f: {  	v39 =	vmul.f32 v53, v59;
	v53 =	vld [tilespmem:$0x1FED0]  }
0x350: {  	v59 =	vld [tilespmem:$0x1FF00]  }
0x351: {  	v4 =	vadd.f32 v48, v4;
	v3 =	vadd.f32 v31, v61;
	v31 =	vmul.f32 v32, v38;
	v32 =	vld [tilespmem:$0x1FF0]  }
0x352: {  	v61 =	vld [tilespmem:$0x1FF10]  }
0x353: {  	v4 =	vadd.f32 v39, v4;
	v39 =	vld [tilespmem:$0x1000]  }
0x354: {  	v3 =	vadd.f32 v31, v3;
	v31 =	vld [tilespmem:$0x2010]  }
0x355: {  	[tilespmem:$0x2300] =	vst v43;
	v43 =	vld [tilespmem:$0xFF0]  }
0x356: {  	v38 =	vmul.f32 v59, v58;
	v58 =	vld [tilespmem:$0x1FF30]  }
0x357: {  	v59 =	vld [tilespmem:$0x1FF40]  }
0x358: {  	v48 =	vmul.f32 v57, v61;
	v61 =	vld [tilespmem:$0x1FF50]  }
0x359: {  	v0 =	vadd.f32 v38, v0;
	v57 =	vld [tilespmem:$0x1FF70]  }
0x35a: {  	v38 =	vld [tilespmem:$0x1050]  }
0x35b: {  	v0 =	vadd.f32 v48, v0;
	v48 =	vld [tilespmem:$0x1FFC0]  }
0x35c: {  	v2 =	vadd.f32 v52, v2;
	v52 =	vmul.f32 v60, v59;
	v60 =	vmul.f32 v33, v40;
	v33 =	vld [tilespmem:$0x2000]  }
0x35d: {  	v40 =	vld [tilespmem:$0x1FF60]  }
0x35e: {  	v21 =	vmul.f32 v21, v23;
	[tilespmem:$0x2480] =	vst v58;
	v58 =	vld [tilespmem:$0x1FF80]  }
0x35f: {  	v59 =	vld [tilespmem:$0x1FF90]  }
0x360: {  	[tilespmem:$0x2900] =	vst v62;
	v16 =	vadd.f32 v16, v21;
	v3 =	vadd.f32 v60, v3;
	v60 =	vld [tilespmem:$0x1FFA0]  }
0x361: {  	[tilespmem:$0x2500] =	vst v61;
	v61 =	vmul.f32 v41, v44;
	v41 =	vld [tilespmem:$0x1FFB0]  }
0x362: {  	[tilespmem:$0x2980] =	vst v56;
	v16 =	vadd.f32 v17, v16;
	v44 =	vld [tilespmem:$0x1030]  }
0x363: {  	[tilespmem:$0x2380] =	vst v53;
	v53 =	vmul.f32 v35, v42;
	v42 =	vmul.f32 v19, v22;
	v4 =	vadd.f32 v52, v4;
	v52 =	vld [tilespmem:$0x2030]  }
0x364: {  	v13 =	vmul.f32 v13, v24;
	[tilespmem:$0x2580] =	vst v40;
	v40 =	vld [tilespmem:$0x2020]  }
0x365: {  	v56 =	vmul.f32 v37, v29;
	v10 =	vmul.f32 v10, v11;
	[tilespmem:$0x2600] =	vst v57;
	v57 =	vadd.f32 v42, v16;
	v42 =	vld [tilespmem:$0x1060]  }
0x366: {  	[tilespmem:$0x2A00] =	vst v46;
	v5 =	vmul.f32 v5, v9;
	v3 =	vadd.f32 v53, v3;
	v53 =	vld [tilespmem:$0x1FFD0];
	v35 =	vmul.f32 v59, v58  }
0x367: {  	[tilespmem:$0x2A80] =	vst v30;
	v58 =	vmul.f32 v33, v39;
	v59 =	vmul.f32 v31, v18;
	v31 =	vld [tilespmem:$0x2040]  }
0x368: {  	v5 =	vadd.f32 v5, v10;
	v6 =	vmul.f32 v6, v7;
	v33 =	vmul.f32 v45, v47;
	[tilespmem:$0x2680] =	vst v60;
	v60 =	vld [tilespmem:$0x1040]  }
0x369: {  	[tilespmem:$0x2B00] =	vst v28;
	v45 =	vld [tilespmem:$0x2060];
	v4 =	vadd.f32 v35, v4;
	v16 =	vadd.f32 v59, v58;
	v35 =	vmul.f32 v40, v20  }
0x36a: {  	[tilespmem:$0x2B80] =	vst v12;
	v5 =	vadd.f32 v6, v5;
	v49 =	vmul.f32 v55, v49;
	v39 =	vmul.f32 v15, v54;
	v40 =	vld [tilespmem:$0x2050]  }
0x36b: {  	[tilespmem:$0x2C00] =	vst v14;
	v11 =	vadd.f32 v13, v57;
	v47 =	vld [tilespmem:$0x1070];
	v9 =	vmul.f32 v52, v44;
	v16 =	vadd.f32 v35, v16  }
0x36c: {  	[tilespmem:$0x2700] =	vst v41;
	v41 =	vmul.f32 v25, v26;
	v5 =	vadd.f32 v39, v5;
	v44 =	vmul.f32 v8, v50;
	v52 =	vld [tilespmem:$0x1FFF0]  }
0x36d: {  	[tilespmem:$0x2C80] =	vst v1;
	v3 =	vadd.f32 v61, v3;
	v61 =	vld [tilespmem:$0x1FFE0];
	v7 =	vmul.f32 v31, v60;
	v9 =	vadd.f32 v9, v16  }
0x36e: {  	[tilespmem:$0x2780] =	vst v48;
	v48 =	vmul.f32 v36, v27;
	v50 =	vld [tilespmem:$0x2070];
	v46 =	vadd.f32 v41, v11;
	v5 =	vadd.f32 v44, v5  }
0x36f: {  	v3 =	vadd.f32 v33, v3;
	[tilespmem:$0x2800] =	vst v53;
	v53 =	vmul.f32 v40, v38;
	v7 =	vadd.f32 v7, v9  }
0x370: {  	v55 =	vmul.f32 v34, v51;
	[tilespmem:$0x2D00] =	vst v2;
	v54 =	vadd.f32 v48, v46;
	v5 =	vadd.f32 v49, v5  }
0x371: {  	[tilespmem:$0x2D80] =	vst v0;
	v8 =	vmul.f32 v45, v42;
	v14 =	vmul.f32 v63, v52;
	v7 =	vadd.f32 v53, v7  }
0x372: {  	v59 =	vmul.f32 v32, v43;
	[tilespmem:$0x2E00] =	vst v4;
	v58 =	vadd.f32 v55, v5;
	v1 =	vadd.f32 v56, v54  }
0x373: {  	[tilespmem:$0x2880] =	vst v61;
	v61 =	vmul.f32 v50, v47;
	v57 =	vadd.f32 v14, v3;
	v60 =	vadd.f32 v8, v7  }
0x374: {  	v62 =	vadd.f32 v59, v58;
	[tilespmem:$0x2F00] =	vst v1  }
0x375: {  	[tilespmem:$0x2E80] =	vst v57;
	v63 =	vadd.f32 v61, v60  }
0x376: {  	p0 =	sne.s32 s7, $0x1;
	[tilespmem:$0x2F80] =	vst v62  }
.Ltmp0:
0x377: {  	[tilespmem:$0x3000] =	vst v63;
	(pc) =	sbr.rel @p0 .LBB2_1-.Ltmp0, $4  }
0x378: {  	[hbm4b:s6+s3] =	stream.linear.scatter [tilespmem:s14], [sflag:$0x4], $0x1000, $0x38;
	[tilespmem:$0x3080] =	vst v63  }
0x379: {  	_ =	swait.ge [sflag:s15], $0x1000  }
0x37a: {  	[sflag:s15] =	ssyncset.done $0x0  }
0x37b: {  	s7 =	sadd.s32 $0xFFFFFFFF, s7;
	[sflag:s15] =	ssyncadd.s32 $0xFFFFF000  }
0x37c: {  	_ =	sfence.sel $0x180000  }
0x37d: {  	[bflag:$0x0] =	sbarrier.arrive $0xFFFF  }
0x37e: {  	p0 =	sne.s32 s2, $0x0;
	_ =	strace $0x90000047  }
0x37f: {  	s0 =	sadd.s32 @!p0 $0x100000, s0;
	[bflag:$0x2] =	sbarrier.arrive $0xFFFF  }
0x380: {  	[sflag:s0] =	ssyncadd.tile.s32 @!p0 $0x1;
	_ =	shalt  }
.Lfunc_end2:
_tile_overlayer_lowered:
.L_overlay_start_2:
0x381: {  	(tag) =	ssettag $0x2  }
0x382: {  	s0 =	rddreg [dreg:$0x0];
	s2 =	stileid.u32  }
0x383: {  	s1 =	rddreg [dreg:$0x1];
	p0 =	sne.s32 s2, $0x0  }
0x384: {  	s3 =	rddreg [dreg:$0x2];
	[bflag:$0x3] =	sbarrier.arrive $0xFFFF;
	s2 =	simm.s32 @!p0 $0x1C04  }
0x385: {  	[timem:s3], [sflag:s2] =	dma.local @!p0 [hbm:s0], s1  }
0x386: {  	s0 =	simm.s32 @!p0 $0x4  }
0x387: {  	_ =	swait.ge @!p0 [sflag:s0], s1  }
0x388: {  	s1 =	ssub.s32 @!p0 $0x0, s1;
	[sflag:s0] =	ssyncset.done @!p0 $0x0  }
0x389: {  	[sflag:s0] =	ssyncadd.s32 @!p0 s1  }
0x38a: {  	[bflag:$0x3] =	sbarrier.arrive $0xFFFF  }
0x38b: {  	_ =	shalt  }

</sc_bundles>
